<compile_context>
chip_gen: v7x
topology: tpu7x:2x2x1
jax: 0.10.2.dev20260603
libtpu: 0.0.44.dev20260713+nightly
codegen_flags: <defaults>
</compile_context>

<pallas_src>
import functools

import jax
import jax.numpy as jnp
from jax import lax
from jax.experimental import pallas as pl
from jax.experimental.pallas import tpu as pltpu
from jax.experimental.pallas import tpu_sc as plsc

N = 10000
E = 320000
D_IN = 128
H = 64
EMB = 2
NCLS = 4

NC = 2
NS = 16
NW = NC * NS
LANES = 16
BLK = 128
BPW = 80
NBLK = NW * BPW
EPAD = NBLK * BLK
FBLK = NBLK + 104
NACC = 10240
PACK = NACC // 2
RPS = NACC // NS
JUNK = N

NBUF = 4
BPW0 = 80
BPW1 = 2 * BPW - BPW0
MAXB = max(BPW0, BPW1)

_mesh = plsc.VectorSubcoreMesh(core_axis_name="c", subcore_axis_name="s")


@functools.partial(
    pl.kernel,
    out_type=jax.ShapeDtypeStruct((NC, NACC, H), jnp.float32),
    mesh=_mesh,
    compiler_params=pltpu.CompilerParams(use_tc_tiling_on_sc=False),
    scratch_types=[
        pltpu.VMEM((MAXB, BLK), jnp.int32),
        pltpu.VMEM((MAXB, BLK), jnp.int32),
        [pltpu.VMEM((BLK, H), jnp.float32) for _ in range(NBUF)],
        pltpu.VMEM_SHARED((NACC, H), jnp.float32),
        [pltpu.SemaphoreType.DMA for _ in range(NBUF)],
        [pltpu.SemaphoreType.DMA for _ in range(NBUF)],
    ],
)
def _sc_agg(hs_hbm, src_hbm, dst_hbm, out_hbm, sidx, didx, rows, acc, gsem, ssem):
    c = lax.axis_index("c")
    s = lax.axis_index("s")
    start = s * (2 * BPW) + c * BPW0
    nblk = jnp.where(c == 0, BPW0, BPW1)

    def g_start(b, j):
        pltpu.async_copy(hs_hbm.at[sidx.at[b]], rows[j], gsem[j])

    def g_wait(j):
        pltpu.make_async_copy(hs_hbm.at[pl.ds(0, BLK)], rows[j], gsem[j]).wait()

    def s_start(b, j):
        pltpu.async_copy(rows[j], acc.at[didx.at[b]], ssem[j], add=True)

    def s_wait(j):
        pltpu.make_async_copy(rows[j], acc.at[pl.ds(0, BLK)], ssem[j]).wait()

    @pl.loop(0, BLK)
    def _(r):
        @pl.loop(0, H, step=LANES)
        def _(k):
            rows[0][r, pl.ds(k, LANES)] = jnp.zeros((LANES,), jnp.float32)

    @pl.loop(0, RPS // BLK)
    def _(j):
        pltpu.sync_copy(rows[0], acc.at[pl.ds(s * RPS + j * BLK, BLK)])

    pltpu.sync_copy(src_hbm.at[pl.ds(start, MAXB)], sidx)
    pltpu.sync_copy(dst_hbm.at[pl.ds(start, MAXB)], didx)
    plsc.subcore_barrier()

    for j in range(NBUF):
        g_start(j, j)

    @pl.loop(0, nblk - NBUF, step=NBUF)
    def _(b0):
        for j in range(NBUF):
            g_wait(j)
            s_start(b0 + j, j)
        for j in range(NBUF):
            s_wait(j)
            g_start(b0 + NBUF + j, j)

    for j in range(NBUF):
        g_wait(j)
        s_start(nblk - NBUF + j, j)
    for j in range(NBUF):
        s_wait(j)

    plsc.subcore_barrier()
    pltpu.sync_copy(
        acc.at[pl.ds(s * RPS, RPS)],
        out_hbm.at[c].at[pl.ds(s * RPS, RPS)],
    )


@functools.partial(
    pl.kernel,
    out_type=jax.ShapeDtypeStruct((NC, NACC, H), jnp.float32),
    mesh=_mesh,
    compiler_params=pltpu.CompilerParams(use_tc_tiling_on_sc=False),
    scratch_types=[
        pltpu.VMEM((BPW, BLK), jnp.int32),
        pltpu.VMEM((BLK, LANES), jnp.float32),
        pltpu.VMEM((RPS, LANES), jnp.float32),
        pltpu.VMEM((RPS, H), jnp.float32),
        pltpu.VMEM_SHARED((NACC, LANES), jnp.float32),
        pltpu.SemaphoreType.DMA,
    ],
)
def _sc_hist(dst_hbm, out_hbm, didx, ones, t16, t64, acc, hsem):
    c = lax.axis_index("c")
    s = lax.axis_index("s")
    wid = c * NS + s

    @pl.loop(0, BLK)
    def _(r):
        ones[r, pl.ds(0, LANES)] = jnp.zeros((LANES,), jnp.float32)

    @pl.loop(0, RPS // BLK)
    def _(j):
        pltpu.sync_copy(ones, acc.at[pl.ds(s * RPS + j * BLK, BLK)])

    @pl.loop(0, BLK)
    def _(r):
        ones[r, pl.ds(0, LANES)] = jnp.full((LANES,), 1.0, jnp.float32)

    pltpu.sync_copy(dst_hbm.at[pl.ds(wid * BPW, BPW)], didx)
    plsc.subcore_barrier()

    @pl.loop(0, BPW)
    def _(b):
        pltpu.async_copy(ones, acc.at[didx.at[b]], hsem, add=True)

    @pl.loop(0, BPW)
    def _(b):
        pltpu.make_async_copy(ones, acc.at[pl.ds(0, BLK)], hsem).wait()

    plsc.subcore_barrier()
    pltpu.sync_copy(acc.at[pl.ds(s * RPS, RPS)], t16)

    @pl.loop(0, RPS)
    def _(r):
        v = t16[r, pl.ds(0, LANES)]
        @pl.loop(0, H, step=LANES)
        def _(k):
            t64[r, pl.ds(k, LANES)] = v

    pltpu.sync_copy(t64, out_hbm.at[c].at[pl.ds(s * RPS, RPS)])



RB = PACK // 5
GRID = 5


def _k1_body(x_ref, w0_ref, dg_ref, h0_ref, hs0_ref, dis_ref, inv_ref):
    deg = dg_ref[0] + dg_ref[1] + 1.0
    dis = lax.rsqrt(deg)
    inv = 1.0 / deg
    h0 = jnp.dot(x_ref[...], w0_ref[...], preferred_element_type=jnp.float32)
    h0_ref[...] = h0
    hs0_ref[...] = h0 * dis
    dis_ref[...] = dis
    inv_ref[...] = inv


def _tc_prep(xp, W0bd, degp):
    return pl.pallas_call(
        _k1_body,
        grid=(GRID,),
        in_specs=[
            pl.BlockSpec((RB, 2 * D_IN), lambda i: (i, 0)),
            pl.BlockSpec((2 * D_IN, 128), lambda i: (0, 0)),
            pl.BlockSpec((NC, RB, 128), lambda i: (0, i, 0)),
        ],
        out_specs=[pl.BlockSpec((RB, 128), lambda i: (i, 0))] * 4,
        out_shape=[jax.ShapeDtypeStruct((PACK, 128), jnp.float32)] * 4,
    )(xp, W0bd, degp)


def _mid_body(act, a_ref, h_ref, dis_ref, inv_ref, b_ref, w_ref, hn_ref, hsn_ref):
    c = dis_ref[...] * (a_ref[0] + a_ref[1]) + h_ref[...] * inv_ref[...] + b_ref[...]
    if act:
        c = jnp.tanh(c)
    hn = jnp.dot(c, w_ref[...], preferred_element_type=jnp.float32)
    hn_ref[...] = hn
    hsn_ref[...] = hn * dis_ref[...]


def _tc_mid(act, aggp, h, dis, inv, bt, Wbd):
    return pl.pallas_call(
        functools.partial(_mid_body, act),
        grid=(GRID,),
        in_specs=[
            pl.BlockSpec((NC, RB, 128), lambda i: (0, i, 0)),
            pl.BlockSpec((RB, 128), lambda i: (i, 0)),
            pl.BlockSpec((RB, 128), lambda i: (i, 0)),
            pl.BlockSpec((RB, 128), lambda i: (i, 0)),
            pl.BlockSpec((1, 128), lambda i: (0, 0)),
            pl.BlockSpec((128, 128), lambda i: (0, 0)),
        ],
        out_specs=[
            pl.BlockSpec((RB, 128), lambda i: (i, 0)),
            pl.BlockSpec((RB, 128), lambda i: (i, 0)),
        ],
        out_shape=[jax.ShapeDtypeStruct((PACK, 128), jnp.float32)] * 2,
    )(aggp, h, dis, inv, bt, Wbd)


def _k4_body(a_ref, h2_ref, dis_ref, inv_ref, b2_ref, wc_ref, bc_ref,
             out_ref, emb_ref):
    c2 = jnp.tanh(
        dis_ref[...] * (a_ref[0] + a_ref[1])
        + h2_ref[...] * inv_ref[...]
        + b2_ref[...]
    )
    out_ref[...] = (
        jnp.dot(c2, wc_ref[...], preferred_element_type=jnp.float32) + bc_ref[...]
    )
    emb_ref[...] = jnp.concatenate([c2[:, 0:EMB], c2[:, H:H + EMB]], axis=1)


def _tc_final(aggp, h2, dis, inv, b2t, Wcbd, bct):
    return pl.pallas_call(
        _k4_body,
        grid=(GRID,),
        in_specs=[
            pl.BlockSpec((NC, RB, 128), lambda i: (0, i, 0)),
            pl.BlockSpec((RB, 128), lambda i: (i, 0)),
            pl.BlockSpec((RB, 128), lambda i: (i, 0)),
            pl.BlockSpec((RB, 128), lambda i: (i, 0)),
            pl.BlockSpec((1, 128), lambda i: (0, 0)),
            pl.BlockSpec((128, 2 * NCLS), lambda i: (0, 0)),
            pl.BlockSpec((1, 2 * NCLS), lambda i: (0, 0)),
        ],
        out_specs=[
            pl.BlockSpec((RB, 2 * NCLS), lambda i: (i, 0)),
            pl.BlockSpec((RB, 2 * EMB), lambda i: (i, 0)),
        ],
        out_shape=[
            jax.ShapeDtypeStruct((PACK, 2 * NCLS), jnp.float32),
            jax.ShapeDtypeStruct((PACK, 2 * EMB), jnp.float32),
        ],
    )(aggp, h2, dis, inv, b2t, Wcbd, bct)


def _blockdiag(W):
    k, m = W.shape
    z = jnp.zeros((k, m), jnp.float32)
    return jnp.concatenate(
        [jnp.concatenate([W, z], axis=1), jnp.concatenate([z, W], axis=1)], axis=0
    )


def kernel(x, edge_index, W0, b0, W1, b1, W2, b2, Wc, bc):
    ei = edge_index.astype(jnp.int32)
    pad = FBLK * BLK - E
    junk = JUNK + jnp.arange(pad, dtype=jnp.int32) % (NACC - N)
    srcpad = jnp.arange(pad, dtype=jnp.int32) * 79 % N
    src = jnp.concatenate([ei[0], srcpad]).reshape(FBLK, BLK)
    dst = jnp.concatenate([ei[1], junk]).reshape(FBLK, BLK)

    xp = jnp.concatenate(
        [x, jnp.zeros((NACC - N, D_IN), jnp.float32)]
    ).reshape(PACK, 2 * D_IN)

    degp = _sc_hist(dst).reshape(NC, PACK, 128)

    h0, hs0, dis, inv = _tc_prep(xp, _blockdiag(W0), degp)

    a0 = _sc_agg(hs0.reshape(NACC, H), src, dst).reshape(NC, PACK, 128)
    h1, hs1 = _tc_mid(False, a0, h0, dis, inv,
                      jnp.tile(b0, 2).reshape(1, 128), _blockdiag(W1))

    a1 = _sc_agg(hs1.reshape(NACC, H), src, dst).reshape(NC, PACK, 128)
    W2p = jnp.concatenate([W2, jnp.zeros((H, H - EMB), jnp.float32)], axis=1)
    h2, hs2 = _tc_mid(True, a1, h1, dis, inv,
                      jnp.tile(b1, 2).reshape(1, 128), _blockdiag(W2p))

    a2 = _sc_agg(hs2.reshape(NACC, H), src, dst).reshape(NC, PACK, 128)
    b2p = jnp.concatenate([b2, jnp.zeros((H - EMB,), jnp.float32)])
    Wcp = jnp.concatenate([Wc, jnp.zeros((H - EMB, NCLS), jnp.float32)], axis=0)
    out_pk, emb_pk = _tc_final(
        a2, h2, dis, inv,
        jnp.tile(b2p, 2).reshape(1, 128), _blockdiag(Wcp),
        jnp.tile(bc, 2).reshape(1, 2 * NCLS),
    )

    out = out_pk.reshape(NACC, NCLS)[:N]
    emb = emb_pk.reshape(NACC, EMB)[:N]
    return (out, emb)

# --- scband reference (transcript-rebuilt; emitter-appended) ---
"""Pipeline reference for scband-gcn-82952998355483 (READ-ONLY COPY).

The authoritative reference and input builder live on the scoring server;
editing this copy changes nothing except your own understanding.
"""

import jax, jax.numpy as jnp
import numpy as np

N_NODES = 10000
N_EDGES = 320000
D_FEAT = 128
HIDDEN = 64
EMB_DIM = 2
NUM_CLASSES = 4


def gcn_conv(x, edge_index, W, b, num_nodes):
    # GCNConv: add self-loops, symmetric normalization, message passing
    src = edge_index[0]
    dst = edge_index[1]
    loop = jnp.arange(num_nodes, dtype=edge_index.dtype)
    src = jnp.concatenate([src, loop])
    dst = jnp.concatenate([dst, loop])
    deg = jnp.zeros((num_nodes,), dtype=x.dtype).at[dst].add(1.0)
    deg_inv_sqrt = jnp.where(deg > 0, 1.0 / jnp.sqrt(deg), 0.0)
    norm = deg_inv_sqrt[src] * deg_inv_sqrt[dst]
    h = x @ W
    msg = h[src] * norm[:, None]
    out = jnp.zeros((num_nodes, W.shape[1]), dtype=x.dtype).at[dst].add(msg)
    return out + b


def setup_inputs(seed: int = 0) -> dict:
    key = jax.random.key(seed)
    ks = jax.random.split(key, 12)
    x = jax.random.normal(ks[0], (N_NODES, D_FEAT), dtype=jnp.float32)
    edge_index = jax.random.randint(ks[1], (2, N_EDGES), 0, N_NODES, dtype=jnp.int64)
    s0 = 1.0 / np.sqrt(D_FEAT)
    s1 = 1.0 / np.sqrt(HIDDEN)
    s2 = 1.0 / np.sqrt(EMB_DIM)
    W0 = jax.random.normal(ks[2], (D_FEAT, HIDDEN), dtype=jnp.float32) * s0
    b0 = jnp.zeros((HIDDEN,), dtype=jnp.float32)
    W1 = jax.random.normal(ks[3], (HIDDEN, HIDDEN), dtype=jnp.float32) * s1
    b1 = jnp.zeros((HIDDEN,), dtype=jnp.float32)
    W2 = jax.random.normal(ks[4], (HIDDEN, EMB_DIM), dtype=jnp.float32) * s1
    b2 = jnp.zeros((EMB_DIM,), dtype=jnp.float32)
    Wc = jax.random.normal(ks[5], (EMB_DIM, NUM_CLASSES), dtype=jnp.float32) * s2
    bc = jnp.zeros((NUM_CLASSES,), dtype=jnp.float32)
    return {"x": x, "edge_index": edge_index, "W0": W0, "b0": b0, "W1": W1, "b1": b1, "W2": W2, "b2": b2, "Wc": Wc, "bc": bc}


def reference(x, edge_index, W0, b0, W1, b1, W2, b2, Wc, bc):
    # conv0 (no activation, matching the original forward)
    h = gcn_conv(x, edge_index, W0, b0, N_NODES)
    # conv1 + tanh
    h = gcn_conv(h, edge_index, W1, b1, N_NODES)
    h = jnp.tanh(h)
    # conv2 + tanh
    h = gcn_conv(h, edge_index, W2, b2, N_NODES)
    h = jnp.tanh(h)
    embeddings = h
    out = embeddings @ Wc + bc
    return (out, embeddings)

if __name__ == "__main__":
    import jax
    _d = setup_inputs()
    print(jax.jit(kernel)(*tuple(_d.values())))

</pallas_src>

<mosaic_0001>
#map = affine_map<(d0, d1) -> (0, 0)>
#map1 = affine_map<(d0, d1) -> (0, 0, 0)>
module attributes {stable_mosaic.version = 14 : i64} {
  func.func @_sc_agg(%arg0: i32, %arg1: i32, %arg2: memref<10240x64xf32, #tpu.memory_space<hbm>>, %arg3: memref<2664x128xi32, #tpu.memory_space<hbm>>, %arg4: memref<2664x128xi32, #tpu.memory_space<hbm>>, %arg5: memref<2x10240x64xf32, #tpu.memory_space<hbm>>, %arg6: memref<80x128xi32, #tpu.memory_space<vmem>>, %arg7: memref<80x128xi32, #tpu.memory_space<vmem>>, %arg8: memref<128x64xf32, #tpu.memory_space<vmem>>, %arg9: memref<128x64xf32, #tpu.memory_space<vmem>>, %arg10: memref<128x64xf32, #tpu.memory_space<vmem>>, %arg11: memref<128x64xf32, #tpu.memory_space<vmem>>, %arg12: memref<10240x64xf32, #tpu.memory_space<vmem_shared>>, %arg13: memref<!tpu.dma_semaphore, #tpu.memory_space<semaphore_mem>>, %arg14: memref<!tpu.dma_semaphore, #tpu.memory_space<semaphore_mem>>, %arg15: memref<!tpu.dma_semaphore, #tpu.memory_space<semaphore_mem>>, %arg16: memref<!tpu.dma_semaphore, #tpu.memory_space<semaphore_mem>>, %arg17: memref<!tpu.dma_semaphore, #tpu.memory_space<semaphore_mem>>, %arg18: memref<!tpu.dma_semaphore, #tpu.memory_space<semaphore_mem>>, %arg19: memref<!tpu.dma_semaphore, #tpu.memory_space<semaphore_mem>>, %arg20: memref<!tpu.dma_semaphore, #tpu.memory_space<semaphore_mem>>) attributes {dimension_semantics = [#tpu.dimension_semantics<core_parallel>, #tpu.dimension_semantics<subcore_parallel>], iteration_bounds = array<i64: 2, 16>, scalar_prefetch = 0 : i64, scratch_operands = 15 : i64, tpu.core_type = #tpu.core_type<sc_vector_subcore>, window_params = [{transform_indices = #map}, {transform_indices = #map}, {transform_indices = #map}, {transform_indices = #map1}]} {
    %mul3A = arith.constant 160 : i32
    %mul3A_0 = arith.muli %arg1, %mul3A : i32
    %mul3A_1 = arith.constant 80 : i32
    %mul3A_2 = arith.muli %arg0, %mul3A_1 : i32
    %add3A = arith.addi %mul3A_0, %mul3A_2 : i32
    %eq3A = arith.constant 0 : i32
    %eq3A_3 = arith.cmpi eq, %arg0, %eq3A : i32
    %jit3A = arith.constant 80 : i32
    %jit3A_4 = arith.constant 80 : i32
    %select_n3A = arith.select %eq3A_3, %jit3A, %jit3A_4 : i32
    %scan3A = arith.constant 0 : i32
    %scan3A_5 = arith.constant 128 : i32
    %scan3A_6 = arith.addi %scan3A, %scan3A_5 : i32
    %scan3A_7 = arith.constant 1 : i32
    scf.for %scan3A_151 = %scan3A to %scan3A_6 step %scan3A_7  : i32 {
      %mul3A_152 = arith.constant 1 : i32
      %mul3A_153 = arith.muli %scan3A_151, %mul3A_152 : i32
      %add3A_154 = arith.constant 0 : i32
      %add3A_155 = arith.addi %add3A_154, %mul3A_153 : i32
      %scan3A_156 = arith.constant 0 : i32
      %scan3A_157 = arith.constant 4 : i32
      %scan3A_158 = arith.addi %scan3A_156, %scan3A_157 : i32
      %scan3A_159 = arith.constant 1 : i32
      scf.for %scan3A_161 = %scan3A_156 to %scan3A_158 step %scan3A_159  : i32 {
        %mul3A_162 = arith.constant 16 : i32
        %mul3A_163 = arith.muli %scan3A_161, %mul3A_162 : i32
        %add3A_164 = arith.constant 0 : i32
        %add3A_165 = arith.addi %add3A_164, %mul3A_163 : i32
        %broadcast_in_dim3A = arith.constant 0.000000e+00 : f32
        %broadcast_in_dim3A_166 = vector.broadcast %broadcast_in_dim3A : f32 to vector<16xf32>
        %swap3A = arith.index_cast %add3A_155 : i32 to index
        %swap3A_167 = arith.index_cast %add3A_165 : i32 to index
        %swap3A_168 = tpu.vector_load %arg8[%swap3A, %swap3A_167] {strides = array<i32>} : memref<128x64xf32, #tpu.memory_space<vmem>>, vector<1x16xf32>,
        %swap3A_169 = vector.shape_cast %swap3A_168 : vector<1x16xf32> to vector<16xf32>
        %swap3A_170 = vector.shape_cast %broadcast_in_dim3A_166 : vector<16xf32> to vector<1x16xf32>
        tpu.vector_store %arg8[%swap3A, %swap3A_167], %swap3A_170 {strides = array<i32>} : memref<128x64xf32, #tpu.memory_space<vmem>>, vector<1x16xf32>,
      }
      %scan3A_160 = arith.constant 4 : i32
    }
    %scan3A_8 = arith.constant 128 : i32
    %scan3A_9 = arith.constant 0 : i32
    %scan3A_10 = arith.constant 5 : i32
    %scan3A_11 = arith.addi %scan3A_9, %scan3A_10 : i32
    %scan3A_12 = arith.constant 1 : i32
    scf.for %scan3A_151 = %scan3A_9 to %scan3A_11 step %scan3A_12  : i32 {
      %mul3A_152 = arith.constant 1 : i32
      %mul3A_153 = arith.muli %scan3A_151, %mul3A_152 : i32
      %add3A_154 = arith.constant 0 : i32
      %add3A_155 = arith.addi %add3A_154, %mul3A_153 : i32
      %mul3A_156 = arith.constant 640 : i32
      %mul3A_157 = arith.muli %arg1, %mul3A_156 : i32
      %mul3A_158 = arith.constant 128 : i32
      %mul3A_159 = arith.muli %add3A_155, %mul3A_158 : i32
      %add3A_160 = arith.addi %mul3A_157, %mul3A_159 : i32
      "tpu.region"() ({
        %run_scoped3A = tpu.sem_alloc : memref<!tpu.dma_semaphore, #tpu.memory_space<semaphore_mem>>
        %dma_start3A_161 = arith.constant 0 : i32
        %dma_start3A_162 = tpu.memref_slice %arg12[%add3A_160, %dma_start3A_161] : memref<10240x64xf32, #tpu.memory_space<vmem_shared>> -> memref<128x64xf32, #tpu.memory_space<vmem_shared>>
        %dma_start3A_163 = arith.constant 0 : i32
        %dma_start3A_164 = tpu.memref_slice %arg12[%add3A_160, %dma_start3A_163] : memref<10240x64xf32, #tpu.memory_space<vmem_shared>> -> memref<128x64xf32, #tpu.memory_space<vmem_shared>>
        tpu.enqueue_dma source(%arg8 : memref<128x64xf32, #tpu.memory_space<vmem>>) target(%dma_start3A_164 : memref<128x64xf32, #tpu.memory_space<vmem_shared>>) target_semaphore(%run_scoped3A : memref<!tpu.dma_semaphore, #tpu.memory_space<semaphore_mem>>)
        %dma_wait3A_165 = arith.constant 0 : i32
        %dma_wait3A_166 = tpu.memref_slice %arg12[%add3A_160, %dma_wait3A_165] : memref<10240x64xf32, #tpu.memory_space<vmem_shared>> -> memref<128x64xf32, #tpu.memory_space<vmem_shared>>
        %dma_wait3A_167 = arith.constant 0 : i32
        %dma_wait3A_168 = tpu.memref_slice %arg12[%add3A_160, %dma_wait3A_167] : memref<10240x64xf32, #tpu.memory_space<vmem_shared>> -> memref<128x64xf32, #tpu.memory_space<vmem_shared>>
        tpu.wait_dma2 semaphore(%run_scoped3A : memref<!tpu.dma_semaphore, #tpu.memory_space<semaphore_mem>>) src(%arg8 : memref<128x64xf32, #tpu.memory_space<vmem>>) dst(%dma_wait3A_168 : memref<128x64xf32, #tpu.memory_space<vmem_shared>>)
        tpu.yield
      }) : () -> ()
    }
    %scan3A_13 = arith.constant 5 : i32
    "tpu.region"() ({
      %run_scoped3A = tpu.sem_alloc : memref<!tpu.dma_semaphore, #tpu.memory_space<semaphore_mem>>
      %dma_start3A_151 = arith.constant 0 : i32
      %dma_start3A_152 = tpu.memref_slice %arg3[%add3A, %dma_start3A_151] : memref<2664x128xi32, #tpu.memory_space<hbm>> -> memref<80x128xi32, #tpu.memory_space<hbm>>
      %dma_start3A_153 = arith.constant 0 : i32
      %dma_start3A_154 = tpu.memref_slice %arg3[%add3A, %dma_start3A_153] : memref<2664x128xi32, #tpu.memory_space<hbm>> -> memref<80x128xi32, #tpu.memory_space<hbm>>
      tpu.enqueue_dma source(%dma_start3A_154 : memref<80x128xi32, #tpu.memory_space<hbm>>) target(%arg6 : memref<80x128xi32, #tpu.memory_space<vmem>>) target_semaphore(%run_scoped3A : memref<!tpu.dma_semaphore, #tpu.memory_space<semaphore_mem>>)
      %dma_wait3A_155 = arith.constant 0 : i32
      %dma_wait3A_156 = tpu.memref_slice %arg3[%add3A, %dma_wait3A_155] : memref<2664x128xi32, #tpu.memory_space<hbm>> -> memref<80x128xi32, #tpu.memory_space<hbm>>
      %dma_wait3A_157 = arith.constant 0 : i32
      %dma_wait3A_158 = tpu.memref_slice %arg3[%add3A, %dma_wait3A_157] : memref<2664x128xi32, #tpu.memory_space<hbm>> -> memref<80x128xi32, #tpu.memory_space<hbm>>
      tpu.wait_dma2 semaphore(%run_scoped3A : memref<!tpu.dma_semaphore, #tpu.memory_space<semaphore_mem>>) src(%dma_wait3A_158 : memref<80x128xi32, #tpu.memory_space<hbm>>) dst(%arg6 : memref<80x128xi32, #tpu.memory_space<vmem>>)
      tpu.yield
    }) : () -> ()
    "tpu.region"() ({
      %run_scoped3A = tpu.sem_alloc : memref<!tpu.dma_semaphore, #tpu.memory_space<semaphore_mem>>
      %dma_start3A_151 = arith.constant 0 : i32
      %dma_start3A_152 = tpu.memref_slice %arg4[%add3A, %dma_start3A_151] : memref<2664x128xi32, #tpu.memory_space<hbm>> -> memref<80x128xi32, #tpu.memory_space<hbm>>
      %dma_start3A_153 = arith.constant 0 : i32
      %dma_start3A_154 = tpu.memref_slice %arg4[%add3A, %dma_start3A_153] : memref<2664x128xi32, #tpu.memory_space<hbm>> -> memref<80x128xi32, #tpu.memory_space<hbm>>
      tpu.enqueue_dma source(%dma_start3A_154 : memref<80x128xi32, #tpu.memory_space<hbm>>) target(%arg7 : memref<80x128xi32, #tpu.memory_space<vmem>>) target_semaphore(%run_scoped3A : memref<!tpu.dma_semaphore, #tpu.memory_space<semaphore_mem>>)
      %dma_wait3A_155 = arith.constant 0 : i32
      %dma_wait3A_156 = tpu.memref_slice %arg4[%add3A, %dma_wait3A_155] : memref<2664x128xi32, #tpu.memory_space<hbm>> -> memref<80x128xi32, #tpu.memory_space<hbm>>
      %dma_wait3A_157 = arith.constant 0 : i32
      %dma_wait3A_158 = tpu.memref_slice %arg4[%add3A, %dma_wait3A_157] : memref<2664x128xi32, #tpu.memory_space<hbm>> -> memref<80x128xi32, #tpu.memory_space<hbm>>
      tpu.wait_dma2 semaphore(%run_scoped3A : memref<!tpu.dma_semaphore, #tpu.memory_space<semaphore_mem>>) src(%dma_wait3A_158 : memref<80x128xi32, #tpu.memory_space<hbm>>) dst(%arg7 : memref<80x128xi32, #tpu.memory_space<vmem>>)
      tpu.yield
    }) : () -> ()
    %barrier3A = arith.constant 0 : index
    tpu.barrier barrier_id(%barrier3A)
    %dma_start3A = arith.constant 0 : i32
    %dma_start3A_14 = arith.constant 0 : i32
    %dma_start3A_15 = tpu.memref_slice %arg6[%dma_start3A, %dma_start3A_14] : memref<80x128xi32, #tpu.memory_space<vmem>> -> memref<1x128xi32, #tpu.memory_space<vmem>>
    %dma_start3A_16 = tpu.memref_squeeze %dma_start3A_15 : memref<1x128xi32, #tpu.memory_space<vmem>> -> memref<128xi32, #tpu.memory_space<vmem>>
    %dma_start3A_17 = arith.constant 0 : i32
    %dma_start3A_18 = arith.constant 0 : i32
    %dma_start3A_19 = tpu.memref_slice %arg2[%dma_start3A_17, %dma_start3A_18] : memref<10240x64xf32, #tpu.memory_space<hbm>> -> memref<10240x64xf32, #tpu.memory_space<hbm>>
    tpu.enqueue_indirect_dma source(%dma_start3A_19 : memref<10240x64xf32, #tpu.memory_space<hbm>>) target(%arg8 : memref<128x64xf32, #tpu.memory_space<vmem>>) offsets(%dma_start3A_16 : memref<128xi32, #tpu.memory_space<vmem>>) semaphore(%arg13 : memref<!tpu.dma_semaphore, #tpu.memory_space<semaphore_mem>>)
    %dma_start3A_20 = arith.constant 1 : i32
    %dma_start3A_21 = arith.constant 0 : i32
    %dma_start3A_22 = tpu.memref_slice %arg6[%dma_start3A_20, %dma_start3A_21] : memref<80x128xi32, #tpu.memory_space<vmem>> -> memref<1x128xi32, #tpu.memory_space<vmem>>
    %dma_start3A_23 = tpu.memref_squeeze %dma_start3A_22 : memref<1x128xi32, #tpu.memory_space<vmem>> -> memref<128xi32, #tpu.memory_space<vmem>>
    %dma_start3A_24 = arith.constant 0 : i32
    %dma_start3A_25 = arith.constant 0 : i32
    %dma_start3A_26 = tpu.memref_slice %arg2[%dma_start3A_24, %dma_start3A_25] : memref<10240x64xf32, #tpu.memory_space<hbm>> -> memref<10240x64xf32, #tpu.memory_space<hbm>>
    tpu.enqueue_indirect_dma source(%dma_start3A_26 : memref<10240x64xf32, #tpu.memory_space<hbm>>) target(%arg9 : memref<128x64xf32, #tpu.memory_space<vmem>>) offsets(%dma_start3A_23 : memref<128xi32, #tpu.memory_space<vmem>>) semaphore(%arg14 : memref<!tpu.dma_semaphore, #tpu.memory_space<semaphore_mem>>)
    %dma_start3A_27 = arith.constant 2 : i32
    %dma_start3A_28 = arith.constant 0 : i32
    %dma_start3A_29 = tpu.memref_slice %arg6[%dma_start3A_27, %dma_start3A_28] : memref<80x128xi32, #tpu.memory_space<vmem>> -> memref<1x128xi32, #tpu.memory_space<vmem>>
    %dma_start3A_30 = tpu.memref_squeeze %dma_start3A_29 : memref<1x128xi32, #tpu.memory_space<vmem>> -> memref<128xi32, #tpu.memory_space<vmem>>
    %dma_start3A_31 = arith.constant 0 : i32
    %dma_start3A_32 = arith.constant 0 : i32
    %dma_start3A_33 = tpu.memref_slice %arg2[%dma_start3A_31, %dma_start3A_32] : memref<10240x64xf32, #tpu.memory_space<hbm>> -> memref<10240x64xf32, #tpu.memory_space<hbm>>
    tpu.enqueue_indirect_dma source(%dma_start3A_33 : memref<10240x64xf32, #tpu.memory_space<hbm>>) target(%arg10 : memref<128x64xf32, #tpu.memory_space<vmem>>) offsets(%dma_start3A_30 : memref<128xi32, #tpu.memory_space<vmem>>) semaphore(%arg15 : memref<!tpu.dma_semaphore, #tpu.memory_space<semaphore_mem>>)
    %dma_start3A_34 = arith.constant 3 : i32
    %dma_start3A_35 = arith.constant 0 : i32
    %dma_start3A_36 = tpu.memref_slice %arg6[%dma_start3A_34, %dma_start3A_35] : memref<80x128xi32, #tpu.memory_space<vmem>> -> memref<1x128xi32, #tpu.memory_space<vmem>>
    %dma_start3A_37 = tpu.memref_squeeze %dma_start3A_36 : memref<1x128xi32, #tpu.memory_space<vmem>> -> memref<128xi32, #tpu.memory_space<vmem>>
    %dma_start3A_38 = arith.constant 0 : i32
    %dma_start3A_39 = arith.constant 0 : i32
    %dma_start3A_40 = tpu.memref_slice %arg2[%dma_start3A_38, %dma_start3A_39] : memref<10240x64xf32, #tpu.memory_space<hbm>> -> memref<10240x64xf32, #tpu.memory_space<hbm>>
    tpu.enqueue_indirect_dma source(%dma_start3A_40 : memref<10240x64xf32, #tpu.memory_space<hbm>>) target(%arg11 : memref<128x64xf32, #tpu.memory_space<vmem>>) offsets(%dma_start3A_37 : memref<128xi32, #tpu.memory_space<vmem>>) semaphore(%arg16 : memref<!tpu.dma_semaphore, #tpu.memory_space<semaphore_mem>>)
    %sub3A = arith.constant 4 : i32
    %sub3A_41 = arith.subi %select_n3A, %sub3A : i32
    %sub3A_42 = arith.constant 0 : i32
    %sub3A_43 = arith.subi %sub3A_41, %sub3A_42 : i32
    %sub3A_44 = arith.constant 4 : i32
    %sub3A_45 = arith.constant 1 : i32
    %sub3A_46 = arith.subi %sub3A_44, %sub3A_45 : i32
    %add3A_47 = arith.addi %sub3A_43, %sub3A_46 : i32
    %div3A = arith.constant 4 : i32
    %div3A_48 = arith.divsi %add3A_47, %div3A : i32
    %while3A = arith.constant 4 : i32
    %while3A_49 = arith.constant 0 : i32
    %while3A_50 = arith.constant 0 : i32
    %while3A_51 = arith.subi %div3A_48, %while3A_50 : i32
    %while3A_52 = arith.addi %while3A_50, %while3A_51 : i32
    %while3A_53 = arith.constant 1 : i32
    %while3A_54 = arith.divsi %while3A_51, %while3A_53 : i32
    %while3A_55 = arith.muli %while3A_54, %while3A_53 : i32
    %while3A_56 = arith.addi %while3A_50, %while3A_55 : i32
    %while3A_57 = arith.constant 1 : i32
    scf.for %while3A_151 = %while3A_50 to %while3A_56 step %while3A_57  : i32 {
      %mul3A_152 = arith.muli %while3A_151, %while3A : i32
      %add3A_153 = arith.addi %while3A_49, %mul3A_152 : i32
      %dma_wait3A_154 = arith.constant 0 : i32
      %dma_wait3A_155 = arith.constant 0 : i32
      %dma_wait3A_156 = tpu.memref_slice %arg2[%dma_wait3A_154, %dma_wait3A_155] : memref<10240x64xf32, #tpu.memory_space<hbm>> -> memref<128x64xf32, #tpu.memory_space<hbm>>
      %dma_wait3A_157 = arith.constant 0 : i32
      %dma_wait3A_158 = arith.constant 0 : i32
      %dma_wait3A_159 = tpu.memref_slice %arg2[%dma_wait3A_157, %dma_wait3A_158] : memref<10240x64xf32, #tpu.memory_space<hbm>> -> memref<128x64xf32, #tpu.memory_space<hbm>>
      tpu.wait_dma2 semaphore(%arg13 : memref<!tpu.dma_semaphore, #tpu.memory_space<semaphore_mem>>) src(%dma_wait3A_159 : memref<128x64xf32, #tpu.memory_space<hbm>>) dst(%arg8 : memref<128x64xf32, #tpu.memory_space<vmem>>)
      %add3A_160 = arith.constant 0 : i32
      %add3A_161 = arith.addi %add3A_153, %add3A_160 : i32
      %dma_start3A_162 = arith.constant 0 : i32
      %dma_start3A_163 = tpu.memref_slice %arg7[%add3A_161, %dma_start3A_162] : memref<80x128xi32, #tpu.memory_space<vmem>> -> memref<1x128xi32, #tpu.memory_space<vmem>>
      %dma_start3A_164 = tpu.memref_squeeze %dma_start3A_163 : memref<1x128xi32, #tpu.memory_space<vmem>> -> memref<128xi32, #tpu.memory_space<vmem>>
      %dma_start3A_165 = arith.constant 0 : i32
      %dma_start3A_166 = arith.constant 0 : i32
      %dma_start3A_167 = tpu.memref_slice %arg12[%dma_start3A_165, %dma_start3A_166] : memref<10240x64xf32, #tpu.memory_space<vmem_shared>> -> memref<10240x64xf32, #tpu.memory_space<vmem_shared>>
      tpu.enqueue_indirect_dma source(%arg8 : memref<128x64xf32, #tpu.memory_space<vmem>>) target(%dma_start3A_167 : memref<10240x64xf32, #tpu.memory_space<vmem_shared>>) offsets(%dma_start3A_164 : memref<128xi32, #tpu.memory_space<vmem>>) semaphore(%arg17 : memref<!tpu.dma_semaphore, #tpu.memory_space<semaphore_mem>>) {add = true}
      %dma_wait3A_168 = arith.constant 0 : i32
      %dma_wait3A_169 = arith.constant 0 : i32
      %dma_wait3A_170 = tpu.memref_slice %arg2[%dma_wait3A_168, %dma_wait3A_169] : memref<10240x64xf32, #tpu.memory_space<hbm>> -> memref<128x64xf32, #tpu.memory_space<hbm>>
      %dma_wait3A_171 = arith.constant 0 : i32
      %dma_wait3A_172 = arith.constant 0 : i32
      %dma_wait3A_173 = tpu.memref_slice %arg2[%dma_wait3A_171, %dma_wait3A_172] : memref<10240x64xf32, #tpu.memory_space<hbm>> -> memref<128x64xf32, #tpu.memory_space<hbm>>
      tpu.wait_dma2 semaphore(%arg14 : memref<!tpu.dma_semaphore, #tpu.memory_space<semaphore_mem>>) src(%dma_wait3A_173 : memref<128x64xf32, #tpu.memory_space<hbm>>) dst(%arg9 : memref<128x64xf32, #tpu.memory_space<vmem>>)
      %add3A_174 = arith.constant 1 : i32
      %add3A_175 = arith.addi %add3A_153, %add3A_174 : i32
      %dma_start3A_176 = arith.constant 0 : i32
      %dma_start3A_177 = tpu.memref_slice %arg7[%add3A_175, %dma_start3A_176] : memref<80x128xi32, #tpu.memory_space<vmem>> -> memref<1x128xi32, #tpu.memory_space<vmem>>
      %dma_start3A_178 = tpu.memref_squeeze %dma_start3A_177 : memref<1x128xi32, #tpu.memory_space<vmem>> -> memref<128xi32, #tpu.memory_space<vmem>>
      %dma_start3A_179 = arith.constant 0 : i32
      %dma_start3A_180 = arith.constant 0 : i32
      %dma_start3A_181 = tpu.memref_slice %arg12[%dma_start3A_179, %dma_start3A_180] : memref<10240x64xf32, #tpu.memory_space<vmem_shared>> -> memref<10240x64xf32, #tpu.memory_space<vmem_shared>>
      tpu.enqueue_indirect_dma source(%arg9 : memref<128x64xf32, #tpu.memory_space<vmem>>) target(%dma_start3A_181 : memref<10240x64xf32, #tpu.memory_space<vmem_shared>>) offsets(%dma_start3A_178 : memref<128xi32, #tpu.memory_space<vmem>>) semaphore(%arg18 : memref<!tpu.dma_semaphore, #tpu.memory_space<semaphore_mem>>) {add = true}
      %dma_wait3A_182 = arith.constant 0 : i32
      %dma_wait3A_183 = arith.constant 0 : i32
      %dma_wait3A_184 = tpu.memref_slice %arg2[%dma_wait3A_182, %dma_wait3A_183] : memref<10240x64xf32, #tpu.memory_space<hbm>> -> memref<128x64xf32, #tpu.memory_space<hbm>>
      %dma_wait3A_185 = arith.constant 0 : i32
      %dma_wait3A_186 = arith.constant 0 : i32
      %dma_wait3A_187 = tpu.memref_slice %arg2[%dma_wait3A_185, %dma_wait3A_186] : memref<10240x64xf32, #tpu.memory_space<hbm>> -> memref<128x64xf32, #tpu.memory_space<hbm>>
      tpu.wait_dma2 semaphore(%arg15 : memref<!tpu.dma_semaphore, #tpu.memory_space<semaphore_mem>>) src(%dma_wait3A_187 : memref<128x64xf32, #tpu.memory_space<hbm>>) dst(%arg10 : memref<128x64xf32, #tpu.memory_space<vmem>>)
      %add3A_188 = arith.constant 2 : i32
      %add3A_189 = arith.addi %add3A_153, %add3A_188 : i32
      %dma_start3A_190 = arith.constant 0 : i32
      %dma_start3A_191 = tpu.memref_slice %arg7[%add3A_189, %dma_start3A_190] : memref<80x128xi32, #tpu.memory_space<vmem>> -> memref<1x128xi32, #tpu.memory_space<vmem>>
      %dma_start3A_192 = tpu.memref_squeeze %dma_start3A_191 : memref<1x128xi32, #tpu.memory_space<vmem>> -> memref<128xi32, #tpu.memory_space<vmem>>
      %dma_start3A_193 = arith.constant 0 : i32
      %dma_start3A_194 = arith.constant 0 : i32
      %dma_start3A_195 = tpu.memref_slice %arg12[%dma_start3A_193, %dma_start3A_194] : memref<10240x64xf32, #tpu.memory_space<vmem_shared>> -> memref<10240x64xf32, #tpu.memory_space<vmem_shared>>
      tpu.enqueue_indirect_dma source(%arg10 : memref<128x64xf32, #tpu.memory_space<vmem>>) target(%dma_start3A_195 : memref<10240x64xf32, #tpu.memory_space<vmem_shared>>) offsets(%dma_start3A_192 : memref<128xi32, #tpu.memory_space<vmem>>) semaphore(%arg19 : memref<!tpu.dma_semaphore, #tpu.memory_space<semaphore_mem>>) {add = true}
      %dma_wait3A_196 = arith.constant 0 : i32
      %dma_wait3A_197 = arith.constant 0 : i32
      %dma_wait3A_198 = tpu.memref_slice %arg2[%dma_wait3A_196, %dma_wait3A_197] : memref<10240x64xf32, #tpu.memory_space<hbm>> -> memref<128x64xf32, #tpu.memory_space<hbm>>
      %dma_wait3A_199 = arith.constant 0 : i32
      %dma_wait3A_200 = arith.constant 0 : i32
      %dma_wait3A_201 = tpu.memref_slice %arg2[%dma_wait3A_199, %dma_wait3A_200] : memref<10240x64xf32, #tpu.memory_space<hbm>> -> memref<128x64xf32, #tpu.memory_space<hbm>>
      tpu.wait_dma2 semaphore(%arg16 : memref<!tpu.dma_semaphore, #tpu.memory_space<semaphore_mem>>) src(%dma_wait3A_201 : memref<128x64xf32, #tpu.memory_space<hbm>>) dst(%arg11 : memref<128x64xf32, #tpu.memory_space<vmem>>)
      %add3A_202 = arith.constant 3 : i32
      %add3A_203 = arith.addi %add3A_153, %add3A_202 : i32
      %dma_start3A_204 = arith.constant 0 : i32
      %dma_start3A_205 = tpu.memref_slice %arg7[%add3A_203, %dma_start3A_204] : memref<80x128xi32, #tpu.memory_space<vmem>> -> memref<1x128xi32, #tpu.memory_space<vmem>>
      %dma_start3A_206 = tpu.memref_squeeze %dma_start3A_205 : memref<1x128xi32, #tpu.memory_space<vmem>> -> memref<128xi32, #tpu.memory_space<vmem>>
      %dma_start3A_207 = arith.constant 0 : i32
      %dma_start3A_208 = arith.constant 0 : i32
      %dma_start3A_209 = tpu.memref_slice %arg12[%dma_start3A_207, %dma_start3A_208] : memref<10240x64xf32, #tpu.memory_space<vmem_shared>> -> memref<10240x64xf32, #tpu.memory_space<vmem_shared>>
      tpu.enqueue_indirect_dma source(%arg11 : memref<128x64xf32, #tpu.memory_space<vmem>>) target(%dma_start3A_209 : memref<10240x64xf32, #tpu.memory_space<vmem_shared>>) offsets(%dma_start3A_206 : memref<128xi32, #tpu.memory_space<vmem>>) semaphore(%arg20 : memref<!tpu.dma_semaphore, #tpu.memory_space<semaphore_mem>>) {add = true}
      %dma_wait3A_210 = arith.constant 0 : i32
      %dma_wait3A_211 = arith.constant 0 : i32
      %dma_wait3A_212 = tpu.memref_slice %arg12[%dma_wait3A_210, %dma_wait3A_211] : memref<10240x64xf32, #tpu.memory_space<vmem_shared>> -> memref<128x64xf32, #tpu.memory_space<vmem_shared>>
      %dma_wait3A_213 = arith.constant 0 : i32
      %dma_wait3A_214 = arith.constant 0 : i32
      %dma_wait3A_215 = tpu.memref_slice %arg12[%dma_wait3A_213, %dma_wait3A_214] : memref<10240x64xf32, #tpu.memory_space<vmem_shared>> -> memref<128x64xf32, #tpu.memory_space<vmem_shared>>
      tpu.wait_dma2 semaphore(%arg17 : memref<!tpu.dma_semaphore, #tpu.memory_space<semaphore_mem>>) src(%arg8 : memref<128x64xf32, #tpu.memory_space<vmem>>) dst(%dma_wait3A_215 : memref<128x64xf32, #tpu.memory_space<vmem_shared>>)
      %add3A_216 = arith.constant 4 : i32
      %add3A_217 = arith.addi %add3A_153, %add3A_216 : i32
      %add3A_218 = arith.constant 0 : i32
      %add3A_219 = arith.addi %add3A_217, %add3A_218 : i32
      %dma_start3A_220 = arith.constant 0 : i32
      %dma_start3A_221 = tpu.memref_slice %arg6[%add3A_219, %dma_start3A_220] : memref<80x128xi32, #tpu.memory_space<vmem>> -> memref<1x128xi32, #tpu.memory_space<vmem>>
      %dma_start3A_222 = tpu.memref_squeeze %dma_start3A_221 : memref<1x128xi32, #tpu.memory_space<vmem>> -> memref<128xi32, #tpu.memory_space<vmem>>
      %dma_start3A_223 = arith.constant 0 : i32
      %dma_start3A_224 = arith.constant 0 : i32
      %dma_start3A_225 = tpu.memref_slice %arg2[%dma_start3A_223, %dma_start3A_224] : memref<10240x64xf32, #tpu.memory_space<hbm>> -> memref<10240x64xf32, #tpu.memory_space<hbm>>
      tpu.enqueue_indirect_dma source(%dma_start3A_225 : memref<10240x64xf32, #tpu.memory_space<hbm>>) target(%arg8 : memref<128x64xf32, #tpu.memory_space<vmem>>) offsets(%dma_start3A_222 : memref<128xi32, #tpu.memory_space<vmem>>) semaphore(%arg13 : memref<!tpu.dma_semaphore, #tpu.memory_space<semaphore_mem>>)
      %dma_wait3A_226 = arith.constant 0 : i32
      %dma_wait3A_227 = arith.constant 0 : i32
      %dma_wait3A_228 = tpu.memref_slice %arg12[%dma_wait3A_226, %dma_wait3A_227] : memref<10240x64xf32, #tpu.memory_space<vmem_shared>> -> memref<128x64xf32, #tpu.memory_space<vmem_shared>>
      %dma_wait3A_229 = arith.constant 0 : i32
      %dma_wait3A_230 = arith.constant 0 : i32
      %dma_wait3A_231 = tpu.memref_slice %arg12[%dma_wait3A_229, %dma_wait3A_230] : memref<10240x64xf32, #tpu.memory_space<vmem_shared>> -> memref<128x64xf32, #tpu.memory_space<vmem_shared>>
      tpu.wait_dma2 semaphore(%arg18 : memref<!tpu.dma_semaphore, #tpu.memory_space<semaphore_mem>>) src(%arg9 : memref<128x64xf32, #tpu.memory_space<vmem>>) dst(%dma_wait3A_231 : memref<128x64xf32, #tpu.memory_space<vmem_shared>>)
      %add3A_232 = arith.constant 4 : i32
      %add3A_233 = arith.addi %add3A_153, %add3A_232 : i32
      %add3A_234 = arith.constant 1 : i32
      %add3A_235 = arith.addi %add3A_233, %add3A_234 : i32
      %dma_start3A_236 = arith.constant 0 : i32
      %dma_start3A_237 = tpu.memref_slice %arg6[%add3A_235, %dma_start3A_236] : memref<80x128xi32, #tpu.memory_space<vmem>> -> memref<1x128xi32, #tpu.memory_space<vmem>>
      %dma_start3A_238 = tpu.memref_squeeze %dma_start3A_237 : memref<1x128xi32, #tpu.memory_space<vmem>> -> memref<128xi32, #tpu.memory_space<vmem>>
      %dma_start3A_239 = arith.constant 0 : i32
      %dma_start3A_240 = arith.constant 0 : i32
      %dma_start3A_241 = tpu.memref_slice %arg2[%dma_start3A_239, %dma_start3A_240] : memref<10240x64xf32, #tpu.memory_space<hbm>> -> memref<10240x64xf32, #tpu.memory_space<hbm>>
      tpu.enqueue_indirect_dma source(%dma_start3A_241 : memref<10240x64xf32, #tpu.memory_space<hbm>>) target(%arg9 : memref<128x64xf32, #tpu.memory_space<vmem>>) offsets(%dma_start3A_238 : memref<128xi32, #tpu.memory_space<vmem>>) semaphore(%arg14 : memref<!tpu.dma_semaphore, #tpu.memory_space<semaphore_mem>>)
      %dma_wait3A_242 = arith.constant 0 : i32
      %dma_wait3A_243 = arith.constant 0 : i32
      %dma_wait3A_244 = tpu.memref_slice %arg12[%dma_wait3A_242, %dma_wait3A_243] : memref<10240x64xf32, #tpu.memory_space<vmem_shared>> -> memref<128x64xf32, #tpu.memory_space<vmem_shared>>
      %dma_wait3A_245 = arith.constant 0 : i32
      %dma_wait3A_246 = arith.constant 0 : i32
      %dma_wait3A_247 = tpu.memref_slice %arg12[%dma_wait3A_245, %dma_wait3A_246] : memref<10240x64xf32, #tpu.memory_space<vmem_shared>> -> memref<128x64xf32, #tpu.memory_space<vmem_shared>>
      tpu.wait_dma2 semaphore(%arg19 : memref<!tpu.dma_semaphore, #tpu.memory_space<semaphore_mem>>) src(%arg10 : memref<128x64xf32, #tpu.memory_space<vmem>>) dst(%dma_wait3A_247 : memref<128x64xf32, #tpu.memory_space<vmem_shared>>)
      %add3A_248 = arith.constant 4 : i32
      %add3A_249 = arith.addi %add3A_153, %add3A_248 : i32
      %add3A_250 = arith.constant 2 : i32
      %add3A_251 = arith.addi %add3A_249, %add3A_250 : i32
      %dma_start3A_252 = arith.constant 0 : i32
      %dma_start3A_253 = tpu.memref_slice %arg6[%add3A_251, %dma_start3A_252] : memref<80x128xi32, #tpu.memory_space<vmem>> -> memref<1x128xi32, #tpu.memory_space<vmem>>
      %dma_start3A_254 = tpu.memref_squeeze %dma_start3A_253 : memref<1x128xi32, #tpu.memory_space<vmem>> -> memref<128xi32, #tpu.memory_space<vmem>>
      %dma_start3A_255 = arith.constant 0 : i32
      %dma_start3A_256 = arith.constant 0 : i32
      %dma_start3A_257 = tpu.memref_slice %arg2[%dma_start3A_255, %dma_start3A_256] : memref<10240x64xf32, #tpu.memory_space<hbm>> -> memref<10240x64xf32, #tpu.memory_space<hbm>>
      tpu.enqueue_indirect_dma source(%dma_start3A_257 : memref<10240x64xf32, #tpu.memory_space<hbm>>) target(%arg10 : memref<128x64xf32, #tpu.memory_space<vmem>>) offsets(%dma_start3A_254 : memref<128xi32, #tpu.memory_space<vmem>>) semaphore(%arg15 : memref<!tpu.dma_semaphore, #tpu.memory_space<semaphore_mem>>)
      %dma_wait3A_258 = arith.constant 0 : i32
      %dma_wait3A_259 = arith.constant 0 : i32
      %dma_wait3A_260 = tpu.memref_slice %arg12[%dma_wait3A_258, %dma_wait3A_259] : memref<10240x64xf32, #tpu.memory_space<vmem_shared>> -> memref<128x64xf32, #tpu.memory_space<vmem_shared>>
      %dma_wait3A_261 = arith.constant 0 : i32
      %dma_wait3A_262 = arith.constant 0 : i32
      %dma_wait3A_263 = tpu.memref_slice %arg12[%dma_wait3A_261, %dma_wait3A_262] : memref<10240x64xf32, #tpu.memory_space<vmem_shared>> -> memref<128x64xf32, #tpu.memory_space<vmem_shared>>
      tpu.wait_dma2 semaphore(%arg20 : memref<!tpu.dma_semaphore, #tpu.memory_space<semaphore_mem>>) src(%arg11 : memref<128x64xf32, #tpu.memory_space<vmem>>) dst(%dma_wait3A_263 : memref<128x64xf32, #tpu.memory_space<vmem_shared>>)
      %add3A_264 = arith.constant 4 : i32
      %add3A_265 = arith.addi %add3A_153, %add3A_264 : i32
      %add3A_266 = arith.constant 3 : i32
      %add3A_267 = arith.addi %add3A_265, %add3A_266 : i32
      %dma_start3A_268 = arith.constant 0 : i32
      %dma_start3A_269 = tpu.memref_slice %arg6[%add3A_267, %dma_start3A_268] : memref<80x128xi32, #tpu.memory_space<vmem>> -> memref<1x128xi32, #tpu.memory_space<vmem>>
      %dma_start3A_270 = tpu.memref_squeeze %dma_start3A_269 : memref<1x128xi32, #tpu.memory_space<vmem>> -> memref<128xi32, #tpu.memory_space<vmem>>
      %dma_start3A_271 = arith.constant 0 : i32
      %dma_start3A_272 = arith.constant 0 : i32
      %dma_start3A_273 = tpu.memref_slice %arg2[%dma_start3A_271, %dma_start3A_272] : memref<10240x64xf32, #tpu.memory_space<hbm>> -> memref<10240x64xf32, #tpu.memory_space<hbm>>
      tpu.enqueue_indirect_dma source(%dma_start3A_273 : memref<10240x64xf32, #tpu.memory_space<hbm>>) target(%arg11 : memref<128x64xf32, #tpu.memory_space<vmem>>) offsets(%dma_start3A_270 : memref<128xi32, #tpu.memory_space<vmem>>) semaphore(%arg16 : memref<!tpu.dma_semaphore, #tpu.memory_space<semaphore_mem>>)
    }
    %while3A_58 = arith.constant 1 : i32
    scf.for %while3A_151 = %while3A_56 to %while3A_52 step %while3A_58  : i32 {
      %mul3A_152 = arith.muli %while3A_151, %while3A : i32
      %add3A_153 = arith.addi %while3A_49, %mul3A_152 : i32
      %dma_wait3A_154 = arith.constant 0 : i32
      %dma_wait3A_155 = arith.constant 0 : i32
      %dma_wait3A_156 = tpu.memref_slice %arg2[%dma_wait3A_154, %dma_wait3A_155] : memref<10240x64xf32, #tpu.memory_space<hbm>> -> memref<128x64xf32, #tpu.memory_space<hbm>>
      %dma_wait3A_157 = arith.constant 0 : i32
      %dma_wait3A_158 = arith.constant 0 : i32
      %dma_wait3A_159 = tpu.memref_slice %arg2[%dma_wait3A_157, %dma_wait3A_158] : memref<10240x64xf32, #tpu.memory_space<hbm>> -> memref<128x64xf32, #tpu.memory_space<hbm>>
      tpu.wait_dma2 semaphore(%arg13 : memref<!tpu.dma_semaphore, #tpu.memory_space<semaphore_mem>>) src(%dma_wait3A_159 : memref<128x64xf32, #tpu.memory_space<hbm>>) dst(%arg8 : memref<128x64xf32, #tpu.memory_space<vmem>>)
      %add3A_160 = arith.constant 0 : i32
      %add3A_161 = arith.addi %add3A_153, %add3A_160 : i32
      %dma_start3A_162 = arith.constant 0 : i32
      %dma_start3A_163 = tpu.memref_slice %arg7[%add3A_161, %dma_start3A_162] : memref<80x128xi32, #tpu.memory_space<vmem>> -> memref<1x128xi32, #tpu.memory_space<vmem>>
      %dma_start3A_164 = tpu.memref_squeeze %dma_start3A_163 : memref<1x128xi32, #tpu.memory_space<vmem>> -> memref<128xi32, #tpu.memory_space<vmem>>
      %dma_start3A_165 = arith.constant 0 : i32
      %dma_start3A_166 = arith.constant 0 : i32
      %dma_start3A_167 = tpu.memref_slice %arg12[%dma_start3A_165, %dma_start3A_166] : memref<10240x64xf32, #tpu.memory_space<vmem_shared>> -> memref<10240x64xf32, #tpu.memory_space<vmem_shared>>
      tpu.enqueue_indirect_dma source(%arg8 : memref<128x64xf32, #tpu.memory_space<vmem>>) target(%dma_start3A_167 : memref<10240x64xf32, #tpu.memory_space<vmem_shared>>) offsets(%dma_start3A_164 : memref<128xi32, #tpu.memory_space<vmem>>) semaphore(%arg17 : memref<!tpu.dma_semaphore, #tpu.memory_space<semaphore_mem>>) {add = true}
      %dma_wait3A_168 = arith.constant 0 : i32
      %dma_wait3A_169 = arith.constant 0 : i32
      %dma_wait3A_170 = tpu.memref_slice %arg2[%dma_wait3A_168, %dma_wait3A_169] : memref<10240x64xf32, #tpu.memory_space<hbm>> -> memref<128x64xf32, #tpu.memory_space<hbm>>
      %dma_wait3A_171 = arith.constant 0 : i32
      %dma_wait3A_172 = arith.constant 0 : i32
      %dma_wait3A_173 = tpu.memref_slice %arg2[%dma_wait3A_171, %dma_wait3A_172] : memref<10240x64xf32, #tpu.memory_space<hbm>> -> memref<128x64xf32, #tpu.memory_space<hbm>>
      tpu.wait_dma2 semaphore(%arg14 : memref<!tpu.dma_semaphore, #tpu.memory_space<semaphore_mem>>) src(%dma_wait3A_173 : memref<128x64xf32, #tpu.memory_space<hbm>>) dst(%arg9 : memref<128x64xf32, #tpu.memory_space<vmem>>)
      %add3A_174 = arith.constant 1 : i32
      %add3A_175 = arith.addi %add3A_153, %add3A_174 : i32
      %dma_start3A_176 = arith.constant 0 : i32
      %dma_start3A_177 = tpu.memref_slice %arg7[%add3A_175, %dma_start3A_176] : memref<80x128xi32, #tpu.memory_space<vmem>> -> memref<1x128xi32, #tpu.memory_space<vmem>>
      %dma_start3A_178 = tpu.memref_squeeze %dma_start3A_177 : memref<1x128xi32, #tpu.memory_space<vmem>> -> memref<128xi32, #tpu.memory_space<vmem>>
      %dma_start3A_179 = arith.constant 0 : i32
      %dma_start3A_180 = arith.constant 0 : i32
      %dma_start3A_181 = tpu.memref_slice %arg12[%dma_start3A_179, %dma_start3A_180] : memref<10240x64xf32, #tpu.memory_space<vmem_shared>> -> memref<10240x64xf32, #tpu.memory_space<vmem_shared>>
      tpu.enqueue_indirect_dma source(%arg9 : memref<128x64xf32, #tpu.memory_space<vmem>>) target(%dma_start3A_181 : memref<10240x64xf32, #tpu.memory_space<vmem_shared>>) offsets(%dma_start3A_178 : memref<128xi32, #tpu.memory_space<vmem>>) semaphore(%arg18 : memref<!tpu.dma_semaphore, #tpu.memory_space<semaphore_mem>>) {add = true}
      %dma_wait3A_182 = arith.constant 0 : i32
      %dma_wait3A_183 = arith.constant 0 : i32
      %dma_wait3A_184 = tpu.memref_slice %arg2[%dma_wait3A_182, %dma_wait3A_183] : memref<10240x64xf32, #tpu.memory_space<hbm>> -> memref<128x64xf32, #tpu.memory_space<hbm>>
      %dma_wait3A_185 = arith.constant 0 : i32
      %dma_wait3A_186 = arith.constant 0 : i32
      %dma_wait3A_187 = tpu.memref_slice %arg2[%dma_wait3A_185, %dma_wait3A_186] : memref<10240x64xf32, #tpu.memory_space<hbm>> -> memref<128x64xf32, #tpu.memory_space<hbm>>
      tpu.wait_dma2 semaphore(%arg15 : memref<!tpu.dma_semaphore, #tpu.memory_space<semaphore_mem>>) src(%dma_wait3A_187 : memref<128x64xf32, #tpu.memory_space<hbm>>) dst(%arg10 : memref<128x64xf32, #tpu.memory_space<vmem>>)
      %add3A_188 = arith.constant 2 : i32
      %add3A_189 = arith.addi %add3A_153, %add3A_188 : i32
      %dma_start3A_190 = arith.constant 0 : i32
      %dma_start3A_191 = tpu.memref_slice %arg7[%add3A_189, %dma_start3A_190] : memref<80x128xi32, #tpu.memory_space<vmem>> -> memref<1x128xi32, #tpu.memory_space<vmem>>
      %dma_start3A_192 = tpu.memref_squeeze %dma_start3A_191 : memref<1x128xi32, #tpu.memory_space<vmem>> -> memref<128xi32, #tpu.memory_space<vmem>>
      %dma_start3A_193 = arith.constant 0 : i32
      %dma_start3A_194 = arith.constant 0 : i32
      %dma_start3A_195 = tpu.memref_slice %arg12[%dma_start3A_193, %dma_start3A_194] : memref<10240x64xf32, #tpu.memory_space<vmem_shared>> -> memref<10240x64xf32, #tpu.memory_space<vmem_shared>>
      tpu.enqueue_indirect_dma source(%arg10 : memref<128x64xf32, #tpu.memory_space<vmem>>) target(%dma_start3A_195 : memref<10240x64xf32, #tpu.memory_space<vmem_shared>>) offsets(%dma_start3A_192 : memref<128xi32, #tpu.memory_space<vmem>>) semaphore(%arg19 : memref<!tpu.dma_semaphore, #tpu.memory_space<semaphore_mem>>) {add = true}
      %dma_wait3A_196 = arith.constant 0 : i32
      %dma_wait3A_197 = arith.constant 0 : i32
      %dma_wait3A_198 = tpu.memref_slice %arg2[%dma_wait3A_196, %dma_wait3A_197] : memref<10240x64xf32, #tpu.memory_space<hbm>> -> memref<128x64xf32, #tpu.memory_space<hbm>>
      %dma_wait3A_199 = arith.constant 0 : i32
      %dma_wait3A_200 = arith.constant 0 : i32
      %dma_wait3A_201 = tpu.memref_slice %arg2[%dma_wait3A_199, %dma_wait3A_200] : memref<10240x64xf32, #tpu.memory_space<hbm>> -> memref<128x64xf32, #tpu.memory_space<hbm>>
      tpu.wait_dma2 semaphore(%arg16 : memref<!tpu.dma_semaphore, #tpu.memory_space<semaphore_mem>>) src(%dma_wait3A_201 : memref<128x64xf32, #tpu.memory_space<hbm>>) dst(%arg11 : memref<128x64xf32, #tpu.memory_space<vmem>>)
      %add3A_202 = arith.constant 3 : i32
      %add3A_203 = arith.addi %add3A_153, %add3A_202 : i32
      %dma_start3A_204 = arith.constant 0 : i32
      %dma_start3A_205 = tpu.memref_slice %arg7[%add3A_203, %dma_start3A_204] : memref<80x128xi32, #tpu.memory_space<vmem>> -> memref<1x128xi32, #tpu.memory_space<vmem>>
      %dma_start3A_206 = tpu.memref_squeeze %dma_start3A_205 : memref<1x128xi32, #tpu.memory_space<vmem>> -> memref<128xi32, #tpu.memory_space<vmem>>
      %dma_start3A_207 = arith.constant 0 : i32
      %dma_start3A_208 = arith.constant 0 : i32
      %dma_start3A_209 = tpu.memref_slice %arg12[%dma_start3A_207, %dma_start3A_208] : memref<10240x64xf32, #tpu.memory_space<vmem_shared>> -> memref<10240x64xf32, #tpu.memory_space<vmem_shared>>
      tpu.enqueue_indirect_dma source(%arg11 : memref<128x64xf32, #tpu.memory_space<vmem>>) target(%dma_start3A_209 : memref<10240x64xf32, #tpu.memory_space<vmem_shared>>) offsets(%dma_start3A_206 : memref<128xi32, #tpu.memory_space<vmem>>) semaphore(%arg20 : memref<!tpu.dma_semaphore, #tpu.memory_space<semaphore_mem>>) {add = true}
      %dma_wait3A_210 = arith.constant 0 : i32
      %dma_wait3A_211 = arith.constant 0 : i32
      %dma_wait3A_212 = tpu.memref_slice %arg12[%dma_wait3A_210, %dma_wait3A_211] : memref<10240x64xf32, #tpu.memory_space<vmem_shared>> -> memref<128x64xf32, #tpu.memory_space<vmem_shared>>
      %dma_wait3A_213 = arith.constant 0 : i32
      %dma_wait3A_214 = arith.constant 0 : i32
      %dma_wait3A_215 = tpu.memref_slice %arg12[%dma_wait3A_213, %dma_wait3A_214] : memref<10240x64xf32, #tpu.memory_space<vmem_shared>> -> memref<128x64xf32, #tpu.memory_space<vmem_shared>>
      tpu.wait_dma2 semaphore(%arg17 : memref<!tpu.dma_semaphore, #tpu.memory_space<semaphore_mem>>) src(%arg8 : memref<128x64xf32, #tpu.memory_space<vmem>>) dst(%dma_wait3A_215 : memref<128x64xf32, #tpu.memory_space<vmem_shared>>)
      %add3A_216 = arith.constant 4 : i32
      %add3A_217 = arith.addi %add3A_153, %add3A_216 : i32
      %add3A_218 = arith.constant 0 : i32
      %add3A_219 = arith.addi %add3A_217, %add3A_218 : i32
      %dma_start3A_220 = arith.constant 0 : i32
      %dma_start3A_221 = tpu.memref_slice %arg6[%add3A_219, %dma_start3A_220] : memref<80x128xi32, #tpu.memory_space<vmem>> -> memref<1x128xi32, #tpu.memory_space<vmem>>
      %dma_start3A_222 = tpu.memref_squeeze %dma_start3A_221 : memref<1x128xi32, #tpu.memory_space<vmem>> -> memref<128xi32, #tpu.memory_space<vmem>>
      %dma_start3A_223 = arith.constant 0 : i32
      %dma_start3A_224 = arith.constant 0 : i32
      %dma_start3A_225 = tpu.memref_slice %arg2[%dma_start3A_223, %dma_start3A_224] : memref<10240x64xf32, #tpu.memory_space<hbm>> -> memref<10240x64xf32, #tpu.memory_space<hbm>>
      tpu.enqueue_indirect_dma source(%dma_start3A_225 : memref<10240x64xf32, #tpu.memory_space<hbm>>) target(%arg8 : memref<128x64xf32, #tpu.memory_space<vmem>>) offsets(%dma_start3A_222 : memref<128xi32, #tpu.memory_space<vmem>>) semaphore(%arg13 : memref<!tpu.dma_semaphore, #tpu.memory_space<semaphore_mem>>)
      %dma_wait3A_226 = arith.constant 0 : i32
      %dma_wait3A_227 = arith.constant 0 : i32
      %dma_wait3A_228 = tpu.memref_slice %arg12[%dma_wait3A_226, %dma_wait3A_227] : memref<10240x64xf32, #tpu.memory_space<vmem_shared>> -> memref<128x64xf32, #tpu.memory_space<vmem_shared>>
      %dma_wait3A_229 = arith.constant 0 : i32
      %dma_wait3A_230 = arith.constant 0 : i32
      %dma_wait3A_231 = tpu.memref_slice %arg12[%dma_wait3A_229, %dma_wait3A_230] : memref<10240x64xf32, #tpu.memory_space<vmem_shared>> -> memref<128x64xf32, #tpu.memory_space<vmem_shared>>
      tpu.wait_dma2 semaphore(%arg18 : memref<!tpu.dma_semaphore, #tpu.memory_space<semaphore_mem>>) src(%arg9 : memref<128x64xf32, #tpu.memory_space<vmem>>) dst(%dma_wait3A_231 : memref<128x64xf32, #tpu.memory_space<vmem_shared>>)
      %add3A_232 = arith.constant 4 : i32
      %add3A_233 = arith.addi %add3A_153, %add3A_232 : i32
      %add3A_234 = arith.constant 1 : i32
      %add3A_235 = arith.addi %add3A_233, %add3A_234 : i32
      %dma_start3A_236 = arith.constant 0 : i32
      %dma_start3A_237 = tpu.memref_slice %arg6[%add3A_235, %dma_start3A_236] : memref<80x128xi32, #tpu.memory_space<vmem>> -> memref<1x128xi32, #tpu.memory_space<vmem>>
      %dma_start3A_238 = tpu.memref_squeeze %dma_start3A_237 : memref<1x128xi32, #tpu.memory_space<vmem>> -> memref<128xi32, #tpu.memory_space<vmem>>
      %dma_start3A_239 = arith.constant 0 : i32
      %dma_start3A_240 = arith.constant 0 : i32
      %dma_start3A_241 = tpu.memref_slice %arg2[%dma_start3A_239, %dma_start3A_240] : memref<10240x64xf32, #tpu.memory_space<hbm>> -> memref<10240x64xf32, #tpu.memory_space<hbm>>
      tpu.enqueue_indirect_dma source(%dma_start3A_241 : memref<10240x64xf32, #tpu.memory_space<hbm>>) target(%arg9 : memref<128x64xf32, #tpu.memory_space<vmem>>) offsets(%dma_start3A_238 : memref<128xi32, #tpu.memory_space<vmem>>) semaphore(%arg14 : memref<!tpu.dma_semaphore, #tpu.memory_space<semaphore_mem>>)
      %dma_wait3A_242 = arith.constant 0 : i32
      %dma_wait3A_243 = arith.constant 0 : i32
      %dma_wait3A_244 = tpu.memref_slice %arg12[%dma_wait3A_242, %dma_wait3A_243] : memref<10240x64xf32, #tpu.memory_space<vmem_shared>> -> memref<128x64xf32, #tpu.memory_space<vmem_shared>>
      %dma_wait3A_245 = arith.constant 0 : i32
      %dma_wait3A_246 = arith.constant 0 : i32
      %dma_wait3A_247 = tpu.memref_slice %arg12[%dma_wait3A_245, %dma_wait3A_246] : memref<10240x64xf32, #tpu.memory_space<vmem_shared>> -> memref<128x64xf32, #tpu.memory_space<vmem_shared>>
      tpu.wait_dma2 semaphore(%arg19 : memref<!tpu.dma_semaphore, #tpu.memory_space<semaphore_mem>>) src(%arg10 : memref<128x64xf32, #tpu.memory_space<vmem>>) dst(%dma_wait3A_247 : memref<128x64xf32, #tpu.memory_space<vmem_shared>>)
      %add3A_248 = arith.constant 4 : i32
      %add3A_249 = arith.addi %add3A_153, %add3A_248 : i32
      %add3A_250 = arith.constant 2 : i32
      %add3A_251 = arith.addi %add3A_249, %add3A_250 : i32
      %dma_start3A_252 = arith.constant 0 : i32
      %dma_start3A_253 = tpu.memref_slice %arg6[%add3A_251, %dma_start3A_252] : memref<80x128xi32, #tpu.memory_space<vmem>> -> memref<1x128xi32, #tpu.memory_space<vmem>>
      %dma_start3A_254 = tpu.memref_squeeze %dma_start3A_253 : memref<1x128xi32, #tpu.memory_space<vmem>> -> memref<128xi32, #tpu.memory_space<vmem>>
      %dma_start3A_255 = arith.constant 0 : i32
      %dma_start3A_256 = arith.constant 0 : i32
      %dma_start3A_257 = tpu.memref_slice %arg2[%dma_start3A_255, %dma_start3A_256] : memref<10240x64xf32, #tpu.memory_space<hbm>> -> memref<10240x64xf32, #tpu.memory_space<hbm>>
      tpu.enqueue_indirect_dma source(%dma_start3A_257 : memref<10240x64xf32, #tpu.memory_space<hbm>>) target(%arg10 : memref<128x64xf32, #tpu.memory_space<vmem>>) offsets(%dma_start3A_254 : memref<128xi32, #tpu.memory_space<vmem>>) semaphore(%arg15 : memref<!tpu.dma_semaphore, #tpu.memory_space<semaphore_mem>>)
      %dma_wait3A_258 = arith.constant 0 : i32
      %dma_wait3A_259 = arith.constant 0 : i32
      %dma_wait3A_260 = tpu.memref_slice %arg12[%dma_wait3A_258, %dma_wait3A_259] : memref<10240x64xf32, #tpu.memory_space<vmem_shared>> -> memref<128x64xf32, #tpu.memory_space<vmem_shared>>
      %dma_wait3A_261 = arith.constant 0 : i32
      %dma_wait3A_262 = arith.constant 0 : i32
      %dma_wait3A_263 = tpu.memref_slice %arg12[%dma_wait3A_261, %dma_wait3A_262] : memref<10240x64xf32, #tpu.memory_space<vmem_shared>> -> memref<128x64xf32, #tpu.memory_space<vmem_shared>>
      tpu.wait_dma2 semaphore(%arg20 : memref<!tpu.dma_semaphore, #tpu.memory_space<semaphore_mem>>) src(%arg11 : memref<128x64xf32, #tpu.memory_space<vmem>>) dst(%dma_wait3A_263 : memref<128x64xf32, #tpu.memory_space<vmem_shared>>)
      %add3A_264 = arith.constant 4 : i32
      %add3A_265 = arith.addi %add3A_153, %add3A_264 : i32
      %add3A_266 = arith.constant 3 : i32
      %add3A_267 = arith.addi %add3A_265, %add3A_266 : i32
      %dma_start3A_268 = arith.constant 0 : i32
      %dma_start3A_269 = tpu.memref_slice %arg6[%add3A_267, %dma_start3A_268] : memref<80x128xi32, #tpu.memory_space<vmem>> -> memref<1x128xi32, #tpu.memory_space<vmem>>
      %dma_start3A_270 = tpu.memref_squeeze %dma_start3A_269 : memref<1x128xi32, #tpu.memory_space<vmem>> -> memref<128xi32, #tpu.memory_space<vmem>>
      %dma_start3A_271 = arith.constant 0 : i32
      %dma_start3A_272 = arith.constant 0 : i32
      %dma_start3A_273 = tpu.memref_slice %arg2[%dma_start3A_271, %dma_start3A_272] : memref<10240x64xf32, #tpu.memory_space<hbm>> -> memref<10240x64xf32, #tpu.memory_space<hbm>>
      tpu.enqueue_indirect_dma source(%dma_start3A_273 : memref<10240x64xf32, #tpu.memory_space<hbm>>) target(%arg11 : memref<128x64xf32, #tpu.memory_space<vmem>>) offsets(%dma_start3A_270 : memref<128xi32, #tpu.memory_space<vmem>>) semaphore(%arg16 : memref<!tpu.dma_semaphore, #tpu.memory_space<semaphore_mem>>)
    }
    %dma_wait3A = arith.constant 0 : i32
    %dma_wait3A_59 = arith.constant 0 : i32
    %dma_wait3A_60 = tpu.memref_slice %arg2[%dma_wait3A, %dma_wait3A_59] : memref<10240x64xf32, #tpu.memory_space<hbm>> -> memref<128x64xf32, #tpu.memory_space<hbm>>
    %dma_wait3A_61 = arith.constant 0 : i32
    %dma_wait3A_62 = arith.constant 0 : i32
    %dma_wait3A_63 = tpu.memref_slice %arg2[%dma_wait3A_61, %dma_wait3A_62] : memref<10240x64xf32, #tpu.memory_space<hbm>> -> memref<128x64xf32, #tpu.memory_space<hbm>>
    tpu.wait_dma2 semaphore(%arg13 : memref<!tpu.dma_semaphore, #tpu.memory_space<semaphore_mem>>) src(%dma_wait3A_63 : memref<128x64xf32, #tpu.memory_space<hbm>>) dst(%arg8 : memref<128x64xf32, #tpu.memory_space<vmem>>)
    %sub3A_64 = arith.constant 4 : i32
    %sub3A_65 = arith.subi %select_n3A, %sub3A_64 : i32
    %add3A_66 = arith.constant 0 : i32
    %add3A_67 = arith.addi %sub3A_65, %add3A_66 : i32
    %dma_start3A_68 = arith.constant 0 : i32
    %dma_start3A_69 = tpu.memref_slice %arg7[%add3A_67, %dma_start3A_68] : memref<80x128xi32, #tpu.memory_space<vmem>> -> memref<1x128xi32, #tpu.memory_space<vmem>>
    %dma_start3A_70 = tpu.memref_squeeze %dma_start3A_69 : memref<1x128xi32, #tpu.memory_space<vmem>> -> memref<128xi32, #tpu.memory_space<vmem>>
    %dma_start3A_71 = arith.constant 0 : i32
    %dma_start3A_72 = arith.constant 0 : i32
    %dma_start3A_73 = tpu.memref_slice %arg12[%dma_start3A_71, %dma_start3A_72] : memref<10240x64xf32, #tpu.memory_space<vmem_shared>> -> memref<10240x64xf32, #tpu.memory_space<vmem_shared>>
    tpu.enqueue_indirect_dma source(%arg8 : memref<128x64xf32, #tpu.memory_space<vmem>>) target(%dma_start3A_73 : memref<10240x64xf32, #tpu.memory_space<vmem_shared>>) offsets(%dma_start3A_70 : memref<128xi32, #tpu.memory_space<vmem>>) semaphore(%arg17 : memref<!tpu.dma_semaphore, #tpu.memory_space<semaphore_mem>>) {add = true}
    %dma_wait3A_74 = arith.constant 0 : i32
    %dma_wait3A_75 = arith.constant 0 : i32
    %dma_wait3A_76 = tpu.memref_slice %arg2[%dma_wait3A_74, %dma_wait3A_75] : memref<10240x64xf32, #tpu.memory_space<hbm>> -> memref<128x64xf32, #tpu.memory_space<hbm>>
    %dma_wait3A_77 = arith.constant 0 : i32
    %dma_wait3A_78 = arith.constant 0 : i32
    %dma_wait3A_79 = tpu.memref_slice %arg2[%dma_wait3A_77, %dma_wait3A_78] : memref<10240x64xf32, #tpu.memory_space<hbm>> -> memref<128x64xf32, #tpu.memory_space<hbm>>
    tpu.wait_dma2 semaphore(%arg14 : memref<!tpu.dma_semaphore, #tpu.memory_space<semaphore_mem>>) src(%dma_wait3A_79 : memref<128x64xf32, #tpu.memory_space<hbm>>) dst(%arg9 : memref<128x64xf32, #tpu.memory_space<vmem>>)
    %sub3A_80 = arith.constant 4 : i32
    %sub3A_81 = arith.subi %select_n3A, %sub3A_80 : i32
    %add3A_82 = arith.constant 1 : i32
    %add3A_83 = arith.addi %sub3A_81, %add3A_82 : i32
    %dma_start3A_84 = arith.constant 0 : i32
    %dma_start3A_85 = tpu.memref_slice %arg7[%add3A_83, %dma_start3A_84] : memref<80x128xi32, #tpu.memory_space<vmem>> -> memref<1x128xi32, #tpu.memory_space<vmem>>
    %dma_start3A_86 = tpu.memref_squeeze %dma_start3A_85 : memref<1x128xi32, #tpu.memory_space<vmem>> -> memref<128xi32, #tpu.memory_space<vmem>>
    %dma_start3A_87 = arith.constant 0 : i32
    %dma_start3A_88 = arith.constant 0 : i32
    %dma_start3A_89 = tpu.memref_slice %arg12[%dma_start3A_87, %dma_start3A_88] : memref<10240x64xf32, #tpu.memory_space<vmem_shared>> -> memref<10240x64xf32, #tpu.memory_space<vmem_shared>>
    tpu.enqueue_indirect_dma source(%arg9 : memref<128x64xf32, #tpu.memory_space<vmem>>) target(%dma_start3A_89 : memref<10240x64xf32, #tpu.memory_space<vmem_shared>>) offsets(%dma_start3A_86 : memref<128xi32, #tpu.memory_space<vmem>>) semaphore(%arg18 : memref<!tpu.dma_semaphore, #tpu.memory_space<semaphore_mem>>) {add = true}
    %dma_wait3A_90 = arith.constant 0 : i32
    %dma_wait3A_91 = arith.constant 0 : i32
    %dma_wait3A_92 = tpu.memref_slice %arg2[%dma_wait3A_90, %dma_wait3A_91] : memref<10240x64xf32, #tpu.memory_space<hbm>> -> memref<128x64xf32, #tpu.memory_space<hbm>>
    %dma_wait3A_93 = arith.constant 0 : i32
    %dma_wait3A_94 = arith.constant 0 : i32
    %dma_wait3A_95 = tpu.memref_slice %arg2[%dma_wait3A_93, %dma_wait3A_94] : memref<10240x64xf32, #tpu.memory_space<hbm>> -> memref<128x64xf32, #tpu.memory_space<hbm>>
    tpu.wait_dma2 semaphore(%arg15 : memref<!tpu.dma_semaphore, #tpu.memory_space<semaphore_mem>>) src(%dma_wait3A_95 : memref<128x64xf32, #tpu.memory_space<hbm>>) dst(%arg10 : memref<128x64xf32, #tpu.memory_space<vmem>>)
    %sub3A_96 = arith.constant 4 : i32
    %sub3A_97 = arith.subi %select_n3A, %sub3A_96 : i32
    %add3A_98 = arith.constant 2 : i32
    %add3A_99 = arith.addi %sub3A_97, %add3A_98 : i32
    %dma_start3A_100 = arith.constant 0 : i32
    %dma_start3A_101 = tpu.memref_slice %arg7[%add3A_99, %dma_start3A_100] : memref<80x128xi32, #tpu.memory_space<vmem>> -> memref<1x128xi32, #tpu.memory_space<vmem>>
    %dma_start3A_102 = tpu.memref_squeeze %dma_start3A_101 : memref<1x128xi32, #tpu.memory_space<vmem>> -> memref<128xi32, #tpu.memory_space<vmem>>
    %dma_start3A_103 = arith.constant 0 : i32
    %dma_start3A_104 = arith.constant 0 : i32
    %dma_start3A_105 = tpu.memref_slice %arg12[%dma_start3A_103, %dma_start3A_104] : memref<10240x64xf32, #tpu.memory_space<vmem_shared>> -> memref<10240x64xf32, #tpu.memory_space<vmem_shared>>
    tpu.enqueue_indirect_dma source(%arg10 : memref<128x64xf32, #tpu.memory_space<vmem>>) target(%dma_start3A_105 : memref<10240x64xf32, #tpu.memory_space<vmem_shared>>) offsets(%dma_start3A_102 : memref<128xi32, #tpu.memory_space<vmem>>) semaphore(%arg19 : memref<!tpu.dma_semaphore, #tpu.memory_space<semaphore_mem>>) {add = true}
    %dma_wait3A_106 = arith.constant 0 : i32
    %dma_wait3A_107 = arith.constant 0 : i32
    %dma_wait3A_108 = tpu.memref_slice %arg2[%dma_wait3A_106, %dma_wait3A_107] : memref<10240x64xf32, #tpu.memory_space<hbm>> -> memref<128x64xf32, #tpu.memory_space<hbm>>
    %dma_wait3A_109 = arith.constant 0 : i32
    %dma_wait3A_110 = arith.constant 0 : i32
    %dma_wait3A_111 = tpu.memref_slice %arg2[%dma_wait3A_109, %dma_wait3A_110] : memref<10240x64xf32, #tpu.memory_space<hbm>> -> memref<128x64xf32, #tpu.memory_space<hbm>>
    tpu.wait_dma2 semaphore(%arg16 : memref<!tpu.dma_semaphore, #tpu.memory_space<semaphore_mem>>) src(%dma_wait3A_111 : memref<128x64xf32, #tpu.memory_space<hbm>>) dst(%arg11 : memref<128x64xf32, #tpu.memory_space<vmem>>)
    %sub3A_112 = arith.constant 4 : i32
    %sub3A_113 = arith.subi %select_n3A, %sub3A_112 : i32
    %add3A_114 = arith.constant 3 : i32
    %add3A_115 = arith.addi %sub3A_113, %add3A_114 : i32
    %dma_start3A_116 = arith.constant 0 : i32
    %dma_start3A_117 = tpu.memref_slice %arg7[%add3A_115, %dma_start3A_116] : memref<80x128xi32, #tpu.memory_space<vmem>> -> memref<1x128xi32, #tpu.memory_space<vmem>>
    %dma_start3A_118 = tpu.memref_squeeze %dma_start3A_117 : memref<1x128xi32, #tpu.memory_space<vmem>> -> memref<128xi32, #tpu.memory_space<vmem>>
    %dma_start3A_119 = arith.constant 0 : i32
    %dma_start3A_120 = arith.constant 0 : i32
    %dma_start3A_121 = tpu.memref_slice %arg12[%dma_start3A_119, %dma_start3A_120] : memref<10240x64xf32, #tpu.memory_space<vmem_shared>> -> memref<10240x64xf32, #tpu.memory_space<vmem_shared>>
    tpu.enqueue_indirect_dma source(%arg11 : memref<128x64xf32, #tpu.memory_space<vmem>>) target(%dma_start3A_121 : memref<10240x64xf32, #tpu.memory_space<vmem_shared>>) offsets(%dma_start3A_118 : memref<128xi32, #tpu.memory_space<vmem>>) semaphore(%arg20 : memref<!tpu.dma_semaphore, #tpu.memory_space<semaphore_mem>>) {add = true}
    %dma_wait3A_122 = arith.constant 0 : i32
    %dma_wait3A_123 = arith.constant 0 : i32
    %dma_wait3A_124 = tpu.memref_slice %arg12[%dma_wait3A_122, %dma_wait3A_123] : memref<10240x64xf32, #tpu.memory_space<vmem_shared>> -> memref<128x64xf32, #tpu.memory_space<vmem_shared>>
    %dma_wait3A_125 = arith.constant 0 : i32
    %dma_wait3A_126 = arith.constant 0 : i32
    %dma_wait3A_127 = tpu.memref_slice %arg12[%dma_wait3A_125, %dma_wait3A_126] : memref<10240x64xf32, #tpu.memory_space<vmem_shared>> -> memref<128x64xf32, #tpu.memory_space<vmem_shared>>
    tpu.wait_dma2 semaphore(%arg17 : memref<!tpu.dma_semaphore, #tpu.memory_space<semaphore_mem>>) src(%arg8 : memref<128x64xf32, #tpu.memory_space<vmem>>) dst(%dma_wait3A_127 : memref<128x64xf32, #tpu.memory_space<vmem_shared>>)
    %dma_wait3A_128 = arith.constant 0 : i32
    %dma_wait3A_129 = arith.constant 0 : i32
    %dma_wait3A_130 = tpu.memref_slice %arg12[%dma_wait3A_128, %dma_wait3A_129] : memref<10240x64xf32, #tpu.memory_space<vmem_shared>> -> memref<128x64xf32, #tpu.memory_space<vmem_shared>>
    %dma_wait3A_131 = arith.constant 0 : i32
    %dma_wait3A_132 = arith.constant 0 : i32
    %dma_wait3A_133 = tpu.memref_slice %arg12[%dma_wait3A_131, %dma_wait3A_132] : memref<10240x64xf32, #tpu.memory_space<vmem_shared>> -> memref<128x64xf32, #tpu.memory_space<vmem_shared>>
    tpu.wait_dma2 semaphore(%arg18 : memref<!tpu.dma_semaphore, #tpu.memory_space<semaphore_mem>>) src(%arg9 : memref<128x64xf32, #tpu.memory_space<vmem>>) dst(%dma_wait3A_133 : memref<128x64xf32, #tpu.memory_space<vmem_shared>>)
    %dma_wait3A_134 = arith.constant 0 : i32
    %dma_wait3A_135 = arith.constant 0 : i32
    %dma_wait3A_136 = tpu.memref_slice %arg12[%dma_wait3A_134, %dma_wait3A_135] : memref<10240x64xf32, #tpu.memory_space<vmem_shared>> -> memref<128x64xf32, #tpu.memory_space<vmem_shared>>
    %dma_wait3A_137 = arith.constant 0 : i32
    %dma_wait3A_138 = arith.constant 0 : i32
    %dma_wait3A_139 = tpu.memref_slice %arg12[%dma_wait3A_137, %dma_wait3A_138] : memref<10240x64xf32, #tpu.memory_space<vmem_shared>> -> memref<128x64xf32, #tpu.memory_space<vmem_shared>>
    tpu.wait_dma2 semaphore(%arg19 : memref<!tpu.dma_semaphore, #tpu.memory_space<semaphore_mem>>) src(%arg10 : memref<128x64xf32, #tpu.memory_space<vmem>>) dst(%dma_wait3A_139 : memref<128x64xf32, #tpu.memory_space<vmem_shared>>)
    %dma_wait3A_140 = arith.constant 0 : i32
    %dma_wait3A_141 = arith.constant 0 : i32
    %dma_wait3A_142 = tpu.memref_slice %arg12[%dma_wait3A_140, %dma_wait3A_141] : memref<10240x64xf32, #tpu.memory_space<vmem_shared>> -> memref<128x64xf32, #tpu.memory_space<vmem_shared>>
    %dma_wait3A_143 = arith.constant 0 : i32
    %dma_wait3A_144 = arith.constant 0 : i32
    %dma_wait3A_145 = tpu.memref_slice %arg12[%dma_wait3A_143, %dma_wait3A_144] : memref<10240x64xf32, #tpu.memory_space<vmem_shared>> -> memref<128x64xf32, #tpu.memory_space<vmem_shared>>
    tpu.wait_dma2 semaphore(%arg20 : memref<!tpu.dma_semaphore, #tpu.memory_space<semaphore_mem>>) src(%arg11 : memref<128x64xf32, #tpu.memory_space<vmem>>) dst(%dma_wait3A_145 : memref<128x64xf32, #tpu.memory_space<vmem_shared>>)
    %barrier3A_146 = arith.constant 0 : index
    tpu.barrier barrier_id(%barrier3A_146)
    %mul3A_147 = arith.constant 640 : i32
    %mul3A_148 = arith.muli %arg1, %mul3A_147 : i32
    %mul3A_149 = arith.constant 640 : i32
    %mul3A_150 = arith.muli %arg1, %mul3A_149 : i32
    "tpu.region"() ({
      %run_scoped3A = tpu.sem_alloc : memref<!tpu.dma_semaphore, #tpu.memory_space<semaphore_mem>>
      %dma_start3A_151 = arith.constant 0 : i32
      %dma_start3A_152 = arith.constant 0 : i32
      %dma_start3A_153 = tpu.memref_slice %arg5[%arg0, %dma_start3A_151, %dma_start3A_152] : memref<2x10240x64xf32, #tpu.memory_space<hbm>> -> memref<1x10240x64xf32, #tpu.memory_space<hbm>>
      %dma_start3A_154 = tpu.memref_squeeze %dma_start3A_153 : memref<1x10240x64xf32, #tpu.memory_space<hbm>> -> memref<10240x64xf32, #tpu.memory_space<hbm>>
      %dma_start3A_155 = arith.constant 0 : i32
      %dma_start3A_156 = tpu.memref_slice %dma_start3A_154[%mul3A_150, %dma_start3A_155] : memref<10240x64xf32, #tpu.memory_space<hbm>> -> memref<640x64xf32, #tpu.memory_space<hbm>>
      %dma_start3A_157 = arith.constant 0 : i32
      %dma_start3A_158 = tpu.memref_slice %arg12[%mul3A_148, %dma_start3A_157] : memref<10240x64xf32, #tpu.memory_space<vmem_shared>> -> memref<640x64xf32, #tpu.memory_space<vmem_shared>>
      tpu.enqueue_dma source(%dma_start3A_158 : memref<640x64xf32, #tpu.memory_space<vmem_shared>>) target(%dma_start3A_156 : memref<640x64xf32, #tpu.memory_space<hbm>>) target_semaphore(%run_scoped3A : memref<!tpu.dma_semaphore, #tpu.memory_space<semaphore_mem>>)
      %dma_wait3A_159 = arith.constant 0 : i32
      %dma_wait3A_160 = arith.constant 0 : i32
      %dma_wait3A_161 = tpu.memref_slice %arg5[%arg0, %dma_wait3A_159, %dma_wait3A_160] : memref<2x10240x64xf32, #tpu.memory_space<hbm>> -> memref<1x10240x64xf32, #tpu.memory_space<hbm>>
      %dma_wait3A_162 = tpu.memref_squeeze %dma_wait3A_161 : memref<1x10240x64xf32, #tpu.memory_space<hbm>> -> memref<10240x64xf32, #tpu.memory_space<hbm>>
      %dma_wait3A_163 = arith.constant 0 : i32
      %dma_wait3A_164 = tpu.memref_slice %dma_wait3A_162[%mul3A_150, %dma_wait3A_163] : memref<10240x64xf32, #tpu.memory_space<hbm>> -> memref<640x64xf32, #tpu.memory_space<hbm>>
      %dma_wait3A_165 = arith.constant 0 : i32
      %dma_wait3A_166 = tpu.memref_slice %arg12[%mul3A_148, %dma_wait3A_165] : memref<10240x64xf32, #tpu.memory_space<vmem_shared>> -> memref<640x64xf32, #tpu.memory_space<vmem_shared>>
      tpu.wait_dma2 semaphore(%run_scoped3A : memref<!tpu.dma_semaphore, #tpu.memory_space<semaphore_mem>>) src(%dma_wait3A_166 : memref<640x64xf32, #tpu.memory_space<vmem_shared>>) dst(%dma_wait3A_164 : memref<640x64xf32, #tpu.memory_space<hbm>>)
      tpu.yield
    }) : () -> ()
    return
  }
}

#map = affine_map<(d0, d1) -> (0, 0)>
#map1 = affine_map<(d0, d1) -> (0, 0, 0)>
module attributes {stable_mosaic.version = 14 : i64} {
  func.func @_sc_hist(%arg0: i32, %arg1: i32, %arg2: memref<2664x128xi32, #tpu.memory_space<hbm>>, %arg3: memref<2x10240x64xf32, #tpu.memory_space<hbm>>, %arg4: memref<80x128xi32, #tpu.memory_space<vmem>>, %arg5: memref<128x16xf32, #tpu.memory_space<vmem>>, %arg6: memref<640x16xf32, #tpu.memory_space<vmem>>, %arg7: memref<640x64xf32, #tpu.memory_space<vmem>>, %arg8: memref<10240x16xf32, #tpu.memory_space<vmem_shared>>, %arg9: memref<!tpu.dma_semaphore, #tpu.memory_space<semaphore_mem>>) attributes {dimension_semantics = [#tpu.dimension_semantics<core_parallel>, #tpu.dimension_semantics<subcore_parallel>], iteration_bounds = array<i64: 2, 16>, scalar_prefetch = 0 : i64, scratch_operands = 6 : i64, tpu.core_type = #tpu.core_type<sc_vector_subcore>, window_params = [{transform_indices = #map}, {transform_indices = #map1}]} {
    %mul3A = arith.constant 16 : i32
    %mul3A_0 = arith.muli %arg0, %mul3A : i32
    %add3A = arith.addi %mul3A_0, %arg1 : i32
    %scan3A = arith.constant 0 : i32
    %scan3A_1 = arith.constant 128 : i32
    %scan3A_2 = arith.addi %scan3A, %scan3A_1 : i32
    %scan3A_3 = arith.constant 1 : i32
    scf.for %scan3A_37 = %scan3A to %scan3A_2 step %scan3A_3  : i32 {
      %mul3A_38 = arith.constant 1 : i32
      %mul3A_39 = arith.muli %scan3A_37, %mul3A_38 : i32
      %add3A_40 = arith.constant 0 : i32
      %add3A_41 = arith.addi %add3A_40, %mul3A_39 : i32
      %broadcast_in_dim3A = arith.constant 0.000000e+00 : f32
      %broadcast_in_dim3A_42 = vector.broadcast %broadcast_in_dim3A : f32 to vector<16xf32>
      %swap3A = arith.index_cast %add3A_41 : i32 to index
      %swap3A_43 = arith.constant 0 : index
      %swap3A_44 = tpu.vector_load %arg5[%swap3A, %swap3A_43] {strides = array<i32>} : memref<128x16xf32, #tpu.memory_space<vmem>>, vector<1x16xf32>,
      %swap3A_45 = vector.shape_cast %swap3A_44 : vector<1x16xf32> to vector<16xf32>
      %swap3A_46 = vector.shape_cast %broadcast_in_dim3A_42 : vector<16xf32> to vector<1x16xf32>
      tpu.vector_store %arg5[%swap3A, %swap3A_43], %swap3A_46 {strides = array<i32>} : memref<128x16xf32, #tpu.memory_space<vmem>>, vector<1x16xf32>,
    }
    %scan3A_4 = arith.constant 128 : i32
    %scan3A_5 = arith.constant 0 : i32
    %scan3A_6 = arith.constant 5 : i32
    %scan3A_7 = arith.addi %scan3A_5, %scan3A_6 : i32
    %scan3A_8 = arith.constant 1 : i32
    scf.for %scan3A_37 = %scan3A_5 to %scan3A_7 step %scan3A_8  : i32 {
      %mul3A_38 = arith.constant 1 : i32
      %mul3A_39 = arith.muli %scan3A_37, %mul3A_38 : i32
      %add3A_40 = arith.constant 0 : i32
      %add3A_41 = arith.addi %add3A_40, %mul3A_39 : i32
      %mul3A_42 = arith.constant 640 : i32
      %mul3A_43 = arith.muli %arg1, %mul3A_42 : i32
      %mul3A_44 = arith.constant 128 : i32
      %mul3A_45 = arith.muli %add3A_41, %mul3A_44 : i32
      %add3A_46 = arith.addi %mul3A_43, %mul3A_45 : i32
      "tpu.region"() ({
        %run_scoped3A = tpu.sem_alloc : memref<!tpu.dma_semaphore, #tpu.memory_space<semaphore_mem>>
        %dma_start3A = arith.constant 0 : i32
        %dma_start3A_47 = tpu.memref_slice %arg8[%add3A_46, %dma_start3A] : memref<10240x16xf32, #tpu.memory_space<vmem_shared>> -> memref<128x16xf32, #tpu.memory_space<vmem_shared>>
        %dma_start3A_48 = arith.constant 0 : i32
        %dma_start3A_49 = tpu.memref_slice %arg8[%add3A_46, %dma_start3A_48] : memref<10240x16xf32, #tpu.memory_space<vmem_shared>> -> memref<128x16xf32, #tpu.memory_space<vmem_shared>>
        tpu.enqueue_dma source(%arg5 : memref<128x16xf32, #tpu.memory_space<vmem>>) target(%dma_start3A_49 : memref<128x16xf32, #tpu.memory_space<vmem_shared>>) target_semaphore(%run_scoped3A : memref<!tpu.dma_semaphore, #tpu.memory_space<semaphore_mem>>)
        %dma_wait3A = arith.constant 0 : i32
        %dma_wait3A_50 = tpu.memref_slice %arg8[%add3A_46, %dma_wait3A] : memref<10240x16xf32, #tpu.memory_space<vmem_shared>> -> memref<128x16xf32, #tpu.memory_space<vmem_shared>>
        %dma_wait3A_51 = arith.constant 0 : i32
        %dma_wait3A_52 = tpu.memref_slice %arg8[%add3A_46, %dma_wait3A_51] : memref<10240x16xf32, #tpu.memory_space<vmem_shared>> -> memref<128x16xf32, #tpu.memory_space<vmem_shared>>
        tpu.wait_dma2 semaphore(%run_scoped3A : memref<!tpu.dma_semaphore, #tpu.memory_space<semaphore_mem>>) src(%arg5 : memref<128x16xf32, #tpu.memory_space<vmem>>) dst(%dma_wait3A_52 : memref<128x16xf32, #tpu.memory_space<vmem_shared>>)
        tpu.yield
      }) : () -> ()
    }
    %scan3A_9 = arith.constant 5 : i32
    %scan3A_10 = arith.constant 0 : i32
    %scan3A_11 = arith.constant 128 : i32
    %scan3A_12 = arith.addi %scan3A_10, %scan3A_11 : i32
    %scan3A_13 = arith.constant 1 : i32
    scf.for %scan3A_37 = %scan3A_10 to %scan3A_12 step %scan3A_13  : i32 {
      %mul3A_38 = arith.constant 1 : i32
      %mul3A_39 = arith.muli %scan3A_37, %mul3A_38 : i32
      %add3A_40 = arith.constant 0 : i32
      %add3A_41 = arith.addi %add3A_40, %mul3A_39 : i32
      %broadcast_in_dim3A = arith.constant 1.000000e+00 : f32
      %broadcast_in_dim3A_42 = vector.broadcast %broadcast_in_dim3A : f32 to vector<16xf32>
      %swap3A = arith.index_cast %add3A_41 : i32 to index
      %swap3A_43 = arith.constant 0 : index
      %swap3A_44 = tpu.vector_load %arg5[%swap3A, %swap3A_43] {strides = array<i32>} : memref<128x16xf32, #tpu.memory_space<vmem>>, vector<1x16xf32>,
      %swap3A_45 = vector.shape_cast %swap3A_44 : vector<1x16xf32> to vector<16xf32>
      %swap3A_46 = vector.shape_cast %broadcast_in_dim3A_42 : vector<16xf32> to vector<1x16xf32>
      tpu.vector_store %arg5[%swap3A, %swap3A_43], %swap3A_46 {strides = array<i32>} : memref<128x16xf32, #tpu.memory_space<vmem>>, vector<1x16xf32>,
    }
    %scan3A_14 = arith.constant 128 : i32
    %mul3A_15 = arith.constant 80 : i32
    %mul3A_16 = arith.muli %add3A, %mul3A_15 : i32
    "tpu.region"() ({
      %run_scoped3A = tpu.sem_alloc : memref<!tpu.dma_semaphore, #tpu.memory_space<semaphore_mem>>
      %dma_start3A = arith.constant 0 : i32
      %dma_start3A_37 = tpu.memref_slice %arg2[%mul3A_16, %dma_start3A] : memref<2664x128xi32, #tpu.memory_space<hbm>> -> memref<80x128xi32, #tpu.memory_space<hbm>>
      %dma_start3A_38 = arith.constant 0 : i32
      %dma_start3A_39 = tpu.memref_slice %arg2[%mul3A_16, %dma_start3A_38] : memref<2664x128xi32, #tpu.memory_space<hbm>> -> memref<80x128xi32, #tpu.memory_space<hbm>>
      tpu.enqueue_dma source(%dma_start3A_39 : memref<80x128xi32, #tpu.memory_space<hbm>>) target(%arg4 : memref<80x128xi32, #tpu.memory_space<vmem>>) target_semaphore(%run_scoped3A : memref<!tpu.dma_semaphore, #tpu.memory_space<semaphore_mem>>)
      %dma_wait3A = arith.constant 0 : i32
      %dma_wait3A_40 = tpu.memref_slice %arg2[%mul3A_16, %dma_wait3A] : memref<2664x128xi32, #tpu.memory_space<hbm>> -> memref<80x128xi32, #tpu.memory_space<hbm>>
      %dma_wait3A_41 = arith.constant 0 : i32
      %dma_wait3A_42 = tpu.memref_slice %arg2[%mul3A_16, %dma_wait3A_41] : memref<2664x128xi32, #tpu.memory_space<hbm>> -> memref<80x128xi32, #tpu.memory_space<hbm>>
      tpu.wait_dma2 semaphore(%run_scoped3A : memref<!tpu.dma_semaphore, #tpu.memory_space<semaphore_mem>>) src(%dma_wait3A_42 : memref<80x128xi32, #tpu.memory_space<hbm>>) dst(%arg4 : memref<80x128xi32, #tpu.memory_space<vmem>>)
      tpu.yield
    }) : () -> ()
    %barrier3A = arith.constant 0 : index
    tpu.barrier barrier_id(%barrier3A)
    %scan3A_17 = arith.constant 0 : i32
    %scan3A_18 = arith.constant 80 : i32
    %scan3A_19 = arith.addi %scan3A_17, %scan3A_18 : i32
    %scan3A_20 = arith.constant 1 : i32
    scf.for %scan3A_37 = %scan3A_17 to %scan3A_19 step %scan3A_20  : i32 {
      %mul3A_38 = arith.constant 1 : i32
      %mul3A_39 = arith.muli %scan3A_37, %mul3A_38 : i32
      %add3A_40 = arith.constant 0 : i32
      %add3A_41 = arith.addi %add3A_40, %mul3A_39 : i32
      %dma_start3A = arith.constant 0 : i32
      %dma_start3A_42 = tpu.memref_slice %arg4[%add3A_41, %dma_start3A] : memref<80x128xi32, #tpu.memory_space<vmem>> -> memref<1x128xi32, #tpu.memory_space<vmem>>
      %dma_start3A_43 = tpu.memref_squeeze %dma_start3A_42 : memref<1x128xi32, #tpu.memory_space<vmem>> -> memref<128xi32, #tpu.memory_space<vmem>>
      %dma_start3A_44 = arith.constant 0 : i32
      %dma_start3A_45 = arith.constant 0 : i32
      %dma_start3A_46 = tpu.memref_slice %arg8[%dma_start3A_44, %dma_start3A_45] : memref<10240x16xf32, #tpu.memory_space<vmem_shared>> -> memref<10240x16xf32, #tpu.memory_space<vmem_shared>>
      tpu.enqueue_indirect_dma source(%arg5 : memref<128x16xf32, #tpu.memory_space<vmem>>) target(%dma_start3A_46 : memref<10240x16xf32, #tpu.memory_space<vmem_shared>>) offsets(%dma_start3A_43 : memref<128xi32, #tpu.memory_space<vmem>>) semaphore(%arg9 : memref<!tpu.dma_semaphore, #tpu.memory_space<semaphore_mem>>) {add = true}
    }
    %scan3A_21 = arith.constant 80 : i32
    %scan3A_22 = arith.constant 0 : i32
    %scan3A_23 = arith.constant 80 : i32
    %scan3A_24 = arith.addi %scan3A_22, %scan3A_23 : i32
    %scan3A_25 = arith.constant 1 : i32
    scf.for %scan3A_37 = %scan3A_22 to %scan3A_24 step %scan3A_25  : i32 {
      %mul3A_38 = arith.constant 1 : i32
      %mul3A_39 = arith.muli %scan3A_37, %mul3A_38 : i32
      %add3A_40 = arith.constant 0 : i32
      %add3A_41 = arith.addi %add3A_40, %mul3A_39 : i32
      %dma_wait3A = arith.constant 0 : i32
      %dma_wait3A_42 = arith.constant 0 : i32
      %dma_wait3A_43 = tpu.memref_slice %arg8[%dma_wait3A, %dma_wait3A_42] : memref<10240x16xf32, #tpu.memory_space<vmem_shared>> -> memref<128x16xf32, #tpu.memory_space<vmem_shared>>
      %dma_wait3A_44 = arith.constant 0 : i32
      %dma_wait3A_45 = arith.constant 0 : i32
      %dma_wait3A_46 = tpu.memref_slice %arg8[%dma_wait3A_44, %dma_wait3A_45] : memref<10240x16xf32, #tpu.memory_space<vmem_shared>> -> memref<128x16xf32, #tpu.memory_space<vmem_shared>>
      tpu.wait_dma2 semaphore(%arg9 : memref<!tpu.dma_semaphore, #tpu.memory_space<semaphore_mem>>) src(%arg5 : memref<128x16xf32, #tpu.memory_space<vmem>>) dst(%dma_wait3A_46 : memref<128x16xf32, #tpu.memory_space<vmem_shared>>)
    }
    %scan3A_26 = arith.constant 80 : i32
    %barrier3A_27 = arith.constant 0 : index
    tpu.barrier barrier_id(%barrier3A_27)
    %mul3A_28 = arith.constant 640 : i32
    %mul3A_29 = arith.muli %arg1, %mul3A_28 : i32
    "tpu.region"() ({
      %run_scoped3A = tpu.sem_alloc : memref<!tpu.dma_semaphore, #tpu.memory_space<semaphore_mem>>
      %dma_start3A = arith.constant 0 : i32
      %dma_start3A_37 = tpu.memref_slice %arg8[%mul3A_29, %dma_start3A] : memref<10240x16xf32, #tpu.memory_space<vmem_shared>> -> memref<640x16xf32, #tpu.memory_space<vmem_shared>>
      %dma_start3A_38 = arith.constant 0 : i32
      %dma_start3A_39 = tpu.memref_slice %arg8[%mul3A_29, %dma_start3A_38] : memref<10240x16xf32, #tpu.memory_space<vmem_shared>> -> memref<640x16xf32, #tpu.memory_space<vmem_shared>>
      tpu.enqueue_dma source(%dma_start3A_39 : memref<640x16xf32, #tpu.memory_space<vmem_shared>>) target(%arg6 : memref<640x16xf32, #tpu.memory_space<vmem>>) target_semaphore(%run_scoped3A : memref<!tpu.dma_semaphore, #tpu.memory_space<semaphore_mem>>)
      %dma_wait3A = arith.constant 0 : i32
      %dma_wait3A_40 = tpu.memref_slice %arg8[%mul3A_29, %dma_wait3A] : memref<10240x16xf32, #tpu.memory_space<vmem_shared>> -> memref<640x16xf32, #tpu.memory_space<vmem_shared>>
      %dma_wait3A_41 = arith.constant 0 : i32
      %dma_wait3A_42 = tpu.memref_slice %arg8[%mul3A_29, %dma_wait3A_41] : memref<10240x16xf32, #tpu.memory_space<vmem_shared>> -> memref<640x16xf32, #tpu.memory_space<vmem_shared>>
      tpu.wait_dma2 semaphore(%run_scoped3A : memref<!tpu.dma_semaphore, #tpu.memory_space<semaphore_mem>>) src(%dma_wait3A_42 : memref<640x16xf32, #tpu.memory_space<vmem_shared>>) dst(%arg6 : memref<640x16xf32, #tpu.memory_space<vmem>>)
      tpu.yield
    }) : () -> ()
    %scan3A_30 = arith.constant 0 : i32
    %scan3A_31 = arith.constant 640 : i32
    %scan3A_32 = arith.addi %scan3A_30, %scan3A_31 : i32
    %scan3A_33 = arith.constant 1 : i32
    scf.for %scan3A_37 = %scan3A_30 to %scan3A_32 step %scan3A_33  : i32 {
      %mul3A_38 = arith.constant 1 : i32
      %mul3A_39 = arith.muli %scan3A_37, %mul3A_38 : i32
      %add3A_40 = arith.constant 0 : i32
      %add3A_41 = arith.addi %add3A_40, %mul3A_39 : i32
      %get3A = arith.index_cast %add3A_41 : i32 to index
      %get3A_42 = arith.constant 0 : index
      %get3A_43 = tpu.vector_load %arg6[%get3A, %get3A_42] {strides = array<i32>} : memref<640x16xf32, #tpu.memory_space<vmem>>, vector<1x16xf32>,
      %get3A_44 = vector.shape_cast %get3A_43 : vector<1x16xf32> to vector<16xf32>
      %scan3A_45 = arith.constant 0 : i32
      %scan3A_46 = arith.constant 4 : i32
      %scan3A_47 = arith.addi %scan3A_45, %scan3A_46 : i32
      %scan3A_48 = arith.constant 1 : i32
      scf.for %scan3A_50 = %scan3A_45 to %scan3A_47 step %scan3A_48  : i32 {
        %mul3A_51 = arith.constant 16 : i32
        %mul3A_52 = arith.muli %scan3A_50, %mul3A_51 : i32
        %add3A_53 = arith.constant 0 : i32
        %add3A_54 = arith.addi %add3A_53, %mul3A_52 : i32
        %swap3A = arith.index_cast %add3A_41 : i32 to index
        %swap3A_55 = arith.index_cast %add3A_54 : i32 to index
        %swap3A_56 = tpu.vector_load %arg7[%swap3A, %swap3A_55] {strides = array<i32>} : memref<640x64xf32, #tpu.memory_space<vmem>>, vector<1x16xf32>,
        %swap3A_57 = vector.shape_cast %swap3A_56 : vector<1x16xf32> to vector<16xf32>
        %swap3A_58 = vector.shape_cast %get3A_44 : vector<16xf32> to vector<1x16xf32>
        tpu.vector_store %arg7[%swap3A, %swap3A_55], %swap3A_58 {strides = array<i32>} : memref<640x64xf32, #tpu.memory_space<vmem>>, vector<1x16xf32>,
      }
      %scan3A_49 = arith.constant 4 : i32
    }
    %scan3A_34 = arith.constant 640 : i32
    %mul3A_35 = arith.constant 640 : i32
    %mul3A_36 = arith.muli %arg1, %mul3A_35 : i32
    "tpu.region"() ({
      %run_scoped3A = tpu.sem_alloc : memref<!tpu.dma_semaphore, #tpu.memory_space<semaphore_mem>>
      %dma_start3A = arith.constant 0 : i32
      %dma_start3A_37 = arith.constant 0 : i32
      %dma_start3A_38 = tpu.memref_slice %arg3[%arg0, %dma_start3A, %dma_start3A_37] : memref<2x10240x64xf32, #tpu.memory_space<hbm>> -> memref<1x10240x64xf32, #tpu.memory_space<hbm>>
      %dma_start3A_39 = tpu.memref_squeeze %dma_start3A_38 : memref<1x10240x64xf32, #tpu.memory_space<hbm>> -> memref<10240x64xf32, #tpu.memory_space<hbm>>
      %dma_start3A_40 = arith.constant 0 : i32
      %dma_start3A_41 = tpu.memref_slice %dma_start3A_39[%mul3A_36, %dma_start3A_40] : memref<10240x64xf32, #tpu.memory_space<hbm>> -> memref<640x64xf32, #tpu.memory_space<hbm>>
      %dma_start3A_42 = arith.constant 0 : i32
      %dma_start3A_43 = arith.constant 0 : i32
      %dma_start3A_44 = tpu.memref_slice %arg3[%arg0, %dma_start3A_42, %dma_start3A_43] : memref<2x10240x64xf32, #tpu.memory_space<hbm>> -> memref<1x10240x64xf32, #tpu.memory_space<hbm>>
      %dma_start3A_45 = tpu.memref_squeeze %dma_start3A_44 : memref<1x10240x64xf32, #tpu.memory_space<hbm>> -> memref<10240x64xf32, #tpu.memory_space<hbm>>
      %dma_start3A_46 = arith.constant 0 : i32
      %dma_start3A_47 = tpu.memref_slice %dma_start3A_45[%mul3A_36, %dma_start3A_46] : memref<10240x64xf32, #tpu.memory_space<hbm>> -> memref<640x64xf32, #tpu.memory_space<hbm>>
      tpu.enqueue_dma source(%arg7 : memref<640x64xf32, #tpu.memory_space<vmem>>) target(%dma_start3A_47 : memref<640x64xf32, #tpu.memory_space<hbm>>) target_semaphore(%run_scoped3A : memref<!tpu.dma_semaphore, #tpu.memory_space<semaphore_mem>>)
      %dma_wait3A = arith.constant 0 : i32
      %dma_wait3A_48 = arith.constant 0 : i32
      %dma_wait3A_49 = tpu.memref_slice %arg3[%arg0, %dma_wait3A, %dma_wait3A_48] : memref<2x10240x64xf32, #tpu.memory_space<hbm>> -> memref<1x10240x64xf32, #tpu.memory_space<hbm>>
      %dma_wait3A_50 = tpu.memref_squeeze %dma_wait3A_49 : memref<1x10240x64xf32, #tpu.memory_space<hbm>> -> memref<10240x64xf32, #tpu.memory_space<hbm>>
      %dma_wait3A_51 = arith.constant 0 : i32
      %dma_wait3A_52 = tpu.memref_slice %dma_wait3A_50[%mul3A_36, %dma_wait3A_51] : memref<10240x64xf32, #tpu.memory_space<hbm>> -> memref<640x64xf32, #tpu.memory_space<hbm>>
      %dma_wait3A_53 = arith.constant 0 : i32
      %dma_wait3A_54 = arith.constant 0 : i32
      %dma_wait3A_55 = tpu.memref_slice %arg3[%arg0, %dma_wait3A_53, %dma_wait3A_54] : memref<2x10240x64xf32, #tpu.memory_space<hbm>> -> memref<1x10240x64xf32, #tpu.memory_space<hbm>>
      %dma_wait3A_56 = tpu.memref_squeeze %dma_wait3A_55 : memref<1x10240x64xf32, #tpu.memory_space<hbm>> -> memref<10240x64xf32, #tpu.memory_space<hbm>>
      %dma_wait3A_57 = arith.constant 0 : i32
      %dma_wait3A_58 = tpu.memref_slice %dma_wait3A_56[%mul3A_36, %dma_wait3A_57] : memref<10240x64xf32, #tpu.memory_space<hbm>> -> memref<640x64xf32, #tpu.memory_space<hbm>>
      tpu.wait_dma2 semaphore(%run_scoped3A : memref<!tpu.dma_semaphore, #tpu.memory_space<semaphore_mem>>) src(%arg7 : memref<640x64xf32, #tpu.memory_space<vmem>>) dst(%dma_wait3A_58 : memref<640x64xf32, #tpu.memory_space<hbm>>)
      tpu.yield
    }) : () -> ()
    return
  }
}

#map = affine_map<(d0, d1) -> (0, 0)>
#map1 = affine_map<(d0, d1) -> (0, 0, 0)>
module attributes {stable_mosaic.version = 14 : i64} {
  func.func @_sc_agg(%arg0: i32, %arg1: i32, %arg2: memref<10240x64xf32, #tpu.memory_space<hbm>>, %arg3: memref<2664x128xi32, #tpu.memory_space<hbm>>, %arg4: memref<2664x128xi32, #tpu.memory_space<hbm>>, %arg5: memref<2x10240x64xf32, #tpu.memory_space<hbm>>, %arg6: memref<80x128xi32, #tpu.memory_space<vmem>>, %arg7: memref<80x128xi32, #tpu.memory_space<vmem>>, %arg8: memref<128x64xf32, #tpu.memory_space<vmem>>, %arg9: memref<128x64xf32, #tpu.memory_space<vmem>>, %arg10: memref<128x64xf32, #tpu.memory_space<vmem>>, %arg11: memref<128x64xf32, #tpu.memory_space<vmem>>, %arg12: memref<10240x64xf32, #tpu.memory_space<vmem_shared>>, %arg13: memref<!tpu.dma_semaphore, #tpu.memory_space<semaphore_mem>>, %arg14: memref<!tpu.dma_semaphore, #tpu.memory_space<semaphore_mem>>, %arg15: memref<!tpu.dma_semaphore, #tpu.memory_space<semaphore_mem>>, %arg16: memref<!tpu.dma_semaphore, #tpu.memory_space<semaphore_mem>>, %arg17: memref<!tpu.dma_semaphore, #tpu.memory_space<semaphore_mem>>, %arg18: memref<!tpu.dma_semaphore, #tpu.memory_space<semaphore_mem>>, %arg19: memref<!tpu.dma_semaphore, #tpu.memory_space<semaphore_mem>>, %arg20: memref<!tpu.dma_semaphore, #tpu.memory_space<semaphore_mem>>) attributes {dimension_semantics = [#tpu.dimension_semantics<core_parallel>, #tpu.dimension_semantics<subcore_parallel>], iteration_bounds = array<i64: 2, 16>, scalar_prefetch = 0 : i64, scratch_operands = 15 : i64, tpu.core_type = #tpu.core_type<sc_vector_subcore>, window_params = [{transform_indices = #map}, {transform_indices = #map}, {transform_indices = #map}, {transform_indices = #map1}]} {
    %mul3A = arith.constant 160 : i32
    %mul3A_0 = arith.muli %arg1, %mul3A : i32
    %mul3A_1 = arith.constant 80 : i32
    %mul3A_2 = arith.muli %arg0, %mul3A_1 : i32
    %add3A = arith.addi %mul3A_0, %mul3A_2 : i32
    %eq3A = arith.constant 0 : i32
    %eq3A_3 = arith.cmpi eq, %arg0, %eq3A : i32
    %jit3A = arith.constant 80 : i32
    %jit3A_4 = arith.constant 80 : i32
    %select_n3A = arith.select %eq3A_3, %jit3A, %jit3A_4 : i32
    %scan3A = arith.constant 0 : i32
    %scan3A_5 = arith.constant 128 : i32
    %scan3A_6 = arith.addi %scan3A, %scan3A_5 : i32
    %scan3A_7 = arith.constant 1 : i32
    scf.for %scan3A_151 = %scan3A to %scan3A_6 step %scan3A_7  : i32 {
      %mul3A_152 = arith.constant 1 : i32
      %mul3A_153 = arith.muli %scan3A_151, %mul3A_152 : i32
      %add3A_154 = arith.constant 0 : i32
      %add3A_155 = arith.addi %add3A_154, %mul3A_153 : i32
      %scan3A_156 = arith.constant 0 : i32
      %scan3A_157 = arith.constant 4 : i32
      %scan3A_158 = arith.addi %scan3A_156, %scan3A_157 : i32
      %scan3A_159 = arith.constant 1 : i32
      scf.for %scan3A_161 = %scan3A_156 to %scan3A_158 step %scan3A_159  : i32 {
        %mul3A_162 = arith.constant 16 : i32
        %mul3A_163 = arith.muli %scan3A_161, %mul3A_162 : i32
        %add3A_164 = arith.constant 0 : i32
        %add3A_165 = arith.addi %add3A_164, %mul3A_163 : i32
        %broadcast_in_dim3A = arith.constant 0.000000e+00 : f32
        %broadcast_in_dim3A_166 = vector.broadcast %broadcast_in_dim3A : f32 to vector<16xf32>
        %swap3A = arith.index_cast %add3A_155 : i32 to index
        %swap3A_167 = arith.index_cast %add3A_165 : i32 to index
        %swap3A_168 = tpu.vector_load %arg8[%swap3A, %swap3A_167] {strides = array<i32>} : memref<128x64xf32, #tpu.memory_space<vmem>>, vector<1x16xf32>,
        %swap3A_169 = vector.shape_cast %swap3A_168 : vector<1x16xf32> to vector<16xf32>
        %swap3A_170 = vector.shape_cast %broadcast_in_dim3A_166 : vector<16xf32> to vector<1x16xf32>
        tpu.vector_store %arg8[%swap3A, %swap3A_167], %swap3A_170 {strides = array<i32>} : memref<128x64xf32, #tpu.memory_space<vmem>>, vector<1x16xf32>,
      }
      %scan3A_160 = arith.constant 4 : i32
    }
    %scan3A_8 = arith.constant 128 : i32
    %scan3A_9 = arith.constant 0 : i32
    %scan3A_10 = arith.constant 5 : i32
    %scan3A_11 = arith.addi %scan3A_9, %scan3A_10 : i32
    %scan3A_12 = arith.constant 1 : i32
    scf.for %scan3A_151 = %scan3A_9 to %scan3A_11 step %scan3A_12  : i32 {
      %mul3A_152 = arith.constant 1 : i32
      %mul3A_153 = arith.muli %scan3A_151, %mul3A_152 : i32
      %add3A_154 = arith.constant 0 : i32
      %add3A_155 = arith.addi %add3A_154, %mul3A_153 : i32
      %mul3A_156 = arith.constant 640 : i32
      %mul3A_157 = arith.muli %arg1, %mul3A_156 : i32
      %mul3A_158 = arith.constant 128 : i32
      %mul3A_159 = arith.muli %add3A_155, %mul3A_158 : i32
      %add3A_160 = arith.addi %mul3A_157, %mul3A_159 : i32
      "tpu.region"() ({
        %run_scoped3A = tpu.sem_alloc : memref<!tpu.dma_semaphore, #tpu.memory_space<semaphore_mem>>
        %dma_start3A_161 = arith.constant 0 : i32
        %dma_start3A_162 = tpu.memref_slice %arg12[%add3A_160, %dma_start3A_161] : memref<10240x64xf32, #tpu.memory_space<vmem_shared>> -> memref<128x64xf32, #tpu.memory_space<vmem_shared>>
        %dma_start3A_163 = arith.constant 0 : i32
        %dma_start3A_164 = tpu.memref_slice %arg12[%add3A_160, %dma_start3A_163] : memref<10240x64xf32, #tpu.memory_space<vmem_shared>> -> memref<128x64xf32, #tpu.memory_space<vmem_shared>>
        tpu.enqueue_dma source(%arg8 : memref<128x64xf32, #tpu.memory_space<vmem>>) target(%dma_start3A_164 : memref<128x64xf32, #tpu.memory_space<vmem_shared>>) target_semaphore(%run_scoped3A : memref<!tpu.dma_semaphore, #tpu.memory_space<semaphore_mem>>)
        %dma_wait3A_165 = arith.constant 0 : i32
        %dma_wait3A_166 = tpu.memref_slice %arg12[%add3A_160, %dma_wait3A_165] : memref<10240x64xf32, #tpu.memory_space<vmem_shared>> -> memref<128x64xf32, #tpu.memory_space<vmem_shared>>
        %dma_wait3A_167 = arith.constant 0 : i32
        %dma_wait3A_168 = tpu.memref_slice %arg12[%add3A_160, %dma_wait3A_167] : memref<10240x64xf32, #tpu.memory_space<vmem_shared>> -> memref<128x64xf32, #tpu.memory_space<vmem_shared>>
        tpu.wait_dma2 semaphore(%run_scoped3A : memref<!tpu.dma_semaphore, #tpu.memory_space<semaphore_mem>>) src(%arg8 : memref<128x64xf32, #tpu.memory_space<vmem>>) dst(%dma_wait3A_168 : memref<128x64xf32, #tpu.memory_space<vmem_shared>>)
        tpu.yield
      }) : () -> ()
    }
    %scan3A_13 = arith.constant 5 : i32
    "tpu.region"() ({
      %run_scoped3A = tpu.sem_alloc : memref<!tpu.dma_semaphore, #tpu.memory_space<semaphore_mem>>
      %dma_start3A_151 = arith.constant 0 : i32
      %dma_start3A_152 = tpu.memref_slice %arg3[%add3A, %dma_start3A_151] : memref<2664x128xi32, #tpu.memory_space<hbm>> -> memref<80x128xi32, #tpu.memory_space<hbm>>
      %dma_start3A_153 = arith.constant 0 : i32
      %dma_start3A_154 = tpu.memref_slice %arg3[%add3A, %dma_start3A_153] : memref<2664x128xi32, #tpu.memory_space<hbm>> -> memref<80x128xi32, #tpu.memory_space<hbm>>
      tpu.enqueue_dma source(%dma_start3A_154 : memref<80x128xi32, #tpu.memory_space<hbm>>) target(%arg6 : memref<80x128xi32, #tpu.memory_space<vmem>>) target_semaphore(%run_scoped3A : memref<!tpu.dma_semaphore, #tpu.memory_space<semaphore_mem>>)
      %dma_wait3A_155 = arith.constant 0 : i32
      %dma_wait3A_156 = tpu.memref_slice %arg3[%add3A, %dma_wait3A_155] : memref<2664x128xi32, #tpu.memory_space<hbm>> -> memref<80x128xi32, #tpu.memory_space<hbm>>
      %dma_wait3A_157 = arith.constant 0 : i32
      %dma_wait3A_158 = tpu.memref_slice %arg3[%add3A, %dma_wait3A_157] : memref<2664x128xi32, #tpu.memory_space<hbm>> -> memref<80x128xi32, #tpu.memory_space<hbm>>
      tpu.wait_dma2 semaphore(%run_scoped3A : memref<!tpu.dma_semaphore, #tpu.memory_space<semaphore_mem>>) src(%dma_wait3A_158 : memref<80x128xi32, #tpu.memory_space<hbm>>) dst(%arg6 : memref<80x128xi32, #tpu.memory_space<vmem>>)
      tpu.yield
    }) : () -> ()
    "tpu.region"() ({
      %run_scoped3A = tpu.sem_alloc : memref<!tpu.dma_semaphore, #tpu.memory_space<semaphore_mem>>
      %dma_start3A_151 = arith.constant 0 : i32
      %dma_start3A_152 = tpu.memref_slice %arg4[%add3A, %dma_start3A_151] : memref<2664x128xi32, #tpu.memory_space<hbm>> -> memref<80x128xi32, #tpu.memory_space<hbm>>
      %dma_start3A_153 = arith.constant 0 : i32
      %dma_start3A_154 = tpu.memref_slice %arg4[%add3A, %dma_start3A_153] : memref<2664x128xi32, #tpu.memory_space<hbm>> -> memref<80x128xi32, #tpu.memory_space<hbm>>
      tpu.enqueue_dma source(%dma_start3A_154 : memref<80x128xi32, #tpu.memory_space<hbm>>) target(%arg7 : memref<80x128xi32, #tpu.memory_space<vmem>>) target_semaphore(%run_scoped3A : memref<!tpu.dma_semaphore, #tpu.memory_space<semaphore_mem>>)
      %dma_wait3A_155 = arith.constant 0 : i32
      %dma_wait3A_156 = tpu.memref_slice %arg4[%add3A, %dma_wait3A_155] : memref<2664x128xi32, #tpu.memory_space<hbm>> -> memref<80x128xi32, #tpu.memory_space<hbm>>
      %dma_wait3A_157 = arith.constant 0 : i32
      %dma_wait3A_158 = tpu.memref_slice %arg4[%add3A, %dma_wait3A_157] : memref<2664x128xi32, #tpu.memory_space<hbm>> -> memref<80x128xi32, #tpu.memory_space<hbm>>
      tpu.wait_dma2 semaphore(%run_scoped3A : memref<!tpu.dma_semaphore, #tpu.memory_space<semaphore_mem>>) src(%dma_wait3A_158 : memref<80x128xi32, #tpu.memory_space<hbm>>) dst(%arg7 : memref<80x128xi32, #tpu.memory_space<vmem>>)
      tpu.yield
    }) : () -> ()
    %barrier3A = arith.constant 0 : index
    tpu.barrier barrier_id(%barrier3A)
    %dma_start3A = arith.constant 0 : i32
    %dma_start3A_14 = arith.constant 0 : i32
    %dma_start3A_15 = tpu.memref_slice %arg6[%dma_start3A, %dma_start3A_14] : memref<80x128xi32, #tpu.memory_space<vmem>> -> memref<1x128xi32, #tpu.memory_space<vmem>>
    %dma_start3A_16 = tpu.memref_squeeze %dma_start3A_15 : memref<1x128xi32, #tpu.memory_space<vmem>> -> memref<128xi32, #tpu.memory_space<vmem>>
    %dma_start3A_17 = arith.constant 0 : i32
    %dma_start3A_18 = arith.constant 0 : i32
    %dma_start3A_19 = tpu.memref_slice %arg2[%dma_start3A_17, %dma_start3A_18] : memref<10240x64xf32, #tpu.memory_space<hbm>> -> memref<10240x64xf32, #tpu.memory_space<hbm>>
    tpu.enqueue_indirect_dma source(%dma_start3A_19 : memref<10240x64xf32, #tpu.memory_space<hbm>>) target(%arg8 : memref<128x64xf32, #tpu.memory_space<vmem>>) offsets(%dma_start3A_16 : memref<128xi32, #tpu.memory_space<vmem>>) semaphore(%arg13 : memref<!tpu.dma_semaphore, #tpu.memory_space<semaphore_mem>>)
    %dma_start3A_20 = arith.constant 1 : i32
    %dma_start3A_21 = arith.constant 0 : i32
    %dma_start3A_22 = tpu.memref_slice %arg6[%dma_start3A_20, %dma_start3A_21] : memref<80x128xi32, #tpu.memory_space<vmem>> -> memref<1x128xi32, #tpu.memory_space<vmem>>
    %dma_start3A_23 = tpu.memref_squeeze %dma_start3A_22 : memref<1x128xi32, #tpu.memory_space<vmem>> -> memref<128xi32, #tpu.memory_space<vmem>>
    %dma_start3A_24 = arith.constant 0 : i32
    %dma_start3A_25 = arith.constant 0 : i32
    %dma_start3A_26 = tpu.memref_slice %arg2[%dma_start3A_24, %dma_start3A_25] : memref<10240x64xf32, #tpu.memory_space<hbm>> -> memref<10240x64xf32, #tpu.memory_space<hbm>>
    tpu.enqueue_indirect_dma source(%dma_start3A_26 : memref<10240x64xf32, #tpu.memory_space<hbm>>) target(%arg9 : memref<128x64xf32, #tpu.memory_space<vmem>>) offsets(%dma_start3A_23 : memref<128xi32, #tpu.memory_space<vmem>>) semaphore(%arg14 : memref<!tpu.dma_semaphore, #tpu.memory_space<semaphore_mem>>)
    %dma_start3A_27 = arith.constant 2 : i32
    %dma_start3A_28 = arith.constant 0 : i32
    %dma_start3A_29 = tpu.memref_slice %arg6[%dma_start3A_27, %dma_start3A_28] : memref<80x128xi32, #tpu.memory_space<vmem>> -> memref<1x128xi32, #tpu.memory_space<vmem>>
    %dma_start3A_30 = tpu.memref_squeeze %dma_start3A_29 : memref<1x128xi32, #tpu.memory_space<vmem>> -> memref<128xi32, #tpu.memory_space<vmem>>
    %dma_start3A_31 = arith.constant 0 : i32
    %dma_start3A_32 = arith.constant 0 : i32
    %dma_start3A_33 = tpu.memref_slice %arg2[%dma_start3A_31, %dma_start3A_32] : memref<10240x64xf32, #tpu.memory_space<hbm>> -> memref<10240x64xf32, #tpu.memory_space<hbm>>
    tpu.enqueue_indirect_dma source(%dma_start3A_33 : memref<10240x64xf32, #tpu.memory_space<hbm>>) target(%arg10 : memref<128x64xf32, #tpu.memory_space<vmem>>) offsets(%dma_start3A_30 : memref<128xi32, #tpu.memory_space<vmem>>) semaphore(%arg15 : memref<!tpu.dma_semaphore, #tpu.memory_space<semaphore_mem>>)
    %dma_start3A_34 = arith.constant 3 : i32
    %dma_start3A_35 = arith.constant 0 : i32
    %dma_start3A_36 = tpu.memref_slice %arg6[%dma_start3A_34, %dma_start3A_35] : memref<80x128xi32, #tpu.memory_space<vmem>> -> memref<1x128xi32, #tpu.memory_space<vmem>>
    %dma_start3A_37 = tpu.memref_squeeze %dma_start3A_36 : memref<1x128xi32, #tpu.memory_space<vmem>> -> memref<128xi32, #tpu.memory_space<vmem>>
    %dma_start3A_38 = arith.constant 0 : i32
    %dma_start3A_39 = arith.constant 0 : i32
    %dma_start3A_40 = tpu.memref_slice %arg2[%dma_start3A_38, %dma_start3A_39] : memref<10240x64xf32, #tpu.memory_space<hbm>> -> memref<10240x64xf32, #tpu.memory_space<hbm>>
    tpu.enqueue_indirect_dma source(%dma_start3A_40 : memref<10240x64xf32, #tpu.memory_space<hbm>>) target(%arg11 : memref<128x64xf32, #tpu.memory_space<vmem>>) offsets(%dma_start3A_37 : memref<128xi32, #tpu.memory_space<vmem>>) semaphore(%arg16 : memref<!tpu.dma_semaphore, #tpu.memory_space<semaphore_mem>>)
    %sub3A = arith.constant 4 : i32
    %sub3A_41 = arith.subi %select_n3A, %sub3A : i32
    %sub3A_42 = arith.constant 0 : i32
    %sub3A_43 = arith.subi %sub3A_41, %sub3A_42 : i32
    %sub3A_44 = arith.constant 4 : i32
    %sub3A_45 = arith.constant 1 : i32
    %sub3A_46 = arith.subi %sub3A_44, %sub3A_45 : i32
    %add3A_47 = arith.addi %sub3A_43, %sub3A_46 : i32
    %div3A = arith.constant 4 : i32
    %div3A_48 = arith.divsi %add3A_47, %div3A : i32
    %while3A = arith.constant 4 : i32
    %while3A_49 = arith.constant 0 : i32
    %while3A_50 = arith.constant 0 : i32
    %while3A_51 = arith.subi %div3A_48, %while3A_50 : i32
    %while3A_52 = arith.addi %while3A_50, %while3A_51 : i32
    %while3A_53 = arith.constant 1 : i32
    %while3A_54 = arith.divsi %while3A_51, %while3A_53 : i32
    %while3A_55 = arith.muli %while3A_54, %while3A_53 : i32
    %while3A_56 = arith.addi %while3A_50, %while3A_55 : i32
    %while3A_57 = arith.constant 1 : i32
    scf.for %while3A_151 = %while3A_50 to %while3A_56 step %while3A_57  : i32 {
      %mul3A_152 = arith.muli %while3A_151, %while3A : i32
      %add3A_153 = arith.addi %while3A_49, %mul3A_152 : i32
      %dma_wait3A_154 = arith.constant 0 : i32
      %dma_wait3A_155 = arith.constant 0 : i32
      %dma_wait3A_156 = tpu.memref_slice %arg2[%dma_wait3A_154, %dma_wait3A_155] : memref<10240x64xf32, #tpu.memory_space<hbm>> -> memref<128x64xf32, #tpu.memory_space<hbm>>
      %dma_wait3A_157 = arith.constant 0 : i32
      %dma_wait3A_158 = arith.constant 0 : i32
      %dma_wait3A_159 = tpu.memref_slice %arg2[%dma_wait3A_157, %dma_wait3A_158] : memref<10240x64xf32, #tpu.memory_space<hbm>> -> memref<128x64xf32, #tpu.memory_space<hbm>>
      tpu.wait_dma2 semaphore(%arg13 : memref<!tpu.dma_semaphore, #tpu.memory_space<semaphore_mem>>) src(%dma_wait3A_159 : memref<128x64xf32, #tpu.memory_space<hbm>>) dst(%arg8 : memref<128x64xf32, #tpu.memory_space<vmem>>)
      %add3A_160 = arith.constant 0 : i32
      %add3A_161 = arith.addi %add3A_153, %add3A_160 : i32
      %dma_start3A_162 = arith.constant 0 : i32
      %dma_start3A_163 = tpu.memref_slice %arg7[%add3A_161, %dma_start3A_162] : memref<80x128xi32, #tpu.memory_space<vmem>> -> memref<1x128xi32, #tpu.memory_space<vmem>>
      %dma_start3A_164 = tpu.memref_squeeze %dma_start3A_163 : memref<1x128xi32, #tpu.memory_space<vmem>> -> memref<128xi32, #tpu.memory_space<vmem>>
      %dma_start3A_165 = arith.constant 0 : i32
      %dma_start3A_166 = arith.constant 0 : i32
      %dma_start3A_167 = tpu.memref_slice %arg12[%dma_start3A_165, %dma_start3A_166] : memref<10240x64xf32, #tpu.memory_space<vmem_shared>> -> memref<10240x64xf32, #tpu.memory_space<vmem_shared>>
      tpu.enqueue_indirect_dma source(%arg8 : memref<128x64xf32, #tpu.memory_space<vmem>>) target(%dma_start3A_167 : memref<10240x64xf32, #tpu.memory_space<vmem_shared>>) offsets(%dma_start3A_164 : memref<128xi32, #tpu.memory_space<vmem>>) semaphore(%arg17 : memref<!tpu.dma_semaphore, #tpu.memory_space<semaphore_mem>>) {add = true}
      %dma_wait3A_168 = arith.constant 0 : i32
      %dma_wait3A_169 = arith.constant 0 : i32
      %dma_wait3A_170 = tpu.memref_slice %arg2[%dma_wait3A_168, %dma_wait3A_169] : memref<10240x64xf32, #tpu.memory_space<hbm>> -> memref<128x64xf32, #tpu.memory_space<hbm>>
      %dma_wait3A_171 = arith.constant 0 : i32
      %dma_wait3A_172 = arith.constant 0 : i32
      %dma_wait3A_173 = tpu.memref_slice %arg2[%dma_wait3A_171, %dma_wait3A_172] : memref<10240x64xf32, #tpu.memory_space<hbm>> -> memref<128x64xf32, #tpu.memory_space<hbm>>
      tpu.wait_dma2 semaphore(%arg14 : memref<!tpu.dma_semaphore, #tpu.memory_space<semaphore_mem>>) src(%dma_wait3A_173 : memref<128x64xf32, #tpu.memory_space<hbm>>) dst(%arg9 : memref<128x64xf32, #tpu.memory_space<vmem>>)
      %add3A_174 = arith.constant 1 : i32
      %add3A_175 = arith.addi %add3A_153, %add3A_174 : i32
      %dma_start3A_176 = arith.constant 0 : i32
      %dma_start3A_177 = tpu.memref_slice %arg7[%add3A_175, %dma_start3A_176] : memref<80x128xi32, #tpu.memory_space<vmem>> -> memref<1x128xi32, #tpu.memory_space<vmem>>
      %dma_start3A_178 = tpu.memref_squeeze %dma_start3A_177 : memref<1x128xi32, #tpu.memory_space<vmem>> -> memref<128xi32, #tpu.memory_space<vmem>>
      %dma_start3A_179 = arith.constant 0 : i32
      %dma_start3A_180 = arith.constant 0 : i32
      %dma_start3A_181 = tpu.memref_slice %arg12[%dma_start3A_179, %dma_start3A_180] : memref<10240x64xf32, #tpu.memory_space<vmem_shared>> -> memref<10240x64xf32, #tpu.memory_space<vmem_shared>>
      tpu.enqueue_indirect_dma source(%arg9 : memref<128x64xf32, #tpu.memory_space<vmem>>) target(%dma_start3A_181 : memref<10240x64xf32, #tpu.memory_space<vmem_shared>>) offsets(%dma_start3A_178 : memref<128xi32, #tpu.memory_space<vmem>>) semaphore(%arg18 : memref<!tpu.dma_semaphore, #tpu.memory_space<semaphore_mem>>) {add = true}
      %dma_wait3A_182 = arith.constant 0 : i32
      %dma_wait3A_183 = arith.constant 0 : i32
      %dma_wait3A_184 = tpu.memref_slice %arg2[%dma_wait3A_182, %dma_wait3A_183] : memref<10240x64xf32, #tpu.memory_space<hbm>> -> memref<128x64xf32, #tpu.memory_space<hbm>>
      %dma_wait3A_185 = arith.constant 0 : i32
      %dma_wait3A_186 = arith.constant 0 : i32
      %dma_wait3A_187 = tpu.memref_slice %arg2[%dma_wait3A_185, %dma_wait3A_186] : memref<10240x64xf32, #tpu.memory_space<hbm>> -> memref<128x64xf32, #tpu.memory_space<hbm>>
      tpu.wait_dma2 semaphore(%arg15 : memref<!tpu.dma_semaphore, #tpu.memory_space<semaphore_mem>>) src(%dma_wait3A_187 : memref<128x64xf32, #tpu.memory_space<hbm>>) dst(%arg10 : memref<128x64xf32, #tpu.memory_space<vmem>>)
      %add3A_188 = arith.constant 2 : i32
      %add3A_189 = arith.addi %add3A_153, %add3A_188 : i32
      %dma_start3A_190 = arith.constant 0 : i32
      %dma_start3A_191 = tpu.memref_slice %arg7[%add3A_189, %dma_start3A_190] : memref<80x128xi32, #tpu.memory_space<vmem>> -> memref<1x128xi32, #tpu.memory_space<vmem>>
      %dma_start3A_192 = tpu.memref_squeeze %dma_start3A_191 : memref<1x128xi32, #tpu.memory_space<vmem>> -> memref<128xi32, #tpu.memory_space<vmem>>
      %dma_start3A_193 = arith.constant 0 : i32
      %dma_start3A_194 = arith.constant 0 : i32
      %dma_start3A_195 = tpu.memref_slice %arg12[%dma_start3A_193, %dma_start3A_194] : memref<10240x64xf32, #tpu.memory_space<vmem_shared>> -> memref<10240x64xf32, #tpu.memory_space<vmem_shared>>
      tpu.enqueue_indirect_dma source(%arg10 : memref<128x64xf32, #tpu.memory_space<vmem>>) target(%dma_start3A_195 : memref<10240x64xf32, #tpu.memory_space<vmem_shared>>) offsets(%dma_start3A_192 : memref<128xi32, #tpu.memory_space<vmem>>) semaphore(%arg19 : memref<!tpu.dma_semaphore, #tpu.memory_space<semaphore_mem>>) {add = true}
      %dma_wait3A_196 = arith.constant 0 : i32
      %dma_wait3A_197 = arith.constant 0 : i32
      %dma_wait3A_198 = tpu.memref_slice %arg2[%dma_wait3A_196, %dma_wait3A_197] : memref<10240x64xf32, #tpu.memory_space<hbm>> -> memref<128x64xf32, #tpu.memory_space<hbm>>
      %dma_wait3A_199 = arith.constant 0 : i32
      %dma_wait3A_200 = arith.constant 0 : i32
      %dma_wait3A_201 = tpu.memref_slice %arg2[%dma_wait3A_199, %dma_wait3A_200] : memref<10240x64xf32, #tpu.memory_space<hbm>> -> memref<128x64xf32, #tpu.memory_space<hbm>>
      tpu.wait_dma2 semaphore(%arg16 : memref<!tpu.dma_semaphore, #tpu.memory_space<semaphore_mem>>) src(%dma_wait3A_201 : memref<128x64xf32, #tpu.memory_space<hbm>>) dst(%arg11 : memref<128x64xf32, #tpu.memory_space<vmem>>)
      %add3A_202 = arith.constant 3 : i32
      %add3A_203 = arith.addi %add3A_153, %add3A_202 : i32
      %dma_start3A_204 = arith.constant 0 : i32
      %dma_start3A_205 = tpu.memref_slice %arg7[%add3A_203, %dma_start3A_204] : memref<80x128xi32, #tpu.memory_space<vmem>> -> memref<1x128xi32, #tpu.memory_space<vmem>>
      %dma_start3A_206 = tpu.memref_squeeze %dma_start3A_205 : memref<1x128xi32, #tpu.memory_space<vmem>> -> memref<128xi32, #tpu.memory_space<vmem>>
      %dma_start3A_207 = arith.constant 0 : i32
      %dma_start3A_208 = arith.constant 0 : i32
      %dma_start3A_209 = tpu.memref_slice %arg12[%dma_start3A_207, %dma_start3A_208] : memref<10240x64xf32, #tpu.memory_space<vmem_shared>> -> memref<10240x64xf32, #tpu.memory_space<vmem_shared>>
      tpu.enqueue_indirect_dma source(%arg11 : memref<128x64xf32, #tpu.memory_space<vmem>>) target(%dma_start3A_209 : memref<10240x64xf32, #tpu.memory_space<vmem_shared>>) offsets(%dma_start3A_206 : memref<128xi32, #tpu.memory_space<vmem>>) semaphore(%arg20 : memref<!tpu.dma_semaphore, #tpu.memory_space<semaphore_mem>>) {add = true}
      %dma_wait3A_210 = arith.constant 0 : i32
      %dma_wait3A_211 = arith.constant 0 : i32
      %dma_wait3A_212 = tpu.memref_slice %arg12[%dma_wait3A_210, %dma_wait3A_211] : memref<10240x64xf32, #tpu.memory_space<vmem_shared>> -> memref<128x64xf32, #tpu.memory_space<vmem_shared>>
      %dma_wait3A_213 = arith.constant 0 : i32
      %dma_wait3A_214 = arith.constant 0 : i32
      %dma_wait3A_215 = tpu.memref_slice %arg12[%dma_wait3A_213, %dma_wait3A_214] : memref<10240x64xf32, #tpu.memory_space<vmem_shared>> -> memref<128x64xf32, #tpu.memory_space<vmem_shared>>
      tpu.wait_dma2 semaphore(%arg17 : memref<!tpu.dma_semaphore, #tpu.memory_space<semaphore_mem>>) src(%arg8 : memref<128x64xf32, #tpu.memory_space<vmem>>) dst(%dma_wait3A_215 : memref<128x64xf32, #tpu.memory_space<vmem_shared>>)
      %add3A_216 = arith.constant 4 : i32
      %add3A_217 = arith.addi %add3A_153, %add3A_216 : i32
      %add3A_218 = arith.constant 0 : i32
      %add3A_219 = arith.addi %add3A_217, %add3A_218 : i32
      %dma_start3A_220 = arith.constant 0 : i32
      %dma_start3A_221 = tpu.memref_slice %arg6[%add3A_219, %dma_start3A_220] : memref<80x128xi32, #tpu.memory_space<vmem>> -> memref<1x128xi32, #tpu.memory_space<vmem>>
      %dma_start3A_222 = tpu.memref_squeeze %dma_start3A_221 : memref<1x128xi32, #tpu.memory_space<vmem>> -> memref<128xi32, #tpu.memory_space<vmem>>
      %dma_start3A_223 = arith.constant 0 : i32
      %dma_start3A_224 = arith.constant 0 : i32
      %dma_start3A_225 = tpu.memref_slice %arg2[%dma_start3A_223, %dma_start3A_224] : memref<10240x64xf32, #tpu.memory_space<hbm>> -> memref<10240x64xf32, #tpu.memory_space<hbm>>
      tpu.enqueue_indirect_dma source(%dma_start3A_225 : memref<10240x64xf32, #tpu.memory_space<hbm>>) target(%arg8 : memref<128x64xf32, #tpu.memory_space<vmem>>) offsets(%dma_start3A_222 : memref<128xi32, #tpu.memory_space<vmem>>) semaphore(%arg13 : memref<!tpu.dma_semaphore, #tpu.memory_space<semaphore_mem>>)
      %dma_wait3A_226 = arith.constant 0 : i32
      %dma_wait3A_227 = arith.constant 0 : i32
      %dma_wait3A_228 = tpu.memref_slice %arg12[%dma_wait3A_226, %dma_wait3A_227] : memref<10240x64xf32, #tpu.memory_space<vmem_shared>> -> memref<128x64xf32, #tpu.memory_space<vmem_shared>>
      %dma_wait3A_229 = arith.constant 0 : i32
      %dma_wait3A_230 = arith.constant 0 : i32
      %dma_wait3A_231 = tpu.memref_slice %arg12[%dma_wait3A_229, %dma_wait3A_230] : memref<10240x64xf32, #tpu.memory_space<vmem_shared>> -> memref<128x64xf32, #tpu.memory_space<vmem_shared>>
      tpu.wait_dma2 semaphore(%arg18 : memref<!tpu.dma_semaphore, #tpu.memory_space<semaphore_mem>>) src(%arg9 : memref<128x64xf32, #tpu.memory_space<vmem>>) dst(%dma_wait3A_231 : memref<128x64xf32, #tpu.memory_space<vmem_shared>>)
      %add3A_232 = arith.constant 4 : i32
      %add3A_233 = arith.addi %add3A_153, %add3A_232 : i32
      %add3A_234 = arith.constant 1 : i32
      %add3A_235 = arith.addi %add3A_233, %add3A_234 : i32
      %dma_start3A_236 = arith.constant 0 : i32
      %dma_start3A_237 = tpu.memref_slice %arg6[%add3A_235, %dma_start3A_236] : memref<80x128xi32, #tpu.memory_space<vmem>> -> memref<1x128xi32, #tpu.memory_space<vmem>>
      %dma_start3A_238 = tpu.memref_squeeze %dma_start3A_237 : memref<1x128xi32, #tpu.memory_space<vmem>> -> memref<128xi32, #tpu.memory_space<vmem>>
      %dma_start3A_239 = arith.constant 0 : i32
      %dma_start3A_240 = arith.constant 0 : i32
      %dma_start3A_241 = tpu.memref_slice %arg2[%dma_start3A_239, %dma_start3A_240] : memref<10240x64xf32, #tpu.memory_space<hbm>> -> memref<10240x64xf32, #tpu.memory_space<hbm>>
      tpu.enqueue_indirect_dma source(%dma_start3A_241 : memref<10240x64xf32, #tpu.memory_space<hbm>>) target(%arg9 : memref<128x64xf32, #tpu.memory_space<vmem>>) offsets(%dma_start3A_238 : memref<128xi32, #tpu.memory_space<vmem>>) semaphore(%arg14 : memref<!tpu.dma_semaphore, #tpu.memory_space<semaphore_mem>>)
      %dma_wait3A_242 = arith.constant 0 : i32
      %dma_wait3A_243 = arith.constant 0 : i32
      %dma_wait3A_244 = tpu.memref_slice %arg12[%dma_wait3A_242, %dma_wait3A_243] : memref<10240x64xf32, #tpu.memory_space<vmem_shared>> -> memref<128x64xf32, #tpu.memory_space<vmem_shared>>
      %dma_wait3A_245 = arith.constant 0 : i32
      %dma_wait3A_246 = arith.constant 0 : i32
      %dma_wait3A_247 = tpu.memref_slice %arg12[%dma_wait3A_245, %dma_wait3A_246] : memref<10240x64xf32, #tpu.memory_space<vmem_shared>> -> memref<128x64xf32, #tpu.memory_space<vmem_shared>>
      tpu.wait_dma2 semaphore(%arg19 : memref<!tpu.dma_semaphore, #tpu.memory_space<semaphore_mem>>) src(%arg10 : memref<128x64xf32, #tpu.memory_space<vmem>>) dst(%dma_wait3A_247 : memref<128x64xf32, #tpu.memory_space<vmem_shared>>)
      %add3A_248 = arith.constant 4 : i32
      %add3A_249 = arith.addi %add3A_153, %add3A_248 : i32
      %add3A_250 = arith.constant 2 : i32
      %add3A_251 = arith.addi %add3A_249, %add3A_250 : i32
      %dma_start3A_252 = arith.constant 0 : i32
      %dma_start3A_253 = tpu.memref_slice %arg6[%add3A_251, %dma_start3A_252] : memref<80x128xi32, #tpu.memory_space<vmem>> -> memref<1x128xi32, #tpu.memory_space<vmem>>
      %dma_start3A_254 = tpu.memref_squeeze %dma_start3A_253 : memref<1x128xi32, #tpu.memory_space<vmem>> -> memref<128xi32, #tpu.memory_space<vmem>>
      %dma_start3A_255 = arith.constant 0 : i32
      %dma_start3A_256 = arith.constant 0 : i32
      %dma_start3A_257 = tpu.memref_slice %arg2[%dma_start3A_255, %dma_start3A_256] : memref<10240x64xf32, #tpu.memory_space<hbm>> -> memref<10240x64xf32, #tpu.memory_space<hbm>>
      tpu.enqueue_indirect_dma source(%dma_start3A_257 : memref<10240x64xf32, #tpu.memory_space<hbm>>) target(%arg10 : memref<128x64xf32, #tpu.memory_space<vmem>>) offsets(%dma_start3A_254 : memref<128xi32, #tpu.memory_space<vmem>>) semaphore(%arg15 : memref<!tpu.dma_semaphore, #tpu.memory_space<semaphore_mem>>)
      %dma_wait3A_258 = arith.constant 0 : i32
      %dma_wait3A_259 = arith.constant 0 : i32
      %dma_wait3A_260 = tpu.memref_slice %arg12[%dma_wait3A_258, %dma_wait3A_259] : memref<10240x64xf32, #tpu.memory_space<vmem_shared>> -> memref<128x64xf32, #tpu.memory_space<vmem_shared>>
      %dma_wait3A_261 = arith.constant 0 : i32
      %dma_wait3A_262 = arith.constant 0 : i32
      %dma_wait3A_263 = tpu.memref_slice %arg12[%dma_wait3A_261, %dma_wait3A_262] : memref<10240x64xf32, #tpu.memory_space<vmem_shared>> -> memref<128x64xf32, #tpu.memory_space<vmem_shared>>
      tpu.wait_dma2 semaphore(%arg20 : memref<!tpu.dma_semaphore, #tpu.memory_space<semaphore_mem>>) src(%arg11 : memref<128x64xf32, #tpu.memory_space<vmem>>) dst(%dma_wait3A_263 : memref<128x64xf32, #tpu.memory_space<vmem_shared>>)
      %add3A_264 = arith.constant 4 : i32
      %add3A_265 = arith.addi %add3A_153, %add3A_264 : i32
      %add3A_266 = arith.constant 3 : i32
      %add3A_267 = arith.addi %add3A_265, %add3A_266 : i32
      %dma_start3A_268 = arith.constant 0 : i32
      %dma_start3A_269 = tpu.memref_slice %arg6[%add3A_267, %dma_start3A_268] : memref<80x128xi32, #tpu.memory_space<vmem>> -> memref<1x128xi32, #tpu.memory_space<vmem>>
      %dma_start3A_270 = tpu.memref_squeeze %dma_start3A_269 : memref<1x128xi32, #tpu.memory_space<vmem>> -> memref<128xi32, #tpu.memory_space<vmem>>
      %dma_start3A_271 = arith.constant 0 : i32
      %dma_start3A_272 = arith.constant 0 : i32
      %dma_start3A_273 = tpu.memref_slice %arg2[%dma_start3A_271, %dma_start3A_272] : memref<10240x64xf32, #tpu.memory_space<hbm>> -> memref<10240x64xf32, #tpu.memory_space<hbm>>
      tpu.enqueue_indirect_dma source(%dma_start3A_273 : memref<10240x64xf32, #tpu.memory_space<hbm>>) target(%arg11 : memref<128x64xf32, #tpu.memory_space<vmem>>) offsets(%dma_start3A_270 : memref<128xi32, #tpu.memory_space<vmem>>) semaphore(%arg16 : memref<!tpu.dma_semaphore, #tpu.memory_space<semaphore_mem>>)
    }
    %while3A_58 = arith.constant 1 : i32
    scf.for %while3A_151 = %while3A_56 to %while3A_52 step %while3A_58  : i32 {
      %mul3A_152 = arith.muli %while3A_151, %while3A : i32
      %add3A_153 = arith.addi %while3A_49, %mul3A_152 : i32
      %dma_wait3A_154 = arith.constant 0 : i32
      %dma_wait3A_155 = arith.constant 0 : i32
      %dma_wait3A_156 = tpu.memref_slice %arg2[%dma_wait3A_154, %dma_wait3A_155] : memref<10240x64xf32, #tpu.memory_space<hbm>> -> memref<128x64xf32, #tpu.memory_space<hbm>>
      %dma_wait3A_157 = arith.constant 0 : i32
      %dma_wait3A_158 = arith.constant 0 : i32
      %dma_wait3A_159 = tpu.memref_slice %arg2[%dma_wait3A_157, %dma_wait3A_158] : memref<10240x64xf32, #tpu.memory_space<hbm>> -> memref<128x64xf32, #tpu.memory_space<hbm>>
      tpu.wait_dma2 semaphore(%arg13 : memref<!tpu.dma_semaphore, #tpu.memory_space<semaphore_mem>>) src(%dma_wait3A_159 : memref<128x64xf32, #tpu.memory_space<hbm>>) dst(%arg8 : memref<128x64xf32, #tpu.memory_space<vmem>>)
      %add3A_160 = arith.constant 0 : i32
      %add3A_161 = arith.addi %add3A_153, %add3A_160 : i32
      %dma_start3A_162 = arith.constant 0 : i32
      %dma_start3A_163 = tpu.memref_slice %arg7[%add3A_161, %dma_start3A_162] : memref<80x128xi32, #tpu.memory_space<vmem>> -> memref<1x128xi32, #tpu.memory_space<vmem>>
      %dma_start3A_164 = tpu.memref_squeeze %dma_start3A_163 : memref<1x128xi32, #tpu.memory_space<vmem>> -> memref<128xi32, #tpu.memory_space<vmem>>
      %dma_start3A_165 = arith.constant 0 : i32
      %dma_start3A_166 = arith.constant 0 : i32
      %dma_start3A_167 = tpu.memref_slice %arg12[%dma_start3A_165, %dma_start3A_166] : memref<10240x64xf32, #tpu.memory_space<vmem_shared>> -> memref<10240x64xf32, #tpu.memory_space<vmem_shared>>
      tpu.enqueue_indirect_dma source(%arg8 : memref<128x64xf32, #tpu.memory_space<vmem>>) target(%dma_start3A_167 : memref<10240x64xf32, #tpu.memory_space<vmem_shared>>) offsets(%dma_start3A_164 : memref<128xi32, #tpu.memory_space<vmem>>) semaphore(%arg17 : memref<!tpu.dma_semaphore, #tpu.memory_space<semaphore_mem>>) {add = true}
      %dma_wait3A_168 = arith.constant 0 : i32
      %dma_wait3A_169 = arith.constant 0 : i32
      %dma_wait3A_170 = tpu.memref_slice %arg2[%dma_wait3A_168, %dma_wait3A_169] : memref<10240x64xf32, #tpu.memory_space<hbm>> -> memref<128x64xf32, #tpu.memory_space<hbm>>
      %dma_wait3A_171 = arith.constant 0 : i32
      %dma_wait3A_172 = arith.constant 0 : i32
      %dma_wait3A_173 = tpu.memref_slice %arg2[%dma_wait3A_171, %dma_wait3A_172] : memref<10240x64xf32, #tpu.memory_space<hbm>> -> memref<128x64xf32, #tpu.memory_space<hbm>>
      tpu.wait_dma2 semaphore(%arg14 : memref<!tpu.dma_semaphore, #tpu.memory_space<semaphore_mem>>) src(%dma_wait3A_173 : memref<128x64xf32, #tpu.memory_space<hbm>>) dst(%arg9 : memref<128x64xf32, #tpu.memory_space<vmem>>)
      %add3A_174 = arith.constant 1 : i32
      %add3A_175 = arith.addi %add3A_153, %add3A_174 : i32
      %dma_start3A_176 = arith.constant 0 : i32
      %dma_start3A_177 = tpu.memref_slice %arg7[%add3A_175, %dma_start3A_176] : memref<80x128xi32, #tpu.memory_space<vmem>> -> memref<1x128xi32, #tpu.memory_space<vmem>>
      %dma_start3A_178 = tpu.memref_squeeze %dma_start3A_177 : memref<1x128xi32, #tpu.memory_space<vmem>> -> memref<128xi32, #tpu.memory_space<vmem>>
      %dma_start3A_179 = arith.constant 0 : i32
      %dma_start3A_180 = arith.constant 0 : i32
      %dma_start3A_181 = tpu.memref_slice %arg12[%dma_start3A_179, %dma_start3A_180] : memref<10240x64xf32, #tpu.memory_space<vmem_shared>> -> memref<10240x64xf32, #tpu.memory_space<vmem_shared>>
      tpu.enqueue_indirect_dma source(%arg9 : memref<128x64xf32, #tpu.memory_space<vmem>>) target(%dma_start3A_181 : memref<10240x64xf32, #tpu.memory_space<vmem_shared>>) offsets(%dma_start3A_178 : memref<128xi32, #tpu.memory_space<vmem>>) semaphore(%arg18 : memref<!tpu.dma_semaphore, #tpu.memory_space<semaphore_mem>>) {add = true}
      %dma_wait3A_182 = arith.constant 0 : i32
      %dma_wait3A_183 = arith.constant 0 : i32
      %dma_wait3A_184 = tpu.memref_slice %arg2[%dma_wait3A_182, %dma_wait3A_183] : memref<10240x64xf32, #tpu.memory_space<hbm>> -> memref<128x64xf32, #tpu.memory_space<hbm>>
      %dma_wait3A_185 = arith.constant 0 : i32
      %dma_wait3A_186 = arith.constant 0 : i32
      %dma_wait3A_187 = tpu.memref_slice %arg2[%dma_wait3A_185, %dma_wait3A_186] : memref<10240x64xf32, #tpu.memory_space<hbm>> -> memref<128x64xf32, #tpu.memory_space<hbm>>
      tpu.wait_dma2 semaphore(%arg15 : memref<!tpu.dma_semaphore, #tpu.memory_space<semaphore_mem>>) src(%dma_wait3A_187 : memref<128x64xf32, #tpu.memory_space<hbm>>) dst(%arg10 : memref<128x64xf32, #tpu.memory_space<vmem>>)
      %add3A_188 = arith.constant 2 : i32
      %add3A_189 = arith.addi %add3A_153, %add3A_188 : i32
      %dma_start3A_190 = arith.constant 0 : i32
      %dma_start3A_191 = tpu.memref_slice %arg7[%add3A_189, %dma_start3A_190] : memref<80x128xi32, #tpu.memory_space<vmem>> -> memref<1x128xi32, #tpu.memory_space<vmem>>
      %dma_start3A_192 = tpu.memref_squeeze %dma_start3A_191 : memref<1x128xi32, #tpu.memory_space<vmem>> -> memref<128xi32, #tpu.memory_space<vmem>>
      %dma_start3A_193 = arith.constant 0 : i32
      %dma_start3A_194 = arith.constant 0 : i32
      %dma_start3A_195 = tpu.memref_slice %arg12[%dma_start3A_193, %dma_start3A_194] : memref<10240x64xf32, #tpu.memory_space<vmem_shared>> -> memref<10240x64xf32, #tpu.memory_space<vmem_shared>>
      tpu.enqueue_indirect_dma source(%arg10 : memref<128x64xf32, #tpu.memory_space<vmem>>) target(%dma_start3A_195 : memref<10240x64xf32, #tpu.memory_space<vmem_shared>>) offsets(%dma_start3A_192 : memref<128xi32, #tpu.memory_space<vmem>>) semaphore(%arg19 : memref<!tpu.dma_semaphore, #tpu.memory_space<semaphore_mem>>) {add = true}
      %dma_wait3A_196 = arith.constant 0 : i32
      %dma_wait3A_197 = arith.constant 0 : i32
      %dma_wait3A_198 = tpu.memref_slice %arg2[%dma_wait3A_196, %dma_wait3A_197] : memref<10240x64xf32, #tpu.memory_space<hbm>> -> memref<128x64xf32, #tpu.memory_space<hbm>>
      %dma_wait3A_199 = arith.constant 0 : i32
      %dma_wait3A_200 = arith.constant 0 : i32
      %dma_wait3A_201 = tpu.memref_slice %arg2[%dma_wait3A_199, %dma_wait3A_200] : memref<10240x64xf32, #tpu.memory_space<hbm>> -> memref<128x64xf32, #tpu.memory_space<hbm>>
      tpu.wait_dma2 semaphore(%arg16 : memref<!tpu.dma_semaphore, #tpu.memory_space<semaphore_mem>>) src(%dma_wait3A_201 : memref<128x64xf32, #tpu.memory_space<hbm>>) dst(%arg11 : memref<128x64xf32, #tpu.memory_space<vmem>>)
      %add3A_202 = arith.constant 3 : i32
      %add3A_203 = arith.addi %add3A_153, %add3A_202 : i32
      %dma_start3A_204 = arith.constant 0 : i32
      %dma_start3A_205 = tpu.memref_slice %arg7[%add3A_203, %dma_start3A_204] : memref<80x128xi32, #tpu.memory_space<vmem>> -> memref<1x128xi32, #tpu.memory_space<vmem>>
      %dma_start3A_206 = tpu.memref_squeeze %dma_start3A_205 : memref<1x128xi32, #tpu.memory_space<vmem>> -> memref<128xi32, #tpu.memory_space<vmem>>
      %dma_start3A_207 = arith.constant 0 : i32
      %dma_start3A_208 = arith.constant 0 : i32
      %dma_start3A_209 = tpu.memref_slice %arg12[%dma_start3A_207, %dma_start3A_208] : memref<10240x64xf32, #tpu.memory_space<vmem_shared>> -> memref<10240x64xf32, #tpu.memory_space<vmem_shared>>
      tpu.enqueue_indirect_dma source(%arg11 : memref<128x64xf32, #tpu.memory_space<vmem>>) target(%dma_start3A_209 : memref<10240x64xf32, #tpu.memory_space<vmem_shared>>) offsets(%dma_start3A_206 : memref<128xi32, #tpu.memory_space<vmem>>) semaphore(%arg20 : memref<!tpu.dma_semaphore, #tpu.memory_space<semaphore_mem>>) {add = true}
      %dma_wait3A_210 = arith.constant 0 : i32
      %dma_wait3A_211 = arith.constant 0 : i32
      %dma_wait3A_212 = tpu.memref_slice %arg12[%dma_wait3A_210, %dma_wait3A_211] : memref<10240x64xf32, #tpu.memory_space<vmem_shared>> -> memref<128x64xf32, #tpu.memory_space<vmem_shared>>
      %dma_wait3A_213 = arith.constant 0 : i32
      %dma_wait3A_214 = arith.constant 0 : i32
      %dma_wait3A_215 = tpu.memref_slice %arg12[%dma_wait3A_213, %dma_wait3A_214] : memref<10240x64xf32, #tpu.memory_space<vmem_shared>> -> memref<128x64xf32, #tpu.memory_space<vmem_shared>>
      tpu.wait_dma2 semaphore(%arg17 : memref<!tpu.dma_semaphore, #tpu.memory_space<semaphore_mem>>) src(%arg8 : memref<128x64xf32, #tpu.memory_space<vmem>>) dst(%dma_wait3A_215 : memref<128x64xf32, #tpu.memory_space<vmem_shared>>)
      %add3A_216 = arith.constant 4 : i32
      %add3A_217 = arith.addi %add3A_153, %add3A_216 : i32
      %add3A_218 = arith.constant 0 : i32
      %add3A_219 = arith.addi %add3A_217, %add3A_218 : i32
      %dma_start3A_220 = arith.constant 0 : i32
      %dma_start3A_221 = tpu.memref_slice %arg6[%add3A_219, %dma_start3A_220] : memref<80x128xi32, #tpu.memory_space<vmem>> -> memref<1x128xi32, #tpu.memory_space<vmem>>
      %dma_start3A_222 = tpu.memref_squeeze %dma_start3A_221 : memref<1x128xi32, #tpu.memory_space<vmem>> -> memref<128xi32, #tpu.memory_space<vmem>>
      %dma_start3A_223 = arith.constant 0 : i32
      %dma_start3A_224 = arith.constant 0 : i32
      %dma_start3A_225 = tpu.memref_slice %arg2[%dma_start3A_223, %dma_start3A_224] : memref<10240x64xf32, #tpu.memory_space<hbm>> -> memref<10240x64xf32, #tpu.memory_space<hbm>>
      tpu.enqueue_indirect_dma source(%dma_start3A_225 : memref<10240x64xf32, #tpu.memory_space<hbm>>) target(%arg8 : memref<128x64xf32, #tpu.memory_space<vmem>>) offsets(%dma_start3A_222 : memref<128xi32, #tpu.memory_space<vmem>>) semaphore(%arg13 : memref<!tpu.dma_semaphore, #tpu.memory_space<semaphore_mem>>)
      %dma_wait3A_226 = arith.constant 0 : i32
      %dma_wait3A_227 = arith.constant 0 : i32
      %dma_wait3A_228 = tpu.memref_slice %arg12[%dma_wait3A_226, %dma_wait3A_227] : memref<10240x64xf32, #tpu.memory_space<vmem_shared>> -> memref<128x64xf32, #tpu.memory_space<vmem_shared>>
      %dma_wait3A_229 = arith.constant 0 : i32
      %dma_wait3A_230 = arith.constant 0 : i32
      %dma_wait3A_231 = tpu.memref_slice %arg12[%dma_wait3A_229, %dma_wait3A_230] : memref<10240x64xf32, #tpu.memory_space<vmem_shared>> -> memref<128x64xf32, #tpu.memory_space<vmem_shared>>
      tpu.wait_dma2 semaphore(%arg18 : memref<!tpu.dma_semaphore, #tpu.memory_space<semaphore_mem>>) src(%arg9 : memref<128x64xf32, #tpu.memory_space<vmem>>) dst(%dma_wait3A_231 : memref<128x64xf32, #tpu.memory_space<vmem_shared>>)
      %add3A_232 = arith.constant 4 : i32
      %add3A_233 = arith.addi %add3A_153, %add3A_232 : i32
      %add3A_234 = arith.constant 1 : i32
      %add3A_235 = arith.addi %add3A_233, %add3A_234 : i32
      %dma_start3A_236 = arith.constant 0 : i32
      %dma_start3A_237 = tpu.memref_slice %arg6[%add3A_235, %dma_start3A_236] : memref<80x128xi32, #tpu.memory_space<vmem>> -> memref<1x128xi32, #tpu.memory_space<vmem>>
      %dma_start3A_238 = tpu.memref_squeeze %dma_start3A_237 : memref<1x128xi32, #tpu.memory_space<vmem>> -> memref<128xi32, #tpu.memory_space<vmem>>
      %dma_start3A_239 = arith.constant 0 : i32
      %dma_start3A_240 = arith.constant 0 : i32
      %dma_start3A_241 = tpu.memref_slice %arg2[%dma_start3A_239, %dma_start3A_240] : memref<10240x64xf32, #tpu.memory_space<hbm>> -> memref<10240x64xf32, #tpu.memory_space<hbm>>
      tpu.enqueue_indirect_dma source(%dma_start3A_241 : memref<10240x64xf32, #tpu.memory_space<hbm>>) target(%arg9 : memref<128x64xf32, #tpu.memory_space<vmem>>) offsets(%dma_start3A_238 : memref<128xi32, #tpu.memory_space<vmem>>) semaphore(%arg14 : memref<!tpu.dma_semaphore, #tpu.memory_space<semaphore_mem>>)
      %dma_wait3A_242 = arith.constant 0 : i32
      %dma_wait3A_243 = arith.constant 0 : i32
      %dma_wait3A_244 = tpu.memref_slice %arg12[%dma_wait3A_242, %dma_wait3A_243] : memref<10240x64xf32, #tpu.memory_space<vmem_shared>> -> memref<128x64xf32, #tpu.memory_space<vmem_shared>>
      %dma_wait3A_245 = arith.constant 0 : i32
      %dma_wait3A_246 = arith.constant 0 : i32
      %dma_wait3A_247 = tpu.memref_slice %arg12[%dma_wait3A_245, %dma_wait3A_246] : memref<10240x64xf32, #tpu.memory_space<vmem_shared>> -> memref<128x64xf32, #tpu.memory_space<vmem_shared>>
      tpu.wait_dma2 semaphore(%arg19 : memref<!tpu.dma_semaphore, #tpu.memory_space<semaphore_mem>>) src(%arg10 : memref<128x64xf32, #tpu.memory_space<vmem>>) dst(%dma_wait3A_247 : memref<128x64xf32, #tpu.memory_space<vmem_shared>>)
      %add3A_248 = arith.constant 4 : i32
      %add3A_249 = arith.addi %add3A_153, %add3A_248 : i32
      %add3A_250 = arith.constant 2 : i32
      %add3A_251 = arith.addi %add3A_249, %add3A_250 : i32
      %dma_start3A_252 = arith.constant 0 : i32
      %dma_start3A_253 = tpu.memref_slice %arg6[%add3A_251, %dma_start3A_252] : memref<80x128xi32, #tpu.memory_space<vmem>> -> memref<1x128xi32, #tpu.memory_space<vmem>>
      %dma_start3A_254 = tpu.memref_squeeze %dma_start3A_253 : memref<1x128xi32, #tpu.memory_space<vmem>> -> memref<128xi32, #tpu.memory_space<vmem>>
      %dma_start3A_255 = arith.constant 0 : i32
      %dma_start3A_256 = arith.constant 0 : i32
      %dma_start3A_257 = tpu.memref_slice %arg2[%dma_start3A_255, %dma_start3A_256] : memref<10240x64xf32, #tpu.memory_space<hbm>> -> memref<10240x64xf32, #tpu.memory_space<hbm>>
      tpu.enqueue_indirect_dma source(%dma_start3A_257 : memref<10240x64xf32, #tpu.memory_space<hbm>>) target(%arg10 : memref<128x64xf32, #tpu.memory_space<vmem>>) offsets(%dma_start3A_254 : memref<128xi32, #tpu.memory_space<vmem>>) semaphore(%arg15 : memref<!tpu.dma_semaphore, #tpu.memory_space<semaphore_mem>>)
      %dma_wait3A_258 = arith.constant 0 : i32
      %dma_wait3A_259 = arith.constant 0 : i32
      %dma_wait3A_260 = tpu.memref_slice %arg12[%dma_wait3A_258, %dma_wait3A_259] : memref<10240x64xf32, #tpu.memory_space<vmem_shared>> -> memref<128x64xf32, #tpu.memory_space<vmem_shared>>
      %dma_wait3A_261 = arith.constant 0 : i32
      %dma_wait3A_262 = arith.constant 0 : i32
      %dma_wait3A_263 = tpu.memref_slice %arg12[%dma_wait3A_261, %dma_wait3A_262] : memref<10240x64xf32, #tpu.memory_space<vmem_shared>> -> memref<128x64xf32, #tpu.memory_space<vmem_shared>>
      tpu.wait_dma2 semaphore(%arg20 : memref<!tpu.dma_semaphore, #tpu.memory_space<semaphore_mem>>) src(%arg11 : memref<128x64xf32, #tpu.memory_space<vmem>>) dst(%dma_wait3A_263 : memref<128x64xf32, #tpu.memory_space<vmem_shared>>)
      %add3A_264 = arith.constant 4 : i32
      %add3A_265 = arith.addi %add3A_153, %add3A_264 : i32
      %add3A_266 = arith.constant 3 : i32
      %add3A_267 = arith.addi %add3A_265, %add3A_266 : i32
      %dma_start3A_268 = arith.constant 0 : i32
      %dma_start3A_269 = tpu.memref_slice %arg6[%add3A_267, %dma_start3A_268] : memref<80x128xi32, #tpu.memory_space<vmem>> -> memref<1x128xi32, #tpu.memory_space<vmem>>
      %dma_start3A_270 = tpu.memref_squeeze %dma_start3A_269 : memref<1x128xi32, #tpu.memory_space<vmem>> -> memref<128xi32, #tpu.memory_space<vmem>>
      %dma_start3A_271 = arith.constant 0 : i32
      %dma_start3A_272 = arith.constant 0 : i32
      %dma_start3A_273 = tpu.memref_slice %arg2[%dma_start3A_271, %dma_start3A_272] : memref<10240x64xf32, #tpu.memory_space<hbm>> -> memref<10240x64xf32, #tpu.memory_space<hbm>>
      tpu.enqueue_indirect_dma source(%dma_start3A_273 : memref<10240x64xf32, #tpu.memory_space<hbm>>) target(%arg11 : memref<128x64xf32, #tpu.memory_space<vmem>>) offsets(%dma_start3A_270 : memref<128xi32, #tpu.memory_space<vmem>>) semaphore(%arg16 : memref<!tpu.dma_semaphore, #tpu.memory_space<semaphore_mem>>)
    }
    %dma_wait3A = arith.constant 0 : i32
    %dma_wait3A_59 = arith.constant 0 : i32
    %dma_wait3A_60 = tpu.memref_slice %arg2[%dma_wait3A, %dma_wait3A_59] : memref<10240x64xf32, #tpu.memory_space<hbm>> -> memref<128x64xf32, #tpu.memory_space<hbm>>
    %dma_wait3A_61 = arith.constant 0 : i32
    %dma_wait3A_62 = arith.constant 0 : i32
    %dma_wait3A_63 = tpu.memref_slice %arg2[%dma_wait3A_61, %dma_wait3A_62] : memref<10240x64xf32, #tpu.memory_space<hbm>> -> memref<128x64xf32, #tpu.memory_space<hbm>>
    tpu.wait_dma2 semaphore(%arg13 : memref<!tpu.dma_semaphore, #tpu.memory_space<semaphore_mem>>) src(%dma_wait3A_63 : memref<128x64xf32, #tpu.memory_space<hbm>>) dst(%arg8 : memref<128x64xf32, #tpu.memory_space<vmem>>)
    %sub3A_64 = arith.constant 4 : i32
    %sub3A_65 = arith.subi %select_n3A, %sub3A_64 : i32
    %add3A_66 = arith.constant 0 : i32
    %add3A_67 = arith.addi %sub3A_65, %add3A_66 : i32
    %dma_start3A_68 = arith.constant 0 : i32
    %dma_start3A_69 = tpu.memref_slice %arg7[%add3A_67, %dma_start3A_68] : memref<80x128xi32, #tpu.memory_space<vmem>> -> memref<1x128xi32, #tpu.memory_space<vmem>>
    %dma_start3A_70 = tpu.memref_squeeze %dma_start3A_69 : memref<1x128xi32, #tpu.memory_space<vmem>> -> memref<128xi32, #tpu.memory_space<vmem>>
    %dma_start3A_71 = arith.constant 0 : i32
    %dma_start3A_72 = arith.constant 0 : i32
    %dma_start3A_73 = tpu.memref_slice %arg12[%dma_start3A_71, %dma_start3A_72] : memref<10240x64xf32, #tpu.memory_space<vmem_shared>> -> memref<10240x64xf32, #tpu.memory_space<vmem_shared>>
    tpu.enqueue_indirect_dma source(%arg8 : memref<128x64xf32, #tpu.memory_space<vmem>>) target(%dma_start3A_73 : memref<10240x64xf32, #tpu.memory_space<vmem_shared>>) offsets(%dma_start3A_70 : memref<128xi32, #tpu.memory_space<vmem>>) semaphore(%arg17 : memref<!tpu.dma_semaphore, #tpu.memory_space<semaphore_mem>>) {add = true}
    %dma_wait3A_74 = arith.constant 0 : i32
    %dma_wait3A_75 = arith.constant 0 : i32
    %dma_wait3A_76 = tpu.memref_slice %arg2[%dma_wait3A_74, %dma_wait3A_75] : memref<10240x64xf32, #tpu.memory_space<hbm>> -> memref<128x64xf32, #tpu.memory_space<hbm>>
    %dma_wait3A_77 = arith.constant 0 : i32
    %dma_wait3A_78 = arith.constant 0 : i32
    %dma_wait3A_79 = tpu.memref_slice %arg2[%dma_wait3A_77, %dma_wait3A_78] : memref<10240x64xf32, #tpu.memory_space<hbm>> -> memref<128x64xf32, #tpu.memory_space<hbm>>
    tpu.wait_dma2 semaphore(%arg14 : memref<!tpu.dma_semaphore, #tpu.memory_space<semaphore_mem>>) src(%dma_wait3A_79 : memref<128x64xf32, #tpu.memory_space<hbm>>) dst(%arg9 : memref<128x64xf32, #tpu.memory_space<vmem>>)
    %sub3A_80 = arith.constant 4 : i32
    %sub3A_81 = arith.subi %select_n3A, %sub3A_80 : i32
    %add3A_82 = arith.constant 1 : i32
    %add3A_83 = arith.addi %sub3A_81, %add3A_82 : i32
    %dma_start3A_84 = arith.constant 0 : i32
    %dma_start3A_85 = tpu.memref_slice %arg7[%add3A_83, %dma_start3A_84] : memref<80x128xi32, #tpu.memory_space<vmem>> -> memref<1x128xi32, #tpu.memory_space<vmem>>
    %dma_start3A_86 = tpu.memref_squeeze %dma_start3A_85 : memref<1x128xi32, #tpu.memory_space<vmem>> -> memref<128xi32, #tpu.memory_space<vmem>>
    %dma_start3A_87 = arith.constant 0 : i32
    %dma_start3A_88 = arith.constant 0 : i32
    %dma_start3A_89 = tpu.memref_slice %arg12[%dma_start3A_87, %dma_start3A_88] : memref<10240x64xf32, #tpu.memory_space<vmem_shared>> -> memref<10240x64xf32, #tpu.memory_space<vmem_shared>>
    tpu.enqueue_indirect_dma source(%arg9 : memref<128x64xf32, #tpu.memory_space<vmem>>) target(%dma_start3A_89 : memref<10240x64xf32, #tpu.memory_space<vmem_shared>>) offsets(%dma_start3A_86 : memref<128xi32, #tpu.memory_space<vmem>>) semaphore(%arg18 : memref<!tpu.dma_semaphore, #tpu.memory_space<semaphore_mem>>) {add = true}
    %dma_wait3A_90 = arith.constant 0 : i32
    %dma_wait3A_91 = arith.constant 0 : i32
    %dma_wait3A_92 = tpu.memref_slice %arg2[%dma_wait3A_90, %dma_wait3A_91] : memref<10240x64xf32, #tpu.memory_space<hbm>> -> memref<128x64xf32, #tpu.memory_space<hbm>>
    %dma_wait3A_93 = arith.constant 0 : i32
    %dma_wait3A_94 = arith.constant 0 : i32
    %dma_wait3A_95 = tpu.memref_slice %arg2[%dma_wait3A_93, %dma_wait3A_94] : memref<10240x64xf32, #tpu.memory_space<hbm>> -> memref<128x64xf32, #tpu.memory_space<hbm>>
    tpu.wait_dma2 semaphore(%arg15 : memref<!tpu.dma_semaphore, #tpu.memory_space<semaphore_mem>>) src(%dma_wait3A_95 : memref<128x64xf32, #tpu.memory_space<hbm>>) dst(%arg10 : memref<128x64xf32, #tpu.memory_space<vmem>>)
    %sub3A_96 = arith.constant 4 : i32
    %sub3A_97 = arith.subi %select_n3A, %sub3A_96 : i32
    %add3A_98 = arith.constant 2 : i32
    %add3A_99 = arith.addi %sub3A_97, %add3A_98 : i32
    %dma_start3A_100 = arith.constant 0 : i32
    %dma_start3A_101 = tpu.memref_slice %arg7[%add3A_99, %dma_start3A_100] : memref<80x128xi32, #tpu.memory_space<vmem>> -> memref<1x128xi32, #tpu.memory_space<vmem>>
    %dma_start3A_102 = tpu.memref_squeeze %dma_start3A_101 : memref<1x128xi32, #tpu.memory_space<vmem>> -> memref<128xi32, #tpu.memory_space<vmem>>
    %dma_start3A_103 = arith.constant 0 : i32
    %dma_start3A_104 = arith.constant 0 : i32
    %dma_start3A_105 = tpu.memref_slice %arg12[%dma_start3A_103, %dma_start3A_104] : memref<10240x64xf32, #tpu.memory_space<vmem_shared>> -> memref<10240x64xf32, #tpu.memory_space<vmem_shared>>
    tpu.enqueue_indirect_dma source(%arg10 : memref<128x64xf32, #tpu.memory_space<vmem>>) target(%dma_start3A_105 : memref<10240x64xf32, #tpu.memory_space<vmem_shared>>) offsets(%dma_start3A_102 : memref<128xi32, #tpu.memory_space<vmem>>) semaphore(%arg19 : memref<!tpu.dma_semaphore, #tpu.memory_space<semaphore_mem>>) {add = true}
    %dma_wait3A_106 = arith.constant 0 : i32
    %dma_wait3A_107 = arith.constant 0 : i32
    %dma_wait3A_108 = tpu.memref_slice %arg2[%dma_wait3A_106, %dma_wait3A_107] : memref<10240x64xf32, #tpu.memory_space<hbm>> -> memref<128x64xf32, #tpu.memory_space<hbm>>
    %dma_wait3A_109 = arith.constant 0 : i32
    %dma_wait3A_110 = arith.constant 0 : i32
    %dma_wait3A_111 = tpu.memref_slice %arg2[%dma_wait3A_109, %dma_wait3A_110] : memref<10240x64xf32, #tpu.memory_space<hbm>> -> memref<128x64xf32, #tpu.memory_space<hbm>>
    tpu.wait_dma2 semaphore(%arg16 : memref<!tpu.dma_semaphore, #tpu.memory_space<semaphore_mem>>) src(%dma_wait3A_111 : memref<128x64xf32, #tpu.memory_space<hbm>>) dst(%arg11 : memref<128x64xf32, #tpu.memory_space<vmem>>)
    %sub3A_112 = arith.constant 4 : i32
    %sub3A_113 = arith.subi %select_n3A, %sub3A_112 : i32
    %add3A_114 = arith.constant 3 : i32
    %add3A_115 = arith.addi %sub3A_113, %add3A_114 : i32
    %dma_start3A_116 = arith.constant 0 : i32
    %dma_start3A_117 = tpu.memref_slice %arg7[%add3A_115, %dma_start3A_116] : memref<80x128xi32, #tpu.memory_space<vmem>> -> memref<1x128xi32, #tpu.memory_space<vmem>>
    %dma_start3A_118 = tpu.memref_squeeze %dma_start3A_117 : memref<1x128xi32, #tpu.memory_space<vmem>> -> memref<128xi32, #tpu.memory_space<vmem>>
    %dma_start3A_119 = arith.constant 0 : i32
    %dma_start3A_120 = arith.constant 0 : i32
    %dma_start3A_121 = tpu.memref_slice %arg12[%dma_start3A_119, %dma_start3A_120] : memref<10240x64xf32, #tpu.memory_space<vmem_shared>> -> memref<10240x64xf32, #tpu.memory_space<vmem_shared>>
    tpu.enqueue_indirect_dma source(%arg11 : memref<128x64xf32, #tpu.memory_space<vmem>>) target(%dma_start3A_121 : memref<10240x64xf32, #tpu.memory_space<vmem_shared>>) offsets(%dma_start3A_118 : memref<128xi32, #tpu.memory_space<vmem>>) semaphore(%arg20 : memref<!tpu.dma_semaphore, #tpu.memory_space<semaphore_mem>>) {add = true}
    %dma_wait3A_122 = arith.constant 0 : i32
    %dma_wait3A_123 = arith.constant 0 : i32
    %dma_wait3A_124 = tpu.memref_slice %arg12[%dma_wait3A_122, %dma_wait3A_123] : memref<10240x64xf32, #tpu.memory_space<vmem_shared>> -> memref<128x64xf32, #tpu.memory_space<vmem_shared>>
    %dma_wait3A_125 = arith.constant 0 : i32
    %dma_wait3A_126 = arith.constant 0 : i32
    %dma_wait3A_127 = tpu.memref_slice %arg12[%dma_wait3A_125, %dma_wait3A_126] : memref<10240x64xf32, #tpu.memory_space<vmem_shared>> -> memref<128x64xf32, #tpu.memory_space<vmem_shared>>
    tpu.wait_dma2 semaphore(%arg17 : memref<!tpu.dma_semaphore, #tpu.memory_space<semaphore_mem>>) src(%arg8 : memref<128x64xf32, #tpu.memory_space<vmem>>) dst(%dma_wait3A_127 : memref<128x64xf32, #tpu.memory_space<vmem_shared>>)
    %dma_wait3A_128 = arith.constant 0 : i32
    %dma_wait3A_129 = arith.constant 0 : i32
    %dma_wait3A_130 = tpu.memref_slice %arg12[%dma_wait3A_128, %dma_wait3A_129] : memref<10240x64xf32, #tpu.memory_space<vmem_shared>> -> memref<128x64xf32, #tpu.memory_space<vmem_shared>>
    %dma_wait3A_131 = arith.constant 0 : i32
    %dma_wait3A_132 = arith.constant 0 : i32
    %dma_wait3A_133 = tpu.memref_slice %arg12[%dma_wait3A_131, %dma_wait3A_132] : memref<10240x64xf32, #tpu.memory_space<vmem_shared>> -> memref<128x64xf32, #tpu.memory_space<vmem_shared>>
    tpu.wait_dma2 semaphore(%arg18 : memref<!tpu.dma_semaphore, #tpu.memory_space<semaphore_mem>>) src(%arg9 : memref<128x64xf32, #tpu.memory_space<vmem>>) dst(%dma_wait3A_133 : memref<128x64xf32, #tpu.memory_space<vmem_shared>>)
    %dma_wait3A_134 = arith.constant 0 : i32
    %dma_wait3A_135 = arith.constant 0 : i32
    %dma_wait3A_136 = tpu.memref_slice %arg12[%dma_wait3A_134, %dma_wait3A_135] : memref<10240x64xf32, #tpu.memory_space<vmem_shared>> -> memref<128x64xf32, #tpu.memory_space<vmem_shared>>
    %dma_wait3A_137 = arith.constant 0 : i32
    %dma_wait3A_138 = arith.constant 0 : i32
    %dma_wait3A_139 = tpu.memref_slice %arg12[%dma_wait3A_137, %dma_wait3A_138] : memref<10240x64xf32, #tpu.memory_space<vmem_shared>> -> memref<128x64xf32, #tpu.memory_space<vmem_shared>>
    tpu.wait_dma2 semaphore(%arg19 : memref<!tpu.dma_semaphore, #tpu.memory_space<semaphore_mem>>) src(%arg10 : memref<128x64xf32, #tpu.memory_space<vmem>>) dst(%dma_wait3A_139 : memref<128x64xf32, #tpu.memory_space<vmem_shared>>)
    %dma_wait3A_140 = arith.constant 0 : i32
    %dma_wait3A_141 = arith.constant 0 : i32
    %dma_wait3A_142 = tpu.memref_slice %arg12[%dma_wait3A_140, %dma_wait3A_141] : memref<10240x64xf32, #tpu.memory_space<vmem_shared>> -> memref<128x64xf32, #tpu.memory_space<vmem_shared>>
    %dma_wait3A_143 = arith.constant 0 : i32
    %dma_wait3A_144 = arith.constant 0 : i32
    %dma_wait3A_145 = tpu.memref_slice %arg12[%dma_wait3A_143, %dma_wait3A_144] : memref<10240x64xf32, #tpu.memory_space<vmem_shared>> -> memref<128x64xf32, #tpu.memory_space<vmem_shared>>
    tpu.wait_dma2 semaphore(%arg20 : memref<!tpu.dma_semaphore, #tpu.memory_space<semaphore_mem>>) src(%arg11 : memref<128x64xf32, #tpu.memory_space<vmem>>) dst(%dma_wait3A_145 : memref<128x64xf32, #tpu.memory_space<vmem_shared>>)
    %barrier3A_146 = arith.constant 0 : index
    tpu.barrier barrier_id(%barrier3A_146)
    %mul3A_147 = arith.constant 640 : i32
    %mul3A_148 = arith.muli %arg1, %mul3A_147 : i32
    %mul3A_149 = arith.constant 640 : i32
    %mul3A_150 = arith.muli %arg1, %mul3A_149 : i32
    "tpu.region"() ({
      %run_scoped3A = tpu.sem_alloc : memref<!tpu.dma_semaphore, #tpu.memory_space<semaphore_mem>>
      %dma_start3A_151 = arith.constant 0 : i32
      %dma_start3A_152 = arith.constant 0 : i32
      %dma_start3A_153 = tpu.memref_slice %arg5[%arg0, %dma_start3A_151, %dma_start3A_152] : memref<2x10240x64xf32, #tpu.memory_space<hbm>> -> memref<1x10240x64xf32, #tpu.memory_space<hbm>>
      %dma_start3A_154 = tpu.memref_squeeze %dma_start3A_153 : memref<1x10240x64xf32, #tpu.memory_space<hbm>> -> memref<10240x64xf32, #tpu.memory_space<hbm>>
      %dma_start3A_155 = arith.constant 0 : i32
      %dma_start3A_156 = tpu.memref_slice %dma_start3A_154[%mul3A_150, %dma_start3A_155] : memref<10240x64xf32, #tpu.memory_space<hbm>> -> memref<640x64xf32, #tpu.memory_space<hbm>>
      %dma_start3A_157 = arith.constant 0 : i32
      %dma_start3A_158 = tpu.memref_slice %arg12[%mul3A_148, %dma_start3A_157] : memref<10240x64xf32, #tpu.memory_space<vmem_shared>> -> memref<640x64xf32, #tpu.memory_space<vmem_shared>>
      tpu.enqueue_dma source(%dma_start3A_158 : memref<640x64xf32, #tpu.memory_space<vmem_shared>>) target(%dma_start3A_156 : memref<640x64xf32, #tpu.memory_space<hbm>>) target_semaphore(%run_scoped3A : memref<!tpu.dma_semaphore, #tpu.memory_space<semaphore_mem>>)
      %dma_wait3A_159 = arith.constant 0 : i32
      %dma_wait3A_160 = arith.constant 0 : i32
      %dma_wait3A_161 = tpu.memref_slice %arg5[%arg0, %dma_wait3A_159, %dma_wait3A_160] : memref<2x10240x64xf32, #tpu.memory_space<hbm>> -> memref<1x10240x64xf32, #tpu.memory_space<hbm>>
      %dma_wait3A_162 = tpu.memref_squeeze %dma_wait3A_161 : memref<1x10240x64xf32, #tpu.memory_space<hbm>> -> memref<10240x64xf32, #tpu.memory_space<hbm>>
      %dma_wait3A_163 = arith.constant 0 : i32
      %dma_wait3A_164 = tpu.memref_slice %dma_wait3A_162[%mul3A_150, %dma_wait3A_163] : memref<10240x64xf32, #tpu.memory_space<hbm>> -> memref<640x64xf32, #tpu.memory_space<hbm>>
      %dma_wait3A_165 = arith.constant 0 : i32
      %dma_wait3A_166 = tpu.memref_slice %arg12[%mul3A_148, %dma_wait3A_165] : memref<10240x64xf32, #tpu.memory_space<vmem_shared>> -> memref<640x64xf32, #tpu.memory_space<vmem_shared>>
      tpu.wait_dma2 semaphore(%run_scoped3A : memref<!tpu.dma_semaphore, #tpu.memory_space<semaphore_mem>>) src(%dma_wait3A_166 : memref<640x64xf32, #tpu.memory_space<vmem_shared>>) dst(%dma_wait3A_164 : memref<640x64xf32, #tpu.memory_space<hbm>>)
      tpu.yield
    }) : () -> ()
    return
  }
}

#map = affine_map<(d0, d1) -> (0, 0)>
#map1 = affine_map<(d0, d1) -> (0, 0, 0)>
module attributes {stable_mosaic.version = 14 : i64} {
  func.func @_sc_agg(%arg0: i32, %arg1: i32, %arg2: memref<10240x64xf32, #tpu.memory_space<hbm>>, %arg3: memref<2664x128xi32, #tpu.memory_space<hbm>>, %arg4: memref<2664x128xi32, #tpu.memory_space<hbm>>, %arg5: memref<2x10240x64xf32, #tpu.memory_space<hbm>>, %arg6: memref<80x128xi32, #tpu.memory_space<vmem>>, %arg7: memref<80x128xi32, #tpu.memory_space<vmem>>, %arg8: memref<128x64xf32, #tpu.memory_space<vmem>>, %arg9: memref<128x64xf32, #tpu.memory_space<vmem>>, %arg10: memref<128x64xf32, #tpu.memory_space<vmem>>, %arg11: memref<128x64xf32, #tpu.memory_space<vmem>>, %arg12: memref<10240x64xf32, #tpu.memory_space<vmem_shared>>, %arg13: memref<!tpu.dma_semaphore, #tpu.memory_space<semaphore_mem>>, %arg14: memref<!tpu.dma_semaphore, #tpu.memory_space<semaphore_mem>>, %arg15: memref<!tpu.dma_semaphore, #tpu.memory_space<semaphore_mem>>, %arg16: memref<!tpu.dma_semaphore, #tpu.memory_space<semaphore_mem>>, %arg17: memref<!tpu.dma_semaphore, #tpu.memory_space<semaphore_mem>>, %arg18: memref<!tpu.dma_semaphore, #tpu.memory_space<semaphore_mem>>, %arg19: memref<!tpu.dma_semaphore, #tpu.memory_space<semaphore_mem>>, %arg20: memref<!tpu.dma_semaphore, #tpu.memory_space<semaphore_mem>>) attributes {dimension_semantics = [#tpu.dimension_semantics<core_parallel>, #tpu.dimension_semantics<subcore_parallel>], iteration_bounds = array<i64: 2, 16>, scalar_prefetch = 0 : i64, scratch_operands = 15 : i64, tpu.core_type = #tpu.core_type<sc_vector_subcore>, window_params = [{transform_indices = #map}, {transform_indices = #map}, {transform_indices = #map}, {transform_indices = #map1}]} {
    %mul3A = arith.constant 160 : i32
    %mul3A_0 = arith.muli %arg1, %mul3A : i32
    %mul3A_1 = arith.constant 80 : i32
    %mul3A_2 = arith.muli %arg0, %mul3A_1 : i32
    %add3A = arith.addi %mul3A_0, %mul3A_2 : i32
    %eq3A = arith.constant 0 : i32
    %eq3A_3 = arith.cmpi eq, %arg0, %eq3A : i32
    %jit3A = arith.constant 80 : i32
    %jit3A_4 = arith.constant 80 : i32
    %select_n3A = arith.select %eq3A_3, %jit3A, %jit3A_4 : i32
    %scan3A = arith.constant 0 : i32
    %scan3A_5 = arith.constant 128 : i32
    %scan3A_6 = arith.addi %scan3A, %scan3A_5 : i32
    %scan3A_7 = arith.constant 1 : i32
    scf.for %scan3A_151 = %scan3A to %scan3A_6 step %scan3A_7  : i32 {
      %mul3A_152 = arith.constant 1 : i32
      %mul3A_153 = arith.muli %scan3A_151, %mul3A_152 : i32
      %add3A_154 = arith.constant 0 : i32
      %add3A_155 = arith.addi %add3A_154, %mul3A_153 : i32
      %scan3A_156 = arith.constant 0 : i32
      %scan3A_157 = arith.constant 4 : i32
      %scan3A_158 = arith.addi %scan3A_156, %scan3A_157 : i32
      %scan3A_159 = arith.constant 1 : i32
      scf.for %scan3A_161 = %scan3A_156 to %scan3A_158 step %scan3A_159  : i32 {
        %mul3A_162 = arith.constant 16 : i32
        %mul3A_163 = arith.muli %scan3A_161, %mul3A_162 : i32
        %add3A_164 = arith.constant 0 : i32
        %add3A_165 = arith.addi %add3A_164, %mul3A_163 : i32
        %broadcast_in_dim3A = arith.constant 0.000000e+00 : f32
        %broadcast_in_dim3A_166 = vector.broadcast %broadcast_in_dim3A : f32 to vector<16xf32>
        %swap3A = arith.index_cast %add3A_155 : i32 to index
        %swap3A_167 = arith.index_cast %add3A_165 : i32 to index
        %swap3A_168 = tpu.vector_load %arg8[%swap3A, %swap3A_167] {strides = array<i32>} : memref<128x64xf32, #tpu.memory_space<vmem>>, vector<1x16xf32>,
        %swap3A_169 = vector.shape_cast %swap3A_168 : vector<1x16xf32> to vector<16xf32>
        %swap3A_170 = vector.shape_cast %broadcast_in_dim3A_166 : vector<16xf32> to vector<1x16xf32>
        tpu.vector_store %arg8[%swap3A, %swap3A_167], %swap3A_170 {strides = array<i32>} : memref<128x64xf32, #tpu.memory_space<vmem>>, vector<1x16xf32>,
      }
      %scan3A_160 = arith.constant 4 : i32
    }
    %scan3A_8 = arith.constant 128 : i32
    %scan3A_9 = arith.constant 0 : i32
    %scan3A_10 = arith.constant 5 : i32
    %scan3A_11 = arith.addi %scan3A_9, %scan3A_10 : i32
    %scan3A_12 = arith.constant 1 : i32
    scf.for %scan3A_151 = %scan3A_9 to %scan3A_11 step %scan3A_12  : i32 {
      %mul3A_152 = arith.constant 1 : i32
      %mul3A_153 = arith.muli %scan3A_151, %mul3A_152 : i32
      %add3A_154 = arith.constant 0 : i32
      %add3A_155 = arith.addi %add3A_154, %mul3A_153 : i32
      %mul3A_156 = arith.constant 640 : i32
      %mul3A_157 = arith.muli %arg1, %mul3A_156 : i32
      %mul3A_158 = arith.constant 128 : i32
      %mul3A_159 = arith.muli %add3A_155, %mul3A_158 : i32
      %add3A_160 = arith.addi %mul3A_157, %mul3A_159 : i32
      "tpu.region"() ({
        %run_scoped3A = tpu.sem_alloc : memref<!tpu.dma_semaphore, #tpu.memory_space<semaphore_mem>>
        %dma_start3A_161 = arith.constant 0 : i32
        %dma_start3A_162 = tpu.memref_slice %arg12[%add3A_160, %dma_start3A_161] : memref<10240x64xf32, #tpu.memory_space<vmem_shared>> -> memref<128x64xf32, #tpu.memory_space<vmem_shared>>
        %dma_start3A_163 = arith.constant 0 : i32
        %dma_start3A_164 = tpu.memref_slice %arg12[%add3A_160, %dma_start3A_163] : memref<10240x64xf32, #tpu.memory_space<vmem_shared>> -> memref<128x64xf32, #tpu.memory_space<vmem_shared>>
        tpu.enqueue_dma source(%arg8 : memref<128x64xf32, #tpu.memory_space<vmem>>) target(%dma_start3A_164 : memref<128x64xf32, #tpu.memory_space<vmem_shared>>) target_semaphore(%run_scoped3A : memref<!tpu.dma_semaphore, #tpu.memory_space<semaphore_mem>>)
        %dma_wait3A_165 = arith.constant 0 : i32
        %dma_wait3A_166 = tpu.memref_slice %arg12[%add3A_160, %dma_wait3A_165] : memref<10240x64xf32, #tpu.memory_space<vmem_shared>> -> memref<128x64xf32, #tpu.memory_space<vmem_shared>>
        %dma_wait3A_167 = arith.constant 0 : i32
        %dma_wait3A_168 = tpu.memref_slice %arg12[%add3A_160, %dma_wait3A_167] : memref<10240x64xf32, #tpu.memory_space<vmem_shared>> -> memref<128x64xf32, #tpu.memory_space<vmem_shared>>
        tpu.wait_dma2 semaphore(%run_scoped3A : memref<!tpu.dma_semaphore, #tpu.memory_space<semaphore_mem>>) src(%arg8 : memref<128x64xf32, #tpu.memory_space<vmem>>) dst(%dma_wait3A_168 : memref<128x64xf32, #tpu.memory_space<vmem_shared>>)
        tpu.yield
      }) : () -> ()
    }
    %scan3A_13 = arith.constant 5 : i32
    "tpu.region"() ({
      %run_scoped3A = tpu.sem_alloc : memref<!tpu.dma_semaphore, #tpu.memory_space<semaphore_mem>>
      %dma_start3A_151 = arith.constant 0 : i32
      %dma_start3A_152 = tpu.memref_slice %arg3[%add3A, %dma_start3A_151] : memref<2664x128xi32, #tpu.memory_space<hbm>> -> memref<80x128xi32, #tpu.memory_space<hbm>>
      %dma_start3A_153 = arith.constant 0 : i32
      %dma_start3A_154 = tpu.memref_slice %arg3[%add3A, %dma_start3A_153] : memref<2664x128xi32, #tpu.memory_space<hbm>> -> memref<80x128xi32, #tpu.memory_space<hbm>>
      tpu.enqueue_dma source(%dma_start3A_154 : memref<80x128xi32, #tpu.memory_space<hbm>>) target(%arg6 : memref<80x128xi32, #tpu.memory_space<vmem>>) target_semaphore(%run_scoped3A : memref<!tpu.dma_semaphore, #tpu.memory_space<semaphore_mem>>)
      %dma_wait3A_155 = arith.constant 0 : i32
      %dma_wait3A_156 = tpu.memref_slice %arg3[%add3A, %dma_wait3A_155] : memref<2664x128xi32, #tpu.memory_space<hbm>> -> memref<80x128xi32, #tpu.memory_space<hbm>>
      %dma_wait3A_157 = arith.constant 0 : i32
      %dma_wait3A_158 = tpu.memref_slice %arg3[%add3A, %dma_wait3A_157] : memref<2664x128xi32, #tpu.memory_space<hbm>> -> memref<80x128xi32, #tpu.memory_space<hbm>>
      tpu.wait_dma2 semaphore(%run_scoped3A : memref<!tpu.dma_semaphore, #tpu.memory_space<semaphore_mem>>) src(%dma_wait3A_158 : memref<80x128xi32, #tpu.memory_space<hbm>>) dst(%arg6 : memref<80x128xi32, #tpu.memory_space<vmem>>)
      tpu.yield
    }) : () -> ()
    "tpu.region"() ({
      %run_scoped3A = tpu.sem_alloc : memref<!tpu.dma_semaphore, #tpu.memory_space<semaphore_mem>>
      %dma_start3A_151 = arith.constant 0 : i32
      %dma_start3A_152 = tpu.memref_slice %arg4[%add3A, %dma_start3A_151] : memref<2664x128xi32, #tpu.memory_space<hbm>> -> memref<80x128xi32, #tpu.memory_space<hbm>>
      %dma_start3A_153 = arith.constant 0 : i32
      %dma_start3A_154 = tpu.memref_slice %arg4[%add3A, %dma_start3A_153] : memref<2664x128xi32, #tpu.memory_space<hbm>> -> memref<80x128xi32, #tpu.memory_space<hbm>>
      tpu.enqueue_dma source(%dma_start3A_154 : memref<80x128xi32, #tpu.memory_space<hbm>>) target(%arg7 : memref<80x128xi32, #tpu.memory_space<vmem>>) target_semaphore(%run_scoped3A : memref<!tpu.dma_semaphore, #tpu.memory_space<semaphore_mem>>)
      %dma_wait3A_155 = arith.constant 0 : i32
      %dma_wait3A_156 = tpu.memref_slice %arg4[%add3A, %dma_wait3A_155] : memref<2664x128xi32, #tpu.memory_space<hbm>> -> memref<80x128xi32, #tpu.memory_space<hbm>>
      %dma_wait3A_157 = arith.constant 0 : i32
      %dma_wait3A_158 = tpu.memref_slice %arg4[%add3A, %dma_wait3A_157] : memref<2664x128xi32, #tpu.memory_space<hbm>> -> memref<80x128xi32, #tpu.memory_space<hbm>>
      tpu.wait_dma2 semaphore(%run_scoped3A : memref<!tpu.dma_semaphore, #tpu.memory_space<semaphore_mem>>) src(%dma_wait3A_158 : memref<80x128xi32, #tpu.memory_space<hbm>>) dst(%arg7 : memref<80x128xi32, #tpu.memory_space<vmem>>)
      tpu.yield
    }) : () -> ()
    %barrier3A = arith.constant 0 : index
    tpu.barrier barrier_id(%barrier3A)
    %dma_start3A = arith.constant 0 : i32
    %dma_start3A_14 = arith.constant 0 : i32
    %dma_start3A_15 = tpu.memref_slice %arg6[%dma_start3A, %dma_start3A_14] : memref<80x128xi32, #tpu.memory_space<vmem>> -> memref<1x128xi32, #tpu.memory_space<vmem>>
    %dma_start3A_16 = tpu.memref_squeeze %dma_start3A_15 : memref<1x128xi32, #tpu.memory_space<vmem>> -> memref<128xi32, #tpu.memory_space<vmem>>
    %dma_start3A_17 = arith.constant 0 : i32
    %dma_start3A_18 = arith.constant 0 : i32
    %dma_start3A_19 = tpu.memref_slice %arg2[%dma_start3A_17, %dma_start3A_18] : memref<10240x64xf32, #tpu.memory_space<hbm>> -> memref<10240x64xf32, #tpu.memory_space<hbm>>
    tpu.enqueue_indirect_dma source(%dma_start3A_19 : memref<10240x64xf32, #tpu.memory_space<hbm>>) target(%arg8 : memref<128x64xf32, #tpu.memory_space<vmem>>) offsets(%dma_start3A_16 : memref<128xi32, #tpu.memory_space<vmem>>) semaphore(%arg13 : memref<!tpu.dma_semaphore, #tpu.memory_space<semaphore_mem>>)
    %dma_start3A_20 = arith.constant 1 : i32
    %dma_start3A_21 = arith.constant 0 : i32
    %dma_start3A_22 = tpu.memref_slice %arg6[%dma_start3A_20, %dma_start3A_21] : memref<80x128xi32, #tpu.memory_space<vmem>> -> memref<1x128xi32, #tpu.memory_space<vmem>>
    %dma_start3A_23 = tpu.memref_squeeze %dma_start3A_22 : memref<1x128xi32, #tpu.memory_space<vmem>> -> memref<128xi32, #tpu.memory_space<vmem>>
    %dma_start3A_24 = arith.constant 0 : i32
    %dma_start3A_25 = arith.constant 0 : i32
    %dma_start3A_26 = tpu.memref_slice %arg2[%dma_start3A_24, %dma_start3A_25] : memref<10240x64xf32, #tpu.memory_space<hbm>> -> memref<10240x64xf32, #tpu.memory_space<hbm>>
    tpu.enqueue_indirect_dma source(%dma_start3A_26 : memref<10240x64xf32, #tpu.memory_space<hbm>>) target(%arg9 : memref<128x64xf32, #tpu.memory_space<vmem>>) offsets(%dma_start3A_23 : memref<128xi32, #tpu.memory_space<vmem>>) semaphore(%arg14 : memref<!tpu.dma_semaphore, #tpu.memory_space<semaphore_mem>>)
    %dma_start3A_27 = arith.constant 2 : i32
    %dma_start3A_28 = arith.constant 0 : i32
    %dma_start3A_29 = tpu.memref_slice %arg6[%dma_start3A_27, %dma_start3A_28] : memref<80x128xi32, #tpu.memory_space<vmem>> -> memref<1x128xi32, #tpu.memory_space<vmem>>
    %dma_start3A_30 = tpu.memref_squeeze %dma_start3A_29 : memref<1x128xi32, #tpu.memory_space<vmem>> -> memref<128xi32, #tpu.memory_space<vmem>>
    %dma_start3A_31 = arith.constant 0 : i32
    %dma_start3A_32 = arith.constant 0 : i32
    %dma_start3A_33 = tpu.memref_slice %arg2[%dma_start3A_31, %dma_start3A_32] : memref<10240x64xf32, #tpu.memory_space<hbm>> -> memref<10240x64xf32, #tpu.memory_space<hbm>>
    tpu.enqueue_indirect_dma source(%dma_start3A_33 : memref<10240x64xf32, #tpu.memory_space<hbm>>) target(%arg10 : memref<128x64xf32, #tpu.memory_space<vmem>>) offsets(%dma_start3A_30 : memref<128xi32, #tpu.memory_space<vmem>>) semaphore(%arg15 : memref<!tpu.dma_semaphore, #tpu.memory_space<semaphore_mem>>)
    %dma_start3A_34 = arith.constant 3 : i32
    %dma_start3A_35 = arith.constant 0 : i32
    %dma_start3A_36 = tpu.memref_slice %arg6[%dma_start3A_34, %dma_start3A_35] : memref<80x128xi32, #tpu.memory_space<vmem>> -> memref<1x128xi32, #tpu.memory_space<vmem>>
    %dma_start3A_37 = tpu.memref_squeeze %dma_start3A_36 : memref<1x128xi32, #tpu.memory_space<vmem>> -> memref<128xi32, #tpu.memory_space<vmem>>
    %dma_start3A_38 = arith.constant 0 : i32
    %dma_start3A_39 = arith.constant 0 : i32
    %dma_start3A_40 = tpu.memref_slice %arg2[%dma_start3A_38, %dma_start3A_39] : memref<10240x64xf32, #tpu.memory_space<hbm>> -> memref<10240x64xf32, #tpu.memory_space<hbm>>
    tpu.enqueue_indirect_dma source(%dma_start3A_40 : memref<10240x64xf32, #tpu.memory_space<hbm>>) target(%arg11 : memref<128x64xf32, #tpu.memory_space<vmem>>) offsets(%dma_start3A_37 : memref<128xi32, #tpu.memory_space<vmem>>) semaphore(%arg16 : memref<!tpu.dma_semaphore, #tpu.memory_space<semaphore_mem>>)
    %sub3A = arith.constant 4 : i32
    %sub3A_41 = arith.subi %select_n3A, %sub3A : i32
    %sub3A_42 = arith.constant 0 : i32
    %sub3A_43 = arith.subi %sub3A_41, %sub3A_42 : i32
    %sub3A_44 = arith.constant 4 : i32
    %sub3A_45 = arith.constant 1 : i32
    %sub3A_46 = arith.subi %sub3A_44, %sub3A_45 : i32
    %add3A_47 = arith.addi %sub3A_43, %sub3A_46 : i32
    %div3A = arith.constant 4 : i32
    %div3A_48 = arith.divsi %add3A_47, %div3A : i32
    %while3A = arith.constant 4 : i32
    %while3A_49 = arith.constant 0 : i32
    %while3A_50 = arith.constant 0 : i32
    %while3A_51 = arith.subi %div3A_48, %while3A_50 : i32
    %while3A_52 = arith.addi %while3A_50, %while3A_51 : i32
    %while3A_53 = arith.constant 1 : i32
    %while3A_54 = arith.divsi %while3A_51, %while3A_53 : i32
    %while3A_55 = arith.muli %while3A_54, %while3A_53 : i32
    %while3A_56 = arith.addi %while3A_50, %while3A_55 : i32
    %while3A_57 = arith.constant 1 : i32
    scf.for %while3A_151 = %while3A_50 to %while3A_56 step %while3A_57  : i32 {
      %mul3A_152 = arith.muli %while3A_151, %while3A : i32
      %add3A_153 = arith.addi %while3A_49, %mul3A_152 : i32
      %dma_wait3A_154 = arith.constant 0 : i32
      %dma_wait3A_155 = arith.constant 0 : i32
      %dma_wait3A_156 = tpu.memref_slice %arg2[%dma_wait3A_154, %dma_wait3A_155] : memref<10240x64xf32, #tpu.memory_space<hbm>> -> memref<128x64xf32, #tpu.memory_space<hbm>>
      %dma_wait3A_157 = arith.constant 0 : i32
      %dma_wait3A_158 = arith.constant 0 : i32
      %dma_wait3A_159 = tpu.memref_slice %arg2[%dma_wait3A_157, %dma_wait3A_158] : memref<10240x64xf32, #tpu.memory_space<hbm>> -> memref<128x64xf32, #tpu.memory_space<hbm>>
      tpu.wait_dma2 semaphore(%arg13 : memref<!tpu.dma_semaphore, #tpu.memory_space<semaphore_mem>>) src(%dma_wait3A_159 : memref<128x64xf32, #tpu.memory_space<hbm>>) dst(%arg8 : memref<128x64xf32, #tpu.memory_space<vmem>>)
      %add3A_160 = arith.constant 0 : i32
      %add3A_161 = arith.addi %add3A_153, %add3A_160 : i32
      %dma_start3A_162 = arith.constant 0 : i32
      %dma_start3A_163 = tpu.memref_slice %arg7[%add3A_161, %dma_start3A_162] : memref<80x128xi32, #tpu.memory_space<vmem>> -> memref<1x128xi32, #tpu.memory_space<vmem>>
      %dma_start3A_164 = tpu.memref_squeeze %dma_start3A_163 : memref<1x128xi32, #tpu.memory_space<vmem>> -> memref<128xi32, #tpu.memory_space<vmem>>
      %dma_start3A_165 = arith.constant 0 : i32
      %dma_start3A_166 = arith.constant 0 : i32
      %dma_start3A_167 = tpu.memref_slice %arg12[%dma_start3A_165, %dma_start3A_166] : memref<10240x64xf32, #tpu.memory_space<vmem_shared>> -> memref<10240x64xf32, #tpu.memory_space<vmem_shared>>
      tpu.enqueue_indirect_dma source(%arg8 : memref<128x64xf32, #tpu.memory_space<vmem>>) target(%dma_start3A_167 : memref<10240x64xf32, #tpu.memory_space<vmem_shared>>) offsets(%dma_start3A_164 : memref<128xi32, #tpu.memory_space<vmem>>) semaphore(%arg17 : memref<!tpu.dma_semaphore, #tpu.memory_space<semaphore_mem>>) {add = true}
      %dma_wait3A_168 = arith.constant 0 : i32
      %dma_wait3A_169 = arith.constant 0 : i32
      %dma_wait3A_170 = tpu.memref_slice %arg2[%dma_wait3A_168, %dma_wait3A_169] : memref<10240x64xf32, #tpu.memory_space<hbm>> -> memref<128x64xf32, #tpu.memory_space<hbm>>
      %dma_wait3A_171 = arith.constant 0 : i32
      %dma_wait3A_172 = arith.constant 0 : i32
      %dma_wait3A_173 = tpu.memref_slice %arg2[%dma_wait3A_171, %dma_wait3A_172] : memref<10240x64xf32, #tpu.memory_space<hbm>> -> memref<128x64xf32, #tpu.memory_space<hbm>>
      tpu.wait_dma2 semaphore(%arg14 : memref<!tpu.dma_semaphore, #tpu.memory_space<semaphore_mem>>) src(%dma_wait3A_173 : memref<128x64xf32, #tpu.memory_space<hbm>>) dst(%arg9 : memref<128x64xf32, #tpu.memory_space<vmem>>)
      %add3A_174 = arith.constant 1 : i32
      %add3A_175 = arith.addi %add3A_153, %add3A_174 : i32
      %dma_start3A_176 = arith.constant 0 : i32
      %dma_start3A_177 = tpu.memref_slice %arg7[%add3A_175, %dma_start3A_176] : memref<80x128xi32, #tpu.memory_space<vmem>> -> memref<1x128xi32, #tpu.memory_space<vmem>>
      %dma_start3A_178 = tpu.memref_squeeze %dma_start3A_177 : memref<1x128xi32, #tpu.memory_space<vmem>> -> memref<128xi32, #tpu.memory_space<vmem>>
      %dma_start3A_179 = arith.constant 0 : i32
      %dma_start3A_180 = arith.constant 0 : i32
      %dma_start3A_181 = tpu.memref_slice %arg12[%dma_start3A_179, %dma_start3A_180] : memref<10240x64xf32, #tpu.memory_space<vmem_shared>> -> memref<10240x64xf32, #tpu.memory_space<vmem_shared>>
      tpu.enqueue_indirect_dma source(%arg9 : memref<128x64xf32, #tpu.memory_space<vmem>>) target(%dma_start3A_181 : memref<10240x64xf32, #tpu.memory_space<vmem_shared>>) offsets(%dma_start3A_178 : memref<128xi32, #tpu.memory_space<vmem>>) semaphore(%arg18 : memref<!tpu.dma_semaphore, #tpu.memory_space<semaphore_mem>>) {add = true}
      %dma_wait3A_182 = arith.constant 0 : i32
      %dma_wait3A_183 = arith.constant 0 : i32
      %dma_wait3A_184 = tpu.memref_slice %arg2[%dma_wait3A_182, %dma_wait3A_183] : memref<10240x64xf32, #tpu.memory_space<hbm>> -> memref<128x64xf32, #tpu.memory_space<hbm>>
      %dma_wait3A_185 = arith.constant 0 : i32
      %dma_wait3A_186 = arith.constant 0 : i32
      %dma_wait3A_187 = tpu.memref_slice %arg2[%dma_wait3A_185, %dma_wait3A_186] : memref<10240x64xf32, #tpu.memory_space<hbm>> -> memref<128x64xf32, #tpu.memory_space<hbm>>
      tpu.wait_dma2 semaphore(%arg15 : memref<!tpu.dma_semaphore, #tpu.memory_space<semaphore_mem>>) src(%dma_wait3A_187 : memref<128x64xf32, #tpu.memory_space<hbm>>) dst(%arg10 : memref<128x64xf32, #tpu.memory_space<vmem>>)
      %add3A_188 = arith.constant 2 : i32
      %add3A_189 = arith.addi %add3A_153, %add3A_188 : i32
      %dma_start3A_190 = arith.constant 0 : i32
      %dma_start3A_191 = tpu.memref_slice %arg7[%add3A_189, %dma_start3A_190] : memref<80x128xi32, #tpu.memory_space<vmem>> -> memref<1x128xi32, #tpu.memory_space<vmem>>
      %dma_start3A_192 = tpu.memref_squeeze %dma_start3A_191 : memref<1x128xi32, #tpu.memory_space<vmem>> -> memref<128xi32, #tpu.memory_space<vmem>>
      %dma_start3A_193 = arith.constant 0 : i32
      %dma_start3A_194 = arith.constant 0 : i32
      %dma_start3A_195 = tpu.memref_slice %arg12[%dma_start3A_193, %dma_start3A_194] : memref<10240x64xf32, #tpu.memory_space<vmem_shared>> -> memref<10240x64xf32, #tpu.memory_space<vmem_shared>>
      tpu.enqueue_indirect_dma source(%arg10 : memref<128x64xf32, #tpu.memory_space<vmem>>) target(%dma_start3A_195 : memref<10240x64xf32, #tpu.memory_space<vmem_shared>>) offsets(%dma_start3A_192 : memref<128xi32, #tpu.memory_space<vmem>>) semaphore(%arg19 : memref<!tpu.dma_semaphore, #tpu.memory_space<semaphore_mem>>) {add = true}
      %dma_wait3A_196 = arith.constant 0 : i32
      %dma_wait3A_197 = arith.constant 0 : i32
      %dma_wait3A_198 = tpu.memref_slice %arg2[%dma_wait3A_196, %dma_wait3A_197] : memref<10240x64xf32, #tpu.memory_space<hbm>> -> memref<128x64xf32, #tpu.memory_space<hbm>>
      %dma_wait3A_199 = arith.constant 0 : i32
      %dma_wait3A_200 = arith.constant 0 : i32
      %dma_wait3A_201 = tpu.memref_slice %arg2[%dma_wait3A_199, %dma_wait3A_200] : memref<10240x64xf32, #tpu.memory_space<hbm>> -> memref<128x64xf32, #tpu.memory_space<hbm>>
      tpu.wait_dma2 semaphore(%arg16 : memref<!tpu.dma_semaphore, #tpu.memory_space<semaphore_mem>>) src(%dma_wait3A_201 : memref<128x64xf32, #tpu.memory_space<hbm>>) dst(%arg11 : memref<128x64xf32, #tpu.memory_space<vmem>>)
      %add3A_202 = arith.constant 3 : i32
      %add3A_203 = arith.addi %add3A_153, %add3A_202 : i32
      %dma_start3A_204 = arith.constant 0 : i32
      %dma_start3A_205 = tpu.memref_slice %arg7[%add3A_203, %dma_start3A_204] : memref<80x128xi32, #tpu.memory_space<vmem>> -> memref<1x128xi32, #tpu.memory_space<vmem>>
      %dma_start3A_206 = tpu.memref_squeeze %dma_start3A_205 : memref<1x128xi32, #tpu.memory_space<vmem>> -> memref<128xi32, #tpu.memory_space<vmem>>
      %dma_start3A_207 = arith.constant 0 : i32
      %dma_start3A_208 = arith.constant 0 : i32
      %dma_start3A_209 = tpu.memref_slice %arg12[%dma_start3A_207, %dma_start3A_208] : memref<10240x64xf32, #tpu.memory_space<vmem_shared>> -> memref<10240x64xf32, #tpu.memory_space<vmem_shared>>
      tpu.enqueue_indirect_dma source(%arg11 : memref<128x64xf32, #tpu.memory_space<vmem>>) target(%dma_start3A_209 : memref<10240x64xf32, #tpu.memory_space<vmem_shared>>) offsets(%dma_start3A_206 : memref<128xi32, #tpu.memory_space<vmem>>) semaphore(%arg20 : memref<!tpu.dma_semaphore, #tpu.memory_space<semaphore_mem>>) {add = true}
      %dma_wait3A_210 = arith.constant 0 : i32
      %dma_wait3A_211 = arith.constant 0 : i32
      %dma_wait3A_212 = tpu.memref_slice %arg12[%dma_wait3A_210, %dma_wait3A_211] : memref<10240x64xf32, #tpu.memory_space<vmem_shared>> -> memref<128x64xf32, #tpu.memory_space<vmem_shared>>
      %dma_wait3A_213 = arith.constant 0 : i32
      %dma_wait3A_214 = arith.constant 0 : i32
      %dma_wait3A_215 = tpu.memref_slice %arg12[%dma_wait3A_213, %dma_wait3A_214] : memref<10240x64xf32, #tpu.memory_space<vmem_shared>> -> memref<128x64xf32, #tpu.memory_space<vmem_shared>>
      tpu.wait_dma2 semaphore(%arg17 : memref<!tpu.dma_semaphore, #tpu.memory_space<semaphore_mem>>) src(%arg8 : memref<128x64xf32, #tpu.memory_space<vmem>>) dst(%dma_wait3A_215 : memref<128x64xf32, #tpu.memory_space<vmem_shared>>)
      %add3A_216 = arith.constant 4 : i32
      %add3A_217 = arith.addi %add3A_153, %add3A_216 : i32
      %add3A_218 = arith.constant 0 : i32
      %add3A_219 = arith.addi %add3A_217, %add3A_218 : i32
      %dma_start3A_220 = arith.constant 0 : i32
      %dma_start3A_221 = tpu.memref_slice %arg6[%add3A_219, %dma_start3A_220] : memref<80x128xi32, #tpu.memory_space<vmem>> -> memref<1x128xi32, #tpu.memory_space<vmem>>
      %dma_start3A_222 = tpu.memref_squeeze %dma_start3A_221 : memref<1x128xi32, #tpu.memory_space<vmem>> -> memref<128xi32, #tpu.memory_space<vmem>>
      %dma_start3A_223 = arith.constant 0 : i32
      %dma_start3A_224 = arith.constant 0 : i32
      %dma_start3A_225 = tpu.memref_slice %arg2[%dma_start3A_223, %dma_start3A_224] : memref<10240x64xf32, #tpu.memory_space<hbm>> -> memref<10240x64xf32, #tpu.memory_space<hbm>>
      tpu.enqueue_indirect_dma source(%dma_start3A_225 : memref<10240x64xf32, #tpu.memory_space<hbm>>) target(%arg8 : memref<128x64xf32, #tpu.memory_space<vmem>>) offsets(%dma_start3A_222 : memref<128xi32, #tpu.memory_space<vmem>>) semaphore(%arg13 : memref<!tpu.dma_semaphore, #tpu.memory_space<semaphore_mem>>)
      %dma_wait3A_226 = arith.constant 0 : i32
      %dma_wait3A_227 = arith.constant 0 : i32
      %dma_wait3A_228 = tpu.memref_slice %arg12[%dma_wait3A_226, %dma_wait3A_227] : memref<10240x64xf32, #tpu.memory_space<vmem_shared>> -> memref<128x64xf32, #tpu.memory_space<vmem_shared>>
      %dma_wait3A_229 = arith.constant 0 : i32
      %dma_wait3A_230 = arith.constant 0 : i32
      %dma_wait3A_231 = tpu.memref_slice %arg12[%dma_wait3A_229, %dma_wait3A_230] : memref<10240x64xf32, #tpu.memory_space<vmem_shared>> -> memref<128x64xf32, #tpu.memory_space<vmem_shared>>
      tpu.wait_dma2 semaphore(%arg18 : memref<!tpu.dma_semaphore, #tpu.memory_space<semaphore_mem>>) src(%arg9 : memref<128x64xf32, #tpu.memory_space<vmem>>) dst(%dma_wait3A_231 : memref<128x64xf32, #tpu.memory_space<vmem_shared>>)
      %add3A_232 = arith.constant 4 : i32
      %add3A_233 = arith.addi %add3A_153, %add3A_232 : i32
      %add3A_234 = arith.constant 1 : i32
      %add3A_235 = arith.addi %add3A_233, %add3A_234 : i32
      %dma_start3A_236 = arith.constant 0 : i32
      %dma_start3A_237 = tpu.memref_slice %arg6[%add3A_235, %dma_start3A_236] : memref<80x128xi32, #tpu.memory_space<vmem>> -> memref<1x128xi32, #tpu.memory_space<vmem>>
      %dma_start3A_238 = tpu.memref_squeeze %dma_start3A_237 : memref<1x128xi32, #tpu.memory_space<vmem>> -> memref<128xi32, #tpu.memory_space<vmem>>
      %dma_start3A_239 = arith.constant 0 : i32
      %dma_start3A_240 = arith.constant 0 : i32
      %dma_start3A_241 = tpu.memref_slice %arg2[%dma_start3A_239, %dma_start3A_240] : memref<10240x64xf32, #tpu.memory_space<hbm>> -> memref<10240x64xf32, #tpu.memory_space<hbm>>
      tpu.enqueue_indirect_dma source(%dma_start3A_241 : memref<10240x64xf32, #tpu.memory_space<hbm>>) target(%arg9 : memref<128x64xf32, #tpu.memory_space<vmem>>) offsets(%dma_start3A_238 : memref<128xi32, #tpu.memory_space<vmem>>) semaphore(%arg14 : memref<!tpu.dma_semaphore, #tpu.memory_space<semaphore_mem>>)
      %dma_wait3A_242 = arith.constant 0 : i32
      %dma_wait3A_243 = arith.constant 0 : i32
      %dma_wait3A_244 = tpu.memref_slice %arg12[%dma_wait3A_242, %dma_wait3A_243] : memref<10240x64xf32, #tpu.memory_space<vmem_shared>> -> memref<128x64xf32, #tpu.memory_space<vmem_shared>>
      %dma_wait3A_245 = arith.constant 0 : i32
      %dma_wait3A_246 = arith.constant 0 : i32
      %dma_wait3A_247 = tpu.memref_slice %arg12[%dma_wait3A_245, %dma_wait3A_246] : memref<10240x64xf32, #tpu.memory_space<vmem_shared>> -> memref<128x64xf32, #tpu.memory_space<vmem_shared>>
      tpu.wait_dma2 semaphore(%arg19 : memref<!tpu.dma_semaphore, #tpu.memory_space<semaphore_mem>>) src(%arg10 : memref<128x64xf32, #tpu.memory_space<vmem>>) dst(%dma_wait3A_247 : memref<128x64xf32, #tpu.memory_space<vmem_shared>>)
      %add3A_248 = arith.constant 4 : i32
      %add3A_249 = arith.addi %add3A_153, %add3A_248 : i32
      %add3A_250 = arith.constant 2 : i32
      %add3A_251 = arith.addi %add3A_249, %add3A_250 : i32
      %dma_start3A_252 = arith.constant 0 : i32
      %dma_start3A_253 = tpu.memref_slice %arg6[%add3A_251, %dma_start3A_252] : memref<80x128xi32, #tpu.memory_space<vmem>> -> memref<1x128xi32, #tpu.memory_space<vmem>>
      %dma_start3A_254 = tpu.memref_squeeze %dma_start3A_253 : memref<1x128xi32, #tpu.memory_space<vmem>> -> memref<128xi32, #tpu.memory_space<vmem>>
      %dma_start3A_255 = arith.constant 0 : i32
      %dma_start3A_256 = arith.constant 0 : i32
      %dma_start3A_257 = tpu.memref_slice %arg2[%dma_start3A_255, %dma_start3A_256] : memref<10240x64xf32, #tpu.memory_space<hbm>> -> memref<10240x64xf32, #tpu.memory_space<hbm>>
      tpu.enqueue_indirect_dma source(%dma_start3A_257 : memref<10240x64xf32, #tpu.memory_space<hbm>>) target(%arg10 : memref<128x64xf32, #tpu.memory_space<vmem>>) offsets(%dma_start3A_254 : memref<128xi32, #tpu.memory_space<vmem>>) semaphore(%arg15 : memref<!tpu.dma_semaphore, #tpu.memory_space<semaphore_mem>>)
      %dma_wait3A_258 = arith.constant 0 : i32
      %dma_wait3A_259 = arith.constant 0 : i32
      %dma_wait3A_260 = tpu.memref_slice %arg12[%dma_wait3A_258, %dma_wait3A_259] : memref<10240x64xf32, #tpu.memory_space<vmem_shared>> -> memref<128x64xf32, #tpu.memory_space<vmem_shared>>
      %dma_wait3A_261 = arith.constant 0 : i32
      %dma_wait3A_262 = arith.constant 0 : i32
      %dma_wait3A_263 = tpu.memref_slice %arg12[%dma_wait3A_261, %dma_wait3A_262] : memref<10240x64xf32, #tpu.memory_space<vmem_shared>> -> memref<128x64xf32, #tpu.memory_space<vmem_shared>>
      tpu.wait_dma2 semaphore(%arg20 : memref<!tpu.dma_semaphore, #tpu.memory_space<semaphore_mem>>) src(%arg11 : memref<128x64xf32, #tpu.memory_space<vmem>>) dst(%dma_wait3A_263 : memref<128x64xf32, #tpu.memory_space<vmem_shared>>)
      %add3A_264 = arith.constant 4 : i32
      %add3A_265 = arith.addi %add3A_153, %add3A_264 : i32
      %add3A_266 = arith.constant 3 : i32
      %add3A_267 = arith.addi %add3A_265, %add3A_266 : i32
      %dma_start3A_268 = arith.constant 0 : i32
      %dma_start3A_269 = tpu.memref_slice %arg6[%add3A_267, %dma_start3A_268] : memref<80x128xi32, #tpu.memory_space<vmem>> -> memref<1x128xi32, #tpu.memory_space<vmem>>
      %dma_start3A_270 = tpu.memref_squeeze %dma_start3A_269 : memref<1x128xi32, #tpu.memory_space<vmem>> -> memref<128xi32, #tpu.memory_space<vmem>>
      %dma_start3A_271 = arith.constant 0 : i32
      %dma_start3A_272 = arith.constant 0 : i32
      %dma_start3A_273 = tpu.memref_slice %arg2[%dma_start3A_271, %dma_start3A_272] : memref<10240x64xf32, #tpu.memory_space<hbm>> -> memref<10240x64xf32, #tpu.memory_space<hbm>>
      tpu.enqueue_indirect_dma source(%dma_start3A_273 : memref<10240x64xf32, #tpu.memory_space<hbm>>) target(%arg11 : memref<128x64xf32, #tpu.memory_space<vmem>>) offsets(%dma_start3A_270 : memref<128xi32, #tpu.memory_space<vmem>>) semaphore(%arg16 : memref<!tpu.dma_semaphore, #tpu.memory_space<semaphore_mem>>)
    }
    %while3A_58 = arith.constant 1 : i32
    scf.for %while3A_151 = %while3A_56 to %while3A_52 step %while3A_58  : i32 {
      %mul3A_152 = arith.muli %while3A_151, %while3A : i32
      %add3A_153 = arith.addi %while3A_49, %mul3A_152 : i32
      %dma_wait3A_154 = arith.constant 0 : i32
      %dma_wait3A_155 = arith.constant 0 : i32
      %dma_wait3A_156 = tpu.memref_slice %arg2[%dma_wait3A_154, %dma_wait3A_155] : memref<10240x64xf32, #tpu.memory_space<hbm>> -> memref<128x64xf32, #tpu.memory_space<hbm>>
      %dma_wait3A_157 = arith.constant 0 : i32
      %dma_wait3A_158 = arith.constant 0 : i32
      %dma_wait3A_159 = tpu.memref_slice %arg2[%dma_wait3A_157, %dma_wait3A_158] : memref<10240x64xf32, #tpu.memory_space<hbm>> -> memref<128x64xf32, #tpu.memory_space<hbm>>
      tpu.wait_dma2 semaphore(%arg13 : memref<!tpu.dma_semaphore, #tpu.memory_space<semaphore_mem>>) src(%dma_wait3A_159 : memref<128x64xf32, #tpu.memory_space<hbm>>) dst(%arg8 : memref<128x64xf32, #tpu.memory_space<vmem>>)
      %add3A_160 = arith.constant 0 : i32
      %add3A_161 = arith.addi %add3A_153, %add3A_160 : i32
      %dma_start3A_162 = arith.constant 0 : i32
      %dma_start3A_163 = tpu.memref_slice %arg7[%add3A_161, %dma_start3A_162] : memref<80x128xi32, #tpu.memory_space<vmem>> -> memref<1x128xi32, #tpu.memory_space<vmem>>
      %dma_start3A_164 = tpu.memref_squeeze %dma_start3A_163 : memref<1x128xi32, #tpu.memory_space<vmem>> -> memref<128xi32, #tpu.memory_space<vmem>>
      %dma_start3A_165 = arith.constant 0 : i32
      %dma_start3A_166 = arith.constant 0 : i32
      %dma_start3A_167 = tpu.memref_slice %arg12[%dma_start3A_165, %dma_start3A_166] : memref<10240x64xf32, #tpu.memory_space<vmem_shared>> -> memref<10240x64xf32, #tpu.memory_space<vmem_shared>>
      tpu.enqueue_indirect_dma source(%arg8 : memref<128x64xf32, #tpu.memory_space<vmem>>) target(%dma_start3A_167 : memref<10240x64xf32, #tpu.memory_space<vmem_shared>>) offsets(%dma_start3A_164 : memref<128xi32, #tpu.memory_space<vmem>>) semaphore(%arg17 : memref<!tpu.dma_semaphore, #tpu.memory_space<semaphore_mem>>) {add = true}
      %dma_wait3A_168 = arith.constant 0 : i32
      %dma_wait3A_169 = arith.constant 0 : i32
      %dma_wait3A_170 = tpu.memref_slice %arg2[%dma_wait3A_168, %dma_wait3A_169] : memref<10240x64xf32, #tpu.memory_space<hbm>> -> memref<128x64xf32, #tpu.memory_space<hbm>>
      %dma_wait3A_171 = arith.constant 0 : i32
      %dma_wait3A_172 = arith.constant 0 : i32
      %dma_wait3A_173 = tpu.memref_slice %arg2[%dma_wait3A_171, %dma_wait3A_172] : memref<10240x64xf32, #tpu.memory_space<hbm>> -> memref<128x64xf32, #tpu.memory_space<hbm>>
      tpu.wait_dma2 semaphore(%arg14 : memref<!tpu.dma_semaphore, #tpu.memory_space<semaphore_mem>>) src(%dma_wait3A_173 : memref<128x64xf32, #tpu.memory_space<hbm>>) dst(%arg9 : memref<128x64xf32, #tpu.memory_space<vmem>>)
      %add3A_174 = arith.constant 1 : i32
      %add3A_175 = arith.addi %add3A_153, %add3A_174 : i32
      %dma_start3A_176 = arith.constant 0 : i32
      %dma_start3A_177 = tpu.memref_slice %arg7[%add3A_175, %dma_start3A_176] : memref<80x128xi32, #tpu.memory_space<vmem>> -> memref<1x128xi32, #tpu.memory_space<vmem>>
      %dma_start3A_178 = tpu.memref_squeeze %dma_start3A_177 : memref<1x128xi32, #tpu.memory_space<vmem>> -> memref<128xi32, #tpu.memory_space<vmem>>
      %dma_start3A_179 = arith.constant 0 : i32
      %dma_start3A_180 = arith.constant 0 : i32
      %dma_start3A_181 = tpu.memref_slice %arg12[%dma_start3A_179, %dma_start3A_180] : memref<10240x64xf32, #tpu.memory_space<vmem_shared>> -> memref<10240x64xf32, #tpu.memory_space<vmem_shared>>
      tpu.enqueue_indirect_dma source(%arg9 : memref<128x64xf32, #tpu.memory_space<vmem>>) target(%dma_start3A_181 : memref<10240x64xf32, #tpu.memory_space<vmem_shared>>) offsets(%dma_start3A_178 : memref<128xi32, #tpu.memory_space<vmem>>) semaphore(%arg18 : memref<!tpu.dma_semaphore, #tpu.memory_space<semaphore_mem>>) {add = true}
      %dma_wait3A_182 = arith.constant 0 : i32
      %dma_wait3A_183 = arith.constant 0 : i32
      %dma_wait3A_184 = tpu.memref_slice %arg2[%dma_wait3A_182, %dma_wait3A_183] : memref<10240x64xf32, #tpu.memory_space<hbm>> -> memref<128x64xf32, #tpu.memory_space<hbm>>
      %dma_wait3A_185 = arith.constant 0 : i32
      %dma_wait3A_186 = arith.constant 0 : i32
      %dma_wait3A_187 = tpu.memref_slice %arg2[%dma_wait3A_185, %dma_wait3A_186] : memref<10240x64xf32, #tpu.memory_space<hbm>> -> memref<128x64xf32, #tpu.memory_space<hbm>>
      tpu.wait_dma2 semaphore(%arg15 : memref<!tpu.dma_semaphore, #tpu.memory_space<semaphore_mem>>) src(%dma_wait3A_187 : memref<128x64xf32, #tpu.memory_space<hbm>>) dst(%arg10 : memref<128x64xf32, #tpu.memory_space<vmem>>)
      %add3A_188 = arith.constant 2 : i32
      %add3A_189 = arith.addi %add3A_153, %add3A_188 : i32
      %dma_start3A_190 = arith.constant 0 : i32
      %dma_start3A_191 = tpu.memref_slice %arg7[%add3A_189, %dma_start3A_190] : memref<80x128xi32, #tpu.memory_space<vmem>> -> memref<1x128xi32, #tpu.memory_space<vmem>>
      %dma_start3A_192 = tpu.memref_squeeze %dma_start3A_191 : memref<1x128xi32, #tpu.memory_space<vmem>> -> memref<128xi32, #tpu.memory_space<vmem>>
      %dma_start3A_193 = arith.constant 0 : i32
      %dma_start3A_194 = arith.constant 0 : i32
      %dma_start3A_195 = tpu.memref_slice %arg12[%dma_start3A_193, %dma_start3A_194] : memref<10240x64xf32, #tpu.memory_space<vmem_shared>> -> memref<10240x64xf32, #tpu.memory_space<vmem_shared>>
      tpu.enqueue_indirect_dma source(%arg10 : memref<128x64xf32, #tpu.memory_space<vmem>>) target(%dma_start3A_195 : memref<10240x64xf32, #tpu.memory_space<vmem_shared>>) offsets(%dma_start3A_192 : memref<128xi32, #tpu.memory_space<vmem>>) semaphore(%arg19 : memref<!tpu.dma_semaphore, #tpu.memory_space<semaphore_mem>>) {add = true}
      %dma_wait3A_196 = arith.constant 0 : i32
      %dma_wait3A_197 = arith.constant 0 : i32
      %dma_wait3A_198 = tpu.memref_slice %arg2[%dma_wait3A_196, %dma_wait3A_197] : memref<10240x64xf32, #tpu.memory_space<hbm>> -> memref<128x64xf32, #tpu.memory_space<hbm>>
      %dma_wait3A_199 = arith.constant 0 : i32
      %dma_wait3A_200 = arith.constant 0 : i32
      %dma_wait3A_201 = tpu.memref_slice %arg2[%dma_wait3A_199, %dma_wait3A_200] : memref<10240x64xf32, #tpu.memory_space<hbm>> -> memref<128x64xf32, #tpu.memory_space<hbm>>
      tpu.wait_dma2 semaphore(%arg16 : memref<!tpu.dma_semaphore, #tpu.memory_space<semaphore_mem>>) src(%dma_wait3A_201 : memref<128x64xf32, #tpu.memory_space<hbm>>) dst(%arg11 : memref<128x64xf32, #tpu.memory_space<vmem>>)
      %add3A_202 = arith.constant 3 : i32
      %add3A_203 = arith.addi %add3A_153, %add3A_202 : i32
      %dma_start3A_204 = arith.constant 0 : i32
      %dma_start3A_205 = tpu.memref_slice %arg7[%add3A_203, %dma_start3A_204] : memref<80x128xi32, #tpu.memory_space<vmem>> -> memref<1x128xi32, #tpu.memory_space<vmem>>
      %dma_start3A_206 = tpu.memref_squeeze %dma_start3A_205 : memref<1x128xi32, #tpu.memory_space<vmem>> -> memref<128xi32, #tpu.memory_space<vmem>>
      %dma_start3A_207 = arith.constant 0 : i32
      %dma_start3A_208 = arith.constant 0 : i32
      %dma_start3A_209 = tpu.memref_slice %arg12[%dma_start3A_207, %dma_start3A_208] : memref<10240x64xf32, #tpu.memory_space<vmem_shared>> -> memref<10240x64xf32, #tpu.memory_space<vmem_shared>>
      tpu.enqueue_indirect_dma source(%arg11 : memref<128x64xf32, #tpu.memory_space<vmem>>) target(%dma_start3A_209 : memref<10240x64xf32, #tpu.memory_space<vmem_shared>>) offsets(%dma_start3A_206 : memref<128xi32, #tpu.memory_space<vmem>>) semaphore(%arg20 : memref<!tpu.dma_semaphore, #tpu.memory_space<semaphore_mem>>) {add = true}
      %dma_wait3A_210 = arith.constant 0 : i32
      %dma_wait3A_211 = arith.constant 0 : i32
      %dma_wait3A_212 = tpu.memref_slice %arg12[%dma_wait3A_210, %dma_wait3A_211] : memref<10240x64xf32, #tpu.memory_space<vmem_shared>> -> memref<128x64xf32, #tpu.memory_space<vmem_shared>>
      %dma_wait3A_213 = arith.constant 0 : i32
      %dma_wait3A_214 = arith.constant 0 : i32
      %dma_wait3A_215 = tpu.memref_slice %arg12[%dma_wait3A_213, %dma_wait3A_214] : memref<10240x64xf32, #tpu.memory_space<vmem_shared>> -> memref<128x64xf32, #tpu.memory_space<vmem_shared>>
      tpu.wait_dma2 semaphore(%arg17 : memref<!tpu.dma_semaphore, #tpu.memory_space<semaphore_mem>>) src(%arg8 : memref<128x64xf32, #tpu.memory_space<vmem>>) dst(%dma_wait3A_215 : memref<128x64xf32, #tpu.memory_space<vmem_shared>>)
      %add3A_216 = arith.constant 4 : i32
      %add3A_217 = arith.addi %add3A_153, %add3A_216 : i32
      %add3A_218 = arith.constant 0 : i32
      %add3A_219 = arith.addi %add3A_217, %add3A_218 : i32
      %dma_start3A_220 = arith.constant 0 : i32
      %dma_start3A_221 = tpu.memref_slice %arg6[%add3A_219, %dma_start3A_220] : memref<80x128xi32, #tpu.memory_space<vmem>> -> memref<1x128xi32, #tpu.memory_space<vmem>>
      %dma_start3A_222 = tpu.memref_squeeze %dma_start3A_221 : memref<1x128xi32, #tpu.memory_space<vmem>> -> memref<128xi32, #tpu.memory_space<vmem>>
      %dma_start3A_223 = arith.constant 0 : i32
      %dma_start3A_224 = arith.constant 0 : i32
      %dma_start3A_225 = tpu.memref_slice %arg2[%dma_start3A_223, %dma_start3A_224] : memref<10240x64xf32, #tpu.memory_space<hbm>> -> memref<10240x64xf32, #tpu.memory_space<hbm>>
      tpu.enqueue_indirect_dma source(%dma_start3A_225 : memref<10240x64xf32, #tpu.memory_space<hbm>>) target(%arg8 : memref<128x64xf32, #tpu.memory_space<vmem>>) offsets(%dma_start3A_222 : memref<128xi32, #tpu.memory_space<vmem>>) semaphore(%arg13 : memref<!tpu.dma_semaphore, #tpu.memory_space<semaphore_mem>>)
      %dma_wait3A_226 = arith.constant 0 : i32
      %dma_wait3A_227 = arith.constant 0 : i32
      %dma_wait3A_228 = tpu.memref_slice %arg12[%dma_wait3A_226, %dma_wait3A_227] : memref<10240x64xf32, #tpu.memory_space<vmem_shared>> -> memref<128x64xf32, #tpu.memory_space<vmem_shared>>
      %dma_wait3A_229 = arith.constant 0 : i32
      %dma_wait3A_230 = arith.constant 0 : i32
      %dma_wait3A_231 = tpu.memref_slice %arg12[%dma_wait3A_229, %dma_wait3A_230] : memref<10240x64xf32, #tpu.memory_space<vmem_shared>> -> memref<128x64xf32, #tpu.memory_space<vmem_shared>>
      tpu.wait_dma2 semaphore(%arg18 : memref<!tpu.dma_semaphore, #tpu.memory_space<semaphore_mem>>) src(%arg9 : memref<128x64xf32, #tpu.memory_space<vmem>>) dst(%dma_wait3A_231 : memref<128x64xf32, #tpu.memory_space<vmem_shared>>)
      %add3A_232 = arith.constant 4 : i32
      %add3A_233 = arith.addi %add3A_153, %add3A_232 : i32
      %add3A_234 = arith.constant 1 : i32
      %add3A_235 = arith.addi %add3A_233, %add3A_234 : i32
      %dma_start3A_236 = arith.constant 0 : i32
      %dma_start3A_237 = tpu.memref_slice %arg6[%add3A_235, %dma_start3A_236] : memref<80x128xi32, #tpu.memory_space<vmem>> -> memref<1x128xi32, #tpu.memory_space<vmem>>
      %dma_start3A_238 = tpu.memref_squeeze %dma_start3A_237 : memref<1x128xi32, #tpu.memory_space<vmem>> -> memref<128xi32, #tpu.memory_space<vmem>>
      %dma_start3A_239 = arith.constant 0 : i32
      %dma_start3A_240 = arith.constant 0 : i32
      %dma_start3A_241 = tpu.memref_slice %arg2[%dma_start3A_239, %dma_start3A_240] : memref<10240x64xf32, #tpu.memory_space<hbm>> -> memref<10240x64xf32, #tpu.memory_space<hbm>>
      tpu.enqueue_indirect_dma source(%dma_start3A_241 : memref<10240x64xf32, #tpu.memory_space<hbm>>) target(%arg9 : memref<128x64xf32, #tpu.memory_space<vmem>>) offsets(%dma_start3A_238 : memref<128xi32, #tpu.memory_space<vmem>>) semaphore(%arg14 : memref<!tpu.dma_semaphore, #tpu.memory_space<semaphore_mem>>)
      %dma_wait3A_242 = arith.constant 0 : i32
      %dma_wait3A_243 = arith.constant 0 : i32
      %dma_wait3A_244 = tpu.memref_slice %arg12[%dma_wait3A_242, %dma_wait3A_243] : memref<10240x64xf32, #tpu.memory_space<vmem_shared>> -> memref<128x64xf32, #tpu.memory_space<vmem_shared>>
      %dma_wait3A_245 = arith.constant 0 : i32
      %dma_wait3A_246 = arith.constant 0 : i32
      %dma_wait3A_247 = tpu.memref_slice %arg12[%dma_wait3A_245, %dma_wait3A_246] : memref<10240x64xf32, #tpu.memory_space<vmem_shared>> -> memref<128x64xf32, #tpu.memory_space<vmem_shared>>
      tpu.wait_dma2 semaphore(%arg19 : memref<!tpu.dma_semaphore, #tpu.memory_space<semaphore_mem>>) src(%arg10 : memref<128x64xf32, #tpu.memory_space<vmem>>) dst(%dma_wait3A_247 : memref<128x64xf32, #tpu.memory_space<vmem_shared>>)
      %add3A_248 = arith.constant 4 : i32
      %add3A_249 = arith.addi %add3A_153, %add3A_248 : i32
      %add3A_250 = arith.constant 2 : i32
      %add3A_251 = arith.addi %add3A_249, %add3A_250 : i32
      %dma_start3A_252 = arith.constant 0 : i32
      %dma_start3A_253 = tpu.memref_slice %arg6[%add3A_251, %dma_start3A_252] : memref<80x128xi32, #tpu.memory_space<vmem>> -> memref<1x128xi32, #tpu.memory_space<vmem>>
      %dma_start3A_254 = tpu.memref_squeeze %dma_start3A_253 : memref<1x128xi32, #tpu.memory_space<vmem>> -> memref<128xi32, #tpu.memory_space<vmem>>
      %dma_start3A_255 = arith.constant 0 : i32
      %dma_start3A_256 = arith.constant 0 : i32
      %dma_start3A_257 = tpu.memref_slice %arg2[%dma_start3A_255, %dma_start3A_256] : memref<10240x64xf32, #tpu.memory_space<hbm>> -> memref<10240x64xf32, #tpu.memory_space<hbm>>
      tpu.enqueue_indirect_dma source(%dma_start3A_257 : memref<10240x64xf32, #tpu.memory_space<hbm>>) target(%arg10 : memref<128x64xf32, #tpu.memory_space<vmem>>) offsets(%dma_start3A_254 : memref<128xi32, #tpu.memory_space<vmem>>) semaphore(%arg15 : memref<!tpu.dma_semaphore, #tpu.memory_space<semaphore_mem>>)
      %dma_wait3A_258 = arith.constant 0 : i32
      %dma_wait3A_259 = arith.constant 0 : i32
      %dma_wait3A_260 = tpu.memref_slice %arg12[%dma_wait3A_258, %dma_wait3A_259] : memref<10240x64xf32, #tpu.memory_space<vmem_shared>> -> memref<128x64xf32, #tpu.memory_space<vmem_shared>>
      %dma_wait3A_261 = arith.constant 0 : i32
      %dma_wait3A_262 = arith.constant 0 : i32
      %dma_wait3A_263 = tpu.memref_slice %arg12[%dma_wait3A_261, %dma_wait3A_262] : memref<10240x64xf32, #tpu.memory_space<vmem_shared>> -> memref<128x64xf32, #tpu.memory_space<vmem_shared>>
      tpu.wait_dma2 semaphore(%arg20 : memref<!tpu.dma_semaphore, #tpu.memory_space<semaphore_mem>>) src(%arg11 : memref<128x64xf32, #tpu.memory_space<vmem>>) dst(%dma_wait3A_263 : memref<128x64xf32, #tpu.memory_space<vmem_shared>>)
      %add3A_264 = arith.constant 4 : i32
      %add3A_265 = arith.addi %add3A_153, %add3A_264 : i32
      %add3A_266 = arith.constant 3 : i32
      %add3A_267 = arith.addi %add3A_265, %add3A_266 : i32
      %dma_start3A_268 = arith.constant 0 : i32
      %dma_start3A_269 = tpu.memref_slice %arg6[%add3A_267, %dma_start3A_268] : memref<80x128xi32, #tpu.memory_space<vmem>> -> memref<1x128xi32, #tpu.memory_space<vmem>>
      %dma_start3A_270 = tpu.memref_squeeze %dma_start3A_269 : memref<1x128xi32, #tpu.memory_space<vmem>> -> memref<128xi32, #tpu.memory_space<vmem>>
      %dma_start3A_271 = arith.constant 0 : i32
      %dma_start3A_272 = arith.constant 0 : i32
      %dma_start3A_273 = tpu.memref_slice %arg2[%dma_start3A_271, %dma_start3A_272] : memref<10240x64xf32, #tpu.memory_space<hbm>> -> memref<10240x64xf32, #tpu.memory_space<hbm>>
      tpu.enqueue_indirect_dma source(%dma_start3A_273 : memref<10240x64xf32, #tpu.memory_space<hbm>>) target(%arg11 : memref<128x64xf32, #tpu.memory_space<vmem>>) offsets(%dma_start3A_270 : memref<128xi32, #tpu.memory_space<vmem>>) semaphore(%arg16 : memref<!tpu.dma_semaphore, #tpu.memory_space<semaphore_mem>>)
    }
    %dma_wait3A = arith.constant 0 : i32
    %dma_wait3A_59 = arith.constant 0 : i32
    %dma_wait3A_60 = tpu.memref_slice %arg2[%dma_wait3A, %dma_wait3A_59] : memref<10240x64xf32, #tpu.memory_space<hbm>> -> memref<128x64xf32, #tpu.memory_space<hbm>>
    %dma_wait3A_61 = arith.constant 0 : i32
    %dma_wait3A_62 = arith.constant 0 : i32
    %dma_wait3A_63 = tpu.memref_slice %arg2[%dma_wait3A_61, %dma_wait3A_62] : memref<10240x64xf32, #tpu.memory_space<hbm>> -> memref<128x64xf32, #tpu.memory_space<hbm>>
    tpu.wait_dma2 semaphore(%arg13 : memref<!tpu.dma_semaphore, #tpu.memory_space<semaphore_mem>>) src(%dma_wait3A_63 : memref<128x64xf32, #tpu.memory_space<hbm>>) dst(%arg8 : memref<128x64xf32, #tpu.memory_space<vmem>>)
    %sub3A_64 = arith.constant 4 : i32
    %sub3A_65 = arith.subi %select_n3A, %sub3A_64 : i32
    %add3A_66 = arith.constant 0 : i32
    %add3A_67 = arith.addi %sub3A_65, %add3A_66 : i32
    %dma_start3A_68 = arith.constant 0 : i32
    %dma_start3A_69 = tpu.memref_slice %arg7[%add3A_67, %dma_start3A_68] : memref<80x128xi32, #tpu.memory_space<vmem>> -> memref<1x128xi32, #tpu.memory_space<vmem>>
    %dma_start3A_70 = tpu.memref_squeeze %dma_start3A_69 : memref<1x128xi32, #tpu.memory_space<vmem>> -> memref<128xi32, #tpu.memory_space<vmem>>
    %dma_start3A_71 = arith.constant 0 : i32
    %dma_start3A_72 = arith.constant 0 : i32
    %dma_start3A_73 = tpu.memref_slice %arg12[%dma_start3A_71, %dma_start3A_72] : memref<10240x64xf32, #tpu.memory_space<vmem_shared>> -> memref<10240x64xf32, #tpu.memory_space<vmem_shared>>
    tpu.enqueue_indirect_dma source(%arg8 : memref<128x64xf32, #tpu.memory_space<vmem>>) target(%dma_start3A_73 : memref<10240x64xf32, #tpu.memory_space<vmem_shared>>) offsets(%dma_start3A_70 : memref<128xi32, #tpu.memory_space<vmem>>) semaphore(%arg17 : memref<!tpu.dma_semaphore, #tpu.memory_space<semaphore_mem>>) {add = true}
    %dma_wait3A_74 = arith.constant 0 : i32
    %dma_wait3A_75 = arith.constant 0 : i32
    %dma_wait3A_76 = tpu.memref_slice %arg2[%dma_wait3A_74, %dma_wait3A_75] : memref<10240x64xf32, #tpu.memory_space<hbm>> -> memref<128x64xf32, #tpu.memory_space<hbm>>
    %dma_wait3A_77 = arith.constant 0 : i32
    %dma_wait3A_78 = arith.constant 0 : i32
    %dma_wait3A_79 = tpu.memref_slice %arg2[%dma_wait3A_77, %dma_wait3A_78] : memref<10240x64xf32, #tpu.memory_space<hbm>> -> memref<128x64xf32, #tpu.memory_space<hbm>>
    tpu.wait_dma2 semaphore(%arg14 : memref<!tpu.dma_semaphore, #tpu.memory_space<semaphore_mem>>) src(%dma_wait3A_79 : memref<128x64xf32, #tpu.memory_space<hbm>>) dst(%arg9 : memref<128x64xf32, #tpu.memory_space<vmem>>)
    %sub3A_80 = arith.constant 4 : i32
    %sub3A_81 = arith.subi %select_n3A, %sub3A_80 : i32
    %add3A_82 = arith.constant 1 : i32
    %add3A_83 = arith.addi %sub3A_81, %add3A_82 : i32
    %dma_start3A_84 = arith.constant 0 : i32
    %dma_start3A_85 = tpu.memref_slice %arg7[%add3A_83, %dma_start3A_84] : memref<80x128xi32, #tpu.memory_space<vmem>> -> memref<1x128xi32, #tpu.memory_space<vmem>>
    %dma_start3A_86 = tpu.memref_squeeze %dma_start3A_85 : memref<1x128xi32, #tpu.memory_space<vmem>> -> memref<128xi32, #tpu.memory_space<vmem>>
    %dma_start3A_87 = arith.constant 0 : i32
    %dma_start3A_88 = arith.constant 0 : i32
    %dma_start3A_89 = tpu.memref_slice %arg12[%dma_start3A_87, %dma_start3A_88] : memref<10240x64xf32, #tpu.memory_space<vmem_shared>> -> memref<10240x64xf32, #tpu.memory_space<vmem_shared>>
    tpu.enqueue_indirect_dma source(%arg9 : memref<128x64xf32, #tpu.memory_space<vmem>>) target(%dma_start3A_89 : memref<10240x64xf32, #tpu.memory_space<vmem_shared>>) offsets(%dma_start3A_86 : memref<128xi32, #tpu.memory_space<vmem>>) semaphore(%arg18 : memref<!tpu.dma_semaphore, #tpu.memory_space<semaphore_mem>>) {add = true}
    %dma_wait3A_90 = arith.constant 0 : i32
    %dma_wait3A_91 = arith.constant 0 : i32
    %dma_wait3A_92 = tpu.memref_slice %arg2[%dma_wait3A_90, %dma_wait3A_91] : memref<10240x64xf32, #tpu.memory_space<hbm>> -> memref<128x64xf32, #tpu.memory_space<hbm>>
    %dma_wait3A_93 = arith.constant 0 : i32
    %dma_wait3A_94 = arith.constant 0 : i32
    %dma_wait3A_95 = tpu.memref_slice %arg2[%dma_wait3A_93, %dma_wait3A_94] : memref<10240x64xf32, #tpu.memory_space<hbm>> -> memref<128x64xf32, #tpu.memory_space<hbm>>
    tpu.wait_dma2 semaphore(%arg15 : memref<!tpu.dma_semaphore, #tpu.memory_space<semaphore_mem>>) src(%dma_wait3A_95 : memref<128x64xf32, #tpu.memory_space<hbm>>) dst(%arg10 : memref<128x64xf32, #tpu.memory_space<vmem>>)
    %sub3A_96 = arith.constant 4 : i32
    %sub3A_97 = arith.subi %select_n3A, %sub3A_96 : i32
    %add3A_98 = arith.constant 2 : i32
    %add3A_99 = arith.addi %sub3A_97, %add3A_98 : i32
    %dma_start3A_100 = arith.constant 0 : i32
    %dma_start3A_101 = tpu.memref_slice %arg7[%add3A_99, %dma_start3A_100] : memref<80x128xi32, #tpu.memory_space<vmem>> -> memref<1x128xi32, #tpu.memory_space<vmem>>
    %dma_start3A_102 = tpu.memref_squeeze %dma_start3A_101 : memref<1x128xi32, #tpu.memory_space<vmem>> -> memref<128xi32, #tpu.memory_space<vmem>>
    %dma_start3A_103 = arith.constant 0 : i32
    %dma_start3A_104 = arith.constant 0 : i32
    %dma_start3A_105 = tpu.memref_slice %arg12[%dma_start3A_103, %dma_start3A_104] : memref<10240x64xf32, #tpu.memory_space<vmem_shared>> -> memref<10240x64xf32, #tpu.memory_space<vmem_shared>>
    tpu.enqueue_indirect_dma source(%arg10 : memref<128x64xf32, #tpu.memory_space<vmem>>) target(%dma_start3A_105 : memref<10240x64xf32, #tpu.memory_space<vmem_shared>>) offsets(%dma_start3A_102 : memref<128xi32, #tpu.memory_space<vmem>>) semaphore(%arg19 : memref<!tpu.dma_semaphore, #tpu.memory_space<semaphore_mem>>) {add = true}
    %dma_wait3A_106 = arith.constant 0 : i32
    %dma_wait3A_107 = arith.constant 0 : i32
    %dma_wait3A_108 = tpu.memref_slice %arg2[%dma_wait3A_106, %dma_wait3A_107] : memref<10240x64xf32, #tpu.memory_space<hbm>> -> memref<128x64xf32, #tpu.memory_space<hbm>>
    %dma_wait3A_109 = arith.constant 0 : i32
    %dma_wait3A_110 = arith.constant 0 : i32
    %dma_wait3A_111 = tpu.memref_slice %arg2[%dma_wait3A_109, %dma_wait3A_110] : memref<10240x64xf32, #tpu.memory_space<hbm>> -> memref<128x64xf32, #tpu.memory_space<hbm>>
    tpu.wait_dma2 semaphore(%arg16 : memref<!tpu.dma_semaphore, #tpu.memory_space<semaphore_mem>>) src(%dma_wait3A_111 : memref<128x64xf32, #tpu.memory_space<hbm>>) dst(%arg11 : memref<128x64xf32, #tpu.memory_space<vmem>>)
    %sub3A_112 = arith.constant 4 : i32
    %sub3A_113 = arith.subi %select_n3A, %sub3A_112 : i32
    %add3A_114 = arith.constant 3 : i32
    %add3A_115 = arith.addi %sub3A_113, %add3A_114 : i32
    %dma_start3A_116 = arith.constant 0 : i32
    %dma_start3A_117 = tpu.memref_slice %arg7[%add3A_115, %dma_start3A_116] : memref<80x128xi32, #tpu.memory_space<vmem>> -> memref<1x128xi32, #tpu.memory_space<vmem>>
    %dma_start3A_118 = tpu.memref_squeeze %dma_start3A_117 : memref<1x128xi32, #tpu.memory_space<vmem>> -> memref<128xi32, #tpu.memory_space<vmem>>
    %dma_start3A_119 = arith.constant 0 : i32
    %dma_start3A_120 = arith.constant 0 : i32
    %dma_start3A_121 = tpu.memref_slice %arg12[%dma_start3A_119, %dma_start3A_120] : memref<10240x64xf32, #tpu.memory_space<vmem_shared>> -> memref<10240x64xf32, #tpu.memory_space<vmem_shared>>
    tpu.enqueue_indirect_dma source(%arg11 : memref<128x64xf32, #tpu.memory_space<vmem>>) target(%dma_start3A_121 : memref<10240x64xf32, #tpu.memory_space<vmem_shared>>) offsets(%dma_start3A_118 : memref<128xi32, #tpu.memory_space<vmem>>) semaphore(%arg20 : memref<!tpu.dma_semaphore, #tpu.memory_space<semaphore_mem>>) {add = true}
    %dma_wait3A_122 = arith.constant 0 : i32
    %dma_wait3A_123 = arith.constant 0 : i32
    %dma_wait3A_124 = tpu.memref_slice %arg12[%dma_wait3A_122, %dma_wait3A_123] : memref<10240x64xf32, #tpu.memory_space<vmem_shared>> -> memref<128x64xf32, #tpu.memory_space<vmem_shared>>
    %dma_wait3A_125 = arith.constant 0 : i32
    %dma_wait3A_126 = arith.constant 0 : i32
    %dma_wait3A_127 = tpu.memref_slice %arg12[%dma_wait3A_125, %dma_wait3A_126] : memref<10240x64xf32, #tpu.memory_space<vmem_shared>> -> memref<128x64xf32, #tpu.memory_space<vmem_shared>>
    tpu.wait_dma2 semaphore(%arg17 : memref<!tpu.dma_semaphore, #tpu.memory_space<semaphore_mem>>) src(%arg8 : memref<128x64xf32, #tpu.memory_space<vmem>>) dst(%dma_wait3A_127 : memref<128x64xf32, #tpu.memory_space<vmem_shared>>)
    %dma_wait3A_128 = arith.constant 0 : i32
    %dma_wait3A_129 = arith.constant 0 : i32
    %dma_wait3A_130 = tpu.memref_slice %arg12[%dma_wait3A_128, %dma_wait3A_129] : memref<10240x64xf32, #tpu.memory_space<vmem_shared>> -> memref<128x64xf32, #tpu.memory_space<vmem_shared>>
    %dma_wait3A_131 = arith.constant 0 : i32
    %dma_wait3A_132 = arith.constant 0 : i32
    %dma_wait3A_133 = tpu.memref_slice %arg12[%dma_wait3A_131, %dma_wait3A_132] : memref<10240x64xf32, #tpu.memory_space<vmem_shared>> -> memref<128x64xf32, #tpu.memory_space<vmem_shared>>
    tpu.wait_dma2 semaphore(%arg18 : memref<!tpu.dma_semaphore, #tpu.memory_space<semaphore_mem>>) src(%arg9 : memref<128x64xf32, #tpu.memory_space<vmem>>) dst(%dma_wait3A_133 : memref<128x64xf32, #tpu.memory_space<vmem_shared>>)
    %dma_wait3A_134 = arith.constant 0 : i32
    %dma_wait3A_135 = arith.constant 0 : i32
    %dma_wait3A_136 = tpu.memref_slice %arg12[%dma_wait3A_134, %dma_wait3A_135] : memref<10240x64xf32, #tpu.memory_space<vmem_shared>> -> memref<128x64xf32, #tpu.memory_space<vmem_shared>>
    %dma_wait3A_137 = arith.constant 0 : i32
    %dma_wait3A_138 = arith.constant 0 : i32
    %dma_wait3A_139 = tpu.memref_slice %arg12[%dma_wait3A_137, %dma_wait3A_138] : memref<10240x64xf32, #tpu.memory_space<vmem_shared>> -> memref<128x64xf32, #tpu.memory_space<vmem_shared>>
    tpu.wait_dma2 semaphore(%arg19 : memref<!tpu.dma_semaphore, #tpu.memory_space<semaphore_mem>>) src(%arg10 : memref<128x64xf32, #tpu.memory_space<vmem>>) dst(%dma_wait3A_139 : memref<128x64xf32, #tpu.memory_space<vmem_shared>>)
    %dma_wait3A_140 = arith.constant 0 : i32
    %dma_wait3A_141 = arith.constant 0 : i32
    %dma_wait3A_142 = tpu.memref_slice %arg12[%dma_wait3A_140, %dma_wait3A_141] : memref<10240x64xf32, #tpu.memory_space<vmem_shared>> -> memref<128x64xf32, #tpu.memory_space<vmem_shared>>
    %dma_wait3A_143 = arith.constant 0 : i32
    %dma_wait3A_144 = arith.constant 0 : i32
    %dma_wait3A_145 = tpu.memref_slice %arg12[%dma_wait3A_143, %dma_wait3A_144] : memref<10240x64xf32, #tpu.memory_space<vmem_shared>> -> memref<128x64xf32, #tpu.memory_space<vmem_shared>>
    tpu.wait_dma2 semaphore(%arg20 : memref<!tpu.dma_semaphore, #tpu.memory_space<semaphore_mem>>) src(%arg11 : memref<128x64xf32, #tpu.memory_space<vmem>>) dst(%dma_wait3A_145 : memref<128x64xf32, #tpu.memory_space<vmem_shared>>)
    %barrier3A_146 = arith.constant 0 : index
    tpu.barrier barrier_id(%barrier3A_146)
    %mul3A_147 = arith.constant 640 : i32
    %mul3A_148 = arith.muli %arg1, %mul3A_147 : i32
    %mul3A_149 = arith.constant 640 : i32
    %mul3A_150 = arith.muli %arg1, %mul3A_149 : i32
    "tpu.region"() ({
      %run_scoped3A = tpu.sem_alloc : memref<!tpu.dma_semaphore, #tpu.memory_space<semaphore_mem>>
      %dma_start3A_151 = arith.constant 0 : i32
      %dma_start3A_152 = arith.constant 0 : i32
      %dma_start3A_153 = tpu.memref_slice %arg5[%arg0, %dma_start3A_151, %dma_start3A_152] : memref<2x10240x64xf32, #tpu.memory_space<hbm>> -> memref<1x10240x64xf32, #tpu.memory_space<hbm>>
      %dma_start3A_154 = tpu.memref_squeeze %dma_start3A_153 : memref<1x10240x64xf32, #tpu.memory_space<hbm>> -> memref<10240x64xf32, #tpu.memory_space<hbm>>
      %dma_start3A_155 = arith.constant 0 : i32
      %dma_start3A_156 = tpu.memref_slice %dma_start3A_154[%mul3A_150, %dma_start3A_155] : memref<10240x64xf32, #tpu.memory_space<hbm>> -> memref<640x64xf32, #tpu.memory_space<hbm>>
      %dma_start3A_157 = arith.constant 0 : i32
      %dma_start3A_158 = tpu.memref_slice %arg12[%mul3A_148, %dma_start3A_157] : memref<10240x64xf32, #tpu.memory_space<vmem_shared>> -> memref<640x64xf32, #tpu.memory_space<vmem_shared>>
      tpu.enqueue_dma source(%dma_start3A_158 : memref<640x64xf32, #tpu.memory_space<vmem_shared>>) target(%dma_start3A_156 : memref<640x64xf32, #tpu.memory_space<hbm>>) target_semaphore(%run_scoped3A : memref<!tpu.dma_semaphore, #tpu.memory_space<semaphore_mem>>)
      %dma_wait3A_159 = arith.constant 0 : i32
      %dma_wait3A_160 = arith.constant 0 : i32
      %dma_wait3A_161 = tpu.memref_slice %arg5[%arg0, %dma_wait3A_159, %dma_wait3A_160] : memref<2x10240x64xf32, #tpu.memory_space<hbm>> -> memref<1x10240x64xf32, #tpu.memory_space<hbm>>
      %dma_wait3A_162 = tpu.memref_squeeze %dma_wait3A_161 : memref<1x10240x64xf32, #tpu.memory_space<hbm>> -> memref<10240x64xf32, #tpu.memory_space<hbm>>
      %dma_wait3A_163 = arith.constant 0 : i32
      %dma_wait3A_164 = tpu.memref_slice %dma_wait3A_162[%mul3A_150, %dma_wait3A_163] : memref<10240x64xf32, #tpu.memory_space<hbm>> -> memref<640x64xf32, #tpu.memory_space<hbm>>
      %dma_wait3A_165 = arith.constant 0 : i32
      %dma_wait3A_166 = tpu.memref_slice %arg12[%mul3A_148, %dma_wait3A_165] : memref<10240x64xf32, #tpu.memory_space<vmem_shared>> -> memref<640x64xf32, #tpu.memory_space<vmem_shared>>
      tpu.wait_dma2 semaphore(%run_scoped3A : memref<!tpu.dma_semaphore, #tpu.memory_space<semaphore_mem>>) src(%dma_wait3A_166 : memref<640x64xf32, #tpu.memory_space<vmem_shared>>) dst(%dma_wait3A_164 : memref<640x64xf32, #tpu.memory_space<hbm>>)
      tpu.yield
    }) : () -> ()
    return
  }
}

module attributes {stable_mosaic.version = 14 : i64} {
  func.func @_mid_body(%arg0: i32, %arg1: memref<2x1024x128xf32, #tpu.memory_space<vmem>>, %arg2: memref<1024x128xf32, #tpu.memory_space<vmem>>, %arg3: memref<1024x128xf32, #tpu.memory_space<vmem>>, %arg4: memref<1024x128xf32, #tpu.memory_space<vmem>>, %arg5: memref<1x128xf32, #tpu.memory_space<vmem>>, %arg6: memref<128x128xf32, #tpu.memory_space<vmem>>, %arg7: memref<1024x128xf32, #tpu.memory_space<vmem>>, %arg8: memref<1024x128xf32, #tpu.memory_space<vmem>>) attributes {dimension_semantics = [#tpu.dimension_semantics<arbitrary>], iteration_bounds = array<i64: 5>, scalar_prefetch = 0 : i64, scratch_operands = 0 : i64, tpu.core_type = #tpu.core_type<tc>, window_params = [{transform_indices = @transform_0, window_bounds = array<i64: 2, 1024, 128>}, {transform_indices = @transform_1, window_bounds = array<i64: 1024, 128>}, {transform_indices = @transform_2, window_bounds = array<i64: 1024, 128>}, {transform_indices = @transform_3, window_bounds = array<i64: 1024, 128>}, {pipeline_mode = #tpu.pipeline_mode<synchronous>, transform_indices = @transform_4, window_bounds = array<i64: 1, 128>}, {pipeline_mode = #tpu.pipeline_mode<synchronous>, transform_indices = @transform_5, window_bounds = array<i64: 128, 128>}, {transform_indices = @transform_6, window_bounds = array<i64: 1024, 128>}, {transform_indices = @transform_7, window_bounds = array<i64: 1024, 128>}]} {
    %get3A = arith.constant 0 : index
    %get3A_0 = arith.constant 0 : index
    %get3A_1 = vector.load %arg3[%get3A, %get3A_0] : memref<1024x128xf32, #tpu.memory_space<vmem>>, vector<1024x128xf32>
    %get3A_2 = arith.constant 0 : index
    %get3A_3 = arith.constant 0 : index
    %get3A_4 = arith.constant 0 : index
    %get3A_5 = vector.load %arg1[%get3A_2, %get3A_3, %get3A_4] : memref<2x1024x128xf32, #tpu.memory_space<vmem>>, vector<1x1024x128xf32>
    %get3A_6 = vector.shape_cast %get3A_5 : vector<1x1024x128xf32> to vector<1024x128xf32>
    %get3A_7 = arith.constant 1 : index
    %get3A_8 = arith.constant 0 : index
    %get3A_9 = arith.constant 0 : index
    %get3A_10 = vector.load %arg1[%get3A_7, %get3A_8, %get3A_9] : memref<2x1024x128xf32, #tpu.memory_space<vmem>>, vector<1x1024x128xf32>
    %get3A_11 = vector.shape_cast %get3A_10 : vector<1x1024x128xf32> to vector<1024x128xf32>
    %add3A = arith.addf %get3A_6, %get3A_11 : vector<1024x128xf32>
    %mul3A = arith.mulf %get3A_1, %add3A : vector<1024x128xf32>
    %get3A_12 = arith.constant 0 : index
    %get3A_13 = arith.constant 0 : index
    %get3A_14 = vector.load %arg2[%get3A_12, %get3A_13] : memref<1024x128xf32, #tpu.memory_space<vmem>>, vector<1024x128xf32>
    %get3A_15 = arith.constant 0 : index
    %get3A_16 = arith.constant 0 : index
    %get3A_17 = vector.load %arg4[%get3A_15, %get3A_16] : memref<1024x128xf32, #tpu.memory_space<vmem>>, vector<1024x128xf32>
    %mul3A_18 = arith.mulf %get3A_14, %get3A_17 : vector<1024x128xf32>
    %add3A_19 = arith.addf %mul3A, %mul3A_18 : vector<1024x128xf32>
    %get3A_20 = arith.constant 0 : index
    %get3A_21 = arith.constant 0 : index
    %get3A_22 = vector.load %arg5[%get3A_20, %get3A_21] : memref<1x128xf32, #tpu.memory_space<vmem>>, vector<1x128xf32>
    %add3A_23 = vector.broadcast %get3A_22 : vector<1x128xf32> to vector<1024x128xf32>
    %add3A_24 = arith.addf %add3A_19, %add3A_23 : vector<1024x128xf32>
    %get3A_25 = arith.constant 0 : index
    %get3A_26 = arith.constant 0 : index
    %get3A_27 = vector.load %arg6[%get3A_25, %get3A_26] : memref<128x128xf32, #tpu.memory_space<vmem>>, vector<128x128xf32>
    %dot_general3A = arith.constant dense<0.000000e+00> : vector<1024x128xf32>
    %dot_general3A_28 = tpu.matmul %add3A_24, %get3A_27, %dot_general3A {dimension_numbers = #tpu.dot_dimension_numbers<[1], [0], [0], [1], [0, 0, 1, 1], [], []>, transpose_lhs_hint = false} : vector<1024x128xf32>, vector<128x128xf32>, vector<1024x128xf32> -> vector<1024x128xf32>
    %swap3A = arith.constant 0 : index
    %swap3A_29 = arith.constant 0 : index
    %swap3A_30 = vector.load %arg7[%swap3A, %swap3A_29] : memref<1024x128xf32, #tpu.memory_space<vmem>>, vector<1024x128xf32>
    tpu.vector_store %arg7[%swap3A, %swap3A_29], %dot_general3A_28 {strides = array<i32>} : memref<1024x128xf32, #tpu.memory_space<vmem>>, vector<1024x128xf32>,
    %get3A_31 = arith.constant 0 : index
    %get3A_32 = arith.constant 0 : index
    %get3A_33 = vector.load %arg3[%get3A_31, %get3A_32] : memref<1024x128xf32, #tpu.memory_space<vmem>>, vector<1024x128xf32>
    %mul3A_34 = arith.mulf %dot_general3A_28, %get3A_33 : vector<1024x128xf32>
    %swap3A_35 = arith.constant 0 : index
    %swap3A_36 = arith.constant 0 : index
    %swap3A_37 = vector.load %arg8[%swap3A_35, %swap3A_36] : memref<1024x128xf32, #tpu.memory_space<vmem>>, vector<1024x128xf32>
    tpu.vector_store %arg8[%swap3A_35, %swap3A_36], %mul3A_34 {strides = array<i32>} : memref<1024x128xf32, #tpu.memory_space<vmem>>, vector<1024x128xf32>,
    return
  }
  func.func @transform_0(%arg0: i32) -> (i32, i32, i32) {
    %c0_i32 = arith.constant 0 : i32
    %c0_i32_0 = arith.constant 0 : i32
    %c0_i32_1 = arith.constant 0 : i32
    return %c0_i32, %arg0, %c0_i32_0 : i32, i32, i32
  }
  func.func @transform_1(%arg0: i32) -> (i32, i32) {
    %c0_i32 = arith.constant 0 : i32
    %c0_i32_0 = arith.constant 0 : i32
    return %arg0, %c0_i32 : i32, i32
  }
  func.func @transform_2(%arg0: i32) -> (i32, i32) {
    %c0_i32 = arith.constant 0 : i32
    %c0_i32_0 = arith.constant 0 : i32
    return %arg0, %c0_i32 : i32, i32
  }
  func.func @transform_3(%arg0: i32) -> (i32, i32) {
    %c0_i32 = arith.constant 0 : i32
    %c0_i32_0 = arith.constant 0 : i32
    return %arg0, %c0_i32 : i32, i32
  }
  func.func @transform_4(%arg0: i32) -> (i32, i32) {
    %c0_i32 = arith.constant 0 : i32
    %c0_i32_0 = arith.constant 0 : i32
    %c0_i32_1 = arith.constant 0 : i32
    return %c0_i32, %c0_i32_0 : i32, i32
  }
  func.func @transform_5(%arg0: i32) -> (i32, i32) {
    %c0_i32 = arith.constant 0 : i32
    %c0_i32_0 = arith.constant 0 : i32
    %c0_i32_1 = arith.constant 0 : i32
    return %c0_i32, %c0_i32_0 : i32, i32
  }
  func.func @transform_6(%arg0: i32) -> (i32, i32) {
    %c0_i32 = arith.constant 0 : i32
    %c0_i32_0 = arith.constant 0 : i32
    return %arg0, %c0_i32 : i32, i32
  }
  func.func @transform_7(%arg0: i32) -> (i32, i32) {
    %c0_i32 = arith.constant 0 : i32
    %c0_i32_0 = arith.constant 0 : i32
    return %arg0, %c0_i32 : i32, i32
  }
}

module attributes {stable_mosaic.version = 14 : i64} {
  func.func @_k1_body(%arg0: i32, %arg1: memref<1024x256xf32, #tpu.memory_space<vmem>>, %arg2: memref<256x128xf32, #tpu.memory_space<vmem>>, %arg3: memref<2x1024x128xf32, #tpu.memory_space<vmem>>, %arg4: memref<1024x128xf32, #tpu.memory_space<vmem>>, %arg5: memref<1024x128xf32, #tpu.memory_space<vmem>>, %arg6: memref<1024x128xf32, #tpu.memory_space<vmem>>, %arg7: memref<1024x128xf32, #tpu.memory_space<vmem>>) attributes {dimension_semantics = [#tpu.dimension_semantics<arbitrary>], iteration_bounds = array<i64: 5>, scalar_prefetch = 0 : i64, scratch_operands = 0 : i64, tpu.core_type = #tpu.core_type<tc>, window_params = [{transform_indices = @transform_0, window_bounds = array<i64: 1024, 256>}, {pipeline_mode = #tpu.pipeline_mode<synchronous>, transform_indices = @transform_1, window_bounds = array<i64: 256, 128>}, {transform_indices = @transform_2, window_bounds = array<i64: 2, 1024, 128>}, {transform_indices = @transform_3, window_bounds = array<i64: 1024, 128>}, {transform_indices = @transform_4, window_bounds = array<i64: 1024, 128>}, {transform_indices = @transform_5, window_bounds = array<i64: 1024, 128>}, {transform_indices = @transform_6, window_bounds = array<i64: 1024, 128>}]} {
    %get3A = arith.constant 0 : index
    %get3A_0 = arith.constant 0 : index
    %get3A_1 = arith.constant 0 : index
    %get3A_2 = vector.load %arg3[%get3A, %get3A_0, %get3A_1] : memref<2x1024x128xf32, #tpu.memory_space<vmem>>, vector<1x1024x128xf32>
    %get3A_3 = vector.shape_cast %get3A_2 : vector<1x1024x128xf32> to vector<1024x128xf32>
    %get3A_4 = arith.constant 1 : index
    %get3A_5 = arith.constant 0 : index
    %get3A_6 = arith.constant 0 : index
    %get3A_7 = vector.load %arg3[%get3A_4, %get3A_5, %get3A_6] : memref<2x1024x128xf32, #tpu.memory_space<vmem>>, vector<1x1024x128xf32>
    %get3A_8 = vector.shape_cast %get3A_7 : vector<1x1024x128xf32> to vector<1024x128xf32>
    %add3A = arith.addf %get3A_3, %get3A_8 : vector<1024x128xf32>
    %add3A_9 = arith.constant 1.000000e+00 : f32
    %add3A_10 = vector.broadcast %add3A_9 : f32 to vector<1024x128xf32>
    %add3A_11 = arith.addf %add3A, %add3A_10 : vector<1024x128xf32>
    %rsqrt3A = math.rsqrt %add3A_11 : vector<1024x128xf32>
    %div3A = arith.constant 1.000000e+00 : f32
    %div3A_12 = vector.broadcast %div3A : f32 to vector<1024x128xf32>
    %div3A_13 = arith.divf %div3A_12, %add3A_11 : vector<1024x128xf32>
    %get3A_14 = arith.constant 0 : index
    %get3A_15 = arith.constant 0 : index
    %get3A_16 = vector.load %arg1[%get3A_14, %get3A_15] : memref<1024x256xf32, #tpu.memory_space<vmem>>, vector<1024x256xf32>
    %get3A_17 = arith.constant 0 : index
    %get3A_18 = arith.constant 0 : index
    %get3A_19 = vector.load %arg2[%get3A_17, %get3A_18] : memref<256x128xf32, #tpu.memory_space<vmem>>, vector<256x128xf32>
    %dot_general3A = arith.constant dense<0.000000e+00> : vector<1024x128xf32>
    %dot_general3A_20 = tpu.matmul %get3A_16, %get3A_19, %dot_general3A {dimension_numbers = #tpu.dot_dimension_numbers<[1], [0], [0], [1], [0, 0, 1, 1], [], []>, transpose_lhs_hint = false} : vector<1024x256xf32>, vector<256x128xf32>, vector<1024x128xf32> -> vector<1024x128xf32>
    %swap3A = arith.constant 0 : index
    %swap3A_21 = arith.constant 0 : index
    %swap3A_22 = vector.load %arg4[%swap3A, %swap3A_21] : memref<1024x128xf32, #tpu.memory_space<vmem>>, vector<1024x128xf32>
    tpu.vector_store %arg4[%swap3A, %swap3A_21], %dot_general3A_20 {strides = array<i32>} : memref<1024x128xf32, #tpu.memory_space<vmem>>, vector<1024x128xf32>,
    %mul3A = arith.mulf %dot_general3A_20, %rsqrt3A : vector<1024x128xf32>
    %swap3A_23 = arith.constant 0 : index
    %swap3A_24 = arith.constant 0 : index
    %swap3A_25 = vector.load %arg5[%swap3A_23, %swap3A_24] : memref<1024x128xf32, #tpu.memory_space<vmem>>, vector<1024x128xf32>
    tpu.vector_store %arg5[%swap3A_23, %swap3A_24], %mul3A {strides = array<i32>} : memref<1024x128xf32, #tpu.memory_space<vmem>>, vector<1024x128xf32>,
    %swap3A_26 = arith.constant 0 : index
    %swap3A_27 = arith.constant 0 : index
    %swap3A_28 = vector.load %arg6[%swap3A_26, %swap3A_27] : memref<1024x128xf32, #tpu.memory_space<vmem>>, vector<1024x128xf32>
    tpu.vector_store %arg6[%swap3A_26, %swap3A_27], %rsqrt3A {strides = array<i32>} : memref<1024x128xf32, #tpu.memory_space<vmem>>, vector<1024x128xf32>,
    %swap3A_29 = arith.constant 0 : index
    %swap3A_30 = arith.constant 0 : index
    %swap3A_31 = vector.load %arg7[%swap3A_29, %swap3A_30] : memref<1024x128xf32, #tpu.memory_space<vmem>>, vector<1024x128xf32>
    tpu.vector_store %arg7[%swap3A_29, %swap3A_30], %div3A_13 {strides = array<i32>} : memref<1024x128xf32, #tpu.memory_space<vmem>>, vector<1024x128xf32>,
    return
  }
  func.func @transform_0(%arg0: i32) -> (i32, i32) {
    %c0_i32 = arith.constant 0 : i32
    %c0_i32_0 = arith.constant 0 : i32
    return %arg0, %c0_i32 : i32, i32
  }
  func.func @transform_1(%arg0: i32) -> (i32, i32) {
    %c0_i32 = arith.constant 0 : i32
    %c0_i32_0 = arith.constant 0 : i32
    %c0_i32_1 = arith.constant 0 : i32
    return %c0_i32, %c0_i32_0 : i32, i32
  }
  func.func @transform_2(%arg0: i32) -> (i32, i32, i32) {
    %c0_i32 = arith.constant 0 : i32
    %c0_i32_0 = arith.constant 0 : i32
    %c0_i32_1 = arith.constant 0 : i32
    return %c0_i32, %arg0, %c0_i32_0 : i32, i32, i32
  }
  func.func @transform_3(%arg0: i32) -> (i32, i32) {
    %c0_i32 = arith.constant 0 : i32
    %c0_i32_0 = arith.constant 0 : i32
    return %arg0, %c0_i32 : i32, i32
  }
  func.func @transform_4(%arg0: i32) -> (i32, i32) {
    %c0_i32 = arith.constant 0 : i32
    %c0_i32_0 = arith.constant 0 : i32
    return %arg0, %c0_i32 : i32, i32
  }
  func.func @transform_5(%arg0: i32) -> (i32, i32) {
    %c0_i32 = arith.constant 0 : i32
    %c0_i32_0 = arith.constant 0 : i32
    return %arg0, %c0_i32 : i32, i32
  }
  func.func @transform_6(%arg0: i32) -> (i32, i32) {
    %c0_i32 = arith.constant 0 : i32
    %c0_i32_0 = arith.constant 0 : i32
    return %arg0, %c0_i32 : i32, i32
  }
}

module attributes {stable_mosaic.version = 14 : i64} {
  func.func @_mid_body(%arg0: i32, %arg1: memref<2x1024x128xf32, #tpu.memory_space<vmem>>, %arg2: memref<1024x128xf32, #tpu.memory_space<vmem>>, %arg3: memref<1024x128xf32, #tpu.memory_space<vmem>>, %arg4: memref<1024x128xf32, #tpu.memory_space<vmem>>, %arg5: memref<1x128xf32, #tpu.memory_space<vmem>>, %arg6: memref<128x128xf32, #tpu.memory_space<vmem>>, %arg7: memref<1024x128xf32, #tpu.memory_space<vmem>>, %arg8: memref<1024x128xf32, #tpu.memory_space<vmem>>) attributes {dimension_semantics = [#tpu.dimension_semantics<arbitrary>], iteration_bounds = array<i64: 5>, scalar_prefetch = 0 : i64, scratch_operands = 0 : i64, tpu.core_type = #tpu.core_type<tc>, window_params = [{transform_indices = @transform_0, window_bounds = array<i64: 2, 1024, 128>}, {transform_indices = @transform_1, window_bounds = array<i64: 1024, 128>}, {transform_indices = @transform_2, window_bounds = array<i64: 1024, 128>}, {transform_indices = @transform_3, window_bounds = array<i64: 1024, 128>}, {pipeline_mode = #tpu.pipeline_mode<synchronous>, transform_indices = @transform_4, window_bounds = array<i64: 1, 128>}, {pipeline_mode = #tpu.pipeline_mode<synchronous>, transform_indices = @transform_5, window_bounds = array<i64: 128, 128>}, {transform_indices = @transform_6, window_bounds = array<i64: 1024, 128>}, {transform_indices = @transform_7, window_bounds = array<i64: 1024, 128>}]} {
    %get3A = arith.constant 0 : index
    %get3A_0 = arith.constant 0 : index
    %get3A_1 = vector.load %arg3[%get3A, %get3A_0] : memref<1024x128xf32, #tpu.memory_space<vmem>>, vector<1024x128xf32>
    %get3A_2 = arith.constant 0 : index
    %get3A_3 = arith.constant 0 : index
    %get3A_4 = arith.constant 0 : index
    %get3A_5 = vector.load %arg1[%get3A_2, %get3A_3, %get3A_4] : memref<2x1024x128xf32, #tpu.memory_space<vmem>>, vector<1x1024x128xf32>
    %get3A_6 = vector.shape_cast %get3A_5 : vector<1x1024x128xf32> to vector<1024x128xf32>
    %get3A_7 = arith.constant 1 : index
    %get3A_8 = arith.constant 0 : index
    %get3A_9 = arith.constant 0 : index
    %get3A_10 = vector.load %arg1[%get3A_7, %get3A_8, %get3A_9] : memref<2x1024x128xf32, #tpu.memory_space<vmem>>, vector<1x1024x128xf32>
    %get3A_11 = vector.shape_cast %get3A_10 : vector<1x1024x128xf32> to vector<1024x128xf32>
    %add3A = arith.addf %get3A_6, %get3A_11 : vector<1024x128xf32>
    %mul3A = arith.mulf %get3A_1, %add3A : vector<1024x128xf32>
    %get3A_12 = arith.constant 0 : index
    %get3A_13 = arith.constant 0 : index
    %get3A_14 = vector.load %arg2[%get3A_12, %get3A_13] : memref<1024x128xf32, #tpu.memory_space<vmem>>, vector<1024x128xf32>
    %get3A_15 = arith.constant 0 : index
    %get3A_16 = arith.constant 0 : index
    %get3A_17 = vector.load %arg4[%get3A_15, %get3A_16] : memref<1024x128xf32, #tpu.memory_space<vmem>>, vector<1024x128xf32>
    %mul3A_18 = arith.mulf %get3A_14, %get3A_17 : vector<1024x128xf32>
    %add3A_19 = arith.addf %mul3A, %mul3A_18 : vector<1024x128xf32>
    %get3A_20 = arith.constant 0 : index
    %get3A_21 = arith.constant 0 : index
    %get3A_22 = vector.load %arg5[%get3A_20, %get3A_21] : memref<1x128xf32, #tpu.memory_space<vmem>>, vector<1x128xf32>
    %add3A_23 = vector.broadcast %get3A_22 : vector<1x128xf32> to vector<1024x128xf32>
    %add3A_24 = arith.addf %add3A_19, %add3A_23 : vector<1024x128xf32>
    %tanh3A = math.tanh %add3A_24 : vector<1024x128xf32>
    %get3A_25 = arith.constant 0 : index
    %get3A_26 = arith.constant 0 : index
    %get3A_27 = vector.load %arg6[%get3A_25, %get3A_26] : memref<128x128xf32, #tpu.memory_space<vmem>>, vector<128x128xf32>
    %dot_general3A = arith.constant dense<0.000000e+00> : vector<1024x128xf32>
    %dot_general3A_28 = tpu.matmul %tanh3A, %get3A_27, %dot_general3A {dimension_numbers = #tpu.dot_dimension_numbers<[1], [0], [0], [1], [0, 0, 1, 1], [], []>, transpose_lhs_hint = false} : vector<1024x128xf32>, vector<128x128xf32>, vector<1024x128xf32> -> vector<1024x128xf32>
    %swap3A = arith.constant 0 : index
    %swap3A_29 = arith.constant 0 : index
    %swap3A_30 = vector.load %arg7[%swap3A, %swap3A_29] : memref<1024x128xf32, #tpu.memory_space<vmem>>, vector<1024x128xf32>
    tpu.vector_store %arg7[%swap3A, %swap3A_29], %dot_general3A_28 {strides = array<i32>} : memref<1024x128xf32, #tpu.memory_space<vmem>>, vector<1024x128xf32>,
    %get3A_31 = arith.constant 0 : index
    %get3A_32 = arith.constant 0 : index
    %get3A_33 = vector.load %arg3[%get3A_31, %get3A_32] : memref<1024x128xf32, #tpu.memory_space<vmem>>, vector<1024x128xf32>
    %mul3A_34 = arith.mulf %dot_general3A_28, %get3A_33 : vector<1024x128xf32>
    %swap3A_35 = arith.constant 0 : index
    %swap3A_36 = arith.constant 0 : index
    %swap3A_37 = vector.load %arg8[%swap3A_35, %swap3A_36] : memref<1024x128xf32, #tpu.memory_space<vmem>>, vector<1024x128xf32>
    tpu.vector_store %arg8[%swap3A_35, %swap3A_36], %mul3A_34 {strides = array<i32>} : memref<1024x128xf32, #tpu.memory_space<vmem>>, vector<1024x128xf32>,
    return
  }
  func.func @transform_0(%arg0: i32) -> (i32, i32, i32) {
    %c0_i32 = arith.constant 0 : i32
    %c0_i32_0 = arith.constant 0 : i32
    %c0_i32_1 = arith.constant 0 : i32
    return %c0_i32, %arg0, %c0_i32_0 : i32, i32, i32
  }
  func.func @transform_1(%arg0: i32) -> (i32, i32) {
    %c0_i32 = arith.constant 0 : i32
    %c0_i32_0 = arith.constant 0 : i32
    return %arg0, %c0_i32 : i32, i32
  }
  func.func @transform_2(%arg0: i32) -> (i32, i32) {
    %c0_i32 = arith.constant 0 : i32
    %c0_i32_0 = arith.constant 0 : i32
    return %arg0, %c0_i32 : i32, i32
  }
  func.func @transform_3(%arg0: i32) -> (i32, i32) {
    %c0_i32 = arith.constant 0 : i32
    %c0_i32_0 = arith.constant 0 : i32
    return %arg0, %c0_i32 : i32, i32
  }
  func.func @transform_4(%arg0: i32) -> (i32, i32) {
    %c0_i32 = arith.constant 0 : i32
    %c0_i32_0 = arith.constant 0 : i32
    %c0_i32_1 = arith.constant 0 : i32
    return %c0_i32, %c0_i32_0 : i32, i32
  }
  func.func @transform_5(%arg0: i32) -> (i32, i32) {
    %c0_i32 = arith.constant 0 : i32
    %c0_i32_0 = arith.constant 0 : i32
    %c0_i32_1 = arith.constant 0 : i32
    return %c0_i32, %c0_i32_0 : i32, i32
  }
  func.func @transform_6(%arg0: i32) -> (i32, i32) {
    %c0_i32 = arith.constant 0 : i32
    %c0_i32_0 = arith.constant 0 : i32
    return %arg0, %c0_i32 : i32, i32
  }
  func.func @transform_7(%arg0: i32) -> (i32, i32) {
    %c0_i32 = arith.constant 0 : i32
    %c0_i32_0 = arith.constant 0 : i32
    return %arg0, %c0_i32 : i32, i32
  }
}

module attributes {stable_mosaic.version = 14 : i64} {
  func.func @_k4_body(%arg0: i32, %arg1: memref<2x1024x128xf32, #tpu.memory_space<vmem>>, %arg2: memref<1024x128xf32, #tpu.memory_space<vmem>>, %arg3: memref<1024x128xf32, #tpu.memory_space<vmem>>, %arg4: memref<1024x128xf32, #tpu.memory_space<vmem>>, %arg5: memref<1x128xf32, #tpu.memory_space<vmem>>, %arg6: memref<128x8xf32, #tpu.memory_space<vmem>>, %arg7: memref<1x8xf32, #tpu.memory_space<vmem>>, %arg8: memref<1024x8xf32, #tpu.memory_space<vmem>>, %arg9: memref<1024x4xf32, #tpu.memory_space<vmem>>) attributes {dimension_semantics = [#tpu.dimension_semantics<arbitrary>], iteration_bounds = array<i64: 5>, scalar_prefetch = 0 : i64, scratch_operands = 0 : i64, tpu.core_type = #tpu.core_type<tc>, window_params = [{transform_indices = @transform_0, window_bounds = array<i64: 2, 1024, 128>}, {transform_indices = @transform_1, window_bounds = array<i64: 1024, 128>}, {transform_indices = @transform_2, window_bounds = array<i64: 1024, 128>}, {transform_indices = @transform_3, window_bounds = array<i64: 1024, 128>}, {pipeline_mode = #tpu.pipeline_mode<synchronous>, transform_indices = @transform_4, window_bounds = array<i64: 1, 128>}, {pipeline_mode = #tpu.pipeline_mode<synchronous>, transform_indices = @transform_5, window_bounds = array<i64: 128, 8>}, {pipeline_mode = #tpu.pipeline_mode<synchronous>, transform_indices = @transform_6, window_bounds = array<i64: 1, 8>}, {transform_indices = @transform_7, window_bounds = array<i64: 1024, 8>}, {transform_indices = @transform_8, window_bounds = array<i64: 1024, 4>}]} {
    %get3A = arith.constant 0 : index
    %get3A_0 = arith.constant 0 : index
    %get3A_1 = vector.load %arg3[%get3A, %get3A_0] : memref<1024x128xf32, #tpu.memory_space<vmem>>, vector<1024x128xf32>
    %get3A_2 = arith.constant 0 : index
    %get3A_3 = arith.constant 0 : index
    %get3A_4 = arith.constant 0 : index
    %get3A_5 = vector.load %arg1[%get3A_2, %get3A_3, %get3A_4] : memref<2x1024x128xf32, #tpu.memory_space<vmem>>, vector<1x1024x128xf32>
    %get3A_6 = vector.shape_cast %get3A_5 : vector<1x1024x128xf32> to vector<1024x128xf32>
    %get3A_7 = arith.constant 1 : index
    %get3A_8 = arith.constant 0 : index
    %get3A_9 = arith.constant 0 : index
    %get3A_10 = vector.load %arg1[%get3A_7, %get3A_8, %get3A_9] : memref<2x1024x128xf32, #tpu.memory_space<vmem>>, vector<1x1024x128xf32>
    %get3A_11 = vector.shape_cast %get3A_10 : vector<1x1024x128xf32> to vector<1024x128xf32>
    %add3A = arith.addf %get3A_6, %get3A_11 : vector<1024x128xf32>
    %mul3A = arith.mulf %get3A_1, %add3A : vector<1024x128xf32>
    %get3A_12 = arith.constant 0 : index
    %get3A_13 = arith.constant 0 : index
    %get3A_14 = vector.load %arg2[%get3A_12, %get3A_13] : memref<1024x128xf32, #tpu.memory_space<vmem>>, vector<1024x128xf32>
    %get3A_15 = arith.constant 0 : index
    %get3A_16 = arith.constant 0 : index
    %get3A_17 = vector.load %arg4[%get3A_15, %get3A_16] : memref<1024x128xf32, #tpu.memory_space<vmem>>, vector<1024x128xf32>
    %mul3A_18 = arith.mulf %get3A_14, %get3A_17 : vector<1024x128xf32>
    %add3A_19 = arith.addf %mul3A, %mul3A_18 : vector<1024x128xf32>
    %get3A_20 = arith.constant 0 : index
    %get3A_21 = arith.constant 0 : index
    %get3A_22 = vector.load %arg5[%get3A_20, %get3A_21] : memref<1x128xf32, #tpu.memory_space<vmem>>, vector<1x128xf32>
    %add3A_23 = vector.broadcast %get3A_22 : vector<1x128xf32> to vector<1024x128xf32>
    %add3A_24 = arith.addf %add3A_19, %add3A_23 : vector<1024x128xf32>
    %tanh3A = math.tanh %add3A_24 : vector<1024x128xf32>
    %get3A_25 = arith.constant 0 : index
    %get3A_26 = arith.constant 0 : index
    %get3A_27 = vector.load %arg6[%get3A_25, %get3A_26] : memref<128x8xf32, #tpu.memory_space<vmem>>, vector<128x8xf32>
    %dot_general3A = arith.constant dense<0.000000e+00> : vector<1024x8xf32>
    %dot_general3A_28 = tpu.matmul %tanh3A, %get3A_27, %dot_general3A {dimension_numbers = #tpu.dot_dimension_numbers<[1], [0], [0], [1], [0, 0, 1, 1], [], []>, transpose_lhs_hint = false} : vector<1024x128xf32>, vector<128x8xf32>, vector<1024x8xf32> -> vector<1024x8xf32>
    %get3A_29 = arith.constant 0 : index
    %get3A_30 = arith.constant 0 : index
    %get3A_31 = vector.load %arg7[%get3A_29, %get3A_30] : memref<1x8xf32, #tpu.memory_space<vmem>>, vector<1x8xf32>
    %add3A_32 = vector.broadcast %get3A_31 : vector<1x8xf32> to vector<1024x8xf32>
    %add3A_33 = arith.addf %dot_general3A_28, %add3A_32 : vector<1024x8xf32>
    %swap3A = arith.constant 0 : index
    %swap3A_34 = arith.constant 0 : index
    %swap3A_35 = vector.load %arg8[%swap3A, %swap3A_34] : memref<1024x8xf32, #tpu.memory_space<vmem>>, vector<1024x8xf32>
    tpu.vector_store %arg8[%swap3A, %swap3A_34], %add3A_33 {strides = array<i32>} : memref<1024x8xf32, #tpu.memory_space<vmem>>, vector<1024x8xf32>,
    %slice3A = vector.extract_strided_slice %tanh3A {offsets = [0, 0], sizes = [1024, 2], strides = [1, 1]} : vector<1024x128xf32> to vector<1024x2xf32>
    %slice3A_36 = vector.extract_strided_slice %tanh3A {offsets = [0, 64], sizes = [1024, 2], strides = [1, 1]} : vector<1024x128xf32> to vector<1024x2xf32>
    %concatenate3A = tpu.concatenate %slice3A, %slice3A_36 in 1 : vector<1024x2xf32>, vector<1024x2xf32> -> vector<1024x4xf32>
    %swap3A_37 = arith.constant 0 : index
    %swap3A_38 = arith.constant 0 : index
    %swap3A_39 = vector.load %arg9[%swap3A_37, %swap3A_38] : memref<1024x4xf32, #tpu.memory_space<vmem>>, vector<1024x4xf32>
    tpu.vector_store %arg9[%swap3A_37, %swap3A_38], %concatenate3A {strides = array<i32>} : memref<1024x4xf32, #tpu.memory_space<vmem>>, vector<1024x4xf32>,
    return
  }
  func.func @transform_0(%arg0: i32) -> (i32, i32, i32) {
    %c0_i32 = arith.constant 0 : i32
    %c0_i32_0 = arith.constant 0 : i32
    %c0_i32_1 = arith.constant 0 : i32
    return %c0_i32, %arg0, %c0_i32_0 : i32, i32, i32
  }
  func.func @transform_1(%arg0: i32) -> (i32, i32) {
    %c0_i32 = arith.constant 0 : i32
    %c0_i32_0 = arith.constant 0 : i32
    return %arg0, %c0_i32 : i32, i32
  }
  func.func @transform_2(%arg0: i32) -> (i32, i32) {
    %c0_i32 = arith.constant 0 : i32
    %c0_i32_0 = arith.constant 0 : i32
    return %arg0, %c0_i32 : i32, i32
  }
  func.func @transform_3(%arg0: i32) -> (i32, i32) {
    %c0_i32 = arith.constant 0 : i32
    %c0_i32_0 = arith.constant 0 : i32
    return %arg0, %c0_i32 : i32, i32
  }
  func.func @transform_4(%arg0: i32) -> (i32, i32) {
    %c0_i32 = arith.constant 0 : i32
    %c0_i32_0 = arith.constant 0 : i32
    %c0_i32_1 = arith.constant 0 : i32
    return %c0_i32, %c0_i32_0 : i32, i32
  }
  func.func @transform_5(%arg0: i32) -> (i32, i32) {
    %c0_i32 = arith.constant 0 : i32
    %c0_i32_0 = arith.constant 0 : i32
    %c0_i32_1 = arith.constant 0 : i32
    return %c0_i32, %c0_i32_0 : i32, i32
  }
  func.func @transform_6(%arg0: i32) -> (i32, i32) {
    %c0_i32 = arith.constant 0 : i32
    %c0_i32_0 = arith.constant 0 : i32
    %c0_i32_1 = arith.constant 0 : i32
    return %c0_i32, %c0_i32_0 : i32, i32
  }
  func.func @transform_7(%arg0: i32) -> (i32, i32) {
    %c0_i32 = arith.constant 0 : i32
    %c0_i32_0 = arith.constant 0 : i32
    return %arg0, %c0_i32 : i32, i32
  }
  func.func @transform_8(%arg0: i32) -> (i32, i32) {
    %c0_i32 = arith.constant 0 : i32
    %c0_i32_0 = arith.constant 0 : i32
    return %arg0, %c0_i32 : i32, i32
  }
}

</mosaic_0001>

<sc_bundles>
// kernel: kernel.10.cloned.1.call-start
scs
__scs_entry_jumppad:
0x0: {  	(pc) =	sbr.rel $0x88, $3  }
0x1: {  	(tag) =	ssettag $0x0;
	lr =	simm.s32 $0x1  }
0x2: {  	[smem:$0x3F97] =	sst lr;
	_ =	strace $0xD0000000  }
0x3: {  	_ = 	snop  }
0x4: {  	_ = 	snop  }
0x5: {  	_ = 	snop  }
0x6: {  	_ = 	snop  }
0x7: {  	_ = 	snop  }
__scs_overlays_trampoline_lowered:
0x8: {  	[smem:$0x3FA6] =	sst s0  }
0x9: {  	[smem:$0x3FA7] =	sst s1  }
0xa: {  	[smem:$0x3FA8] =	sst s2  }
0xb: {  	[smem:$0x3FA9] =	sst s3  }
0xc: {  	[smem:$0x3FAA] =	sst s4  }
0xd: {  	[smem:$0x3FAB] =	sst s5  }
0xe: {  	[smem:$0x3FAC] =	sst s6  }
0xf: {  	[smem:$0x3FAD] =	sst s7  }
0x10: {  	[smem:$0x3FAE] =	sst s8  }
0x11: {  	[smem:$0x3FAF] =	sst s9;
	s0 =	simm.s32 @!p0 $0x0  }
0x12: {  	s1 =	sld [smem:$0x3F95];
	s0 =	simm.s32 @p0 $0x1  }
0x13: {  	[smem:$0x3FB0] =	sst s0;
	s0 =	simm.s32 @!p1 $0x0  }
0x14: {  	s2 =	sld [smem:$0x3F94];
	s0 =	simm.s32 @p1 $0x1  }
0x15: {  	[smem:$0x3FB1] =	sst s0;
	s0 =	simm.s32 @!p2 $0x0  }
0x16: {  	s3 =	sld [smem:$0x3FDB];
	s0 =	simm.s32 @p2 $0x1  }
0x17: {  	s4 =	simm.s32 $0x1BF5;
	[smem:$0x3FB3] =	sst s0  }
0x18: {  	s0 =	sld [smem:$0x3F96];
	_ =	swait.ge [sflag:s4], $0x0  }
0x19: {  	s7 =	sld [smem:$0x3F97]  }
0x1a: {  	s8 =	sadd.s32 $0xFFFFE003, lr  }
0x1b: {  	s9 =	sadd.s32 $0xFFFFFEF7, lr;
	s5 =	simm.s32 $0xFFFFFFFF;
	p2 =	slt.u32 s8, $0xFFFFF086  }
0x1c: {  	p1 =	slt.u32 s9, $0xF7A;
	s5 =	simm.s32 @!p2 $0x0  }
0x1d: {  	s5 =	simm.s32 @p1 $0x1;
	p0 =	seq.s32 s7, s2  }
0x1e: {  	s7 =	smul.u32 @!p0 $0xF7A, s2;
	p2 =	seq.s32 @!p0 s5, $0x0  }
0x1f: {  	s9 =	smul.u32 $0xF7A, s1;
	s8 =	simm.s32 @!p0 $0x1BF5;
	p2 =	por !p2, p0  }
0x20: {  	[sflag:s8] =	ssyncset.s32 @!p0 $0xFFFFF086;
	s6 =	sadd.s32 @!p0 s3, s7;
	s7 =	simm.s32 @!p0 $0x108  }
0x21: {  	s3 =	sadd.s32 s3, s9;
	s6 =	sadd.s32 @!p0 $0x88, s6;
	s7 =	simm.s32 @p2 $0x1082  }
0x22: {  	[simem:s7], [sflag:s8] =	dma.local @!p0 [hbm:s6], $0xF7A  }
0x23: {  	s9 =	sor.u32 $0xD0000000, s2;
	s6 =	simm.s32 $0x108;
	_ =	swait.ge @!p0 [sflag:s8], $0x0  }
0x24: {  	s3 =	sadd.s32 $0x88, s3;
	s6 =	simm.s32 @!p1 $0x1082;
	[sflag:s4] =	ssyncset.s32 $0xFFFFF086  }
0x25: {  	[simem:s6], [sflag:s4] =	dma.local [hbm:s3], $0xF7A  }
0x26: {  	[smem:$0x3F97] =	sst s1;
	(tag) =	ssettag s2;
	_ =	strace s9  }
0x27: {  	s1 =	sld [smem:$0x3FA7]  }
0x28: {  	s2 =	sld [smem:$0x3FA8]  }
0x29: {  	s4 =	sld [smem:$0x3FAA]  }
0x2a: {  	p0 =	seq.s32 s5, $0x0;
	s5 =	sld [smem:$0x3FAB]  }
0x2b: {  	s6 =	sld [smem:$0x3FAC]  }
0x2c: {  	s7 =	sld [smem:$0x3FAD]  }
0x2d: {  	s3 =	simm.s32 $0x108;
	s8 =	sld [smem:$0x3FAE]  }
0x2e: {  	s3 =	simm.s32 @!p0 $0x1082;
	s9 =	sld [smem:$0x3FAF]  }
0x2f: {  	lr =	sadd.s32 s0, s3;
	s0 =	sld [smem:$0x3FA6]  }
0x30: {  	s3 =	sld [smem:$0x3FA9]  }
0x31: {  	[smem:$0x3FB2] =	sst s10  }
0x32: {  	s10 =	sld [smem:$0x3FB0];
	_ =	sdelay $0x3  }
0x33: {  	p0 =	seq.s32 s10, $0x1;
	s10 =	sld [smem:$0x3FB2];
	_ =	sdelay $0x3  }
0x34: {  	[smem:$0x3FB2] =	sst s10  }
0x35: {  	s10 =	sld [smem:$0x3FB1];
	_ =	sdelay $0x3  }
0x36: {  	p1 =	seq.s32 s10, $0x1;
	s10 =	sld [smem:$0x3FB2];
	_ =	sdelay $0x3  }
0x37: {  	[smem:$0x3FB2] =	sst s10  }
0x38: {  	s10 =	sld [smem:$0x3FB3]  }
0x39: {  	_ = 	snop;
	(pc) =	sbr.ind lr, $3  }
0x3a: {  	_ = 	snop  }
0x3b: {  	_ = 	snop  }
0x3c: {  	p2 =	seq.s32 s10, $0x1;
	s10 =	sld [smem:$0x3FB2]  }
0x3d: {  	_ =	shalt  }
0x3e: {  	_ =	shalt  }
0x3f: {  	_ =	shalt  }
0x40: {  	_ =	shalt  }
0x41: {  	_ =	shalt  }
0x42: {  	_ =	shalt  }
0x43: {  	_ =	shalt  }
0x44: {  	_ =	shalt  }
0x45: {  	_ =	shalt  }
0x46: {  	_ =	shalt  }
0x47: {  	_ =	shalt  }
0x48: {  	_ =	shalt  }
0x49: {  	_ =	shalt  }
0x4a: {  	_ =	shalt  }
0x4b: {  	_ =	shalt  }
0x4c: {  	_ =	shalt  }
0x4d: {  	_ =	shalt  }
0x4e: {  	_ =	shalt  }
0x4f: {  	_ =	shalt  }
0x50: {  	_ =	shalt  }
0x51: {  	_ =	shalt  }
0x52: {  	_ =	shalt  }
0x53: {  	_ =	shalt  }
0x54: {  	_ =	shalt  }
0x55: {  	_ =	shalt  }
0x56: {  	_ =	shalt  }
0x57: {  	_ =	shalt  }
0x58: {  	_ =	shalt  }
0x59: {  	_ =	shalt  }
0x5a: {  	_ =	shalt  }
0x5b: {  	_ =	shalt  }
0x5c: {  	_ =	shalt  }
0x5d: {  	_ =	shalt  }
0x5e: {  	_ =	shalt  }
0x5f: {  	_ =	shalt  }
0x60: {  	_ =	shalt  }
0x61: {  	_ =	shalt  }
0x62: {  	_ =	shalt  }
0x63: {  	_ =	shalt  }
0x64: {  	_ =	shalt  }
0x65: {  	_ =	shalt  }
0x66: {  	_ =	shalt  }
0x67: {  	_ =	shalt  }
0x68: {  	_ =	shalt  }
0x69: {  	_ =	shalt  }
0x6a: {  	_ =	shalt  }
0x6b: {  	_ =	shalt  }
0x6c: {  	_ =	shalt  }
0x6d: {  	_ =	shalt  }
0x6e: {  	_ =	shalt  }
0x6f: {  	_ =	shalt  }
0x70: {  	_ =	shalt  }
0x71: {  	_ =	shalt  }
0x72: {  	_ =	shalt  }
0x73: {  	_ =	shalt  }
0x74: {  	_ =	shalt  }
0x75: {  	_ =	shalt  }
0x76: {  	_ =	shalt  }
0x77: {  	_ =	shalt  }
0x78: {  	_ =	shalt  }
0x79: {  	_ =	shalt  }
0x7a: {  	_ =	shalt  }
0x7b: {  	_ =	shalt  }
0x7c: {  	_ =	shalt  }
0x7d: {  	_ =	shalt  }
0x7e: {  	_ =	shalt  }
0x7f: {  	_ =	shalt  }
0x80: {  	_ =	shalt  }
0x81: {  	_ =	shalt  }
0x82: {  	_ =	shalt  }
0x83: {  	_ =	shalt  }
0x84: {  	_ =	shalt  }
0x85: {  	_ =	shalt  }
0x86: {  	_ =	shalt  }
0x87: {  	_ =	shalt  }
.Lfunc_end0:
.L_simem_size_0:
called_computation_lowered:
.L_overlay_start_0:
0x88: {  	s2 =	sld [smem:$0x3FD9]  }
0x89: {  	s3 =	sld [smem:$0x3FFE];
	_ =	sdelay $0x1  }
0x8a: {  	s1 =	srdreg.scid  }
0x8b: {  	s0 =	sand.u32 $0x1, s1  }
0x8c: {  	s16 =	sshll.u32 s0, $0xA;
	s2 =	sadd.s32 s3, s2  }
0x8d: {  	s2 =	sadd.s32 s2, s16  }
0x8e: {  	[smem:$0x3FBE] =	sst s2  }
0x8f: {  	_ = 	snop  }
0x90: {  	(tm) =	ssettm $0x1  }
0x91: {  	s17 =	sld [smem:$0x3FFB];
	_ =	sdelay $0x3  }
0x92: {  	_ =	strace s17  }
0x93: {  	s2 =	sld [smem:$0x3FFC];
	_ =	sdelay $0x3  }
0x94: {  	_ =	strace s2  }
0x95: {  	s2 =	sld [smem:$0x3FFD];
	_ =	sdelay $0x3  }
0x96: {  	_ =	strace s2  }
0x97: {  	_ =	strace $0x8FFFFFFF  }
0x98: {  	s18 =	sld [smem:$0x3FDB];
	_ =	sdelay $0x1  }
0x99: {  	s19 =	simm.s32 $_scs_section_size  }
0x9a: {  	s4 =	simm.s32 $_size__tile_overlayer_lowered;
	s5 =	simm.s32 $_tile_overlayer_lowered  }
0x9b: {  	s22 =	simm.s32 $0x1BFF;
	s21 =	sshll.u32 s5, $0x1;
	s2 =	sadd.s32 s19, s18  }
0x9c: {  	s6 =	simm.s32 $0x0;
	s20 =	sshll.u32 s4, $0x1;
	s4 =	sadd.s32 s21, s2  }
0x9d: {  	[timem:s6], [sflag:s22] =	dma.local [hbm:s4], s20  }
0x9e: {  	_ =	swait.ge [sflag:s22], s20  }
0x9f: {  	s3 =	ssub.s32 $0x0, s20;
	[sflag:s22] =	ssyncset.done $0x0  }
0xa0: {  	[sflag:s22] =	ssyncadd.s32 s3;
	_ =	sdelay $0x1  }
0xa1: {  	s23 =	simm.s32 $0x1B8B  }
0xa2: {  	_ =	swait.ge [sflag:s23], $0x1  }
0xa3: {  	[sflag:s23] =	ssyncset.done $0x0  }
0xa4: {  	s25 =	simm.s32 $0x1B8E;
	s24 =	sld [smem:$0x3FFE];
	[sflag:s23] =	ssyncadd.s32 $0xFFFFFFFF  }
0xa5: {  	s26 =	simm.s32 $execute0_lowered;
	[smem:$0x3FD2] =	sst s25  }
0xa6: {  	s4 =	sshll.u32 s26, $0x1;
	_ =	strace $0x80000046;
	[dreg:$0x1] =	wrdreg $0xFFFFFFFF  }
0xa7: {  	s28 =	simm.s32 $_size_execute0_lowered;
	s2 =	sadd.s32 s2, s4;
	[dreg:$0x0] =	wrdreg $0x0  }
0xa8: {  	s4 =	sshll.u32 s28, $0x1;
	[dreg:$0x2] =	wrdreg s2  }
0xa9: {  	[dreg:$0x3] =	wrdreg s4  }
0xaa: {  	[dreg:$0x4] =	wrdreg $0xC0  }
0xab: {  	_ =	task [dreg:s6], $0x5FFFF  }
0xac: {  	[dreg:$0x1] =	wrdreg $0xFFFFFFFF  }
0xad: {  	[dreg:$0x0] =	wrdreg $0x60  }
0xae: {  	[dreg:$0x2] =	wrdreg s24  }
0xaf: {  	[dreg:$0x3] =	wrdreg $0xF8000  }
0xb0: {  	[dreg:$0x4] =	wrdreg $0x9  }
0xb1: {  	_ =	task.clear_ibuf [dreg:s6], $0x5FFFF;
	_ =	strace $0x90000046  }
0xb2: {  	s29 =	simm.s32 $0x9;
	_ =	strace $0x80000048  }
0xb3: {  	_ =	swait.ge [sflag:s29], $0x1  }
0xb4: {  	[sflag:s29] =	ssyncadd.s32 $0xFFFFFFFF  }
0xb5: {  	_ =	strace $0x90000048  }
0xb6: {  	_ =	sfence  }
0xb7: {  	s30 =	sld [smem:$0x0];
	_ =	sdelay $0x2  }
0xb8: {  	s31 =	sshll.u32 s1, $0xD;
	s1 =	sshrl.u32 s1, $0x2  }
0xb9: {  	s3 =	sand.u32 $0x4000, s31;
	s1 =	sadd.s32 s1, s30  }
0xba: {  	s0 =	sor.u32 s3, s0;
	s1 =	sshll.u32 s1, $0x11  }
0xbb: {  	s0 =	sor.u32 s1, s0  }
0xbc: {  	s0 =	sadd.s32 $0x8F2B, s0  }
0xbd: {  	[sflag:s0] =	ssyncadd.remote.s32 $0x1  }
0xbe: {  	_ =	sfence.sel $0xFFFF  }
0xbf: {  	[dreg:$0x0] =	wrdreg $0xFFFFFFFF;
	(pc) =	sbr.abs _section_cstart, $3  }
0xc0: {  	[dreg:$0x1] =	wrdreg $0xFFFFFFFF  }
0xc1: {  	_ =	task.clear_ibuf [dreg:s6], $0x2FFFF;
	_ =	strace $0x9FFFFFFF  }
0xc2: {  	(tm) =	ssettm $0x7FFFFFFF  }
0xc3: {  	_ =	shalt  }
tec
execute0_lowered:
.L_overlay_start_1:
0x0: {  	(tag) =	ssettag $0x1  }
0x1: {  	s5 =	rddreg [dreg:$0x0]  }
0x2: {  	s0 =	srdreg.scid;
	s2 =	rddreg [dreg:$0x1];
	s3 =	simm.s32 $0x0  }
0x3: {  	s11 =	simm.s32 $0x2800;
	s12 =	simm.s32 $0x2;
	s13 =	simm.s32 $0x80  }
0x4: {  	s14 =	simm.s32 $0x1;
	s15 =	simm.s32 $0x3000;
	s4 =	sand.u32 $0x1, s0  }
0x5: {  	s18 =	simm.s32 $0x0;
	s0 =	stileid.u32;
	s7 =	smul.u32 $0x14000, s4  }
0x6: {  	[smem:$0x7FF] =	sst s3;
	s1 =	sshll.u32 s4, $0x4;
	s8 =	smul.u32 $0xA000, s0  }
0x7: {  	s4 =	ssub.s32 $0x2, s4;
	s17 =	smul.u32 $0x1400, s0;
	s1 =	sor.u32 s0, s1  }
0x8: {  	s31 =	sshrl.u32 s4, $0x1;
	s6 =	smul.u32 $0x500, s1;
	s1 =	rddreg [dreg:$0x2]  }
0x9: {  	_ =	strace $0x80000047;
	s7 =	sadd.s32 s7, s5;
	s8 =	sshrl.u32 s8, $0x2  }
0xa: {  	s9 =	ssub.s32 s4, s31;
	s4 =	sadd.s32 s8, s2;
	s16 =	sadd.s32 $0x18800, s7  }
0xb: {  	s6 =	sadd.s32 s6, s5;
	s7 =	sadd.s32 $0x800, s4;
	s8 =	sadd.s32 $0x1000, s4  }
0xc: {  	s10 =	sadd.s32 $0x2000, s4;
	s16 =	sadd.s32 s17, s16;
	s17 =	simm.s32 $0x5800  }
0xd: {  	v0 =	vimm.f32 $0.0e+00;
	v1 =	vimm.f32 $1.000000000e+00;
	s5 =	sadd.s32 $0x3800, s6;
	s6 =	smax.u32 s9, $0x1;
	s9 =	sadd.s32 $0x1800, s4  }
.LBB2_1:
0xe: {  	s19 =	simm.s32 $0x40;
	s20 =	simm.s32 $0x0  }
.LBB2_2:
0xf: {  	p0 =	sne.s32 s19, $0x1FC0;
	[tilespmem:s20+$0x2800] =	vst v0;
	s20 =	smov.u32 s19;
	s19 =	sadd.s32 $0x40, s19  }
.Ltmp0:
0x10: {  	(pc) =	sbr.rel @p0 .LBB2_2-.Ltmp0, $2  }
0x11: {  	_ =	sdelay $0x2  }
0x12: {  	s20 =	sshra.s32 s20, $0x2  }
0x13: {  	[tilespmem:s20+$0x2800] =	vst v0  }
0x14: {  	[spmem:s4] =	stream.linear.scatter [tilespmem:s11], [sflag:$0x2], $0x800, $0x38;
	[tilespmem:$0x12000] =	vst v63  }
0x15: {  	_ =	swait.ge [sflag:s12], $0x800  }
0x16: {  	[sflag:s12] =	ssyncset.done $0x0  }
0x17: {  	[sflag:s12] =	ssyncadd.s32 $0xFFFFF800  }
0x18: {  	[spmem:s7] =	stream.linear.scatter [tilespmem:s11], [sflag:$0x2], $0x800, $0x38;
	[tilespmem:$0x12000] =	vst v63  }
0x19: {  	_ =	swait.ge [sflag:s12], $0x800  }
0x1a: {  	[sflag:s12] =	ssyncset.done $0x0  }
0x1b: {  	[sflag:s12] =	ssyncadd.s32 $0xFFFFF800  }
0x1c: {  	[spmem:s8] =	stream.linear.scatter [tilespmem:s11], [sflag:$0x2], $0x800, $0x38;
	[tilespmem:$0x12000] =	vst v63  }
0x1d: {  	_ =	swait.ge [sflag:s12], $0x800  }
0x1e: {  	[sflag:s12] =	ssyncset.done $0x0  }
0x1f: {  	[sflag:s12] =	ssyncadd.s32 $0xFFFFF800  }
0x20: {  	[spmem:s9] =	stream.linear.scatter [tilespmem:s11], [sflag:$0x2], $0x800, $0x38;
	[tilespmem:$0x12000] =	vst v63  }
0x21: {  	_ =	swait.ge [sflag:s12], $0x800  }
0x22: {  	[sflag:s12] =	ssyncset.done $0x0  }
0x23: {  	[sflag:s12] =	ssyncadd.s32 $0xFFFFF800  }
0x24: {  	[spmem:s10] =	stream.linear.scatter [tilespmem:s11], [sflag:$0x2], $0x800, $0x38;
	[tilespmem:$0x12000] =	vst v63  }
0x25: {  	_ =	swait.ge [sflag:s12], $0x800  }
0x26: {  	[sflag:s12] =	ssyncset.done $0x0  }
0x27: {  	s19 =	simm.s32 $0x40;
	s20 =	simm.s32 $0x0;
	[sflag:s12] =	ssyncadd.s32 $0xFFFFF800  }
.LBB2_4:
0x28: {  	p0 =	sne.s32 s19, $0x1FC0;
	[tilespmem:s20+$0x2800] =	vst v1;
	s20 =	smov.u32 s19;
	s19 =	sadd.s32 $0x40, s19  }
.Ltmp1:
0x29: {  	(pc) =	sbr.rel @p0 .LBB2_4-.Ltmp1, $2  }
0x2a: {  	_ =	sdelay $0x2  }
0x2b: {  	s20 =	sshra.s32 s20, $0x2  }
0x2c: {  	[tilespmem:s20+$0x2800] =	vst v1;
	s19 =	simm.s32 $0x0  }
0x2d: {  	[tilespmem:s19], [sflag:$0x2] =	stream.linear.gather [hbm4b:s5+s19], $0x2800, $0x38;
	[tilespmem:$0x12000] =	vst v63  }
0x2e: {  	_ =	swait.ge [sflag:s12], $0x2800  }
0x2f: {  	[sflag:s12] =	ssyncset.done $0x0  }
0x30: {  	[sflag:s12] =	ssyncadd.s32 $0xFFFFD800  }
0x31: {  	[bflag:$0x0] =	sbarrier.arrive $0xFFFF  }
.LBB2_6:
0x32: {  	p0 =	sne.s32 s19, $0x9E00  }
.Ltmp2:
0x33: {  	_ = 	snop;
	(pc) =	sbr.rel @p0 .LBB2_6-.Ltmp2, $3  }
0x34: {  	_ =	sdelay $0x1  }
0x35: {  	s20 =	sshra.s32 s19, $0x2;
	s19 =	sadd.s32 $0x200, s19  }
0x36: {  	[spmem:s2] =	stream.indirect.scatter.add.f32 [tilespmem:s11], [sflag:$0x1], $0x10, s20, s13, $0xb8;
	[tilespmem:$0x12000] =	vst v63  }
0x37: {  	_ =	swait.ge [sflag:s14], $0x800  }
0x38: {  	s19 =	simm.s32 $0x4F;
	[sflag:s14] =	ssyncset.done $0x0  }
.LBB2_8:
0x39: {  	p0 =	sne.s32 s19, $0x1;
	s19 =	sadd.s32 $0xFFFFFFFF, s19;
	[sflag:s14] =	ssyncadd.s32 $0xFFFFF800  }
.Ltmp3:
0x3a: {  	(pc) =	sbr.rel @p0 .LBB2_8-.Ltmp3, $3  }
0x3b: {  	_ =	sdelay $0x1  }
0x3c: {  	_ =	swait.ge [sflag:s14], $0x800  }
0x3d: {  	[sflag:s14] =	ssyncset.done $0x0  }
0x3e: {  	[sflag:s14] =	ssyncadd.s32 $0xFFFFF800  }
0x3f: {  	[bflag:$0x0] =	sbarrier.arrive $0xFFFF  }
0x40: {  	[tilespmem:s15], [sflag:$0x2] =	stream.linear.gather [spmem:s4], $0x2800, $0x38;
	[tilespmem:$0x12000] =	vst v63  }
0x41: {  	_ =	swait.ge [sflag:s12], $0x2800  }
0x42: {  	[sflag:s12] =	ssyncset.done $0x0  }
0x43: {  	s19 =	simm.s32 $0x0;
	[sflag:s12] =	ssyncadd.s32 $0xFFFFD800  }
0x44: {  	v2 =	vld [tilespmem:s19+$0x3000];
	_ =	sdelay $0x3  }
0x45: {  	s19 =	simm.s32 $0x5820  }
0x46: {  	[tilespmem:s19+$0xFFFFFFE0] =	vst v2  }
0x47: {  	[tilespmem:s19+$0xFFFFFFF0] =	vst v2  }
0x48: {  	[tilespmem:s19+$0x0] =	vst v2  }
0x49: {  	s21 =	simm.s32 $0x10;
	s20 =	simm.s32 $0x80;
	[tilespmem:s19+$0x10] =	vst v2  }
.LBB2_10:
0x4a: {  	p0 =	sne.s32 s20, $0x9FC0;
	v2 =	vld [tilespmem:s21+$0x3000];
	_ =	sdelay $0x3  }
.Ltmp4:
0x4b: {  	s19 =	sadd.s32 $0x40, s19;
	(pc) =	sbr.rel @p0 .LBB2_10-.Ltmp4, $4  }
0x4c: {  	[tilespmem:s19+$0xFFFFFFE0] =	vst v2  }
0x4d: {  	[tilespmem:s19+$0xFFFFFFF0] =	vst v2  }
0x4e: {  	[tilespmem:s19+$0x0] =	vst v2  }
0x4f: {  	s21 =	sshra.s32 s20, $0x2;
	s20 =	sadd.s32 $0x40, s20;
	[tilespmem:s19+$0x10] =	vst v2  }
0x50: {  	v2 =	vld [tilespmem:s21+$0x3000];
	_ =	sdelay $0x3  }
0x51: {  	s19 =	sadd.s32 $0x40, s19  }
0x52: {  	[tilespmem:s19+$0xFFFFFFE0] =	vst v2  }
0x53: {  	s18 =	sadd.s32 $0x1, s18;
	[tilespmem:s19+$0xFFFFFFF0] =	vst v2  }
0x54: {  	p0 =	sne.s32 s18, s6;
	[tilespmem:s19+$0x0] =	vst v2  }
.Ltmp5:
0x55: {  	[tilespmem:s19+$0x10] =	vst v2;
	(pc) =	sbr.rel @p0 .LBB2_1-.Ltmp5, $4  }
0x56: {  	[hbm4b:s16+s3] =	stream.linear.scatter [tilespmem:s17], [sflag:$0x2], $0xA000, $0x38;
	[tilespmem:$0x12000] =	vst v63  }
0x57: {  	_ =	swait.ge [sflag:s12], $0xA000  }
0x58: {  	[sflag:s12] =	ssyncset.done $0x0  }
0x59: {  	[sflag:s12] =	ssyncadd.s32 $0xFFFF6000  }
0x5a: {  	_ =	sfence.sel $0x180000  }
0x5b: {  	[bflag:$0x0] =	sbarrier.arrive $0xFFFF  }
0x5c: {  	p0 =	sne.s32 s0, $0x0;
	_ =	strace $0x90000047  }
0x5d: {  	s0 =	sadd.s32 @!p0 $0x100000, s1;
	[bflag:$0x2] =	sbarrier.arrive $0xFFFF  }
0x5e: {  	[sflag:s0] =	ssyncadd.tile.s32 @!p0 $0x1;
	_ =	shalt  }
.Lfunc_end2:
_tile_overlayer_lowered:
.L_overlay_start_2:
0x5f: {  	(tag) =	ssettag $0x2  }
0x60: {  	s0 =	rddreg [dreg:$0x0];
	s2 =	stileid.u32  }
0x61: {  	s1 =	rddreg [dreg:$0x1];
	p0 =	sne.s32 s2, $0x0  }
0x62: {  	s3 =	rddreg [dreg:$0x2];
	[bflag:$0x3] =	sbarrier.arrive $0xFFFF;
	s2 =	simm.s32 @!p0 $0x1C02  }
0x63: {  	[timem:s3], [sflag:s2] =	dma.local @!p0 [hbm:s0], s1  }
0x64: {  	s0 =	simm.s32 @!p0 $0x2  }
0x65: {  	_ =	swait.ge @!p0 [sflag:s0], s1  }
0x66: {  	s1 =	ssub.s32 @!p0 $0x0, s1;
	[sflag:s0] =	ssyncset.done @!p0 $0x0  }
0x67: {  	[sflag:s0] =	ssyncadd.s32 @!p0 s1  }
0x68: {  	[bflag:$0x3] =	sbarrier.arrive $0xFFFF  }
0x69: {  	_ =	shalt  }

// kernel: kernel.13.cloned.1.call-start
scs
__scs_entry_jumppad:
0x0: {  	(pc) =	sbr.rel $0x88, $3  }
0x1: {  	(tag) =	ssettag $0x0;
	lr =	simm.s32 $0x1  }
0x2: {  	[smem:$0x3F97] =	sst lr;
	_ =	strace $0xD0000000  }
0x3: {  	_ = 	snop  }
0x4: {  	_ = 	snop  }
0x5: {  	_ = 	snop  }
0x6: {  	_ = 	snop  }
0x7: {  	_ = 	snop  }
__scs_overlays_trampoline_lowered:
0x8: {  	[smem:$0x3FA6] =	sst s0  }
0x9: {  	[smem:$0x3FA7] =	sst s1  }
0xa: {  	[smem:$0x3FA8] =	sst s2  }
0xb: {  	[smem:$0x3FA9] =	sst s3  }
0xc: {  	[smem:$0x3FAA] =	sst s4  }
0xd: {  	[smem:$0x3FAB] =	sst s5  }
0xe: {  	[smem:$0x3FAC] =	sst s6  }
0xf: {  	[smem:$0x3FAD] =	sst s7  }
0x10: {  	[smem:$0x3FAE] =	sst s8  }
0x11: {  	[smem:$0x3FAF] =	sst s9;
	s0 =	simm.s32 @!p0 $0x0  }
0x12: {  	s1 =	sld [smem:$0x3F95];
	s0 =	simm.s32 @p0 $0x1  }
0x13: {  	[smem:$0x3FB0] =	sst s0;
	s0 =	simm.s32 @!p1 $0x0  }
0x14: {  	s2 =	sld [smem:$0x3F94];
	s0 =	simm.s32 @p1 $0x1  }
0x15: {  	[smem:$0x3FB1] =	sst s0;
	s0 =	simm.s32 @!p2 $0x0  }
0x16: {  	s3 =	sld [smem:$0x3FDB];
	s0 =	simm.s32 @p2 $0x1  }
0x17: {  	s4 =	simm.s32 $0x1BF5;
	[smem:$0x3FB3] =	sst s0  }
0x18: {  	s0 =	sld [smem:$0x3F96];
	_ =	swait.ge [sflag:s4], $0x0  }
0x19: {  	s7 =	sld [smem:$0x3F97]  }
0x1a: {  	s8 =	sadd.s32 $0xFFFFE003, lr  }
0x1b: {  	s9 =	sadd.s32 $0xFFFFFEF7, lr;
	s5 =	simm.s32 $0xFFFFFFFF;
	p2 =	slt.u32 s8, $0xFFFFF086  }
0x1c: {  	p1 =	slt.u32 s9, $0xF7A;
	s5 =	simm.s32 @!p2 $0x0  }
0x1d: {  	s5 =	simm.s32 @p1 $0x1;
	p0 =	seq.s32 s7, s2  }
0x1e: {  	s7 =	smul.u32 @!p0 $0xF7A, s2;
	p2 =	seq.s32 @!p0 s5, $0x0  }
0x1f: {  	s9 =	smul.u32 $0xF7A, s1;
	s8 =	simm.s32 @!p0 $0x1BF5;
	p2 =	por !p2, p0  }
0x20: {  	[sflag:s8] =	ssyncset.s32 @!p0 $0xFFFFF086;
	s6 =	sadd.s32 @!p0 s3, s7;
	s7 =	simm.s32 @!p0 $0x108  }
0x21: {  	s3 =	sadd.s32 s3, s9;
	s6 =	sadd.s32 @!p0 $0x88, s6;
	s7 =	simm.s32 @p2 $0x1082  }
0x22: {  	[simem:s7], [sflag:s8] =	dma.local @!p0 [hbm:s6], $0xF7A  }
0x23: {  	s9 =	sor.u32 $0xD0000000, s2;
	s6 =	simm.s32 $0x108;
	_ =	swait.ge @!p0 [sflag:s8], $0x0  }
0x24: {  	s3 =	sadd.s32 $0x88, s3;
	s6 =	simm.s32 @!p1 $0x1082;
	[sflag:s4] =	ssyncset.s32 $0xFFFFF086  }
0x25: {  	[simem:s6], [sflag:s4] =	dma.local [hbm:s3], $0xF7A  }
0x26: {  	[smem:$0x3F97] =	sst s1;
	(tag) =	ssettag s2;
	_ =	strace s9  }
0x27: {  	s1 =	sld [smem:$0x3FA7]  }
0x28: {  	s2 =	sld [smem:$0x3FA8]  }
0x29: {  	s4 =	sld [smem:$0x3FAA]  }
0x2a: {  	p0 =	seq.s32 s5, $0x0;
	s5 =	sld [smem:$0x3FAB]  }
0x2b: {  	s6 =	sld [smem:$0x3FAC]  }
0x2c: {  	s7 =	sld [smem:$0x3FAD]  }
0x2d: {  	s3 =	simm.s32 $0x108;
	s8 =	sld [smem:$0x3FAE]  }
0x2e: {  	s3 =	simm.s32 @!p0 $0x1082;
	s9 =	sld [smem:$0x3FAF]  }
0x2f: {  	lr =	sadd.s32 s0, s3;
	s0 =	sld [smem:$0x3FA6]  }
0x30: {  	s3 =	sld [smem:$0x3FA9]  }
0x31: {  	[smem:$0x3FB2] =	sst s10  }
0x32: {  	s10 =	sld [smem:$0x3FB0];
	_ =	sdelay $0x3  }
0x33: {  	p0 =	seq.s32 s10, $0x1;
	s10 =	sld [smem:$0x3FB2];
	_ =	sdelay $0x3  }
0x34: {  	[smem:$0x3FB2] =	sst s10  }
0x35: {  	s10 =	sld [smem:$0x3FB1];
	_ =	sdelay $0x3  }
0x36: {  	p1 =	seq.s32 s10, $0x1;
	s10 =	sld [smem:$0x3FB2];
	_ =	sdelay $0x3  }
0x37: {  	[smem:$0x3FB2] =	sst s10  }
0x38: {  	s10 =	sld [smem:$0x3FB3]  }
0x39: {  	_ = 	snop;
	(pc) =	sbr.ind lr, $3  }
0x3a: {  	_ = 	snop  }
0x3b: {  	_ = 	snop  }
0x3c: {  	p2 =	seq.s32 s10, $0x1;
	s10 =	sld [smem:$0x3FB2]  }
0x3d: {  	_ =	shalt  }
0x3e: {  	_ =	shalt  }
0x3f: {  	_ =	shalt  }
0x40: {  	_ =	shalt  }
0x41: {  	_ =	shalt  }
0x42: {  	_ =	shalt  }
0x43: {  	_ =	shalt  }
0x44: {  	_ =	shalt  }
0x45: {  	_ =	shalt  }
0x46: {  	_ =	shalt  }
0x47: {  	_ =	shalt  }
0x48: {  	_ =	shalt  }
0x49: {  	_ =	shalt  }
0x4a: {  	_ =	shalt  }
0x4b: {  	_ =	shalt  }
0x4c: {  	_ =	shalt  }
0x4d: {  	_ =	shalt  }
0x4e: {  	_ =	shalt  }
0x4f: {  	_ =	shalt  }
0x50: {  	_ =	shalt  }
0x51: {  	_ =	shalt  }
0x52: {  	_ =	shalt  }
0x53: {  	_ =	shalt  }
0x54: {  	_ =	shalt  }
0x55: {  	_ =	shalt  }
0x56: {  	_ =	shalt  }
0x57: {  	_ =	shalt  }
0x58: {  	_ =	shalt  }
0x59: {  	_ =	shalt  }
0x5a: {  	_ =	shalt  }
0x5b: {  	_ =	shalt  }
0x5c: {  	_ =	shalt  }
0x5d: {  	_ =	shalt  }
0x5e: {  	_ =	shalt  }
0x5f: {  	_ =	shalt  }
0x60: {  	_ =	shalt  }
0x61: {  	_ =	shalt  }
0x62: {  	_ =	shalt  }
0x63: {  	_ =	shalt  }
0x64: {  	_ =	shalt  }
0x65: {  	_ =	shalt  }
0x66: {  	_ =	shalt  }
0x67: {  	_ =	shalt  }
0x68: {  	_ =	shalt  }
0x69: {  	_ =	shalt  }
0x6a: {  	_ =	shalt  }
0x6b: {  	_ =	shalt  }
0x6c: {  	_ =	shalt  }
0x6d: {  	_ =	shalt  }
0x6e: {  	_ =	shalt  }
0x6f: {  	_ =	shalt  }
0x70: {  	_ =	shalt  }
0x71: {  	_ =	shalt  }
0x72: {  	_ =	shalt  }
0x73: {  	_ =	shalt  }
0x74: {  	_ =	shalt  }
0x75: {  	_ =	shalt  }
0x76: {  	_ =	shalt  }
0x77: {  	_ =	shalt  }
0x78: {  	_ =	shalt  }
0x79: {  	_ =	shalt  }
0x7a: {  	_ =	shalt  }
0x7b: {  	_ =	shalt  }
0x7c: {  	_ =	shalt  }
0x7d: {  	_ =	shalt  }
0x7e: {  	_ =	shalt  }
0x7f: {  	_ =	shalt  }
0x80: {  	_ =	shalt  }
0x81: {  	_ =	shalt  }
0x82: {  	_ =	shalt  }
0x83: {  	_ =	shalt  }
0x84: {  	_ =	shalt  }
0x85: {  	_ =	shalt  }
0x86: {  	_ =	shalt  }
0x87: {  	_ =	shalt  }
.Lfunc_end0:
.L_simem_size_0:
called_computation.1_lowered:
.L_overlay_start_0:
0x88: {  	s2 =	sld [smem:$0x3FD9]  }
0x89: {  	s3 =	sld [smem:$0x3FFE];
	_ =	sdelay $0x1  }
0x8a: {  	s1 =	srdreg.scid  }
0x8b: {  	s0 =	sand.u32 $0x1, s1  }
0x8c: {  	s16 =	sshll.u32 s0, $0xA;
	s2 =	sadd.s32 s3, s2  }
0x8d: {  	s2 =	sadd.s32 s2, s16  }
0x8e: {  	[smem:$0x3FBE] =	sst s2  }
0x8f: {  	_ = 	snop  }
0x90: {  	(tm) =	ssettm $0x1  }
0x91: {  	s17 =	sld [smem:$0x3FFB];
	_ =	sdelay $0x3  }
0x92: {  	_ =	strace s17  }
0x93: {  	s2 =	sld [smem:$0x3FFC];
	_ =	sdelay $0x3  }
0x94: {  	_ =	strace s2  }
0x95: {  	s2 =	sld [smem:$0x3FFD];
	_ =	sdelay $0x3  }
0x96: {  	_ =	strace s2  }
0x97: {  	_ =	strace $0x8FFFFFFF  }
0x98: {  	s18 =	sld [smem:$0x3FDB];
	_ =	sdelay $0x1  }
0x99: {  	s19 =	simm.s32 $_scs_section_size  }
0x9a: {  	s4 =	simm.s32 $_size__tile_overlayer_lowered;
	s5 =	simm.s32 $_tile_overlayer_lowered  }
0x9b: {  	s22 =	simm.s32 $0x1BFF;
	s21 =	sshll.u32 s5, $0x1;
	s2 =	sadd.s32 s19, s18  }
0x9c: {  	s6 =	simm.s32 $0x0;
	s20 =	sshll.u32 s4, $0x1;
	s4 =	sadd.s32 s21, s2  }
0x9d: {  	[timem:s6], [sflag:s22] =	dma.local [hbm:s4], s20  }
0x9e: {  	_ =	swait.ge [sflag:s22], s20  }
0x9f: {  	s3 =	ssub.s32 $0x0, s20;
	[sflag:s22] =	ssyncset.done $0x0  }
0xa0: {  	[sflag:s22] =	ssyncadd.s32 s3;
	_ =	sdelay $0x1  }
0xa1: {  	s23 =	simm.s32 $0x1B8B  }
0xa2: {  	_ =	swait.ge [sflag:s23], $0x1  }
0xa3: {  	[sflag:s23] =	ssyncset.done $0x0  }
0xa4: {  	s25 =	simm.s32 $0x1B8E;
	s24 =	sld [smem:$0x3FFE];
	[sflag:s23] =	ssyncadd.s32 $0xFFFFFFFF  }
0xa5: {  	s26 =	simm.s32 $execute0_lowered;
	[smem:$0x3FD2] =	sst s25  }
0xa6: {  	s4 =	sshll.u32 s26, $0x1;
	_ =	strace $0x80000049;
	[dreg:$0x1] =	wrdreg $0xFFFFFFFF  }
0xa7: {  	s28 =	simm.s32 $_size_execute0_lowered;
	s2 =	sadd.s32 s2, s4;
	[dreg:$0x0] =	wrdreg $0x0  }
0xa8: {  	s4 =	sshll.u32 s28, $0x1;
	[dreg:$0x2] =	wrdreg s2  }
0xa9: {  	[dreg:$0x3] =	wrdreg s4  }
0xaa: {  	[dreg:$0x4] =	wrdreg $0xC0  }
0xab: {  	_ =	task [dreg:s6], $0x5FFFF  }
0xac: {  	[dreg:$0x1] =	wrdreg $0xFFFFFFFF  }
0xad: {  	[dreg:$0x0] =	wrdreg $0x60  }
0xae: {  	[dreg:$0x2] =	wrdreg s24  }
0xaf: {  	[dreg:$0x3] =	wrdreg $0xD0000  }
0xb0: {  	[dreg:$0x4] =	wrdreg $0x9  }
0xb1: {  	_ =	task.clear_ibuf [dreg:s6], $0x5FFFF;
	_ =	strace $0x90000049  }
0xb2: {  	s29 =	simm.s32 $0x9;
	_ =	strace $0x8000004B  }
0xb3: {  	_ =	swait.ge [sflag:s29], $0x1  }
0xb4: {  	[sflag:s29] =	ssyncadd.s32 $0xFFFFFFFF  }
0xb5: {  	_ =	strace $0x9000004B  }
0xb6: {  	_ =	sfence  }
0xb7: {  	s30 =	sld [smem:$0x0];
	_ =	sdelay $0x2  }
0xb8: {  	s31 =	sshll.u32 s1, $0xD;
	s1 =	sshrl.u32 s1, $0x2  }
0xb9: {  	s3 =	sand.u32 $0x4000, s31;
	s1 =	sadd.s32 s1, s30  }
0xba: {  	s0 =	sor.u32 s3, s0;
	s1 =	sshll.u32 s1, $0x11  }
0xbb: {  	s0 =	sor.u32 s1, s0  }
0xbc: {  	s0 =	sadd.s32 $0x8F2B, s0  }
0xbd: {  	[sflag:s0] =	ssyncadd.remote.s32 $0x1  }
0xbe: {  	_ =	sfence.sel $0xFFFF  }
0xbf: {  	[dreg:$0x0] =	wrdreg $0xFFFFFFFF;
	(pc) =	sbr.abs _section_cstart, $3  }
0xc0: {  	[dreg:$0x1] =	wrdreg $0xFFFFFFFF  }
0xc1: {  	_ =	task.clear_ibuf [dreg:s6], $0x2FFFF;
	_ =	strace $0x9FFFFFFF  }
0xc2: {  	(tm) =	ssettm $0x7FFFFFFF  }
0xc3: {  	_ =	shalt  }
tec
execute0_lowered:
.L_overlay_start_1:
0x0: {  	(tag) =	ssettag $0x1  }
0x1: {  	s0 =	srdreg.scid;
	s1 =	rddreg [dreg:$0x0]  }
0x2: {  	s9 =	stileid.u32;
	s2 =	rddreg [dreg:$0x1];
	s3 =	simm.s32 $0x0  }
0x3: {  	s13 =	simm.s32 $0x5000;
	s14 =	simm.s32 $0x9;
	s16 =	simm.s32 $0x80  }
0x4: {  	s17 =	simm.s32 $0x7000;
	s19 =	simm.s32 $0x9000;
	s21 =	simm.s32 $0xB000  }
0x5: {  	s22 =	simm.s32 $0x1;
	s28 =	simm.s32 $0x4;
	s4 =	smul.u32 $0xA0, s9  }
0x6: {  	s29 =	simm.s32 $0x5;
	s30 =	simm.s32 $0x6;
	s7 =	smul.u32 $0x28000, s9  }
0x7: {  	s31 =	simm.s32 $0x7;
	s0 =	sand.u32 $0x1, s0;
	s9 =	smul.u32 $0xA000, s9  }
0x8: {  	s20 =	simm.s32 $0x4F80;
	[smem:$0x7FF] =	sst s3;
	s5 =	smul.u32 $0x50, s0  }
0x9: {  	s24 =	smul.u32 $0x14000, s0;
	_ =	strace $0x8000004A;
	s0 =	ssub.s32 $0x2, s0  }
0xa: {  	s25 =	sshrl.u32 s0, $0x1;
	s26 =	sshrl.u32 s7, $0x2;
	s15 =	sshrl.u32 s9, $0x3  }
0xb: {  	s18 =	sadd.s32 s9, s2;
	s4 =	sadd.s32 s5, s4;
	s0 =	ssub.s32 s0, s25  }
0xc: {  	s5 =	sadd.s32 s26, s2;
	s25 =	sshrl.u32 s18, $0x3;
	s26 =	simm.s32 $0x3  }
0xd: {  	s6 =	sshll.u32 s4, $0x4;
	s4 =	sadd.s32 $0x18800, s1;
	s9 =	sadd.s32 $0x2000, s5  }
0xe: {  	s10 =	sadd.s32 $0x4000, s5;
	s11 =	sadd.s32 $0x6000, s5;
	s12 =	sadd.s32 $0x8000, s5  }
0xf: {  	s8 =	sadd.s32 s6, s1;
	s1 =	sadd.s32 s24, s1;
	s24 =	simm.s32 $0x2  }
0x10: {  	s6 =	sadd.s32 $0xE000, s8;
	s7 =	sadd.s32 $0x3800, s8;
	s1 =	sadd.s32 $0x2C800, s1  }
0x11: {  	v0 =	vimm.f32 $0.0e+00;
	s8 =	smax.u32 s0, $0x1;
	s23 =	sadd.s32 s15, s1;
	s1 =	simm.s32 $0x8  }
.LBB2_1:
0x12: {  	s15 =	simm.s32 $0x100;
	s0 =	simm.s32 $0x0  }
.LBB2_2:
0x13: {  	p0 =	sne.s32 s15, $0x7F00;
	[tilespmem:s0+$0x5030] =	vst v0;
	s18 =	smov.u32 s15;
	s15 =	sadd.s32 $0x100, s15  }
.Ltmp0:
0x14: {  	[tilespmem:s0+$0x5020] =	vst v0;
	(pc) =	sbr.rel @p0 .LBB2_2-.Ltmp0, $3  }
0x15: {  	[tilespmem:s0+$0x5000] =	vst v0  }
0x16: {  	[tilespmem:s0+$0x5010] =	vst v0;
	_ =	sdelay $0x1  }
0x17: {  	s0 =	sshra.s32 s18, $0x2  }
0x18: {  	[tilespmem:s0+$0x5030] =	vst v0  }
0x19: {  	[tilespmem:s0+$0x5020] =	vst v0  }
0x1a: {  	[tilespmem:s0+$0x5000] =	vst v0  }
0x1b: {  	[tilespmem:s0+$0x5010] =	vst v0  }
0x1c: {  	[spmem:s5] =	stream.linear.scatter [tilespmem:s13], [sflag:$0x9], $0x2000, $0x38;
	[tilespmem:$0x17000] =	vst v63  }
0x1d: {  	_ =	swait.ge [sflag:s14], $0x2000  }
0x1e: {  	[sflag:s14] =	ssyncset.done $0x0  }
0x1f: {  	[sflag:s14] =	ssyncadd.s32 $0xFFFFE000  }
0x20: {  	[spmem:s9] =	stream.linear.scatter [tilespmem:s13], [sflag:$0x9], $0x2000, $0x38;
	[tilespmem:$0x17000] =	vst v63  }
0x21: {  	_ =	swait.ge [sflag:s14], $0x2000  }
0x22: {  	[sflag:s14] =	ssyncset.done $0x0  }
0x23: {  	[sflag:s14] =	ssyncadd.s32 $0xFFFFE000  }
0x24: {  	[spmem:s10] =	stream.linear.scatter [tilespmem:s13], [sflag:$0x9], $0x2000, $0x38;
	[tilespmem:$0x17000] =	vst v63  }
0x25: {  	_ =	swait.ge [sflag:s14], $0x2000  }
0x26: {  	[sflag:s14] =	ssyncset.done $0x0  }
0x27: {  	[sflag:s14] =	ssyncadd.s32 $0xFFFFE000  }
0x28: {  	[spmem:s11] =	stream.linear.scatter [tilespmem:s13], [sflag:$0x9], $0x2000, $0x38;
	[tilespmem:$0x17000] =	vst v63  }
0x29: {  	_ =	swait.ge [sflag:s14], $0x2000  }
0x2a: {  	[sflag:s14] =	ssyncset.done $0x0  }
0x2b: {  	[sflag:s14] =	ssyncadd.s32 $0xFFFFE000  }
0x2c: {  	[spmem:s12] =	stream.linear.scatter [tilespmem:s13], [sflag:$0x9], $0x2000, $0x38;
	[tilespmem:$0x17000] =	vst v63  }
0x2d: {  	_ =	swait.ge [sflag:s14], $0x2000  }
0x2e: {  	[sflag:s14] =	ssyncset.done $0x0  }
0x2f: {  	s18 =	simm.s32 $0x0;
	[sflag:s14] =	ssyncadd.s32 $0xFFFFE000  }
0x30: {  	[tilespmem:s18], [sflag:$0x9] =	stream.linear.gather [hbm4b:s6+s18], $0x2800, $0x38;
	[tilespmem:$0x17000] =	vst v63  }
0x31: {  	_ =	swait.ge [sflag:s14], $0x2800  }
0x32: {  	[sflag:s14] =	ssyncset.done $0x0  }
0x33: {  	s15 =	simm.s32 $0x2800;
	[sflag:s14] =	ssyncadd.s32 $0xFFFFD800  }
0x34: {  	[tilespmem:s15], [sflag:$0x9] =	stream.linear.gather [hbm4b:s7+s18], $0x2800, $0x38;
	[tilespmem:$0x17000] =	vst v63  }
0x35: {  	_ =	swait.ge [sflag:s14], $0x2800  }
0x36: {  	[sflag:s14] =	ssyncset.done $0x0  }
0x37: {  	[sflag:s14] =	ssyncadd.s32 $0xFFFFD800  }
0x38: {  	[bflag:$0x0] =	sbarrier.arrive $0xFFFF  }
0x39: {  	[tilespmem:s13], [sflag:$0x1] =	stream.indirect.gather [hbm4b:s4+s16], $0x40, s18, s16, $0xb8;
	[tilespmem:$0x17000] =	vst v63  }
0x3a: {  	_ = 	snop  }
0x3b: {  	[tilespmem:s17], [sflag:$0x2] =	stream.indirect.gather [hbm4b:s4+s16], $0x40, s16, s16, $0xb8;
	[tilespmem:$0x17000] =	vst v63  }
0x3c: {  	s18 =	simm.s32 $0x100  }
0x3d: {  	[tilespmem:s19], [sflag:$0x3] =	stream.indirect.gather [hbm4b:s4+s16], $0x40, s18, s16, $0xb8;
	[tilespmem:$0x17000] =	vst v63  }
0x3e: {  	s15 =	simm.s32 $0x180  }
0x3f: {  	[tilespmem:s21], [sflag:$0x4] =	stream.indirect.gather [hbm4b:s4+s16], $0x40, s15, s16, $0xb8;
	[tilespmem:$0x17000] =	vst v63  }
0x40: {  	_ =	swait.ge [sflag:s22], $0x2000  }
0x41: {  	[sflag:s22] =	ssyncset.done $0x0  }
0x42: {  	s18 =	simm.s32 $0x2800;
	[sflag:s22] =	ssyncadd.s32 $0xFFFFE000  }
0x43: {  	[spmem:s2] =	stream.indirect.scatter.add.f32 [tilespmem:s13], [sflag:$0x5], $0x40, s18, s16, $0xb8;
	[tilespmem:$0x17000] =	vst v63  }
0x44: {  	_ =	swait.ge [sflag:s24], $0x2000  }
0x45: {  	[sflag:s24] =	ssyncset.done $0x0  }
0x46: {  	s15 =	simm.s32 $0x2880;
	[sflag:s24] =	ssyncadd.s32 $0xFFFFE000  }
0x47: {  	[spmem:s2] =	stream.indirect.scatter.add.f32 [tilespmem:s17], [sflag:$0x6], $0x40, s15, s16, $0xb8;
	[tilespmem:$0x17000] =	vst v63  }
0x48: {  	_ =	swait.ge [sflag:s26], $0x2000  }
0x49: {  	[sflag:s26] =	ssyncset.done $0x0  }
0x4a: {  	s18 =	simm.s32 $0x2900;
	[sflag:s26] =	ssyncadd.s32 $0xFFFFE000  }
0x4b: {  	[spmem:s2] =	stream.indirect.scatter.add.f32 [tilespmem:s19], [sflag:$0x7], $0x40, s18, s16, $0xb8;
	[tilespmem:$0x17000] =	vst v63  }
0x4c: {  	_ =	swait.ge [sflag:s28], $0x2000  }
0x4d: {  	[sflag:s28] =	ssyncset.done $0x0  }
0x4e: {  	s15 =	simm.s32 $0x2980;
	[sflag:s28] =	ssyncadd.s32 $0xFFFFE000  }
0x4f: {  	[spmem:s2] =	stream.indirect.scatter.add.f32 [tilespmem:s21], [sflag:$0x8], $0x40, s15, s16, $0xb8;
	[tilespmem:$0x17000] =	vst v63  }
0x50: {  	_ =	swait.ge [sflag:s29], $0x2000  }
0x51: {  	[sflag:s29] =	ssyncset.done $0x0  }
0x52: {  	s18 =	simm.s32 $0x200;
	[sflag:s29] =	ssyncadd.s32 $0xFFFFE000  }
0x53: {  	[tilespmem:s13], [sflag:$0x1] =	stream.indirect.gather [hbm4b:s4+s16], $0x40, s18, s16, $0xb8;
	[tilespmem:$0x17000] =	vst v63  }
0x54: {  	_ =	swait.ge [sflag:s30], $0x2000  }
0x55: {  	[sflag:s30] =	ssyncset.done $0x0  }
0x56: {  	s15 =	simm.s32 $0x280;
	[sflag:s30] =	ssyncadd.s32 $0xFFFFE000  }
0x57: {  	[tilespmem:s17], [sflag:$0x2] =	stream.indirect.gather [hbm4b:s4+s16], $0x40, s15, s16, $0xb8;
	[tilespmem:$0x17000] =	vst v63  }
0x58: {  	_ =	swait.ge [sflag:s31], $0x2000  }
0x59: {  	[sflag:s31] =	ssyncset.done $0x0  }
0x5a: {  	s18 =	simm.s32 $0x300;
	[sflag:s31] =	ssyncadd.s32 $0xFFFFE000  }
0x5b: {  	[tilespmem:s19], [sflag:$0x3] =	stream.indirect.gather [hbm4b:s4+s16], $0x40, s18, s16, $0xb8;
	[tilespmem:$0x17000] =	vst v63  }
0x5c: {  	_ =	swait.ge [sflag:s1], $0x2000  }
0x5d: {  	[sflag:s1] =	ssyncset.done $0x0  }
0x5e: {  	s0 =	simm.s32 $0x800;
	s15 =	simm.s32 $0x380;
	[sflag:s1] =	ssyncadd.s32 $0xFFFFE000  }
.LBB2_4:
0x5f: {  	[tilespmem:s21], [sflag:$0x4] =	stream.indirect.gather [hbm4b:s4+s16], $0x40, s15, s16, $0xb8;
	[tilespmem:$0x17000] =	vst v63  }
0x60: {  	s15 =	smov.u32 s0  }
0x61: {  	p0 =	sne.s32 s0, $0x9000;
	s0 =	sadd.s32 $0x800, s0;
	_ =	swait.ge [sflag:s22], $0x2000  }
0x62: {  	s15 =	sshra.s32 s15, $0x2;
	[sflag:s22] =	ssyncset.done $0x0  }
0x63: {  	s18 =	sadd.s32 $0x2800, s15;
	[sflag:s22] =	ssyncadd.s32 $0xFFFFE000  }
0x64: {  	[spmem:s2] =	stream.indirect.scatter.add.f32 [tilespmem:s13], [sflag:$0x5], $0x40, s18, s16, $0xb8;
	[tilespmem:$0x17000] =	vst v63  }
0x65: {  	_ =	swait.ge [sflag:s24], $0x2000  }
0x66: {  	[sflag:s24] =	ssyncset.done $0x0  }
0x67: {  	s18 =	sadd.s32 $0x2880, s15;
	[sflag:s24] =	ssyncadd.s32 $0xFFFFE000  }
0x68: {  	[spmem:s2] =	stream.indirect.scatter.add.f32 [tilespmem:s17], [sflag:$0x6], $0x40, s18, s16, $0xb8;
	[tilespmem:$0x17000] =	vst v63  }
0x69: {  	_ =	swait.ge [sflag:s26], $0x2000  }
0x6a: {  	[sflag:s26] =	ssyncset.done $0x0  }
0x6b: {  	s18 =	sadd.s32 $0x2900, s15;
	[sflag:s26] =	ssyncadd.s32 $0xFFFFE000  }
0x6c: {  	[spmem:s2] =	stream.indirect.scatter.add.f32 [tilespmem:s19], [sflag:$0x7], $0x40, s18, s16, $0xb8;
	[tilespmem:$0x17000] =	vst v63  }
0x6d: {  	_ =	swait.ge [sflag:s28], $0x2000  }
0x6e: {  	[sflag:s28] =	ssyncset.done $0x0  }
0x6f: {  	s18 =	sadd.s32 $0x2980, s15;
	[sflag:s28] =	ssyncadd.s32 $0xFFFFE000  }
0x70: {  	[spmem:s2] =	stream.indirect.scatter.add.f32 [tilespmem:s21], [sflag:$0x8], $0x40, s18, s16, $0xb8;
	[tilespmem:$0x17000] =	vst v63  }
0x71: {  	_ =	swait.ge [sflag:s29], $0x2000  }
0x72: {  	[sflag:s29] =	ssyncset.done $0x0  }
0x73: {  	s18 =	sadd.s32 $0x200, s15;
	[sflag:s29] =	ssyncadd.s32 $0xFFFFE000  }
0x74: {  	[tilespmem:s13], [sflag:$0x1] =	stream.indirect.gather [hbm4b:s4+s16], $0x40, s18, s16, $0xb8;
	[tilespmem:$0x17000] =	vst v63  }
0x75: {  	_ =	swait.ge [sflag:s30], $0x2000  }
0x76: {  	[sflag:s30] =	ssyncset.done $0x0  }
0x77: {  	s18 =	sadd.s32 $0x280, s15;
	[sflag:s30] =	ssyncadd.s32 $0xFFFFE000  }
0x78: {  	[tilespmem:s17], [sflag:$0x2] =	stream.indirect.gather [hbm4b:s4+s16], $0x40, s18, s16, $0xb8;
	[tilespmem:$0x17000] =	vst v63  }
0x79: {  	_ =	swait.ge [sflag:s31], $0x2000  }
0x7a: {  	[sflag:s31] =	ssyncset.done $0x0  }
.Ltmp1:
0x7b: {  	s18 =	sadd.s32 $0x300, s15;
	[sflag:s31] =	ssyncadd.s32 $0xFFFFE000;
	(pc) =	sbr.rel @p0 .LBB2_4-.Ltmp1, $4  }
0x7c: {  	[tilespmem:s19], [sflag:$0x3] =	stream.indirect.gather [hbm4b:s4+s16], $0x40, s18, s16, $0xb8;
	[tilespmem:$0x17000] =	vst v63  }
0x7d: {  	_ =	swait.ge [sflag:s1], $0x2000  }
0x7e: {  	[sflag:s1] =	ssyncset.done $0x0  }
0x7f: {  	s15 =	sadd.s32 $0x380, s15;
	[sflag:s1] =	ssyncadd.s32 $0xFFFFE000  }
0x80: {  	[tilespmem:s21], [sflag:$0x4] =	stream.indirect.gather [hbm4b:s4+s16], $0x40, s15, s16, $0xb8;
	[tilespmem:$0x17000] =	vst v63  }
0x81: {  	_ =	swait.ge [sflag:s22], $0x2000  }
0x82: {  	[sflag:s22] =	ssyncset.done $0x0  }
0x83: {  	s0 =	simm.s32 $0x4E00;
	[sflag:s22] =	ssyncadd.s32 $0xFFFFE000  }
0x84: {  	[spmem:s2] =	stream.indirect.scatter.add.f32 [tilespmem:s13], [sflag:$0x5], $0x40, s0, s16, $0xb8;
	[tilespmem:$0x17000] =	vst v63  }
0x85: {  	_ =	swait.ge [sflag:s24], $0x2000  }
0x86: {  	[sflag:s24] =	ssyncset.done $0x0  }
0x87: {  	s18 =	simm.s32 $0x4E80;
	[sflag:s24] =	ssyncadd.s32 $0xFFFFE000  }
0x88: {  	[spmem:s2] =	stream.indirect.scatter.add.f32 [tilespmem:s17], [sflag:$0x6], $0x40, s18, s16, $0xb8;
	[tilespmem:$0x17000] =	vst v63  }
0x89: {  	_ =	swait.ge [sflag:s26], $0x2000  }
0x8a: {  	[sflag:s26] =	ssyncset.done $0x0  }
0x8b: {  	s15 =	simm.s32 $0x4F00;
	[sflag:s26] =	ssyncadd.s32 $0xFFFFE000  }
0x8c: {  	[spmem:s2] =	stream.indirect.scatter.add.f32 [tilespmem:s19], [sflag:$0x7], $0x40, s15, s16, $0xb8;
	[tilespmem:$0x17000] =	vst v63  }
0x8d: {  	_ =	swait.ge [sflag:s28], $0x2000  }
0x8e: {  	[sflag:s28] =	ssyncset.done $0x0  }
0x8f: {  	[sflag:s28] =	ssyncadd.s32 $0xFFFFE000  }
0x90: {  	[spmem:s2] =	stream.indirect.scatter.add.f32 [tilespmem:s21], [sflag:$0x8], $0x40, s20, s16, $0xb8;
	[tilespmem:$0x17000] =	vst v63  }
0x91: {  	_ =	swait.ge [sflag:s29], $0x2000  }
0x92: {  	[sflag:s29] =	ssyncset.done $0x0  }
0x93: {  	[sflag:s29] =	ssyncadd.s32 $0xFFFFE000  }
0x94: {  	_ =	swait.ge [sflag:s30], $0x2000  }
0x95: {  	[sflag:s30] =	ssyncset.done $0x0  }
0x96: {  	[sflag:s30] =	ssyncadd.s32 $0xFFFFE000  }
0x97: {  	_ =	swait.ge [sflag:s31], $0x2000  }
0x98: {  	[sflag:s31] =	ssyncset.done $0x0  }
0x99: {  	[sflag:s31] =	ssyncadd.s32 $0xFFFFE000  }
0x9a: {  	_ =	swait.ge [sflag:s1], $0x2000  }
0x9b: {  	s3 =	sadd.s32 $0x1, s3;
	s18 =	stileid.u32;
	[sflag:s1] =	ssyncset.done $0x0  }
0x9c: {  	p0 =	sne.s32 s3, s8;
	s0 =	sshll.u32 s18, $0x6;
	[sflag:s1] =	ssyncadd.s32 $0xFFFFE000  }
.Ltmp2:
0x9d: {  	s0 =	sor.u32 $0x1C09, s0;
	[bflag:$0x0] =	sbarrier.arrive $0xFFFF;
	(pc) =	sbr.rel @p0 .LBB2_1-.Ltmp2, $4  }
0x9e: {  	[hbm:s23], [sflag:s0] =	dma.local [spmem:s25], $0x1400  }
0x9f: {  	_ =	swait.ge [sflag:s14], $0x1400  }
0xa0: {  	[sflag:s14] =	ssyncset.done $0x0  }
0xa1: {  	[sflag:s14] =	ssyncadd.s32 $0xFFFFEC00  }
0xa2: {  	_ =	sfence.sel $0x180000  }
0xa3: {  	[bflag:$0x0] =	sbarrier.arrive $0xFFFF  }
0xa4: {  	_ =	strace $0x9000004A  }
0xa5: {  	s0 =	stileid.u32;
	[bflag:$0x2] =	sbarrier.arrive $0xFFFF  }
0xa6: {  	p0 =	sne.s32 s0, $0x0;
	s0 =	rddreg [dreg:$0x2]  }
0xa7: {  	s0 =	sadd.s32 @!p0 $0x100000, s0  }
0xa8: {  	[sflag:s0] =	ssyncadd.tile.s32 @!p0 $0x1;
	_ =	shalt  }
.Lfunc_end2:
_tile_overlayer_lowered:
.L_overlay_start_2:
0xa9: {  	(tag) =	ssettag $0x2  }
0xaa: {  	s0 =	rddreg [dreg:$0x0];
	s2 =	stileid.u32  }
0xab: {  	s1 =	rddreg [dreg:$0x1];
	p0 =	sne.s32 s2, $0x0  }
0xac: {  	s3 =	rddreg [dreg:$0x2];
	[bflag:$0x3] =	sbarrier.arrive $0xFFFF;
	s2 =	simm.s32 @!p0 $0x1C09  }
0xad: {  	[timem:s3], [sflag:s2] =	dma.local @!p0 [hbm:s0], s1  }
0xae: {  	s0 =	simm.s32 @!p0 $0x9  }
0xaf: {  	_ =	swait.ge @!p0 [sflag:s0], s1  }
0xb0: {  	s1 =	ssub.s32 @!p0 $0x0, s1;
	[sflag:s0] =	ssyncset.done @!p0 $0x0  }
0xb1: {  	[sflag:s0] =	ssyncadd.s32 @!p0 s1  }
0xb2: {  	[bflag:$0x3] =	sbarrier.arrive $0xFFFF  }
0xb3: {  	_ =	shalt  }

// kernel: kernel.16.cloned.1.call-start
scs
__scs_entry_jumppad:
0x0: {  	(pc) =	sbr.rel $0x88, $3  }
0x1: {  	(tag) =	ssettag $0x0;
	lr =	simm.s32 $0x1  }
0x2: {  	[smem:$0x3F97] =	sst lr;
	_ =	strace $0xD0000000  }
0x3: {  	_ = 	snop  }
0x4: {  	_ = 	snop  }
0x5: {  	_ = 	snop  }
0x6: {  	_ = 	snop  }
0x7: {  	_ = 	snop  }
__scs_overlays_trampoline_lowered:
0x8: {  	[smem:$0x3FA6] =	sst s0  }
0x9: {  	[smem:$0x3FA7] =	sst s1  }
0xa: {  	[smem:$0x3FA8] =	sst s2  }
0xb: {  	[smem:$0x3FA9] =	sst s3  }
0xc: {  	[smem:$0x3FAA] =	sst s4  }
0xd: {  	[smem:$0x3FAB] =	sst s5  }
0xe: {  	[smem:$0x3FAC] =	sst s6  }
0xf: {  	[smem:$0x3FAD] =	sst s7  }
0x10: {  	[smem:$0x3FAE] =	sst s8  }
0x11: {  	[smem:$0x3FAF] =	sst s9;
	s0 =	simm.s32 @!p0 $0x0  }
0x12: {  	s1 =	sld [smem:$0x3F95];
	s0 =	simm.s32 @p0 $0x1  }
0x13: {  	[smem:$0x3FB0] =	sst s0;
	s0 =	simm.s32 @!p1 $0x0  }
0x14: {  	s2 =	sld [smem:$0x3F94];
	s0 =	simm.s32 @p1 $0x1  }
0x15: {  	[smem:$0x3FB1] =	sst s0;
	s0 =	simm.s32 @!p2 $0x0  }
0x16: {  	s3 =	sld [smem:$0x3FDB];
	s0 =	simm.s32 @p2 $0x1  }
0x17: {  	s4 =	simm.s32 $0x1BF5;
	[smem:$0x3FB3] =	sst s0  }
0x18: {  	s0 =	sld [smem:$0x3F96];
	_ =	swait.ge [sflag:s4], $0x0  }
0x19: {  	s7 =	sld [smem:$0x3F97]  }
0x1a: {  	s8 =	sadd.s32 $0xFFFFE003, lr  }
0x1b: {  	s9 =	sadd.s32 $0xFFFFFEF7, lr;
	s5 =	simm.s32 $0xFFFFFFFF;
	p2 =	slt.u32 s8, $0xFFFFF086  }
0x1c: {  	p1 =	slt.u32 s9, $0xF7A;
	s5 =	simm.s32 @!p2 $0x0  }
0x1d: {  	s5 =	simm.s32 @p1 $0x1;
	p0 =	seq.s32 s7, s2  }
0x1e: {  	s7 =	smul.u32 @!p0 $0xF7A, s2;
	p2 =	seq.s32 @!p0 s5, $0x0  }
0x1f: {  	s9 =	smul.u32 $0xF7A, s1;
	s8 =	simm.s32 @!p0 $0x1BF5;
	p2 =	por !p2, p0  }
0x20: {  	[sflag:s8] =	ssyncset.s32 @!p0 $0xFFFFF086;
	s6 =	sadd.s32 @!p0 s3, s7;
	s7 =	simm.s32 @!p0 $0x108  }
0x21: {  	s3 =	sadd.s32 s3, s9;
	s6 =	sadd.s32 @!p0 $0x88, s6;
	s7 =	simm.s32 @p2 $0x1082  }
0x22: {  	[simem:s7], [sflag:s8] =	dma.local @!p0 [hbm:s6], $0xF7A  }
0x23: {  	s9 =	sor.u32 $0xD0000000, s2;
	s6 =	simm.s32 $0x108;
	_ =	swait.ge @!p0 [sflag:s8], $0x0  }
0x24: {  	s3 =	sadd.s32 $0x88, s3;
	s6 =	simm.s32 @!p1 $0x1082;
	[sflag:s4] =	ssyncset.s32 $0xFFFFF086  }
0x25: {  	[simem:s6], [sflag:s4] =	dma.local [hbm:s3], $0xF7A  }
0x26: {  	[smem:$0x3F97] =	sst s1;
	(tag) =	ssettag s2;
	_ =	strace s9  }
0x27: {  	s1 =	sld [smem:$0x3FA7]  }
0x28: {  	s2 =	sld [smem:$0x3FA8]  }
0x29: {  	s4 =	sld [smem:$0x3FAA]  }
0x2a: {  	p0 =	seq.s32 s5, $0x0;
	s5 =	sld [smem:$0x3FAB]  }
0x2b: {  	s6 =	sld [smem:$0x3FAC]  }
0x2c: {  	s7 =	sld [smem:$0x3FAD]  }
0x2d: {  	s3 =	simm.s32 $0x108;
	s8 =	sld [smem:$0x3FAE]  }
0x2e: {  	s3 =	simm.s32 @!p0 $0x1082;
	s9 =	sld [smem:$0x3FAF]  }
0x2f: {  	lr =	sadd.s32 s0, s3;
	s0 =	sld [smem:$0x3FA6]  }
0x30: {  	s3 =	sld [smem:$0x3FA9]  }
0x31: {  	[smem:$0x3FB2] =	sst s10  }
0x32: {  	s10 =	sld [smem:$0x3FB0];
	_ =	sdelay $0x3  }
0x33: {  	p0 =	seq.s32 s10, $0x1;
	s10 =	sld [smem:$0x3FB2];
	_ =	sdelay $0x3  }
0x34: {  	[smem:$0x3FB2] =	sst s10  }
0x35: {  	s10 =	sld [smem:$0x3FB1];
	_ =	sdelay $0x3  }
0x36: {  	p1 =	seq.s32 s10, $0x1;
	s10 =	sld [smem:$0x3FB2];
	_ =	sdelay $0x3  }
0x37: {  	[smem:$0x3FB2] =	sst s10  }
0x38: {  	s10 =	sld [smem:$0x3FB3]  }
0x39: {  	_ = 	snop;
	(pc) =	sbr.ind lr, $3  }
0x3a: {  	_ = 	snop  }
0x3b: {  	_ = 	snop  }
0x3c: {  	p2 =	seq.s32 s10, $0x1;
	s10 =	sld [smem:$0x3FB2]  }
0x3d: {  	_ =	shalt  }
0x3e: {  	_ =	shalt  }
0x3f: {  	_ =	shalt  }
0x40: {  	_ =	shalt  }
0x41: {  	_ =	shalt  }
0x42: {  	_ =	shalt  }
0x43: {  	_ =	shalt  }
0x44: {  	_ =	shalt  }
0x45: {  	_ =	shalt  }
0x46: {  	_ =	shalt  }
0x47: {  	_ =	shalt  }
0x48: {  	_ =	shalt  }
0x49: {  	_ =	shalt  }
0x4a: {  	_ =	shalt  }
0x4b: {  	_ =	shalt  }
0x4c: {  	_ =	shalt  }
0x4d: {  	_ =	shalt  }
0x4e: {  	_ =	shalt  }
0x4f: {  	_ =	shalt  }
0x50: {  	_ =	shalt  }
0x51: {  	_ =	shalt  }
0x52: {  	_ =	shalt  }
0x53: {  	_ =	shalt  }
0x54: {  	_ =	shalt  }
0x55: {  	_ =	shalt  }
0x56: {  	_ =	shalt  }
0x57: {  	_ =	shalt  }
0x58: {  	_ =	shalt  }
0x59: {  	_ =	shalt  }
0x5a: {  	_ =	shalt  }
0x5b: {  	_ =	shalt  }
0x5c: {  	_ =	shalt  }
0x5d: {  	_ =	shalt  }
0x5e: {  	_ =	shalt  }
0x5f: {  	_ =	shalt  }
0x60: {  	_ =	shalt  }
0x61: {  	_ =	shalt  }
0x62: {  	_ =	shalt  }
0x63: {  	_ =	shalt  }
0x64: {  	_ =	shalt  }
0x65: {  	_ =	shalt  }
0x66: {  	_ =	shalt  }
0x67: {  	_ =	shalt  }
0x68: {  	_ =	shalt  }
0x69: {  	_ =	shalt  }
0x6a: {  	_ =	shalt  }
0x6b: {  	_ =	shalt  }
0x6c: {  	_ =	shalt  }
0x6d: {  	_ =	shalt  }
0x6e: {  	_ =	shalt  }
0x6f: {  	_ =	shalt  }
0x70: {  	_ =	shalt  }
0x71: {  	_ =	shalt  }
0x72: {  	_ =	shalt  }
0x73: {  	_ =	shalt  }
0x74: {  	_ =	shalt  }
0x75: {  	_ =	shalt  }
0x76: {  	_ =	shalt  }
0x77: {  	_ =	shalt  }
0x78: {  	_ =	shalt  }
0x79: {  	_ =	shalt  }
0x7a: {  	_ =	shalt  }
0x7b: {  	_ =	shalt  }
0x7c: {  	_ =	shalt  }
0x7d: {  	_ =	shalt  }
0x7e: {  	_ =	shalt  }
0x7f: {  	_ =	shalt  }
0x80: {  	_ =	shalt  }
0x81: {  	_ =	shalt  }
0x82: {  	_ =	shalt  }
0x83: {  	_ =	shalt  }
0x84: {  	_ =	shalt  }
0x85: {  	_ =	shalt  }
0x86: {  	_ =	shalt  }
0x87: {  	_ =	shalt  }
.Lfunc_end0:
.L_simem_size_0:
called_computation.2_lowered:
.L_overlay_start_0:
0x88: {  	s2 =	sld [smem:$0x3FD9]  }
0x89: {  	s3 =	sld [smem:$0x3FFE];
	_ =	sdelay $0x1  }
0x8a: {  	s1 =	srdreg.scid  }
0x8b: {  	s0 =	sand.u32 $0x1, s1  }
0x8c: {  	s16 =	sshll.u32 s0, $0xA;
	s2 =	sadd.s32 s3, s2  }
0x8d: {  	s2 =	sadd.s32 s2, s16  }
0x8e: {  	[smem:$0x3FBE] =	sst s2  }
0x8f: {  	_ = 	snop  }
0x90: {  	(tm) =	ssettm $0x1  }
0x91: {  	s17 =	sld [smem:$0x3FFB];
	_ =	sdelay $0x3  }
0x92: {  	_ =	strace s17  }
0x93: {  	s2 =	sld [smem:$0x3FFC];
	_ =	sdelay $0x3  }
0x94: {  	_ =	strace s2  }
0x95: {  	s2 =	sld [smem:$0x3FFD];
	_ =	sdelay $0x3  }
0x96: {  	_ =	strace s2  }
0x97: {  	_ =	strace $0x8FFFFFFF  }
0x98: {  	s18 =	sld [smem:$0x3FDB];
	_ =	sdelay $0x1  }
0x99: {  	s19 =	simm.s32 $_scs_section_size  }
0x9a: {  	s4 =	simm.s32 $_size__tile_overlayer_lowered;
	s5 =	simm.s32 $_tile_overlayer_lowered  }
0x9b: {  	s22 =	simm.s32 $0x1BFF;
	s21 =	sshll.u32 s5, $0x1;
	s2 =	sadd.s32 s19, s18  }
0x9c: {  	s6 =	simm.s32 $0x0;
	s20 =	sshll.u32 s4, $0x1;
	s4 =	sadd.s32 s21, s2  }
0x9d: {  	[timem:s6], [sflag:s22] =	dma.local [hbm:s4], s20  }
0x9e: {  	_ =	swait.ge [sflag:s22], s20  }
0x9f: {  	s3 =	ssub.s32 $0x0, s20;
	[sflag:s22] =	ssyncset.done $0x0  }
0xa0: {  	[sflag:s22] =	ssyncadd.s32 s3;
	_ =	sdelay $0x1  }
0xa1: {  	s23 =	simm.s32 $0x1B8B  }
0xa2: {  	_ =	swait.ge [sflag:s23], $0x1  }
0xa3: {  	[sflag:s23] =	ssyncset.done $0x0  }
0xa4: {  	s25 =	simm.s32 $0x1B8E;
	s24 =	sld [smem:$0x3FFE];
	[sflag:s23] =	ssyncadd.s32 $0xFFFFFFFF  }
0xa5: {  	s26 =	simm.s32 $execute0_lowered;
	[smem:$0x3FD2] =	sst s25  }
0xa6: {  	s4 =	sshll.u32 s26, $0x1;
	_ =	strace $0x8000004C;
	[dreg:$0x1] =	wrdreg $0xFFFFFFFF  }
0xa7: {  	s28 =	simm.s32 $_size_execute0_lowered;
	s2 =	sadd.s32 s2, s4;
	[dreg:$0x0] =	wrdreg $0x0  }
0xa8: {  	s4 =	sshll.u32 s28, $0x1;
	[dreg:$0x2] =	wrdreg s2  }
0xa9: {  	[dreg:$0x3] =	wrdreg s4  }
0xaa: {  	[dreg:$0x4] =	wrdreg $0xC0  }
0xab: {  	_ =	task [dreg:s6], $0x5FFFF  }
0xac: {  	[dreg:$0x1] =	wrdreg $0xFFFFFFFF  }
0xad: {  	[dreg:$0x0] =	wrdreg $0x60  }
0xae: {  	[dreg:$0x2] =	wrdreg s24  }
0xaf: {  	[dreg:$0x3] =	wrdreg $0xD0000  }
0xb0: {  	[dreg:$0x4] =	wrdreg $0x9  }
0xb1: {  	_ =	task.clear_ibuf [dreg:s6], $0x5FFFF;
	_ =	strace $0x9000004C  }
0xb2: {  	s29 =	simm.s32 $0x9;
	_ =	strace $0x8000004E  }
0xb3: {  	_ =	swait.ge [sflag:s29], $0x1  }
0xb4: {  	[sflag:s29] =	ssyncadd.s32 $0xFFFFFFFF  }
0xb5: {  	_ =	strace $0x9000004E  }
0xb6: {  	_ =	sfence  }
0xb7: {  	s30 =	sld [smem:$0x0];
	_ =	sdelay $0x2  }
0xb8: {  	s31 =	sshll.u32 s1, $0xD;
	s1 =	sshrl.u32 s1, $0x2  }
0xb9: {  	s3 =	sand.u32 $0x4000, s31;
	s1 =	sadd.s32 s1, s30  }
0xba: {  	s0 =	sor.u32 s3, s0;
	s1 =	sshll.u32 s1, $0x11  }
0xbb: {  	s0 =	sor.u32 s1, s0  }
0xbc: {  	s0 =	sadd.s32 $0x8F2B, s0  }
0xbd: {  	[sflag:s0] =	ssyncadd.remote.s32 $0x1  }
0xbe: {  	_ =	sfence.sel $0xFFFF  }
0xbf: {  	[dreg:$0x0] =	wrdreg $0xFFFFFFFF;
	(pc) =	sbr.abs _section_cstart, $3  }
0xc0: {  	[dreg:$0x1] =	wrdreg $0xFFFFFFFF  }
0xc1: {  	_ =	task.clear_ibuf [dreg:s6], $0x2FFFF;
	_ =	strace $0x9FFFFFFF  }
0xc2: {  	(tm) =	ssettm $0x7FFFFFFF  }
0xc3: {  	_ =	shalt  }
tec
execute0_lowered:
.L_overlay_start_1:
0x0: {  	(tag) =	ssettag $0x1  }
0x1: {  	s0 =	srdreg.scid;
	s1 =	rddreg [dreg:$0x0]  }
0x2: {  	s9 =	stileid.u32;
	s2 =	rddreg [dreg:$0x1];
	s3 =	simm.s32 $0x0  }
0x3: {  	s13 =	simm.s32 $0x5000;
	s14 =	simm.s32 $0x9;
	s16 =	simm.s32 $0x80  }
0x4: {  	s17 =	simm.s32 $0x7000;
	s19 =	simm.s32 $0x9000;
	s21 =	simm.s32 $0xB000  }
0x5: {  	s22 =	simm.s32 $0x1;
	s28 =	simm.s32 $0x4;
	s4 =	smul.u32 $0xA0, s9  }
0x6: {  	s29 =	simm.s32 $0x5;
	s30 =	simm.s32 $0x6;
	s7 =	smul.u32 $0x28000, s9  }
0x7: {  	s31 =	simm.s32 $0x7;
	s0 =	sand.u32 $0x1, s0;
	s9 =	smul.u32 $0xA000, s9  }
0x8: {  	s20 =	simm.s32 $0x4F80;
	[smem:$0x7FF] =	sst s3;
	s5 =	smul.u32 $0x50, s0  }
0x9: {  	s24 =	smul.u32 $0x14000, s0;
	_ =	strace $0x8000004D;
	s0 =	ssub.s32 $0x2, s0  }
0xa: {  	s25 =	sshrl.u32 s0, $0x1;
	s26 =	sshrl.u32 s7, $0x2;
	s15 =	sshrl.u32 s9, $0x3  }
0xb: {  	s18 =	sadd.s32 s9, s2;
	s4 =	sadd.s32 s5, s4;
	s0 =	ssub.s32 s0, s25  }
0xc: {  	s5 =	sadd.s32 s26, s2;
	s25 =	sshrl.u32 s18, $0x3;
	s26 =	simm.s32 $0x3  }
0xd: {  	s6 =	sshll.u32 s4, $0x4;
	s4 =	sadd.s32 $0x18800, s1;
	s9 =	sadd.s32 $0x2000, s5  }
0xe: {  	s10 =	sadd.s32 $0x4000, s5;
	s11 =	sadd.s32 $0x6000, s5;
	s12 =	sadd.s32 $0x8000, s5  }
0xf: {  	s8 =	sadd.s32 s6, s1;
	s1 =	sadd.s32 s24, s1;
	s24 =	simm.s32 $0x2  }
0x10: {  	s6 =	sadd.s32 $0xE000, s8;
	s7 =	sadd.s32 $0x3800, s8;
	s1 =	sadd.s32 $0x2C800, s1  }
0x11: {  	v0 =	vimm.f32 $0.0e+00;
	s8 =	smax.u32 s0, $0x1;
	s23 =	sadd.s32 s15, s1;
	s1 =	simm.s32 $0x8  }
.LBB2_1:
0x12: {  	s15 =	simm.s32 $0x100;
	s0 =	simm.s32 $0x0  }
.LBB2_2:
0x13: {  	p0 =	sne.s32 s15, $0x7F00;
	[tilespmem:s0+$0x5030] =	vst v0;
	s18 =	smov.u32 s15;
	s15 =	sadd.s32 $0x100, s15  }
.Ltmp0:
0x14: {  	[tilespmem:s0+$0x5020] =	vst v0;
	(pc) =	sbr.rel @p0 .LBB2_2-.Ltmp0, $3  }
0x15: {  	[tilespmem:s0+$0x5000] =	vst v0  }
0x16: {  	[tilespmem:s0+$0x5010] =	vst v0;
	_ =	sdelay $0x1  }
0x17: {  	s0 =	sshra.s32 s18, $0x2  }
0x18: {  	[tilespmem:s0+$0x5030] =	vst v0  }
0x19: {  	[tilespmem:s0+$0x5020] =	vst v0  }
0x1a: {  	[tilespmem:s0+$0x5000] =	vst v0  }
0x1b: {  	[tilespmem:s0+$0x5010] =	vst v0  }
0x1c: {  	[spmem:s5] =	stream.linear.scatter [tilespmem:s13], [sflag:$0x9], $0x2000, $0x38;
	[tilespmem:$0x17000] =	vst v63  }
0x1d: {  	_ =	swait.ge [sflag:s14], $0x2000  }
0x1e: {  	[sflag:s14] =	ssyncset.done $0x0  }
0x1f: {  	[sflag:s14] =	ssyncadd.s32 $0xFFFFE000  }
0x20: {  	[spmem:s9] =	stream.linear.scatter [tilespmem:s13], [sflag:$0x9], $0x2000, $0x38;
	[tilespmem:$0x17000] =	vst v63  }
0x21: {  	_ =	swait.ge [sflag:s14], $0x2000  }
0x22: {  	[sflag:s14] =	ssyncset.done $0x0  }
0x23: {  	[sflag:s14] =	ssyncadd.s32 $0xFFFFE000  }
0x24: {  	[spmem:s10] =	stream.linear.scatter [tilespmem:s13], [sflag:$0x9], $0x2000, $0x38;
	[tilespmem:$0x17000] =	vst v63  }
0x25: {  	_ =	swait.ge [sflag:s14], $0x2000  }
0x26: {  	[sflag:s14] =	ssyncset.done $0x0  }
0x27: {  	[sflag:s14] =	ssyncadd.s32 $0xFFFFE000  }
0x28: {  	[spmem:s11] =	stream.linear.scatter [tilespmem:s13], [sflag:$0x9], $0x2000, $0x38;
	[tilespmem:$0x17000] =	vst v63  }
0x29: {  	_ =	swait.ge [sflag:s14], $0x2000  }
0x2a: {  	[sflag:s14] =	ssyncset.done $0x0  }
0x2b: {  	[sflag:s14] =	ssyncadd.s32 $0xFFFFE000  }
0x2c: {  	[spmem:s12] =	stream.linear.scatter [tilespmem:s13], [sflag:$0x9], $0x2000, $0x38;
	[tilespmem:$0x17000] =	vst v63  }
0x2d: {  	_ =	swait.ge [sflag:s14], $0x2000  }
0x2e: {  	[sflag:s14] =	ssyncset.done $0x0  }
0x2f: {  	s18 =	simm.s32 $0x0;
	[sflag:s14] =	ssyncadd.s32 $0xFFFFE000  }
0x30: {  	[tilespmem:s18], [sflag:$0x9] =	stream.linear.gather [hbm4b:s6+s18], $0x2800, $0x38;
	[tilespmem:$0x17000] =	vst v63  }
0x31: {  	_ =	swait.ge [sflag:s14], $0x2800  }
0x32: {  	[sflag:s14] =	ssyncset.done $0x0  }
0x33: {  	s15 =	simm.s32 $0x2800;
	[sflag:s14] =	ssyncadd.s32 $0xFFFFD800  }
0x34: {  	[tilespmem:s15], [sflag:$0x9] =	stream.linear.gather [hbm4b:s7+s18], $0x2800, $0x38;
	[tilespmem:$0x17000] =	vst v63  }
0x35: {  	_ =	swait.ge [sflag:s14], $0x2800  }
0x36: {  	[sflag:s14] =	ssyncset.done $0x0  }
0x37: {  	[sflag:s14] =	ssyncadd.s32 $0xFFFFD800  }
0x38: {  	[bflag:$0x0] =	sbarrier.arrive $0xFFFF  }
0x39: {  	[tilespmem:s13], [sflag:$0x1] =	stream.indirect.gather [hbm4b:s4+s16], $0x40, s18, s16, $0xb8;
	[tilespmem:$0x17000] =	vst v63  }
0x3a: {  	_ = 	snop  }
0x3b: {  	[tilespmem:s17], [sflag:$0x2] =	stream.indirect.gather [hbm4b:s4+s16], $0x40, s16, s16, $0xb8;
	[tilespmem:$0x17000] =	vst v63  }
0x3c: {  	s18 =	simm.s32 $0x100  }
0x3d: {  	[tilespmem:s19], [sflag:$0x3] =	stream.indirect.gather [hbm4b:s4+s16], $0x40, s18, s16, $0xb8;
	[tilespmem:$0x17000] =	vst v63  }
0x3e: {  	s15 =	simm.s32 $0x180  }
0x3f: {  	[tilespmem:s21], [sflag:$0x4] =	stream.indirect.gather [hbm4b:s4+s16], $0x40, s15, s16, $0xb8;
	[tilespmem:$0x17000] =	vst v63  }
0x40: {  	_ =	swait.ge [sflag:s22], $0x2000  }
0x41: {  	[sflag:s22] =	ssyncset.done $0x0  }
0x42: {  	s18 =	simm.s32 $0x2800;
	[sflag:s22] =	ssyncadd.s32 $0xFFFFE000  }
0x43: {  	[spmem:s2] =	stream.indirect.scatter.add.f32 [tilespmem:s13], [sflag:$0x5], $0x40, s18, s16, $0xb8;
	[tilespmem:$0x17000] =	vst v63  }
0x44: {  	_ =	swait.ge [sflag:s24], $0x2000  }
0x45: {  	[sflag:s24] =	ssyncset.done $0x0  }
0x46: {  	s15 =	simm.s32 $0x2880;
	[sflag:s24] =	ssyncadd.s32 $0xFFFFE000  }
0x47: {  	[spmem:s2] =	stream.indirect.scatter.add.f32 [tilespmem:s17], [sflag:$0x6], $0x40, s15, s16, $0xb8;
	[tilespmem:$0x17000] =	vst v63  }
0x48: {  	_ =	swait.ge [sflag:s26], $0x2000  }
0x49: {  	[sflag:s26] =	ssyncset.done $0x0  }
0x4a: {  	s18 =	simm.s32 $0x2900;
	[sflag:s26] =	ssyncadd.s32 $0xFFFFE000  }
0x4b: {  	[spmem:s2] =	stream.indirect.scatter.add.f32 [tilespmem:s19], [sflag:$0x7], $0x40, s18, s16, $0xb8;
	[tilespmem:$0x17000] =	vst v63  }
0x4c: {  	_ =	swait.ge [sflag:s28], $0x2000  }
0x4d: {  	[sflag:s28] =	ssyncset.done $0x0  }
0x4e: {  	s15 =	simm.s32 $0x2980;
	[sflag:s28] =	ssyncadd.s32 $0xFFFFE000  }
0x4f: {  	[spmem:s2] =	stream.indirect.scatter.add.f32 [tilespmem:s21], [sflag:$0x8], $0x40, s15, s16, $0xb8;
	[tilespmem:$0x17000] =	vst v63  }
0x50: {  	_ =	swait.ge [sflag:s29], $0x2000  }
0x51: {  	[sflag:s29] =	ssyncset.done $0x0  }
0x52: {  	s18 =	simm.s32 $0x200;
	[sflag:s29] =	ssyncadd.s32 $0xFFFFE000  }
0x53: {  	[tilespmem:s13], [sflag:$0x1] =	stream.indirect.gather [hbm4b:s4+s16], $0x40, s18, s16, $0xb8;
	[tilespmem:$0x17000] =	vst v63  }
0x54: {  	_ =	swait.ge [sflag:s30], $0x2000  }
0x55: {  	[sflag:s30] =	ssyncset.done $0x0  }
0x56: {  	s15 =	simm.s32 $0x280;
	[sflag:s30] =	ssyncadd.s32 $0xFFFFE000  }
0x57: {  	[tilespmem:s17], [sflag:$0x2] =	stream.indirect.gather [hbm4b:s4+s16], $0x40, s15, s16, $0xb8;
	[tilespmem:$0x17000] =	vst v63  }
0x58: {  	_ =	swait.ge [sflag:s31], $0x2000  }
0x59: {  	[sflag:s31] =	ssyncset.done $0x0  }
0x5a: {  	s18 =	simm.s32 $0x300;
	[sflag:s31] =	ssyncadd.s32 $0xFFFFE000  }
0x5b: {  	[tilespmem:s19], [sflag:$0x3] =	stream.indirect.gather [hbm4b:s4+s16], $0x40, s18, s16, $0xb8;
	[tilespmem:$0x17000] =	vst v63  }
0x5c: {  	_ =	swait.ge [sflag:s1], $0x2000  }
0x5d: {  	[sflag:s1] =	ssyncset.done $0x0  }
0x5e: {  	s0 =	simm.s32 $0x800;
	s15 =	simm.s32 $0x380;
	[sflag:s1] =	ssyncadd.s32 $0xFFFFE000  }
.LBB2_4:
0x5f: {  	[tilespmem:s21], [sflag:$0x4] =	stream.indirect.gather [hbm4b:s4+s16], $0x40, s15, s16, $0xb8;
	[tilespmem:$0x17000] =	vst v63  }
0x60: {  	s15 =	smov.u32 s0  }
0x61: {  	p0 =	sne.s32 s0, $0x9000;
	s0 =	sadd.s32 $0x800, s0;
	_ =	swait.ge [sflag:s22], $0x2000  }
0x62: {  	s15 =	sshra.s32 s15, $0x2;
	[sflag:s22] =	ssyncset.done $0x0  }
0x63: {  	s18 =	sadd.s32 $0x2800, s15;
	[sflag:s22] =	ssyncadd.s32 $0xFFFFE000  }
0x64: {  	[spmem:s2] =	stream.indirect.scatter.add.f32 [tilespmem:s13], [sflag:$0x5], $0x40, s18, s16, $0xb8;
	[tilespmem:$0x17000] =	vst v63  }
0x65: {  	_ =	swait.ge [sflag:s24], $0x2000  }
0x66: {  	[sflag:s24] =	ssyncset.done $0x0  }
0x67: {  	s18 =	sadd.s32 $0x2880, s15;
	[sflag:s24] =	ssyncadd.s32 $0xFFFFE000  }
0x68: {  	[spmem:s2] =	stream.indirect.scatter.add.f32 [tilespmem:s17], [sflag:$0x6], $0x40, s18, s16, $0xb8;
	[tilespmem:$0x17000] =	vst v63  }
0x69: {  	_ =	swait.ge [sflag:s26], $0x2000  }
0x6a: {  	[sflag:s26] =	ssyncset.done $0x0  }
0x6b: {  	s18 =	sadd.s32 $0x2900, s15;
	[sflag:s26] =	ssyncadd.s32 $0xFFFFE000  }
0x6c: {  	[spmem:s2] =	stream.indirect.scatter.add.f32 [tilespmem:s19], [sflag:$0x7], $0x40, s18, s16, $0xb8;
	[tilespmem:$0x17000] =	vst v63  }
0x6d: {  	_ =	swait.ge [sflag:s28], $0x2000  }
0x6e: {  	[sflag:s28] =	ssyncset.done $0x0  }
0x6f: {  	s18 =	sadd.s32 $0x2980, s15;
	[sflag:s28] =	ssyncadd.s32 $0xFFFFE000  }
0x70: {  	[spmem:s2] =	stream.indirect.scatter.add.f32 [tilespmem:s21], [sflag:$0x8], $0x40, s18, s16, $0xb8;
	[tilespmem:$0x17000] =	vst v63  }
0x71: {  	_ =	swait.ge [sflag:s29], $0x2000  }
0x72: {  	[sflag:s29] =	ssyncset.done $0x0  }
0x73: {  	s18 =	sadd.s32 $0x200, s15;
	[sflag:s29] =	ssyncadd.s32 $0xFFFFE000  }
0x74: {  	[tilespmem:s13], [sflag:$0x1] =	stream.indirect.gather [hbm4b:s4+s16], $0x40, s18, s16, $0xb8;
	[tilespmem:$0x17000] =	vst v63  }
0x75: {  	_ =	swait.ge [sflag:s30], $0x2000  }
0x76: {  	[sflag:s30] =	ssyncset.done $0x0  }
0x77: {  	s18 =	sadd.s32 $0x280, s15;
	[sflag:s30] =	ssyncadd.s32 $0xFFFFE000  }
0x78: {  	[tilespmem:s17], [sflag:$0x2] =	stream.indirect.gather [hbm4b:s4+s16], $0x40, s18, s16, $0xb8;
	[tilespmem:$0x17000] =	vst v63  }
0x79: {  	_ =	swait.ge [sflag:s31], $0x2000  }
0x7a: {  	[sflag:s31] =	ssyncset.done $0x0  }
.Ltmp1:
0x7b: {  	s18 =	sadd.s32 $0x300, s15;
	[sflag:s31] =	ssyncadd.s32 $0xFFFFE000;
	(pc) =	sbr.rel @p0 .LBB2_4-.Ltmp1, $4  }
0x7c: {  	[tilespmem:s19], [sflag:$0x3] =	stream.indirect.gather [hbm4b:s4+s16], $0x40, s18, s16, $0xb8;
	[tilespmem:$0x17000] =	vst v63  }
0x7d: {  	_ =	swait.ge [sflag:s1], $0x2000  }
0x7e: {  	[sflag:s1] =	ssyncset.done $0x0  }
0x7f: {  	s15 =	sadd.s32 $0x380, s15;
	[sflag:s1] =	ssyncadd.s32 $0xFFFFE000  }
0x80: {  	[tilespmem:s21], [sflag:$0x4] =	stream.indirect.gather [hbm4b:s4+s16], $0x40, s15, s16, $0xb8;
	[tilespmem:$0x17000] =	vst v63  }
0x81: {  	_ =	swait.ge [sflag:s22], $0x2000  }
0x82: {  	[sflag:s22] =	ssyncset.done $0x0  }
0x83: {  	s0 =	simm.s32 $0x4E00;
	[sflag:s22] =	ssyncadd.s32 $0xFFFFE000  }
0x84: {  	[spmem:s2] =	stream.indirect.scatter.add.f32 [tilespmem:s13], [sflag:$0x5], $0x40, s0, s16, $0xb8;
	[tilespmem:$0x17000] =	vst v63  }
0x85: {  	_ =	swait.ge [sflag:s24], $0x2000  }
0x86: {  	[sflag:s24] =	ssyncset.done $0x0  }
0x87: {  	s18 =	simm.s32 $0x4E80;
	[sflag:s24] =	ssyncadd.s32 $0xFFFFE000  }
0x88: {  	[spmem:s2] =	stream.indirect.scatter.add.f32 [tilespmem:s17], [sflag:$0x6], $0x40, s18, s16, $0xb8;
	[tilespmem:$0x17000] =	vst v63  }
0x89: {  	_ =	swait.ge [sflag:s26], $0x2000  }
0x8a: {  	[sflag:s26] =	ssyncset.done $0x0  }
0x8b: {  	s15 =	simm.s32 $0x4F00;
	[sflag:s26] =	ssyncadd.s32 $0xFFFFE000  }
0x8c: {  	[spmem:s2] =	stream.indirect.scatter.add.f32 [tilespmem:s19], [sflag:$0x7], $0x40, s15, s16, $0xb8;
	[tilespmem:$0x17000] =	vst v63  }
0x8d: {  	_ =	swait.ge [sflag:s28], $0x2000  }
0x8e: {  	[sflag:s28] =	ssyncset.done $0x0  }
0x8f: {  	[sflag:s28] =	ssyncadd.s32 $0xFFFFE000  }
0x90: {  	[spmem:s2] =	stream.indirect.scatter.add.f32 [tilespmem:s21], [sflag:$0x8], $0x40, s20, s16, $0xb8;
	[tilespmem:$0x17000] =	vst v63  }
0x91: {  	_ =	swait.ge [sflag:s29], $0x2000  }
0x92: {  	[sflag:s29] =	ssyncset.done $0x0  }
0x93: {  	[sflag:s29] =	ssyncadd.s32 $0xFFFFE000  }
0x94: {  	_ =	swait.ge [sflag:s30], $0x2000  }
0x95: {  	[sflag:s30] =	ssyncset.done $0x0  }
0x96: {  	[sflag:s30] =	ssyncadd.s32 $0xFFFFE000  }
0x97: {  	_ =	swait.ge [sflag:s31], $0x2000  }
0x98: {  	[sflag:s31] =	ssyncset.done $0x0  }
0x99: {  	[sflag:s31] =	ssyncadd.s32 $0xFFFFE000  }
0x9a: {  	_ =	swait.ge [sflag:s1], $0x2000  }
0x9b: {  	s3 =	sadd.s32 $0x1, s3;
	s18 =	stileid.u32;
	[sflag:s1] =	ssyncset.done $0x0  }
0x9c: {  	p0 =	sne.s32 s3, s8;
	s0 =	sshll.u32 s18, $0x6;
	[sflag:s1] =	ssyncadd.s32 $0xFFFFE000  }
.Ltmp2:
0x9d: {  	s0 =	sor.u32 $0x1C09, s0;
	[bflag:$0x0] =	sbarrier.arrive $0xFFFF;
	(pc) =	sbr.rel @p0 .LBB2_1-.Ltmp2, $4  }
0x9e: {  	[hbm:s23], [sflag:s0] =	dma.local [spmem:s25], $0x1400  }
0x9f: {  	_ =	swait.ge [sflag:s14], $0x1400  }
0xa0: {  	[sflag:s14] =	ssyncset.done $0x0  }
0xa1: {  	[sflag:s14] =	ssyncadd.s32 $0xFFFFEC00  }
0xa2: {  	_ =	sfence.sel $0x180000  }
0xa3: {  	[bflag:$0x0] =	sbarrier.arrive $0xFFFF  }
0xa4: {  	_ =	strace $0x9000004D  }
0xa5: {  	s0 =	stileid.u32;
	[bflag:$0x2] =	sbarrier.arrive $0xFFFF  }
0xa6: {  	p0 =	sne.s32 s0, $0x0;
	s0 =	rddreg [dreg:$0x2]  }
0xa7: {  	s0 =	sadd.s32 @!p0 $0x100000, s0  }
0xa8: {  	[sflag:s0] =	ssyncadd.tile.s32 @!p0 $0x1;
	_ =	shalt  }
.Lfunc_end2:
_tile_overlayer_lowered:
.L_overlay_start_2:
0xa9: {  	(tag) =	ssettag $0x2  }
0xaa: {  	s0 =	rddreg [dreg:$0x0];
	s2 =	stileid.u32  }
0xab: {  	s1 =	rddreg [dreg:$0x1];
	p0 =	sne.s32 s2, $0x0  }
0xac: {  	s3 =	rddreg [dreg:$0x2];
	[bflag:$0x3] =	sbarrier.arrive $0xFFFF;
	s2 =	simm.s32 @!p0 $0x1C09  }
0xad: {  	[timem:s3], [sflag:s2] =	dma.local @!p0 [hbm:s0], s1  }
0xae: {  	s0 =	simm.s32 @!p0 $0x9  }
0xaf: {  	_ =	swait.ge @!p0 [sflag:s0], s1  }
0xb0: {  	s1 =	ssub.s32 @!p0 $0x0, s1;
	[sflag:s0] =	ssyncset.done @!p0 $0x0  }
0xb1: {  	[sflag:s0] =	ssyncadd.s32 @!p0 s1  }
0xb2: {  	[bflag:$0x3] =	sbarrier.arrive $0xFFFF  }
0xb3: {  	_ =	shalt  }

// kernel: kernel.19.cloned.1.call-start
scs
__scs_entry_jumppad:
0x0: {  	(pc) =	sbr.rel $0x88, $3  }
0x1: {  	(tag) =	ssettag $0x0;
	lr =	simm.s32 $0x1  }
0x2: {  	[smem:$0x3F97] =	sst lr;
	_ =	strace $0xD0000000  }
0x3: {  	_ = 	snop  }
0x4: {  	_ = 	snop  }
0x5: {  	_ = 	snop  }
0x6: {  	_ = 	snop  }
0x7: {  	_ = 	snop  }
__scs_overlays_trampoline_lowered:
0x8: {  	[smem:$0x3FA6] =	sst s0  }
0x9: {  	[smem:$0x3FA7] =	sst s1  }
0xa: {  	[smem:$0x3FA8] =	sst s2  }
0xb: {  	[smem:$0x3FA9] =	sst s3  }
0xc: {  	[smem:$0x3FAA] =	sst s4  }
0xd: {  	[smem:$0x3FAB] =	sst s5  }
0xe: {  	[smem:$0x3FAC] =	sst s6  }
0xf: {  	[smem:$0x3FAD] =	sst s7  }
0x10: {  	[smem:$0x3FAE] =	sst s8  }
0x11: {  	[smem:$0x3FAF] =	sst s9;
	s0 =	simm.s32 @!p0 $0x0  }
0x12: {  	s1 =	sld [smem:$0x3F95];
	s0 =	simm.s32 @p0 $0x1  }
0x13: {  	[smem:$0x3FB0] =	sst s0;
	s0 =	simm.s32 @!p1 $0x0  }
0x14: {  	s2 =	sld [smem:$0x3F94];
	s0 =	simm.s32 @p1 $0x1  }
0x15: {  	[smem:$0x3FB1] =	sst s0;
	s0 =	simm.s32 @!p2 $0x0  }
0x16: {  	s3 =	sld [smem:$0x3FDB];
	s0 =	simm.s32 @p2 $0x1  }
0x17: {  	s4 =	simm.s32 $0x1BF5;
	[smem:$0x3FB3] =	sst s0  }
0x18: {  	s0 =	sld [smem:$0x3F96];
	_ =	swait.ge [sflag:s4], $0x0  }
0x19: {  	s7 =	sld [smem:$0x3F97]  }
0x1a: {  	s8 =	sadd.s32 $0xFFFFE003, lr  }
0x1b: {  	s9 =	sadd.s32 $0xFFFFFEF7, lr;
	s5 =	simm.s32 $0xFFFFFFFF;
	p2 =	slt.u32 s8, $0xFFFFF086  }
0x1c: {  	p1 =	slt.u32 s9, $0xF7A;
	s5 =	simm.s32 @!p2 $0x0  }
0x1d: {  	s5 =	simm.s32 @p1 $0x1;
	p0 =	seq.s32 s7, s2  }
0x1e: {  	s7 =	smul.u32 @!p0 $0xF7A, s2;
	p2 =	seq.s32 @!p0 s5, $0x0  }
0x1f: {  	s9 =	smul.u32 $0xF7A, s1;
	s8 =	simm.s32 @!p0 $0x1BF5;
	p2 =	por !p2, p0  }
0x20: {  	[sflag:s8] =	ssyncset.s32 @!p0 $0xFFFFF086;
	s6 =	sadd.s32 @!p0 s3, s7;
	s7 =	simm.s32 @!p0 $0x108  }
0x21: {  	s3 =	sadd.s32 s3, s9;
	s6 =	sadd.s32 @!p0 $0x88, s6;
	s7 =	simm.s32 @p2 $0x1082  }
0x22: {  	[simem:s7], [sflag:s8] =	dma.local @!p0 [hbm:s6], $0xF7A  }
0x23: {  	s9 =	sor.u32 $0xD0000000, s2;
	s6 =	simm.s32 $0x108;
	_ =	swait.ge @!p0 [sflag:s8], $0x0  }
0x24: {  	s3 =	sadd.s32 $0x88, s3;
	s6 =	simm.s32 @!p1 $0x1082;
	[sflag:s4] =	ssyncset.s32 $0xFFFFF086  }
0x25: {  	[simem:s6], [sflag:s4] =	dma.local [hbm:s3], $0xF7A  }
0x26: {  	[smem:$0x3F97] =	sst s1;
	(tag) =	ssettag s2;
	_ =	strace s9  }
0x27: {  	s1 =	sld [smem:$0x3FA7]  }
0x28: {  	s2 =	sld [smem:$0x3FA8]  }
0x29: {  	s4 =	sld [smem:$0x3FAA]  }
0x2a: {  	p0 =	seq.s32 s5, $0x0;
	s5 =	sld [smem:$0x3FAB]  }
0x2b: {  	s6 =	sld [smem:$0x3FAC]  }
0x2c: {  	s7 =	sld [smem:$0x3FAD]  }
0x2d: {  	s3 =	simm.s32 $0x108;
	s8 =	sld [smem:$0x3FAE]  }
0x2e: {  	s3 =	simm.s32 @!p0 $0x1082;
	s9 =	sld [smem:$0x3FAF]  }
0x2f: {  	lr =	sadd.s32 s0, s3;
	s0 =	sld [smem:$0x3FA6]  }
0x30: {  	s3 =	sld [smem:$0x3FA9]  }
0x31: {  	[smem:$0x3FB2] =	sst s10  }
0x32: {  	s10 =	sld [smem:$0x3FB0];
	_ =	sdelay $0x3  }
0x33: {  	p0 =	seq.s32 s10, $0x1;
	s10 =	sld [smem:$0x3FB2];
	_ =	sdelay $0x3  }
0x34: {  	[smem:$0x3FB2] =	sst s10  }
0x35: {  	s10 =	sld [smem:$0x3FB1];
	_ =	sdelay $0x3  }
0x36: {  	p1 =	seq.s32 s10, $0x1;
	s10 =	sld [smem:$0x3FB2];
	_ =	sdelay $0x3  }
0x37: {  	[smem:$0x3FB2] =	sst s10  }
0x38: {  	s10 =	sld [smem:$0x3FB3]  }
0x39: {  	_ = 	snop;
	(pc) =	sbr.ind lr, $3  }
0x3a: {  	_ = 	snop  }
0x3b: {  	_ = 	snop  }
0x3c: {  	p2 =	seq.s32 s10, $0x1;
	s10 =	sld [smem:$0x3FB2]  }
0x3d: {  	_ =	shalt  }
0x3e: {  	_ =	shalt  }
0x3f: {  	_ =	shalt  }
0x40: {  	_ =	shalt  }
0x41: {  	_ =	shalt  }
0x42: {  	_ =	shalt  }
0x43: {  	_ =	shalt  }
0x44: {  	_ =	shalt  }
0x45: {  	_ =	shalt  }
0x46: {  	_ =	shalt  }
0x47: {  	_ =	shalt  }
0x48: {  	_ =	shalt  }
0x49: {  	_ =	shalt  }
0x4a: {  	_ =	shalt  }
0x4b: {  	_ =	shalt  }
0x4c: {  	_ =	shalt  }
0x4d: {  	_ =	shalt  }
0x4e: {  	_ =	shalt  }
0x4f: {  	_ =	shalt  }
0x50: {  	_ =	shalt  }
0x51: {  	_ =	shalt  }
0x52: {  	_ =	shalt  }
0x53: {  	_ =	shalt  }
0x54: {  	_ =	shalt  }
0x55: {  	_ =	shalt  }
0x56: {  	_ =	shalt  }
0x57: {  	_ =	shalt  }
0x58: {  	_ =	shalt  }
0x59: {  	_ =	shalt  }
0x5a: {  	_ =	shalt  }
0x5b: {  	_ =	shalt  }
0x5c: {  	_ =	shalt  }
0x5d: {  	_ =	shalt  }
0x5e: {  	_ =	shalt  }
0x5f: {  	_ =	shalt  }
0x60: {  	_ =	shalt  }
0x61: {  	_ =	shalt  }
0x62: {  	_ =	shalt  }
0x63: {  	_ =	shalt  }
0x64: {  	_ =	shalt  }
0x65: {  	_ =	shalt  }
0x66: {  	_ =	shalt  }
0x67: {  	_ =	shalt  }
0x68: {  	_ =	shalt  }
0x69: {  	_ =	shalt  }
0x6a: {  	_ =	shalt  }
0x6b: {  	_ =	shalt  }
0x6c: {  	_ =	shalt  }
0x6d: {  	_ =	shalt  }
0x6e: {  	_ =	shalt  }
0x6f: {  	_ =	shalt  }
0x70: {  	_ =	shalt  }
0x71: {  	_ =	shalt  }
0x72: {  	_ =	shalt  }
0x73: {  	_ =	shalt  }
0x74: {  	_ =	shalt  }
0x75: {  	_ =	shalt  }
0x76: {  	_ =	shalt  }
0x77: {  	_ =	shalt  }
0x78: {  	_ =	shalt  }
0x79: {  	_ =	shalt  }
0x7a: {  	_ =	shalt  }
0x7b: {  	_ =	shalt  }
0x7c: {  	_ =	shalt  }
0x7d: {  	_ =	shalt  }
0x7e: {  	_ =	shalt  }
0x7f: {  	_ =	shalt  }
0x80: {  	_ =	shalt  }
0x81: {  	_ =	shalt  }
0x82: {  	_ =	shalt  }
0x83: {  	_ =	shalt  }
0x84: {  	_ =	shalt  }
0x85: {  	_ =	shalt  }
0x86: {  	_ =	shalt  }
0x87: {  	_ =	shalt  }
.Lfunc_end0:
.L_simem_size_0:
called_computation.3_lowered:
.L_overlay_start_0:
0x88: {  	s2 =	sld [smem:$0x3FD9]  }
0x89: {  	s3 =	sld [smem:$0x3FFE];
	_ =	sdelay $0x1  }
0x8a: {  	s1 =	srdreg.scid  }
0x8b: {  	s0 =	sand.u32 $0x1, s1  }
0x8c: {  	s16 =	sshll.u32 s0, $0xA;
	s2 =	sadd.s32 s3, s2  }
0x8d: {  	s2 =	sadd.s32 s2, s16  }
0x8e: {  	[smem:$0x3FBE] =	sst s2  }
0x8f: {  	_ = 	snop  }
0x90: {  	(tm) =	ssettm $0x1  }
0x91: {  	s17 =	sld [smem:$0x3FFB];
	_ =	sdelay $0x3  }
0x92: {  	_ =	strace s17  }
0x93: {  	s2 =	sld [smem:$0x3FFC];
	_ =	sdelay $0x3  }
0x94: {  	_ =	strace s2  }
0x95: {  	s2 =	sld [smem:$0x3FFD];
	_ =	sdelay $0x3  }
0x96: {  	_ =	strace s2  }
0x97: {  	_ =	strace $0x8FFFFFFF  }
0x98: {  	s18 =	sld [smem:$0x3FDB];
	_ =	sdelay $0x1  }
0x99: {  	s19 =	simm.s32 $_scs_section_size  }
0x9a: {  	s4 =	simm.s32 $_size__tile_overlayer_lowered;
	s5 =	simm.s32 $_tile_overlayer_lowered  }
0x9b: {  	s22 =	simm.s32 $0x1BFF;
	s21 =	sshll.u32 s5, $0x1;
	s2 =	sadd.s32 s19, s18  }
0x9c: {  	s6 =	simm.s32 $0x0;
	s20 =	sshll.u32 s4, $0x1;
	s4 =	sadd.s32 s21, s2  }
0x9d: {  	[timem:s6], [sflag:s22] =	dma.local [hbm:s4], s20  }
0x9e: {  	_ =	swait.ge [sflag:s22], s20  }
0x9f: {  	s3 =	ssub.s32 $0x0, s20;
	[sflag:s22] =	ssyncset.done $0x0  }
0xa0: {  	[sflag:s22] =	ssyncadd.s32 s3;
	_ =	sdelay $0x1  }
0xa1: {  	s23 =	simm.s32 $0x1B8B  }
0xa2: {  	_ =	swait.ge [sflag:s23], $0x1  }
0xa3: {  	[sflag:s23] =	ssyncset.done $0x0  }
0xa4: {  	s25 =	simm.s32 $0x1B8E;
	s24 =	sld [smem:$0x3FFE];
	[sflag:s23] =	ssyncadd.s32 $0xFFFFFFFF  }
0xa5: {  	s26 =	simm.s32 $execute0_lowered;
	[smem:$0x3FD2] =	sst s25  }
0xa6: {  	s4 =	sshll.u32 s26, $0x1;
	_ =	strace $0x8000004F;
	[dreg:$0x1] =	wrdreg $0xFFFFFFFF  }
0xa7: {  	s28 =	simm.s32 $_size_execute0_lowered;
	s2 =	sadd.s32 s2, s4;
	[dreg:$0x0] =	wrdreg $0x0  }
0xa8: {  	s4 =	sshll.u32 s28, $0x1;
	[dreg:$0x2] =	wrdreg s2  }
0xa9: {  	[dreg:$0x3] =	wrdreg s4  }
0xaa: {  	[dreg:$0x4] =	wrdreg $0xC0  }
0xab: {  	_ =	task [dreg:s6], $0x5FFFF  }
0xac: {  	[dreg:$0x1] =	wrdreg $0xFFFFFFFF  }
0xad: {  	[dreg:$0x0] =	wrdreg $0x60  }
0xae: {  	[dreg:$0x2] =	wrdreg s24  }
0xaf: {  	[dreg:$0x3] =	wrdreg $0xD0000  }
0xb0: {  	[dreg:$0x4] =	wrdreg $0x9  }
0xb1: {  	_ =	task.clear_ibuf [dreg:s6], $0x5FFFF;
	_ =	strace $0x9000004F  }
0xb2: {  	s29 =	simm.s32 $0x9;
	_ =	strace $0x80000051  }
0xb3: {  	_ =	swait.ge [sflag:s29], $0x1  }
0xb4: {  	[sflag:s29] =	ssyncadd.s32 $0xFFFFFFFF  }
0xb5: {  	_ =	strace $0x90000051  }
0xb6: {  	_ =	sfence  }
0xb7: {  	s30 =	sld [smem:$0x0];
	_ =	sdelay $0x2  }
0xb8: {  	s31 =	sshll.u32 s1, $0xD;
	s1 =	sshrl.u32 s1, $0x2  }
0xb9: {  	s3 =	sand.u32 $0x4000, s31;
	s1 =	sadd.s32 s1, s30  }
0xba: {  	s0 =	sor.u32 s3, s0;
	s1 =	sshll.u32 s1, $0x11  }
0xbb: {  	s0 =	sor.u32 s1, s0  }
0xbc: {  	s0 =	sadd.s32 $0x8F2B, s0  }
0xbd: {  	[sflag:s0] =	ssyncadd.remote.s32 $0x1  }
0xbe: {  	_ =	sfence.sel $0xFFFF  }
0xbf: {  	[dreg:$0x0] =	wrdreg $0xFFFFFFFF;
	(pc) =	sbr.abs _section_cstart, $3  }
0xc0: {  	[dreg:$0x1] =	wrdreg $0xFFFFFFFF  }
0xc1: {  	_ =	task.clear_ibuf [dreg:s6], $0x2FFFF;
	_ =	strace $0x9FFFFFFF  }
0xc2: {  	(tm) =	ssettm $0x7FFFFFFF  }
0xc3: {  	_ =	shalt  }
tec
execute0_lowered:
.L_overlay_start_1:
0x0: {  	(tag) =	ssettag $0x1  }
0x1: {  	s0 =	srdreg.scid;
	s1 =	rddreg [dreg:$0x0]  }
0x2: {  	s9 =	stileid.u32;
	s2 =	rddreg [dreg:$0x1];
	s3 =	simm.s32 $0x0  }
0x3: {  	s13 =	simm.s32 $0x5000;
	s14 =	simm.s32 $0x9;
	s16 =	simm.s32 $0x80  }
0x4: {  	s17 =	simm.s32 $0x7000;
	s19 =	simm.s32 $0x9000;
	s21 =	simm.s32 $0xB000  }
0x5: {  	s22 =	simm.s32 $0x1;
	s28 =	simm.s32 $0x4;
	s4 =	smul.u32 $0xA0, s9  }
0x6: {  	s29 =	simm.s32 $0x5;
	s30 =	simm.s32 $0x6;
	s7 =	smul.u32 $0x28000, s9  }
0x7: {  	s31 =	simm.s32 $0x7;
	s0 =	sand.u32 $0x1, s0;
	s9 =	smul.u32 $0xA000, s9  }
0x8: {  	s20 =	simm.s32 $0x4F80;
	[smem:$0x7FF] =	sst s3;
	s5 =	smul.u32 $0x50, s0  }
0x9: {  	s24 =	smul.u32 $0x14000, s0;
	_ =	strace $0x80000050;
	s0 =	ssub.s32 $0x2, s0  }
0xa: {  	s25 =	sshrl.u32 s0, $0x1;
	s26 =	sshrl.u32 s7, $0x2;
	s15 =	sshrl.u32 s9, $0x3  }
0xb: {  	s18 =	sadd.s32 s9, s2;
	s4 =	sadd.s32 s5, s4;
	s0 =	ssub.s32 s0, s25  }
0xc: {  	s5 =	sadd.s32 s26, s2;
	s25 =	sshrl.u32 s18, $0x3;
	s26 =	simm.s32 $0x3  }
0xd: {  	s6 =	sshll.u32 s4, $0x4;
	s4 =	sadd.s32 $0x18800, s1;
	s9 =	sadd.s32 $0x2000, s5  }
0xe: {  	s10 =	sadd.s32 $0x4000, s5;
	s11 =	sadd.s32 $0x6000, s5;
	s12 =	sadd.s32 $0x8000, s5  }
0xf: {  	s8 =	sadd.s32 s6, s1;
	s1 =	sadd.s32 s24, s1;
	s24 =	simm.s32 $0x2  }
0x10: {  	s6 =	sadd.s32 $0xE000, s8;
	s7 =	sadd.s32 $0x3800, s8;
	s1 =	sadd.s32 $0x2C800, s1  }
0x11: {  	v0 =	vimm.f32 $0.0e+00;
	s8 =	smax.u32 s0, $0x1;
	s23 =	sadd.s32 s15, s1;
	s1 =	simm.s32 $0x8  }
.LBB2_1:
0x12: {  	s15 =	simm.s32 $0x100;
	s0 =	simm.s32 $0x0  }
.LBB2_2:
0x13: {  	p0 =	sne.s32 s15, $0x7F00;
	[tilespmem:s0+$0x5030] =	vst v0;
	s18 =	smov.u32 s15;
	s15 =	sadd.s32 $0x100, s15  }
.Ltmp0:
0x14: {  	[tilespmem:s0+$0x5020] =	vst v0;
	(pc) =	sbr.rel @p0 .LBB2_2-.Ltmp0, $3  }
0x15: {  	[tilespmem:s0+$0x5000] =	vst v0  }
0x16: {  	[tilespmem:s0+$0x5010] =	vst v0;
	_ =	sdelay $0x1  }
0x17: {  	s0 =	sshra.s32 s18, $0x2  }
0x18: {  	[tilespmem:s0+$0x5030] =	vst v0  }
0x19: {  	[tilespmem:s0+$0x5020] =	vst v0  }
0x1a: {  	[tilespmem:s0+$0x5000] =	vst v0  }
0x1b: {  	[tilespmem:s0+$0x5010] =	vst v0  }
0x1c: {  	[spmem:s5] =	stream.linear.scatter [tilespmem:s13], [sflag:$0x9], $0x2000, $0x38;
	[tilespmem:$0x17000] =	vst v63  }
0x1d: {  	_ =	swait.ge [sflag:s14], $0x2000  }
0x1e: {  	[sflag:s14] =	ssyncset.done $0x0  }
0x1f: {  	[sflag:s14] =	ssyncadd.s32 $0xFFFFE000  }
0x20: {  	[spmem:s9] =	stream.linear.scatter [tilespmem:s13], [sflag:$0x9], $0x2000, $0x38;
	[tilespmem:$0x17000] =	vst v63  }
0x21: {  	_ =	swait.ge [sflag:s14], $0x2000  }
0x22: {  	[sflag:s14] =	ssyncset.done $0x0  }
0x23: {  	[sflag:s14] =	ssyncadd.s32 $0xFFFFE000  }
0x24: {  	[spmem:s10] =	stream.linear.scatter [tilespmem:s13], [sflag:$0x9], $0x2000, $0x38;
	[tilespmem:$0x17000] =	vst v63  }
0x25: {  	_ =	swait.ge [sflag:s14], $0x2000  }
0x26: {  	[sflag:s14] =	ssyncset.done $0x0  }
0x27: {  	[sflag:s14] =	ssyncadd.s32 $0xFFFFE000  }
0x28: {  	[spmem:s11] =	stream.linear.scatter [tilespmem:s13], [sflag:$0x9], $0x2000, $0x38;
	[tilespmem:$0x17000] =	vst v63  }
0x29: {  	_ =	swait.ge [sflag:s14], $0x2000  }
0x2a: {  	[sflag:s14] =	ssyncset.done $0x0  }
0x2b: {  	[sflag:s14] =	ssyncadd.s32 $0xFFFFE000  }
0x2c: {  	[spmem:s12] =	stream.linear.scatter [tilespmem:s13], [sflag:$0x9], $0x2000, $0x38;
	[tilespmem:$0x17000] =	vst v63  }
0x2d: {  	_ =	swait.ge [sflag:s14], $0x2000  }
0x2e: {  	[sflag:s14] =	ssyncset.done $0x0  }
0x2f: {  	s18 =	simm.s32 $0x0;
	[sflag:s14] =	ssyncadd.s32 $0xFFFFE000  }
0x30: {  	[tilespmem:s18], [sflag:$0x9] =	stream.linear.gather [hbm4b:s6+s18], $0x2800, $0x38;
	[tilespmem:$0x17000] =	vst v63  }
0x31: {  	_ =	swait.ge [sflag:s14], $0x2800  }
0x32: {  	[sflag:s14] =	ssyncset.done $0x0  }
0x33: {  	s15 =	simm.s32 $0x2800;
	[sflag:s14] =	ssyncadd.s32 $0xFFFFD800  }
0x34: {  	[tilespmem:s15], [sflag:$0x9] =	stream.linear.gather [hbm4b:s7+s18], $0x2800, $0x38;
	[tilespmem:$0x17000] =	vst v63  }
0x35: {  	_ =	swait.ge [sflag:s14], $0x2800  }
0x36: {  	[sflag:s14] =	ssyncset.done $0x0  }
0x37: {  	[sflag:s14] =	ssyncadd.s32 $0xFFFFD800  }
0x38: {  	[bflag:$0x0] =	sbarrier.arrive $0xFFFF  }
0x39: {  	[tilespmem:s13], [sflag:$0x1] =	stream.indirect.gather [hbm4b:s4+s16], $0x40, s18, s16, $0xb8;
	[tilespmem:$0x17000] =	vst v63  }
0x3a: {  	_ = 	snop  }
0x3b: {  	[tilespmem:s17], [sflag:$0x2] =	stream.indirect.gather [hbm4b:s4+s16], $0x40, s16, s16, $0xb8;
	[tilespmem:$0x17000] =	vst v63  }
0x3c: {  	s18 =	simm.s32 $0x100  }
0x3d: {  	[tilespmem:s19], [sflag:$0x3] =	stream.indirect.gather [hbm4b:s4+s16], $0x40, s18, s16, $0xb8;
	[tilespmem:$0x17000] =	vst v63  }
0x3e: {  	s15 =	simm.s32 $0x180  }
0x3f: {  	[tilespmem:s21], [sflag:$0x4] =	stream.indirect.gather [hbm4b:s4+s16], $0x40, s15, s16, $0xb8;
	[tilespmem:$0x17000] =	vst v63  }
0x40: {  	_ =	swait.ge [sflag:s22], $0x2000  }
0x41: {  	[sflag:s22] =	ssyncset.done $0x0  }
0x42: {  	s18 =	simm.s32 $0x2800;
	[sflag:s22] =	ssyncadd.s32 $0xFFFFE000  }
0x43: {  	[spmem:s2] =	stream.indirect.scatter.add.f32 [tilespmem:s13], [sflag:$0x5], $0x40, s18, s16, $0xb8;
	[tilespmem:$0x17000] =	vst v63  }
0x44: {  	_ =	swait.ge [sflag:s24], $0x2000  }
0x45: {  	[sflag:s24] =	ssyncset.done $0x0  }
0x46: {  	s15 =	simm.s32 $0x2880;
	[sflag:s24] =	ssyncadd.s32 $0xFFFFE000  }
0x47: {  	[spmem:s2] =	stream.indirect.scatter.add.f32 [tilespmem:s17], [sflag:$0x6], $0x40, s15, s16, $0xb8;
	[tilespmem:$0x17000] =	vst v63  }
0x48: {  	_ =	swait.ge [sflag:s26], $0x2000  }
0x49: {  	[sflag:s26] =	ssyncset.done $0x0  }
0x4a: {  	s18 =	simm.s32 $0x2900;
	[sflag:s26] =	ssyncadd.s32 $0xFFFFE000  }
0x4b: {  	[spmem:s2] =	stream.indirect.scatter.add.f32 [tilespmem:s19], [sflag:$0x7], $0x40, s18, s16, $0xb8;
	[tilespmem:$0x17000] =	vst v63  }
0x4c: {  	_ =	swait.ge [sflag:s28], $0x2000  }
0x4d: {  	[sflag:s28] =	ssyncset.done $0x0  }
0x4e: {  	s15 =	simm.s32 $0x2980;
	[sflag:s28] =	ssyncadd.s32 $0xFFFFE000  }
0x4f: {  	[spmem:s2] =	stream.indirect.scatter.add.f32 [tilespmem:s21], [sflag:$0x8], $0x40, s15, s16, $0xb8;
	[tilespmem:$0x17000] =	vst v63  }
0x50: {  	_ =	swait.ge [sflag:s29], $0x2000  }
0x51: {  	[sflag:s29] =	ssyncset.done $0x0  }
0x52: {  	s18 =	simm.s32 $0x200;
	[sflag:s29] =	ssyncadd.s32 $0xFFFFE000  }
0x53: {  	[tilespmem:s13], [sflag:$0x1] =	stream.indirect.gather [hbm4b:s4+s16], $0x40, s18, s16, $0xb8;
	[tilespmem:$0x17000] =	vst v63  }
0x54: {  	_ =	swait.ge [sflag:s30], $0x2000  }
0x55: {  	[sflag:s30] =	ssyncset.done $0x0  }
0x56: {  	s15 =	simm.s32 $0x280;
	[sflag:s30] =	ssyncadd.s32 $0xFFFFE000  }
0x57: {  	[tilespmem:s17], [sflag:$0x2] =	stream.indirect.gather [hbm4b:s4+s16], $0x40, s15, s16, $0xb8;
	[tilespmem:$0x17000] =	vst v63  }
0x58: {  	_ =	swait.ge [sflag:s31], $0x2000  }
0x59: {  	[sflag:s31] =	ssyncset.done $0x0  }
0x5a: {  	s18 =	simm.s32 $0x300;
	[sflag:s31] =	ssyncadd.s32 $0xFFFFE000  }
0x5b: {  	[tilespmem:s19], [sflag:$0x3] =	stream.indirect.gather [hbm4b:s4+s16], $0x40, s18, s16, $0xb8;
	[tilespmem:$0x17000] =	vst v63  }
0x5c: {  	_ =	swait.ge [sflag:s1], $0x2000  }
0x5d: {  	[sflag:s1] =	ssyncset.done $0x0  }
0x5e: {  	s0 =	simm.s32 $0x800;
	s15 =	simm.s32 $0x380;
	[sflag:s1] =	ssyncadd.s32 $0xFFFFE000  }
.LBB2_4:
0x5f: {  	[tilespmem:s21], [sflag:$0x4] =	stream.indirect.gather [hbm4b:s4+s16], $0x40, s15, s16, $0xb8;
	[tilespmem:$0x17000] =	vst v63  }
0x60: {  	s15 =	smov.u32 s0  }
0x61: {  	p0 =	sne.s32 s0, $0x9000;
	s0 =	sadd.s32 $0x800, s0;
	_ =	swait.ge [sflag:s22], $0x2000  }
0x62: {  	s15 =	sshra.s32 s15, $0x2;
	[sflag:s22] =	ssyncset.done $0x0  }
0x63: {  	s18 =	sadd.s32 $0x2800, s15;
	[sflag:s22] =	ssyncadd.s32 $0xFFFFE000  }
0x64: {  	[spmem:s2] =	stream.indirect.scatter.add.f32 [tilespmem:s13], [sflag:$0x5], $0x40, s18, s16, $0xb8;
	[tilespmem:$0x17000] =	vst v63  }
0x65: {  	_ =	swait.ge [sflag:s24], $0x2000  }
0x66: {  	[sflag:s24] =	ssyncset.done $0x0  }
0x67: {  	s18 =	sadd.s32 $0x2880, s15;
	[sflag:s24] =	ssyncadd.s32 $0xFFFFE000  }
0x68: {  	[spmem:s2] =	stream.indirect.scatter.add.f32 [tilespmem:s17], [sflag:$0x6], $0x40, s18, s16, $0xb8;
	[tilespmem:$0x17000] =	vst v63  }
0x69: {  	_ =	swait.ge [sflag:s26], $0x2000  }
0x6a: {  	[sflag:s26] =	ssyncset.done $0x0  }
0x6b: {  	s18 =	sadd.s32 $0x2900, s15;
	[sflag:s26] =	ssyncadd.s32 $0xFFFFE000  }
0x6c: {  	[spmem:s2] =	stream.indirect.scatter.add.f32 [tilespmem:s19], [sflag:$0x7], $0x40, s18, s16, $0xb8;
	[tilespmem:$0x17000] =	vst v63  }
0x6d: {  	_ =	swait.ge [sflag:s28], $0x2000  }
0x6e: {  	[sflag:s28] =	ssyncset.done $0x0  }
0x6f: {  	s18 =	sadd.s32 $0x2980, s15;
	[sflag:s28] =	ssyncadd.s32 $0xFFFFE000  }
0x70: {  	[spmem:s2] =	stream.indirect.scatter.add.f32 [tilespmem:s21], [sflag:$0x8], $0x40, s18, s16, $0xb8;
	[tilespmem:$0x17000] =	vst v63  }
0x71: {  	_ =	swait.ge [sflag:s29], $0x2000  }
0x72: {  	[sflag:s29] =	ssyncset.done $0x0  }
0x73: {  	s18 =	sadd.s32 $0x200, s15;
	[sflag:s29] =	ssyncadd.s32 $0xFFFFE000  }
0x74: {  	[tilespmem:s13], [sflag:$0x1] =	stream.indirect.gather [hbm4b:s4+s16], $0x40, s18, s16, $0xb8;
	[tilespmem:$0x17000] =	vst v63  }
0x75: {  	_ =	swait.ge [sflag:s30], $0x2000  }
0x76: {  	[sflag:s30] =	ssyncset.done $0x0  }
0x77: {  	s18 =	sadd.s32 $0x280, s15;
	[sflag:s30] =	ssyncadd.s32 $0xFFFFE000  }
0x78: {  	[tilespmem:s17], [sflag:$0x2] =	stream.indirect.gather [hbm4b:s4+s16], $0x40, s18, s16, $0xb8;
	[tilespmem:$0x17000] =	vst v63  }
0x79: {  	_ =	swait.ge [sflag:s31], $0x2000  }
0x7a: {  	[sflag:s31] =	ssyncset.done $0x0  }
.Ltmp1:
0x7b: {  	s18 =	sadd.s32 $0x300, s15;
	[sflag:s31] =	ssyncadd.s32 $0xFFFFE000;
	(pc) =	sbr.rel @p0 .LBB2_4-.Ltmp1, $4  }
0x7c: {  	[tilespmem:s19], [sflag:$0x3] =	stream.indirect.gather [hbm4b:s4+s16], $0x40, s18, s16, $0xb8;
	[tilespmem:$0x17000] =	vst v63  }
0x7d: {  	_ =	swait.ge [sflag:s1], $0x2000  }
0x7e: {  	[sflag:s1] =	ssyncset.done $0x0  }
0x7f: {  	s15 =	sadd.s32 $0x380, s15;
	[sflag:s1] =	ssyncadd.s32 $0xFFFFE000  }
0x80: {  	[tilespmem:s21], [sflag:$0x4] =	stream.indirect.gather [hbm4b:s4+s16], $0x40, s15, s16, $0xb8;
	[tilespmem:$0x17000] =	vst v63  }
0x81: {  	_ =	swait.ge [sflag:s22], $0x2000  }
0x82: {  	[sflag:s22] =	ssyncset.done $0x0  }
0x83: {  	s0 =	simm.s32 $0x4E00;
	[sflag:s22] =	ssyncadd.s32 $0xFFFFE000  }
0x84: {  	[spmem:s2] =	stream.indirect.scatter.add.f32 [tilespmem:s13], [sflag:$0x5], $0x40, s0, s16, $0xb8;
	[tilespmem:$0x17000] =	vst v63  }
0x85: {  	_ =	swait.ge [sflag:s24], $0x2000  }
0x86: {  	[sflag:s24] =	ssyncset.done $0x0  }
0x87: {  	s18 =	simm.s32 $0x4E80;
	[sflag:s24] =	ssyncadd.s32 $0xFFFFE000  }
0x88: {  	[spmem:s2] =	stream.indirect.scatter.add.f32 [tilespmem:s17], [sflag:$0x6], $0x40, s18, s16, $0xb8;
	[tilespmem:$0x17000] =	vst v63  }
0x89: {  	_ =	swait.ge [sflag:s26], $0x2000  }
0x8a: {  	[sflag:s26] =	ssyncset.done $0x0  }
0x8b: {  	s15 =	simm.s32 $0x4F00;
	[sflag:s26] =	ssyncadd.s32 $0xFFFFE000  }
0x8c: {  	[spmem:s2] =	stream.indirect.scatter.add.f32 [tilespmem:s19], [sflag:$0x7], $0x40, s15, s16, $0xb8;
	[tilespmem:$0x17000] =	vst v63  }
0x8d: {  	_ =	swait.ge [sflag:s28], $0x2000  }
0x8e: {  	[sflag:s28] =	ssyncset.done $0x0  }
0x8f: {  	[sflag:s28] =	ssyncadd.s32 $0xFFFFE000  }
0x90: {  	[spmem:s2] =	stream.indirect.scatter.add.f32 [tilespmem:s21], [sflag:$0x8], $0x40, s20, s16, $0xb8;
	[tilespmem:$0x17000] =	vst v63  }
0x91: {  	_ =	swait.ge [sflag:s29], $0x2000  }
0x92: {  	[sflag:s29] =	ssyncset.done $0x0  }
0x93: {  	[sflag:s29] =	ssyncadd.s32 $0xFFFFE000  }
0x94: {  	_ =	swait.ge [sflag:s30], $0x2000  }
0x95: {  	[sflag:s30] =	ssyncset.done $0x0  }
0x96: {  	[sflag:s30] =	ssyncadd.s32 $0xFFFFE000  }
0x97: {  	_ =	swait.ge [sflag:s31], $0x2000  }
0x98: {  	[sflag:s31] =	ssyncset.done $0x0  }
0x99: {  	[sflag:s31] =	ssyncadd.s32 $0xFFFFE000  }
0x9a: {  	_ =	swait.ge [sflag:s1], $0x2000  }
0x9b: {  	s3 =	sadd.s32 $0x1, s3;
	s18 =	stileid.u32;
	[sflag:s1] =	ssyncset.done $0x0  }
0x9c: {  	p0 =	sne.s32 s3, s8;
	s0 =	sshll.u32 s18, $0x6;
	[sflag:s1] =	ssyncadd.s32 $0xFFFFE000  }
.Ltmp2:
0x9d: {  	s0 =	sor.u32 $0x1C09, s0;
	[bflag:$0x0] =	sbarrier.arrive $0xFFFF;
	(pc) =	sbr.rel @p0 .LBB2_1-.Ltmp2, $4  }
0x9e: {  	[hbm:s23], [sflag:s0] =	dma.local [spmem:s25], $0x1400  }
0x9f: {  	_ =	swait.ge [sflag:s14], $0x1400  }
0xa0: {  	[sflag:s14] =	ssyncset.done $0x0  }
0xa1: {  	[sflag:s14] =	ssyncadd.s32 $0xFFFFEC00  }
0xa2: {  	_ =	sfence.sel $0x180000  }
0xa3: {  	[bflag:$0x0] =	sbarrier.arrive $0xFFFF  }
0xa4: {  	_ =	strace $0x90000050  }
0xa5: {  	s0 =	stileid.u32;
	[bflag:$0x2] =	sbarrier.arrive $0xFFFF  }
0xa6: {  	p0 =	sne.s32 s0, $0x0;
	s0 =	rddreg [dreg:$0x2]  }
0xa7: {  	s0 =	sadd.s32 @!p0 $0x100000, s0  }
0xa8: {  	[sflag:s0] =	ssyncadd.tile.s32 @!p0 $0x1;
	_ =	shalt  }
.Lfunc_end2:
_tile_overlayer_lowered:
.L_overlay_start_2:
0xa9: {  	(tag) =	ssettag $0x2  }
0xaa: {  	s0 =	rddreg [dreg:$0x0];
	s2 =	stileid.u32  }
0xab: {  	s1 =	rddreg [dreg:$0x1];
	p0 =	sne.s32 s2, $0x0  }
0xac: {  	s3 =	rddreg [dreg:$0x2];
	[bflag:$0x3] =	sbarrier.arrive $0xFFFF;
	s2 =	simm.s32 @!p0 $0x1C09  }
0xad: {  	[timem:s3], [sflag:s2] =	dma.local @!p0 [hbm:s0], s1  }
0xae: {  	s0 =	simm.s32 @!p0 $0x9  }
0xaf: {  	_ =	swait.ge @!p0 [sflag:s0], s1  }
0xb0: {  	s1 =	ssub.s32 @!p0 $0x0, s1;
	[sflag:s0] =	ssyncset.done @!p0 $0x0  }
0xb1: {  	[sflag:s0] =	ssyncadd.s32 @!p0 s1  }
0xb2: {  	[bflag:$0x3] =	sbarrier.arrive $0xFFFF  }
0xb3: {  	_ =	shalt  }

</sc_bundles>
